<compile_context>
chip_gen: v7x
topology: tpu7x:2x2x1
jax: 0.10.2.dev20260603
libtpu: 0.0.44.dev20260713+nightly
codegen_flags: <defaults>
</compile_context>

<pallas_src>
import functools

import jax
import jax.numpy as jnp
from jax import lax
from jax.experimental import pallas as pl
from jax.experimental.pallas import tpu as pltpu
from jax.experimental.pallas import tpu_sc as plsc

N = 10000
D = 128
E = 320000

NCORES = 2
NSUB = 16
NW = NCORES * NSUB
CHUNK = 128
K = 79
KP = 40
Q0 = 80
Q1 = 80
CTOT = NSUB * (Q0 + Q1)
EPAD = NW * K * CHUNK
NPAD = 10240
RPT = NPAD // NSUB
BLK = 1024
GRID = NPAD // BLK

_mesh = plsc.VectorSubcoreMesh(core_axis_name="c", subcore_axis_name="s")



@functools.partial(
    pl.kernel,
    out_type=jax.ShapeDtypeStruct((NCORES, NPAD, D), jnp.float32),
    mesh=_mesh,
    scratch_types=[
        pltpu.VMEM((K, CHUNK), jnp.int32),
        pltpu.VMEM((CHUNK, D), jnp.float32),
        pltpu.VMEM_SHARED((NPAD, D), jnp.float32),
    ],
)
def _sc_degree(dst_hbm, zero_hbm, ones_hbm, out_hbm, dst_v, ones_v, acc):
    cid = lax.axis_index("c")
    sid = lax.axis_index("s")
    wid = cid * NSUB + sid
    base = sid * RPT
    pltpu.sync_copy(zero_hbm, acc.at[pl.ds(base, RPT)])
    pltpu.sync_copy(dst_hbm.at[wid], dst_v)
    pltpu.sync_copy(ones_hbm, ones_v)
    plsc.subcore_barrier()

    @pl.loop(0, K)
    def _(j):
        pltpu.sync_copy(ones_v, acc.at[dst_v.at[j]], add=True)

    plsc.subcore_barrier()
    pltpu.sync_copy(acc.at[pl.ds(base, RPT)],
                    out_hbm.at[cid].at[pl.ds(base, RPT)])



@functools.partial(
    pl.kernel,
    out_type=jax.ShapeDtypeStruct((NCORES, NPAD, D), jnp.float32),
    mesh=_mesh,
    scratch_types=[
        pltpu.VMEM((KP, CHUNK), jnp.int32),
        pltpu.VMEM((KP, CHUNK), jnp.int32),
        pltpu.VMEM((CHUNK, D), jnp.float32),
        pltpu.VMEM((CHUNK, D), jnp.float32),
        pltpu.VMEM_SHARED((NPAD, D), jnp.float32),
        pltpu.SemaphoreType.DMA,
        pltpu.SemaphoreType.DMA,
    ],
)
def _sc_scatter(g_hbm, src_hbm, dst_hbm, zero_hbm, out_hbm,
                src_v, dst_v, rows_a, rows_b, acc, sem_a, sem_b):
    cid = lax.axis_index("c")
    sid = lax.axis_index("s")
    base = sid * RPT
    pltpu.sync_copy(zero_hbm, acc.at[pl.ds(base, RPT)])
    plsc.subcore_barrier()

    def pipeline(count):
        pltpu.async_copy(g_hbm.at[src_v.at[0]], rows_a, sem_a)
        pltpu.async_copy(g_hbm.at[src_v.at[1]], rows_b, sem_b)

        @pl.loop(0, count - 2, step=2)
        def _(j):
            pltpu.make_async_copy(g_hbm.at[src_v.at[j]], rows_a, sem_a).wait()
            pltpu.sync_copy(rows_a, acc.at[dst_v.at[j]], add=True)
            pltpu.async_copy(g_hbm.at[src_v.at[j + 2]], rows_a, sem_a)
            pltpu.make_async_copy(
                g_hbm.at[src_v.at[j + 1]], rows_b, sem_b).wait()
            pltpu.sync_copy(rows_b, acc.at[dst_v.at[j + 1]], add=True)
            pltpu.async_copy(g_hbm.at[src_v.at[j + 3]], rows_b, sem_b)

        pltpu.make_async_copy(
            g_hbm.at[src_v.at[count - 2]], rows_a, sem_a).wait()
        pltpu.sync_copy(rows_a, acc.at[dst_v.at[count - 2]], add=True)
        pltpu.make_async_copy(
            g_hbm.at[src_v.at[count - 1]], rows_b, sem_b).wait()
        pltpu.sync_copy(rows_b, acc.at[dst_v.at[count - 1]], add=True)

    def run_phases(chunk_base, nphases):
        for ph in range(nphases):
            off = chunk_base + ph * KP
            pltpu.sync_copy(src_hbm.at[pl.ds(off, KP)], src_v)
            pltpu.sync_copy(dst_hbm.at[pl.ds(off, KP)], dst_v)
            pipeline(KP)

    @pl.when(cid == 0)
    def _():
        run_phases(sid * Q0, Q0 // KP)

    @pl.when(cid == 1)
    def _():
        run_phases(NSUB * Q0 + sid * Q1, Q1 // KP)

    plsc.subcore_barrier()
    pltpu.sync_copy(acc.at[pl.ds(base, RPT)],
                    out_hbm.at[cid].at[pl.ds(base, RPT)])



def _dinv_of(deg_ref):
    d = deg_ref[0, :, 0:1] + deg_ref[1, :, 0:1] + 1.0
    return lax.rsqrt(d)


def _mm_body(h_ref, w_ref, o_ref):
    o_ref[...] = jnp.dot(h_ref[...], w_ref[...],
                         preferred_element_type=jnp.float32)


_tc_matmul = pl.pallas_call(
    _mm_body,
    grid=(GRID,),
    in_specs=[pl.BlockSpec((BLK, D), lambda i: (i, 0)),
              pl.BlockSpec((D, D), lambda i: (0, 0))],
    out_specs=pl.BlockSpec((BLK, D), lambda i: (i, 0)),
    out_shape=jax.ShapeDtypeStruct((NPAD, D), jnp.float32),
)


def _g1_body(p_ref, deg_ref, o_ref):
    o_ref[...] = _dinv_of(deg_ref) * p_ref[...]


_tc_g1 = pl.pallas_call(
    _g1_body,
    grid=(GRID,),
    in_specs=[pl.BlockSpec((BLK, D), lambda i: (i, 0)),
              pl.BlockSpec((NCORES, BLK, 16), lambda i: (0, i, 0))],
    out_specs=pl.BlockSpec((BLK, D), lambda i: (i, 0)),
    out_shape=jax.ShapeDtypeStruct((NPAD, D), jnp.float32),
)


def _mid_body(s_ref, g_ref, deg_ref, b_ref, w_ref, o_ref):
    dinv = _dinv_of(deg_ref)
    h = dinv * (s_ref[0] + s_ref[1] + g_ref[...]) + b_ref[...]
    h = jnp.maximum(h, 0.0)
    o_ref[...] = dinv * jnp.dot(h, w_ref[...],
                                preferred_element_type=jnp.float32)


_tc_mid = pl.pallas_call(
    _mid_body,
    grid=(GRID,),
    in_specs=[pl.BlockSpec((NCORES, BLK, D), lambda i: (0, i, 0)),
              pl.BlockSpec((BLK, D), lambda i: (i, 0)),
              pl.BlockSpec((NCORES, BLK, 16), lambda i: (0, i, 0)),
              pl.BlockSpec((1, D), lambda i: (0, 0)),
              pl.BlockSpec((D, D), lambda i: (0, 0))],
    out_specs=pl.BlockSpec((BLK, D), lambda i: (i, 0)),
    out_shape=jax.ShapeDtypeStruct((NPAD, D), jnp.float32),
)


def _last_body(s_ref, g_ref, deg_ref, b_ref, o_ref):
    dinv = _dinv_of(deg_ref)
    o_ref[...] = dinv * (s_ref[0] + s_ref[1] + g_ref[...]) + b_ref[...]


_tc_last = pl.pallas_call(
    _last_body,
    grid=(GRID,),
    in_specs=[pl.BlockSpec((NCORES, BLK, D), lambda i: (0, i, 0)),
              pl.BlockSpec((BLK, D), lambda i: (i, 0)),
              pl.BlockSpec((NCORES, BLK, 16), lambda i: (0, i, 0)),
              pl.BlockSpec((1, D), lambda i: (0, 0))],
    out_specs=pl.BlockSpec((BLK, D), lambda i: (i, 0)),
    out_shape=jax.ShapeDtypeStruct((NPAD, D), jnp.float32),
)



@jax.jit
def kernel(x, edge_index, batch, W1, b1, W2, b2, W3, b3):
    pad = EPAD - E
    dst_t = jnp.concatenate(
        [edge_index[1], jnp.full((pad,), N, jnp.int32)]).reshape(NW, K, CHUNK)
    padf = CTOT * CHUNK - E
    pad_src = jnp.arange(padf, dtype=jnp.int32) % N
    pad_dst = N + (jnp.arange(padf, dtype=jnp.int32) % (NPAD - N))
    src_f = jnp.concatenate([edge_index[0], pad_src]).reshape(CTOT, CHUNK)
    dst_f = jnp.concatenate([edge_index[1], pad_dst]).reshape(CTOT, CHUNK)
    x_p = jnp.pad(x, ((0, NPAD - N), (0, 0)))
    z_row = jnp.zeros((RPT, D), jnp.float32)
    ones_blk = jnp.ones((CHUNK, D), jnp.float32)
    b1r, b2r, b3r = (b.reshape(1, D) for b in (b1, b2, b3))

    deg = _sc_degree(dst_t, z_row, ones_blk)[:, :, :16]
    p1 = _tc_matmul(x_p, W1)
    g1 = _tc_g1(p1, deg)
    s1 = _sc_scatter(g1, src_f, dst_f, z_row)
    g2 = _tc_mid(s1, g1, deg, b1r, W2)
    s2 = _sc_scatter(g2, src_f, dst_f, z_row)
    g3 = _tc_mid(s2, g2, deg, b2r, W3)
    s3 = _sc_scatter(g3, src_f, dst_f, z_row)
    out = _tc_last(s3, g3, deg, b3r)
    return out[:N]

# --- scband reference (transcript-rebuilt; emitter-appended) ---
"""Pipeline reference for scband-gcn-16801912062521 (READ-ONLY COPY).

The authoritative reference and input builder live on the scoring server;
editing this copy changes nothing except your own understanding.
"""

import jax, jax.numpy as jnp
import numpy as np

N = 10000
E = 320000
D = 128


def _glorot(key, fan_in, fan_out):
    s = float(np.sqrt(6.0 / (fan_in + fan_out)))
    return jax.random.uniform(key, (fan_in, fan_out), minval=-s, maxval=s, dtype=jnp.float32)


def setup_inputs(seed: int = 0) -> dict:
    key = jax.random.key(seed)
    ks = jax.random.split(key, 6)
    x = jax.random.normal(ks[0], (N, D), dtype=jnp.float32)
    edge_index = jax.random.randint(ks[1], (2, E), 0, N, dtype=jnp.int32)
    batch = jnp.zeros((N,), dtype=jnp.int32)
    W1 = _glorot(ks[2], D, D)
    b1 = jnp.zeros((D,), dtype=jnp.float32)
    W2 = _glorot(ks[3], D, D)
    b2 = jnp.zeros((D,), dtype=jnp.float32)
    W3 = _glorot(ks[4], D, D)
    b3 = jnp.zeros((D,), dtype=jnp.float32)
    return {"x": x, "edge_index": edge_index, "batch": batch,
            "W1": W1, "b1": b1, "W2": W2, "b2": b2, "W3": W3, "b3": b3}


def reference(x, edge_index, batch, W1, b1, W2, b2, W3, b3):
    n = x.shape[0]
    loop = jnp.arange(n, dtype=edge_index.dtype)
    src = jnp.concatenate([edge_index[0], loop])
    dst = jnp.concatenate([edge_index[1], loop])
    # symmetric GCN normalization with self-loops (PyG GCNConv default)
    deg = jax.ops.segment_sum(jnp.ones_like(src, dtype=x.dtype), dst, num_segments=n)
    dinv = jnp.where(deg > 0, deg ** -0.5, 0.0)
    norm = dinv[src] * dinv[dst]

    def layer(h, W, b):
        h = h @ W
        msg = norm[:, None] * jnp.take(h, src, axis=0)
        out = jax.ops.segment_sum(msg, dst, num_segments=n)
        return out + b

    h = jax.nn.relu(layer(x, W1, b1))
    h = jax.nn.relu(layer(h, W2, b2))
    h = layer(h, W3, b3)
    return h

if __name__ == "__main__":
    import jax
    _d = setup_inputs()
    print(jax.jit(kernel)(*tuple(_d.values())))

</pallas_src>

<mosaic_0001>
#map = affine_map<(d0, d1) -> (0, 0)>
#map1 = affine_map<(d0, d1) -> (0, 0, 0)>
module attributes {stable_mosaic.version = 14 : i64} {
  func.func @_sc_scatter(%arg0: i32, %arg1: i32, %arg2: memref<10240x128xf32, #tpu.memory_space<hbm>>, %arg3: memref<2560x128xi32, #tpu.memory_space<hbm>>, %arg4: memref<2560x128xi32, #tpu.memory_space<hbm>>, %arg5: memref<640x128xf32, #tpu.memory_space<hbm>>, %arg6: memref<2x10240x128xf32, #tpu.memory_space<hbm>>, %arg7: memref<40x128xi32, #tpu.memory_space<vmem>>, %arg8: memref<40x128xi32, #tpu.memory_space<vmem>>, %arg9: memref<128x128xf32, #tpu.memory_space<vmem>>, %arg10: memref<128x128xf32, #tpu.memory_space<vmem>>, %arg11: memref<10240x128xf32, #tpu.memory_space<vmem_shared>>, %arg12: memref<!tpu.dma_semaphore, #tpu.memory_space<semaphore_mem>>, %arg13: memref<!tpu.dma_semaphore, #tpu.memory_space<semaphore_mem>>) attributes {dimension_semantics = [#tpu.dimension_semantics<core_parallel>, #tpu.dimension_semantics<subcore_parallel>], iteration_bounds = array<i64: 2, 16>, scalar_prefetch = 0 : i64, scratch_operands = 7 : i64, tpu.core_type = #tpu.core_type<sc_vector_subcore>, window_params = [{transform_indices = #map}, {transform_indices = #map}, {transform_indices = #map}, {transform_indices = #map}, {transform_indices = #map1}]} {
    %mul3A = arith.constant 640 : i32
    %mul3A_0 = arith.muli %arg1, %mul3A : i32
    "tpu.region"() ({
      %run_scoped3A = tpu.sem_alloc : memref<!tpu.dma_semaphore, #tpu.memory_space<semaphore_mem>>
      %dma_start3A = arith.constant 0 : i32
      %dma_start3A_9 = tpu.memref_slice %arg11[%mul3A_0, %dma_start3A] : memref<10240x128xf32, #tpu.memory_space<vmem_shared>> -> memref<640x128xf32, #tpu.memory_space<vmem_shared>>
      tpu.enqueue_dma source(%arg5 : memref<640x128xf32, #tpu.memory_space<hbm>>) target(%dma_start3A_9 : memref<640x128xf32, #tpu.memory_space<vmem_shared>>) target_semaphore(%run_scoped3A : memref<!tpu.dma_semaphore, #tpu.memory_space<semaphore_mem>>)
      %dma_wait3A = arith.constant 0 : i32
      %dma_wait3A_10 = tpu.memref_slice %arg11[%mul3A_0, %dma_wait3A] : memref<10240x128xf32, #tpu.memory_space<vmem_shared>> -> memref<640x128xf32, #tpu.memory_space<vmem_shared>>
      tpu.wait_dma2 semaphore(%run_scoped3A : memref<!tpu.dma_semaphore, #tpu.memory_space<semaphore_mem>>) src(%arg5 : memref<640x128xf32, #tpu.memory_space<hbm>>) dst(%dma_wait3A_10 : memref<640x128xf32, #tpu.memory_space<vmem_shared>>)
      tpu.yield
    }) : () -> ()
    %barrier3A = arith.constant 0 : index
    tpu.barrier barrier_id(%barrier3A)
    %eq3A = arith.constant 0 : i32
    %eq3A_1 = arith.cmpi eq, %arg0, %eq3A : i32
    %convert_element_type3A = arith.extui %eq3A_1 : i1 to i32
    %cond3A = arith.constant 0 : i32
    %cond3A_2 = arith.cmpi ne, %convert_element_type3A, %cond3A : i32
    scf.if %cond3A_2 {
      %mul3A_9 = arith.constant 80 : i32
      %mul3A_10 = arith.muli %arg1, %mul3A_9 : i32
      %add3A = arith.constant 0 : i32
      %add3A_11 = arith.addi %mul3A_10, %add3A : i32
      "tpu.region"() ({
        %run_scoped3A_80 = tpu.sem_alloc : memref<!tpu.dma_semaphore, #tpu.memory_space<semaphore_mem>>
        %dma_start3A_81 = arith.constant 0 : i32
        %dma_start3A_82 = tpu.memref_slice %arg3[%add3A_11, %dma_start3A_81] : memref<2560x128xi32, #tpu.memory_space<hbm>> -> memref<40x128xi32, #tpu.memory_space<hbm>>
        %dma_start3A_83 = arith.constant 0 : i32
        %dma_start3A_84 = tpu.memref_slice %arg3[%add3A_11, %dma_start3A_83] : memref<2560x128xi32, #tpu.memory_space<hbm>> -> memref<40x128xi32, #tpu.memory_space<hbm>>
        tpu.enqueue_dma source(%dma_start3A_84 : memref<40x128xi32, #tpu.memory_space<hbm>>) target(%arg7 : memref<40x128xi32, #tpu.memory_space<vmem>>) target_semaphore(%run_scoped3A_80 : memref<!tpu.dma_semaphore, #tpu.memory_space<semaphore_mem>>)
        %dma_wait3A_85 = arith.constant 0 : i32
        %dma_wait3A_86 = tpu.memref_slice %arg3[%add3A_11, %dma_wait3A_85] : memref<2560x128xi32, #tpu.memory_space<hbm>> -> memref<40x128xi32, #tpu.memory_space<hbm>>
        %dma_wait3A_87 = arith.constant 0 : i32
        %dma_wait3A_88 = tpu.memref_slice %arg3[%add3A_11, %dma_wait3A_87] : memref<2560x128xi32, #tpu.memory_space<hbm>> -> memref<40x128xi32, #tpu.memory_space<hbm>>
        tpu.wait_dma2 semaphore(%run_scoped3A_80 : memref<!tpu.dma_semaphore, #tpu.memory_space<semaphore_mem>>) src(%dma_wait3A_88 : memref<40x128xi32, #tpu.memory_space<hbm>>) dst(%arg7 : memref<40x128xi32, #tpu.memory_space<vmem>>)
        tpu.yield
      }) : () -> ()
      "tpu.region"() ({
        %run_scoped3A_80 = tpu.sem_alloc : memref<!tpu.dma_semaphore, #tpu.memory_space<semaphore_mem>>
        %dma_start3A_81 = arith.constant 0 : i32
        %dma_start3A_82 = tpu.memref_slice %arg4[%add3A_11, %dma_start3A_81] : memref<2560x128xi32, #tpu.memory_space<hbm>> -> memref<40x128xi32, #tpu.memory_space<hbm>>
        %dma_start3A_83 = arith.constant 0 : i32
        %dma_start3A_84 = tpu.memref_slice %arg4[%add3A_11, %dma_start3A_83] : memref<2560x128xi32, #tpu.memory_space<hbm>> -> memref<40x128xi32, #tpu.memory_space<hbm>>
        tpu.enqueue_dma source(%dma_start3A_84 : memref<40x128xi32, #tpu.memory_space<hbm>>) target(%arg8 : memref<40x128xi32, #tpu.memory_space<vmem>>) target_semaphore(%run_scoped3A_80 : memref<!tpu.dma_semaphore, #tpu.memory_space<semaphore_mem>>)
        %dma_wait3A_85 = arith.constant 0 : i32
        %dma_wait3A_86 = tpu.memref_slice %arg4[%add3A_11, %dma_wait3A_85] : memref<2560x128xi32, #tpu.memory_space<hbm>> -> memref<40x128xi32, #tpu.memory_space<hbm>>
        %dma_wait3A_87 = arith.constant 0 : i32
        %dma_wait3A_88 = tpu.memref_slice %arg4[%add3A_11, %dma_wait3A_87] : memref<2560x128xi32, #tpu.memory_space<hbm>> -> memref<40x128xi32, #tpu.memory_space<hbm>>
        tpu.wait_dma2 semaphore(%run_scoped3A_80 : memref<!tpu.dma_semaphore, #tpu.memory_space<semaphore_mem>>) src(%dma_wait3A_88 : memref<40x128xi32, #tpu.memory_space<hbm>>) dst(%arg8 : memref<40x128xi32, #tpu.memory_space<vmem>>)
        tpu.yield
      }) : () -> ()
      %dma_start3A = arith.constant 0 : i32
      %dma_start3A_12 = arith.constant 0 : i32
      %dma_start3A_13 = tpu.memref_slice %arg7[%dma_start3A, %dma_start3A_12] : memref<40x128xi32, #tpu.memory_space<vmem>> -> memref<1x128xi32, #tpu.memory_space<vmem>>
      %dma_start3A_14 = tpu.memref_squeeze %dma_start3A_13 : memref<1x128xi32, #tpu.memory_space<vmem>> -> memref<128xi32, #tpu.memory_space<vmem>>
      %dma_start3A_15 = arith.constant 0 : i32
      %dma_start3A_16 = arith.constant 0 : i32
      %dma_start3A_17 = tpu.memref_slice %arg2[%dma_start3A_15, %dma_start3A_16] : memref<10240x128xf32, #tpu.memory_space<hbm>> -> memref<10240x128xf32, #tpu.memory_space<hbm>>
      tpu.enqueue_indirect_dma source(%dma_start3A_17 : memref<10240x128xf32, #tpu.memory_space<hbm>>) target(%arg9 : memref<128x128xf32, #tpu.memory_space<vmem>>) offsets(%dma_start3A_14 : memref<128xi32, #tpu.memory_space<vmem>>) semaphore(%arg12 : memref<!tpu.dma_semaphore, #tpu.memory_space<semaphore_mem>>)
      %dma_start3A_18 = arith.constant 1 : i32
      %dma_start3A_19 = arith.constant 0 : i32
      %dma_start3A_20 = tpu.memref_slice %arg7[%dma_start3A_18, %dma_start3A_19] : memref<40x128xi32, #tpu.memory_space<vmem>> -> memref<1x128xi32, #tpu.memory_space<vmem>>
      %dma_start3A_21 = tpu.memref_squeeze %dma_start3A_20 : memref<1x128xi32, #tpu.memory_space<vmem>> -> memref<128xi32, #tpu.memory_space<vmem>>
      %dma_start3A_22 = arith.constant 0 : i32
      %dma_start3A_23 = arith.constant 0 : i32
      %dma_start3A_24 = tpu.memref_slice %arg2[%dma_start3A_22, %dma_start3A_23] : memref<10240x128xf32, #tpu.memory_space<hbm>> -> memref<10240x128xf32, #tpu.memory_space<hbm>>
      tpu.enqueue_indirect_dma source(%dma_start3A_24 : memref<10240x128xf32, #tpu.memory_space<hbm>>) target(%arg10 : memref<128x128xf32, #tpu.memory_space<vmem>>) offsets(%dma_start3A_21 : memref<128xi32, #tpu.memory_space<vmem>>) semaphore(%arg13 : memref<!tpu.dma_semaphore, #tpu.memory_space<semaphore_mem>>)
      %scan3A = arith.constant 0 : i32
      %scan3A_25 = arith.constant 19 : i32
      %scan3A_26 = arith.addi %scan3A, %scan3A_25 : i32
      %scan3A_27 = arith.constant 1 : i32
      scf.for %scan3A_80 = %scan3A to %scan3A_26 step %scan3A_27  : i32 {
        %mul3A_81 = arith.constant 2 : i32
        %mul3A_82 = arith.muli %scan3A_80, %mul3A_81 : i32
        %add3A_83 = arith.constant 0 : i32
        %add3A_84 = arith.addi %add3A_83, %mul3A_82 : i32
        %dma_wait3A_85 = arith.constant 0 : i32
        %dma_wait3A_86 = tpu.memref_slice %arg7[%add3A_84, %dma_wait3A_85] : memref<40x128xi32, #tpu.memory_space<vmem>> -> memref<1x128xi32, #tpu.memory_space<vmem>>
        %dma_wait3A_87 = tpu.memref_squeeze %dma_wait3A_86 : memref<1x128xi32, #tpu.memory_space<vmem>> -> memref<128xi32, #tpu.memory_space<vmem>>
        %dma_wait3A_88 = arith.constant 0 : i32
        %dma_wait3A_89 = arith.constant 0 : i32
        %dma_wait3A_90 = tpu.memref_slice %arg2[%dma_wait3A_88, %dma_wait3A_89] : memref<10240x128xf32, #tpu.memory_space<hbm>> -> memref<10240x128xf32, #tpu.memory_space<hbm>>
        tpu.wait_indirect_dma semaphore(%arg12 : memref<!tpu.dma_semaphore, #tpu.memory_space<semaphore_mem>>) src(%dma_wait3A_90 : memref<10240x128xf32, #tpu.memory_space<hbm>>) dst(%arg9 : memref<128x128xf32, #tpu.memory_space<vmem>>)
        "tpu.region"() ({
          %run_scoped3A_117 = tpu.sem_alloc : memref<!tpu.dma_semaphore, #tpu.memory_space<semaphore_mem>>
          %dma_start3A_118 = arith.constant 0 : i32
          %dma_start3A_119 = tpu.memref_slice %arg8[%add3A_84, %dma_start3A_118] : memref<40x128xi32, #tpu.memory_space<vmem>> -> memref<1x128xi32, #tpu.memory_space<vmem>>
          %dma_start3A_120 = tpu.memref_squeeze %dma_start3A_119 : memref<1x128xi32, #tpu.memory_space<vmem>> -> memref<128xi32, #tpu.memory_space<vmem>>
          %dma_start3A_121 = arith.constant 0 : i32
          %dma_start3A_122 = arith.constant 0 : i32
          %dma_start3A_123 = tpu.memref_slice %arg11[%dma_start3A_121, %dma_start3A_122] : memref<10240x128xf32, #tpu.memory_space<vmem_shared>> -> memref<10240x128xf32, #tpu.memory_space<vmem_shared>>
          tpu.enqueue_indirect_dma source(%arg9 : memref<128x128xf32, #tpu.memory_space<vmem>>) target(%dma_start3A_123 : memref<10240x128xf32, #tpu.memory_space<vmem_shared>>) offsets(%dma_start3A_120 : memref<128xi32, #tpu.memory_space<vmem>>) semaphore(%run_scoped3A_117 : memref<!tpu.dma_semaphore, #tpu.memory_space<semaphore_mem>>) {add = true}
          %dma_wait3A_124 = arith.constant 0 : i32
          %dma_wait3A_125 = tpu.memref_slice %arg8[%add3A_84, %dma_wait3A_124] : memref<40x128xi32, #tpu.memory_space<vmem>> -> memref<1x128xi32, #tpu.memory_space<vmem>>
          %dma_wait3A_126 = tpu.memref_squeeze %dma_wait3A_125 : memref<1x128xi32, #tpu.memory_space<vmem>> -> memref<128xi32, #tpu.memory_space<vmem>>
          %dma_wait3A_127 = arith.constant 0 : i32
          %dma_wait3A_128 = arith.constant 0 : i32
          %dma_wait3A_129 = tpu.memref_slice %arg11[%dma_wait3A_127, %dma_wait3A_128] : memref<10240x128xf32, #tpu.memory_space<vmem_shared>> -> memref<10240x128xf32, #tpu.memory_space<vmem_shared>>
          tpu.wait_indirect_dma semaphore(%run_scoped3A_117 : memref<!tpu.dma_semaphore, #tpu.memory_space<semaphore_mem>>) src(%arg9 : memref<128x128xf32, #tpu.memory_space<vmem>>) dst(%dma_wait3A_129 : memref<10240x128xf32, #tpu.memory_space<vmem_shared>>)
          tpu.yield
        }) : () -> ()
        %add3A_91 = arith.constant 2 : i32
        %add3A_92 = arith.addi %add3A_84, %add3A_91 : i32
        %dma_start3A_93 = arith.constant 0 : i32
        %dma_start3A_94 = tpu.memref_slice %arg7[%add3A_92, %dma_start3A_93] : memref<40x128xi32, #tpu.memory_space<vmem>> -> memref<1x128xi32, #tpu.memory_space<vmem>>
        %dma_start3A_95 = tpu.memref_squeeze %dma_start3A_94 : memref<1x128xi32, #tpu.memory_space<vmem>> -> memref<128xi32, #tpu.memory_space<vmem>>
        %dma_start3A_96 = arith.constant 0 : i32
        %dma_start3A_97 = arith.constant 0 : i32
        %dma_start3A_98 = tpu.memref_slice %arg2[%dma_start3A_96, %dma_start3A_97] : memref<10240x128xf32, #tpu.memory_space<hbm>> -> memref<10240x128xf32, #tpu.memory_space<hbm>>
        tpu.enqueue_indirect_dma source(%dma_start3A_98 : memref<10240x128xf32, #tpu.memory_space<hbm>>) target(%arg9 : memref<128x128xf32, #tpu.memory_space<vmem>>) offsets(%dma_start3A_95 : memref<128xi32, #tpu.memory_space<vmem>>) semaphore(%arg12 : memref<!tpu.dma_semaphore, #tpu.memory_space<semaphore_mem>>)
        %add3A_99 = arith.constant 1 : i32
        %add3A_100 = arith.addi %add3A_84, %add3A_99 : i32
        %dma_wait3A_101 = arith.constant 0 : i32
        %dma_wait3A_102 = tpu.memref_slice %arg7[%add3A_100, %dma_wait3A_101] : memref<40x128xi32, #tpu.memory_space<vmem>> -> memref<1x128xi32, #tpu.memory_space<vmem>>
        %dma_wait3A_103 = tpu.memref_squeeze %dma_wait3A_102 : memref<1x128xi32, #tpu.memory_space<vmem>> -> memref<128xi32, #tpu.memory_space<vmem>>
        %dma_wait3A_104 = arith.constant 0 : i32
        %dma_wait3A_105 = arith.constant 0 : i32
        %dma_wait3A_106 = tpu.memref_slice %arg2[%dma_wait3A_104, %dma_wait3A_105] : memref<10240x128xf32, #tpu.memory_space<hbm>> -> memref<10240x128xf32, #tpu.memory_space<hbm>>
        tpu.wait_indirect_dma semaphore(%arg13 : memref<!tpu.dma_semaphore, #tpu.memory_space<semaphore_mem>>) src(%dma_wait3A_106 : memref<10240x128xf32, #tpu.memory_space<hbm>>) dst(%arg10 : memref<128x128xf32, #tpu.memory_space<vmem>>)
        %add3A_107 = arith.constant 1 : i32
        %add3A_108 = arith.addi %add3A_84, %add3A_107 : i32
        "tpu.region"() ({
          %run_scoped3A_117 = tpu.sem_alloc : memref<!tpu.dma_semaphore, #tpu.memory_space<semaphore_mem>>
          %dma_start3A_118 = arith.constant 0 : i32
          %dma_start3A_119 = tpu.memref_slice %arg8[%add3A_108, %dma_start3A_118] : memref<40x128xi32, #tpu.memory_space<vmem>> -> memref<1x128xi32, #tpu.memory_space<vmem>>
          %dma_start3A_120 = tpu.memref_squeeze %dma_start3A_119 : memref<1x128xi32, #tpu.memory_space<vmem>> -> memref<128xi32, #tpu.memory_space<vmem>>
          %dma_start3A_121 = arith.constant 0 : i32
          %dma_start3A_122 = arith.constant 0 : i32
          %dma_start3A_123 = tpu.memref_slice %arg11[%dma_start3A_121, %dma_start3A_122] : memref<10240x128xf32, #tpu.memory_space<vmem_shared>> -> memref<10240x128xf32, #tpu.memory_space<vmem_shared>>
          tpu.enqueue_indirect_dma source(%arg10 : memref<128x128xf32, #tpu.memory_space<vmem>>) target(%dma_start3A_123 : memref<10240x128xf32, #tpu.memory_space<vmem_shared>>) offsets(%dma_start3A_120 : memref<128xi32, #tpu.memory_space<vmem>>) semaphore(%run_scoped3A_117 : memref<!tpu.dma_semaphore, #tpu.memory_space<semaphore_mem>>) {add = true}
          %dma_wait3A_124 = arith.constant 0 : i32
          %dma_wait3A_125 = tpu.memref_slice %arg8[%add3A_108, %dma_wait3A_124] : memref<40x128xi32, #tpu.memory_space<vmem>> -> memref<1x128xi32, #tpu.memory_space<vmem>>
          %dma_wait3A_126 = tpu.memref_squeeze %dma_wait3A_125 : memref<1x128xi32, #tpu.memory_space<vmem>> -> memref<128xi32, #tpu.memory_space<vmem>>
          %dma_wait3A_127 = arith.constant 0 : i32
          %dma_wait3A_128 = arith.constant 0 : i32
          %dma_wait3A_129 = tpu.memref_slice %arg11[%dma_wait3A_127, %dma_wait3A_128] : memref<10240x128xf32, #tpu.memory_space<vmem_shared>> -> memref<10240x128xf32, #tpu.memory_space<vmem_shared>>
          tpu.wait_indirect_dma semaphore(%run_scoped3A_117 : memref<!tpu.dma_semaphore, #tpu.memory_space<semaphore_mem>>) src(%arg10 : memref<128x128xf32, #tpu.memory_space<vmem>>) dst(%dma_wait3A_129 : memref<10240x128xf32, #tpu.memory_space<vmem_shared>>)
          tpu.yield
        }) : () -> ()
        %add3A_109 = arith.constant 3 : i32
        %add3A_110 = arith.addi %add3A_84, %add3A_109 : i32
        %dma_start3A_111 = arith.constant 0 : i32
        %dma_start3A_112 = tpu.memref_slice %arg7[%add3A_110, %dma_start3A_111] : memref<40x128xi32, #tpu.memory_space<vmem>> -> memref<1x128xi32, #tpu.memory_space<vmem>>
        %dma_start3A_113 = tpu.memref_squeeze %dma_start3A_112 : memref<1x128xi32, #tpu.memory_space<vmem>> -> memref<128xi32, #tpu.memory_space<vmem>>
        %dma_start3A_114 = arith.constant 0 : i32
        %dma_start3A_115 = arith.constant 0 : i32
        %dma_start3A_116 = tpu.memref_slice %arg2[%dma_start3A_114, %dma_start3A_115] : memref<10240x128xf32, #tpu.memory_space<hbm>> -> memref<10240x128xf32, #tpu.memory_space<hbm>>
        tpu.enqueue_indirect_dma source(%dma_start3A_116 : memref<10240x128xf32, #tpu.memory_space<hbm>>) target(%arg10 : memref<128x128xf32, #tpu.memory_space<vmem>>) offsets(%dma_start3A_113 : memref<128xi32, #tpu.memory_space<vmem>>) semaphore(%arg13 : memref<!tpu.dma_semaphore, #tpu.memory_space<semaphore_mem>>)
      }
      %scan3A_28 = arith.constant 19 : i32
      %dma_wait3A = arith.constant 38 : i32
      %dma_wait3A_29 = arith.constant 0 : i32
      %dma_wait3A_30 = tpu.memref_slice %arg7[%dma_wait3A, %dma_wait3A_29] : memref<40x128xi32, #tpu.memory_space<vmem>> -> memref<1x128xi32, #tpu.memory_space<vmem>>
      %dma_wait3A_31 = tpu.memref_squeeze %dma_wait3A_30 : memref<1x128xi32, #tpu.memory_space<vmem>> -> memref<128xi32, #tpu.memory_space<vmem>>
      %dma_wait3A_32 = arith.constant 0 : i32
      %dma_wait3A_33 = arith.constant 0 : i32
      %dma_wait3A_34 = tpu.memref_slice %arg2[%dma_wait3A_32, %dma_wait3A_33] : memref<10240x128xf32, #tpu.memory_space<hbm>> -> memref<10240x128xf32, #tpu.memory_space<hbm>>
      tpu.wait_indirect_dma semaphore(%arg12 : memref<!tpu.dma_semaphore, #tpu.memory_space<semaphore_mem>>) src(%dma_wait3A_34 : memref<10240x128xf32, #tpu.memory_space<hbm>>) dst(%arg9 : memref<128x128xf32, #tpu.memory_space<vmem>>)
      %run_scoped3A = arith.constant 38 : i32
      "tpu.region"() ({
        %run_scoped3A_80 = tpu.sem_alloc : memref<!tpu.dma_semaphore, #tpu.memory_space<semaphore_mem>>
        %dma_start3A_81 = arith.constant 0 : i32
        %dma_start3A_82 = tpu.memref_slice %arg8[%run_scoped3A, %dma_start3A_81] : memref<40x128xi32, #tpu.memory_space<vmem>> -> memref<1x128xi32, #tpu.memory_space<vmem>>
        %dma_start3A_83 = tpu.memref_squeeze %dma_start3A_82 : memref<1x128xi32, #tpu.memory_space<vmem>> -> memref<128xi32, #tpu.memory_space<vmem>>
        %dma_start3A_84 = arith.constant 0 : i32
        %dma_start3A_85 = arith.constant 0 : i32
        %dma_start3A_86 = tpu.memref_slice %arg11[%dma_start3A_84, %dma_start3A_85] : memref<10240x128xf32, #tpu.memory_space<vmem_shared>> -> memref<10240x128xf32, #tpu.memory_space<vmem_shared>>
        tpu.enqueue_indirect_dma source(%arg9 : memref<128x128xf32, #tpu.memory_space<vmem>>) target(%dma_start3A_86 : memref<10240x128xf32, #tpu.memory_space<vmem_shared>>) offsets(%dma_start3A_83 : memref<128xi32, #tpu.memory_space<vmem>>) semaphore(%run_scoped3A_80 : memref<!tpu.dma_semaphore, #tpu.memory_space<semaphore_mem>>) {add = true}
        %dma_wait3A_87 = arith.constant 0 : i32
        %dma_wait3A_88 = tpu.memref_slice %arg8[%run_scoped3A, %dma_wait3A_87] : memref<40x128xi32, #tpu.memory_space<vmem>> -> memref<1x128xi32, #tpu.memory_space<vmem>>
        %dma_wait3A_89 = tpu.memref_squeeze %dma_wait3A_88 : memref<1x128xi32, #tpu.memory_space<vmem>> -> memref<128xi32, #tpu.memory_space<vmem>>
        %dma_wait3A_90 = arith.constant 0 : i32
        %dma_wait3A_91 = arith.constant 0 : i32
        %dma_wait3A_92 = tpu.memref_slice %arg11[%dma_wait3A_90, %dma_wait3A_91] : memref<10240x128xf32, #tpu.memory_space<vmem_shared>> -> memref<10240x128xf32, #tpu.memory_space<vmem_shared>>
        tpu.wait_indirect_dma semaphore(%run_scoped3A_80 : memref<!tpu.dma_semaphore, #tpu.memory_space<semaphore_mem>>) src(%arg9 : memref<128x128xf32, #tpu.memory_space<vmem>>) dst(%dma_wait3A_92 : memref<10240x128xf32, #tpu.memory_space<vmem_shared>>)
        tpu.yield
      }) : () -> ()
      %dma_wait3A_35 = arith.constant 39 : i32
      %dma_wait3A_36 = arith.constant 0 : i32
      %dma_wait3A_37 = tpu.memref_slice %arg7[%dma_wait3A_35, %dma_wait3A_36] : memref<40x128xi32, #tpu.memory_space<vmem>> -> memref<1x128xi32, #tpu.memory_space<vmem>>
      %dma_wait3A_38 = tpu.memref_squeeze %dma_wait3A_37 : memref<1x128xi32, #tpu.memory_space<vmem>> -> memref<128xi32, #tpu.memory_space<vmem>>
      %dma_wait3A_39 = arith.constant 0 : i32
      %dma_wait3A_40 = arith.constant 0 : i32
      %dma_wait3A_41 = tpu.memref_slice %arg2[%dma_wait3A_39, %dma_wait3A_40] : memref<10240x128xf32, #tpu.memory_space<hbm>> -> memref<10240x128xf32, #tpu.memory_space<hbm>>
      tpu.wait_indirect_dma semaphore(%arg13 : memref<!tpu.dma_semaphore, #tpu.memory_space<semaphore_mem>>) src(%dma_wait3A_41 : memref<10240x128xf32, #tpu.memory_space<hbm>>) dst(%arg10 : memref<128x128xf32, #tpu.memory_space<vmem>>)
      %run_scoped3A_42 = arith.constant 39 : i32
      "tpu.region"() ({
        %run_scoped3A_80 = tpu.sem_alloc : memref<!tpu.dma_semaphore, #tpu.memory_space<semaphore_mem>>
        %dma_start3A_81 = arith.constant 0 : i32
        %dma_start3A_82 = tpu.memref_slice %arg8[%run_scoped3A_42, %dma_start3A_81] : memref<40x128xi32, #tpu.memory_space<vmem>> -> memref<1x128xi32, #tpu.memory_space<vmem>>
        %dma_start3A_83 = tpu.memref_squeeze %dma_start3A_82 : memref<1x128xi32, #tpu.memory_space<vmem>> -> memref<128xi32, #tpu.memory_space<vmem>>
        %dma_start3A_84 = arith.constant 0 : i32
        %dma_start3A_85 = arith.constant 0 : i32
        %dma_start3A_86 = tpu.memref_slice %arg11[%dma_start3A_84, %dma_start3A_85] : memref<10240x128xf32, #tpu.memory_space<vmem_shared>> -> memref<10240x128xf32, #tpu.memory_space<vmem_shared>>
        tpu.enqueue_indirect_dma source(%arg10 : memref<128x128xf32, #tpu.memory_space<vmem>>) target(%dma_start3A_86 : memref<10240x128xf32, #tpu.memory_space<vmem_shared>>) offsets(%dma_start3A_83 : memref<128xi32, #tpu.memory_space<vmem>>) semaphore(%run_scoped3A_80 : memref<!tpu.dma_semaphore, #tpu.memory_space<semaphore_mem>>) {add = true}
        %dma_wait3A_87 = arith.constant 0 : i32
        %dma_wait3A_88 = tpu.memref_slice %arg8[%run_scoped3A_42, %dma_wait3A_87] : memref<40x128xi32, #tpu.memory_space<vmem>> -> memref<1x128xi32, #tpu.memory_space<vmem>>
        %dma_wait3A_89 = tpu.memref_squeeze %dma_wait3A_88 : memref<1x128xi32, #tpu.memory_space<vmem>> -> memref<128xi32, #tpu.memory_space<vmem>>
        %dma_wait3A_90 = arith.constant 0 : i32
        %dma_wait3A_91 = arith.constant 0 : i32
        %dma_wait3A_92 = tpu.memref_slice %arg11[%dma_wait3A_90, %dma_wait3A_91] : memref<10240x128xf32, #tpu.memory_space<vmem_shared>> -> memref<10240x128xf32, #tpu.memory_space<vmem_shared>>
        tpu.wait_indirect_dma semaphore(%run_scoped3A_80 : memref<!tpu.dma_semaphore, #tpu.memory_space<semaphore_mem>>) src(%arg10 : memref<128x128xf32, #tpu.memory_space<vmem>>) dst(%dma_wait3A_92 : memref<10240x128xf32, #tpu.memory_space<vmem_shared>>)
        tpu.yield
      }) : () -> ()
      %add3A_43 = arith.constant 40 : i32
      %add3A_44 = arith.addi %mul3A_10, %add3A_43 : i32
      "tpu.region"() ({
        %run_scoped3A_80 = tpu.sem_alloc : memref<!tpu.dma_semaphore, #tpu.memory_space<semaphore_mem>>
        %dma_start3A_81 = arith.constant 0 : i32
        %dma_start3A_82 = tpu.memref_slice %arg3[%add3A_44, %dma_start3A_81] : memref<2560x128xi32, #tpu.memory_space<hbm>> -> memref<40x128xi32, #tpu.memory_space<hbm>>
        %dma_start3A_83 = arith.constant 0 : i32
        %dma_start3A_84 = tpu.memref_slice %arg3[%add3A_44, %dma_start3A_83] : memref<2560x128xi32, #tpu.memory_space<hbm>> -> memref<40x128xi32, #tpu.memory_space<hbm>>
        tpu.enqueue_dma source(%dma_start3A_84 : memref<40x128xi32, #tpu.memory_space<hbm>>) target(%arg7 : memref<40x128xi32, #tpu.memory_space<vmem>>) target_semaphore(%run_scoped3A_80 : memref<!tpu.dma_semaphore, #tpu.memory_space<semaphore_mem>>)
        %dma_wait3A_85 = arith.constant 0 : i32
        %dma_wait3A_86 = tpu.memref_slice %arg3[%add3A_44, %dma_wait3A_85] : memref<2560x128xi32, #tpu.memory_space<hbm>> -> memref<40x128xi32, #tpu.memory_space<hbm>>
        %dma_wait3A_87 = arith.constant 0 : i32
        %dma_wait3A_88 = tpu.memref_slice %arg3[%add3A_44, %dma_wait3A_87] : memref<2560x128xi32, #tpu.memory_space<hbm>> -> memref<40x128xi32, #tpu.memory_space<hbm>>
        tpu.wait_dma2 semaphore(%run_scoped3A_80 : memref<!tpu.dma_semaphore, #tpu.memory_space<semaphore_mem>>) src(%dma_wait3A_88 : memref<40x128xi32, #tpu.memory_space<hbm>>) dst(%arg7 : memref<40x128xi32, #tpu.memory_space<vmem>>)
        tpu.yield
      }) : () -> ()
      "tpu.region"() ({
        %run_scoped3A_80 = tpu.sem_alloc : memref<!tpu.dma_semaphore, #tpu.memory_space<semaphore_mem>>
        %dma_start3A_81 = arith.constant 0 : i32
        %dma_start3A_82 = tpu.memref_slice %arg4[%add3A_44, %dma_start3A_81] : memref<2560x128xi32, #tpu.memory_space<hbm>> -> memref<40x128xi32, #tpu.memory_space<hbm>>
        %dma_start3A_83 = arith.constant 0 : i32
        %dma_start3A_84 = tpu.memref_slice %arg4[%add3A_44, %dma_start3A_83] : memref<2560x128xi32, #tpu.memory_space<hbm>> -> memref<40x128xi32, #tpu.memory_space<hbm>>
        tpu.enqueue_dma source(%dma_start3A_84 : memref<40x128xi32, #tpu.memory_space<hbm>>) target(%arg8 : memref<40x128xi32, #tpu.memory_space<vmem>>) target_semaphore(%run_scoped3A_80 : memref<!tpu.dma_semaphore, #tpu.memory_space<semaphore_mem>>)
        %dma_wait3A_85 = arith.constant 0 : i32
        %dma_wait3A_86 = tpu.memref_slice %arg4[%add3A_44, %dma_wait3A_85] : memref<2560x128xi32, #tpu.memory_space<hbm>> -> memref<40x128xi32, #tpu.memory_space<hbm>>
        %dma_wait3A_87 = arith.constant 0 : i32
        %dma_wait3A_88 = tpu.memref_slice %arg4[%add3A_44, %dma_wait3A_87] : memref<2560x128xi32, #tpu.memory_space<hbm>> -> memref<40x128xi32, #tpu.memory_space<hbm>>
        tpu.wait_dma2 semaphore(%run_scoped3A_80 : memref<!tpu.dma_semaphore, #tpu.memory_space<semaphore_mem>>) src(%dma_wait3A_88 : memref<40x128xi32, #tpu.memory_space<hbm>>) dst(%arg8 : memref<40x128xi32, #tpu.memory_space<vmem>>)
        tpu.yield
      }) : () -> ()
      %dma_start3A_45 = arith.constant 0 : i32
      %dma_start3A_46 = arith.constant 0 : i32
      %dma_start3A_47 = tpu.memref_slice %arg7[%dma_start3A_45, %dma_start3A_46] : memref<40x128xi32, #tpu.memory_space<vmem>> -> memref<1x128xi32, #tpu.memory_space<vmem>>
      %dma_start3A_48 = tpu.memref_squeeze %dma_start3A_47 : memref<1x128xi32, #tpu.memory_space<vmem>> -> memref<128xi32, #tpu.memory_space<vmem>>
      %dma_start3A_49 = arith.constant 0 : i32
      %dma_start3A_50 = arith.constant 0 : i32
      %dma_start3A_51 = tpu.memref_slice %arg2[%dma_start3A_49, %dma_start3A_50] : memref<10240x128xf32, #tpu.memory_space<hbm>> -> memref<10240x128xf32, #tpu.memory_space<hbm>>
      tpu.enqueue_indirect_dma source(%dma_start3A_51 : memref<10240x128xf32, #tpu.memory_space<hbm>>) target(%arg9 : memref<128x128xf32, #tpu.memory_space<vmem>>) offsets(%dma_start3A_48 : memref<128xi32, #tpu.memory_space<vmem>>) semaphore(%arg12 : memref<!tpu.dma_semaphore, #tpu.memory_space<semaphore_mem>>)
      %dma_start3A_52 = arith.constant 1 : i32
      %dma_start3A_53 = arith.constant 0 : i32
      %dma_start3A_54 = tpu.memref_slice %arg7[%dma_start3A_52, %dma_start3A_53] : memref<40x128xi32, #tpu.memory_space<vmem>> -> memref<1x128xi32, #tpu.memory_space<vmem>>
      %dma_start3A_55 = tpu.memref_squeeze %dma_start3A_54 : memref<1x128xi32, #tpu.memory_space<vmem>> -> memref<128xi32, #tpu.memory_space<vmem>>
      %dma_start3A_56 = arith.constant 0 : i32
      %dma_start3A_57 = arith.constant 0 : i32
      %dma_start3A_58 = tpu.memref_slice %arg2[%dma_start3A_56, %dma_start3A_57] : memref<10240x128xf32, #tpu.memory_space<hbm>> -> memref<10240x128xf32, #tpu.memory_space<hbm>>
      tpu.enqueue_indirect_dma source(%dma_start3A_58 : memref<10240x128xf32, #tpu.memory_space<hbm>>) target(%arg10 : memref<128x128xf32, #tpu.memory_space<vmem>>) offsets(%dma_start3A_55 : memref<128xi32, #tpu.memory_space<vmem>>) semaphore(%arg13 : memref<!tpu.dma_semaphore, #tpu.memory_space<semaphore_mem>>)
      %scan3A_59 = arith.constant 0 : i32
      %scan3A_60 = arith.constant 19 : i32
      %scan3A_61 = arith.addi %scan3A_59, %scan3A_60 : i32
      %scan3A_62 = arith.constant 1 : i32
      scf.for %scan3A_80 = %scan3A_59 to %scan3A_61 step %scan3A_62  : i32 {
        %mul3A_81 = arith.constant 2 : i32
        %mul3A_82 = arith.muli %scan3A_80, %mul3A_81 : i32
        %add3A_83 = arith.constant 0 : i32
        %add3A_84 = arith.addi %add3A_83, %mul3A_82 : i32
        %dma_wait3A_85 = arith.constant 0 : i32
        %dma_wait3A_86 = tpu.memref_slice %arg7[%add3A_84, %dma_wait3A_85] : memref<40x128xi32, #tpu.memory_space<vmem>> -> memref<1x128xi32, #tpu.memory_space<vmem>>
        %dma_wait3A_87 = tpu.memref_squeeze %dma_wait3A_86 : memref<1x128xi32, #tpu.memory_space<vmem>> -> memref<128xi32, #tpu.memory_space<vmem>>
        %dma_wait3A_88 = arith.constant 0 : i32
        %dma_wait3A_89 = arith.constant 0 : i32
        %dma_wait3A_90 = tpu.memref_slice %arg2[%dma_wait3A_88, %dma_wait3A_89] : memref<10240x128xf32, #tpu.memory_space<hbm>> -> memref<10240x128xf32, #tpu.memory_space<hbm>>
        tpu.wait_indirect_dma semaphore(%arg12 : memref<!tpu.dma_semaphore, #tpu.memory_space<semaphore_mem>>) src(%dma_wait3A_90 : memref<10240x128xf32, #tpu.memory_space<hbm>>) dst(%arg9 : memref<128x128xf32, #tpu.memory_space<vmem>>)
        "tpu.region"() ({
          %run_scoped3A_117 = tpu.sem_alloc : memref<!tpu.dma_semaphore, #tpu.memory_space<semaphore_mem>>
          %dma_start3A_118 = arith.constant 0 : i32
          %dma_start3A_119 = tpu.memref_slice %arg8[%add3A_84, %dma_start3A_118] : memref<40x128xi32, #tpu.memory_space<vmem>> -> memref<1x128xi32, #tpu.memory_space<vmem>>
          %dma_start3A_120 = tpu.memref_squeeze %dma_start3A_119 : memref<1x128xi32, #tpu.memory_space<vmem>> -> memref<128xi32, #tpu.memory_space<vmem>>
          %dma_start3A_121 = arith.constant 0 : i32
          %dma_start3A_122 = arith.constant 0 : i32
          %dma_start3A_123 = tpu.memref_slice %arg11[%dma_start3A_121, %dma_start3A_122] : memref<10240x128xf32, #tpu.memory_space<vmem_shared>> -> memref<10240x128xf32, #tpu.memory_space<vmem_shared>>
          tpu.enqueue_indirect_dma source(%arg9 : memref<128x128xf32, #tpu.memory_space<vmem>>) target(%dma_start3A_123 : memref<10240x128xf32, #tpu.memory_space<vmem_shared>>) offsets(%dma_start3A_120 : memref<128xi32, #tpu.memory_space<vmem>>) semaphore(%run_scoped3A_117 : memref<!tpu.dma_semaphore, #tpu.memory_space<semaphore_mem>>) {add = true}
          %dma_wait3A_124 = arith.constant 0 : i32
          %dma_wait3A_125 = tpu.memref_slice %arg8[%add3A_84, %dma_wait3A_124] : memref<40x128xi32, #tpu.memory_space<vmem>> -> memref<1x128xi32, #tpu.memory_space<vmem>>
          %dma_wait3A_126 = tpu.memref_squeeze %dma_wait3A_125 : memref<1x128xi32, #tpu.memory_space<vmem>> -> memref<128xi32, #tpu.memory_space<vmem>>
          %dma_wait3A_127 = arith.constant 0 : i32
          %dma_wait3A_128 = arith.constant 0 : i32
          %dma_wait3A_129 = tpu.memref_slice %arg11[%dma_wait3A_127, %dma_wait3A_128] : memref<10240x128xf32, #tpu.memory_space<vmem_shared>> -> memref<10240x128xf32, #tpu.memory_space<vmem_shared>>
          tpu.wait_indirect_dma semaphore(%run_scoped3A_117 : memref<!tpu.dma_semaphore, #tpu.memory_space<semaphore_mem>>) src(%arg9 : memref<128x128xf32, #tpu.memory_space<vmem>>) dst(%dma_wait3A_129 : memref<10240x128xf32, #tpu.memory_space<vmem_shared>>)
          tpu.yield
        }) : () -> ()
        %add3A_91 = arith.constant 2 : i32
        %add3A_92 = arith.addi %add3A_84, %add3A_91 : i32
        %dma_start3A_93 = arith.constant 0 : i32
        %dma_start3A_94 = tpu.memref_slice %arg7[%add3A_92, %dma_start3A_93] : memref<40x128xi32, #tpu.memory_space<vmem>> -> memref<1x128xi32, #tpu.memory_space<vmem>>
        %dma_start3A_95 = tpu.memref_squeeze %dma_start3A_94 : memref<1x128xi32, #tpu.memory_space<vmem>> -> memref<128xi32, #tpu.memory_space<vmem>>
        %dma_start3A_96 = arith.constant 0 : i32
        %dma_start3A_97 = arith.constant 0 : i32
        %dma_start3A_98 = tpu.memref_slice %arg2[%dma_start3A_96, %dma_start3A_97] : memref<10240x128xf32, #tpu.memory_space<hbm>> -> memref<10240x128xf32, #tpu.memory_space<hbm>>
        tpu.enqueue_indirect_dma source(%dma_start3A_98 : memref<10240x128xf32, #tpu.memory_space<hbm>>) target(%arg9 : memref<128x128xf32, #tpu.memory_space<vmem>>) offsets(%dma_start3A_95 : memref<128xi32, #tpu.memory_space<vmem>>) semaphore(%arg12 : memref<!tpu.dma_semaphore, #tpu.memory_space<semaphore_mem>>)
        %add3A_99 = arith.constant 1 : i32
        %add3A_100 = arith.addi %add3A_84, %add3A_99 : i32
        %dma_wait3A_101 = arith.constant 0 : i32
        %dma_wait3A_102 = tpu.memref_slice %arg7[%add3A_100, %dma_wait3A_101] : memref<40x128xi32, #tpu.memory_space<vmem>> -> memref<1x128xi32, #tpu.memory_space<vmem>>
        %dma_wait3A_103 = tpu.memref_squeeze %dma_wait3A_102 : memref<1x128xi32, #tpu.memory_space<vmem>> -> memref<128xi32, #tpu.memory_space<vmem>>
        %dma_wait3A_104 = arith.constant 0 : i32
        %dma_wait3A_105 = arith.constant 0 : i32
        %dma_wait3A_106 = tpu.memref_slice %arg2[%dma_wait3A_104, %dma_wait3A_105] : memref<10240x128xf32, #tpu.memory_space<hbm>> -> memref<10240x128xf32, #tpu.memory_space<hbm>>
        tpu.wait_indirect_dma semaphore(%arg13 : memref<!tpu.dma_semaphore, #tpu.memory_space<semaphore_mem>>) src(%dma_wait3A_106 : memref<10240x128xf32, #tpu.memory_space<hbm>>) dst(%arg10 : memref<128x128xf32, #tpu.memory_space<vmem>>)
        %add3A_107 = arith.constant 1 : i32
        %add3A_108 = arith.addi %add3A_84, %add3A_107 : i32
        "tpu.region"() ({
          %run_scoped3A_117 = tpu.sem_alloc : memref<!tpu.dma_semaphore, #tpu.memory_space<semaphore_mem>>
          %dma_start3A_118 = arith.constant 0 : i32
          %dma_start3A_119 = tpu.memref_slice %arg8[%add3A_108, %dma_start3A_118] : memref<40x128xi32, #tpu.memory_space<vmem>> -> memref<1x128xi32, #tpu.memory_space<vmem>>
          %dma_start3A_120 = tpu.memref_squeeze %dma_start3A_119 : memref<1x128xi32, #tpu.memory_space<vmem>> -> memref<128xi32, #tpu.memory_space<vmem>>
          %dma_start3A_121 = arith.constant 0 : i32
          %dma_start3A_122 = arith.constant 0 : i32
          %dma_start3A_123 = tpu.memref_slice %arg11[%dma_start3A_121, %dma_start3A_122] : memref<10240x128xf32, #tpu.memory_space<vmem_shared>> -> memref<10240x128xf32, #tpu.memory_space<vmem_shared>>
          tpu.enqueue_indirect_dma source(%arg10 : memref<128x128xf32, #tpu.memory_space<vmem>>) target(%dma_start3A_123 : memref<10240x128xf32, #tpu.memory_space<vmem_shared>>) offsets(%dma_start3A_120 : memref<128xi32, #tpu.memory_space<vmem>>) semaphore(%run_scoped3A_117 : memref<!tpu.dma_semaphore, #tpu.memory_space<semaphore_mem>>) {add = true}
          %dma_wait3A_124 = arith.constant 0 : i32
          %dma_wait3A_125 = tpu.memref_slice %arg8[%add3A_108, %dma_wait3A_124] : memref<40x128xi32, #tpu.memory_space<vmem>> -> memref<1x128xi32, #tpu.memory_space<vmem>>
          %dma_wait3A_126 = tpu.memref_squeeze %dma_wait3A_125 : memref<1x128xi32, #tpu.memory_space<vmem>> -> memref<128xi32, #tpu.memory_space<vmem>>
          %dma_wait3A_127 = arith.constant 0 : i32
          %dma_wait3A_128 = arith.constant 0 : i32
          %dma_wait3A_129 = tpu.memref_slice %arg11[%dma_wait3A_127, %dma_wait3A_128] : memref<10240x128xf32, #tpu.memory_space<vmem_shared>> -> memref<10240x128xf32, #tpu.memory_space<vmem_shared>>
          tpu.wait_indirect_dma semaphore(%run_scoped3A_117 : memref<!tpu.dma_semaphore, #tpu.memory_space<semaphore_mem>>) src(%arg10 : memref<128x128xf32, #tpu.memory_space<vmem>>) dst(%dma_wait3A_129 : memref<10240x128xf32, #tpu.memory_space<vmem_shared>>)
          tpu.yield
        }) : () -> ()
        %add3A_109 = arith.constant 3 : i32
        %add3A_110 = arith.addi %add3A_84, %add3A_109 : i32
        %dma_start3A_111 = arith.constant 0 : i32
        %dma_start3A_112 = tpu.memref_slice %arg7[%add3A_110, %dma_start3A_111] : memref<40x128xi32, #tpu.memory_space<vmem>> -> memref<1x128xi32, #tpu.memory_space<vmem>>
        %dma_start3A_113 = tpu.memref_squeeze %dma_start3A_112 : memref<1x128xi32, #tpu.memory_space<vmem>> -> memref<128xi32, #tpu.memory_space<vmem>>
        %dma_start3A_114 = arith.constant 0 : i32
        %dma_start3A_115 = arith.constant 0 : i32
        %dma_start3A_116 = tpu.memref_slice %arg2[%dma_start3A_114, %dma_start3A_115] : memref<10240x128xf32, #tpu.memory_space<hbm>> -> memref<10240x128xf32, #tpu.memory_space<hbm>>
        tpu.enqueue_indirect_dma source(%dma_start3A_116 : memref<10240x128xf32, #tpu.memory_space<hbm>>) target(%arg10 : memref<128x128xf32, #tpu.memory_space<vmem>>) offsets(%dma_start3A_113 : memref<128xi32, #tpu.memory_space<vmem>>) semaphore(%arg13 : memref<!tpu.dma_semaphore, #tpu.memory_space<semaphore_mem>>)
      }
      %scan3A_63 = arith.constant 19 : i32
      %dma_wait3A_64 = arith.constant 38 : i32
      %dma_wait3A_65 = arith.constant 0 : i32
      %dma_wait3A_66 = tpu.memref_slice %arg7[%dma_wait3A_64, %dma_wait3A_65] : memref<40x128xi32, #tpu.memory_space<vmem>> -> memref<1x128xi32, #tpu.memory_space<vmem>>
      %dma_wait3A_67 = tpu.memref_squeeze %dma_wait3A_66 : memref<1x128xi32, #tpu.memory_space<vmem>> -> memref<128xi32, #tpu.memory_space<vmem>>
      %dma_wait3A_68 = arith.constant 0 : i32
      %dma_wait3A_69 = arith.constant 0 : i32
      %dma_wait3A_70 = tpu.memref_slice %arg2[%dma_wait3A_68, %dma_wait3A_69] : memref<10240x128xf32, #tpu.memory_space<hbm>> -> memref<10240x128xf32, #tpu.memory_space<hbm>>
      tpu.wait_indirect_dma semaphore(%arg12 : memref<!tpu.dma_semaphore, #tpu.memory_space<semaphore_mem>>) src(%dma_wait3A_70 : memref<10240x128xf32, #tpu.memory_space<hbm>>) dst(%arg9 : memref<128x128xf32, #tpu.memory_space<vmem>>)
      %run_scoped3A_71 = arith.constant 38 : i32
      "tpu.region"() ({
        %run_scoped3A_80 = tpu.sem_alloc : memref<!tpu.dma_semaphore, #tpu.memory_space<semaphore_mem>>
        %dma_start3A_81 = arith.constant 0 : i32
        %dma_start3A_82 = tpu.memref_slice %arg8[%run_scoped3A_71, %dma_start3A_81] : memref<40x128xi32, #tpu.memory_space<vmem>> -> memref<1x128xi32, #tpu.memory_space<vmem>>
        %dma_start3A_83 = tpu.memref_squeeze %dma_start3A_82 : memref<1x128xi32, #tpu.memory_space<vmem>> -> memref<128xi32, #tpu.memory_space<vmem>>
        %dma_start3A_84 = arith.constant 0 : i32
        %dma_start3A_85 = arith.constant 0 : i32
        %dma_start3A_86 = tpu.memref_slice %arg11[%dma_start3A_84, %dma_start3A_85] : memref<10240x128xf32, #tpu.memory_space<vmem_shared>> -> memref<10240x128xf32, #tpu.memory_space<vmem_shared>>
        tpu.enqueue_indirect_dma source(%arg9 : memref<128x128xf32, #tpu.memory_space<vmem>>) target(%dma_start3A_86 : memref<10240x128xf32, #tpu.memory_space<vmem_shared>>) offsets(%dma_start3A_83 : memref<128xi32, #tpu.memory_space<vmem>>) semaphore(%run_scoped3A_80 : memref<!tpu.dma_semaphore, #tpu.memory_space<semaphore_mem>>) {add = true}
        %dma_wait3A_87 = arith.constant 0 : i32
        %dma_wait3A_88 = tpu.memref_slice %arg8[%run_scoped3A_71, %dma_wait3A_87] : memref<40x128xi32, #tpu.memory_space<vmem>> -> memref<1x128xi32, #tpu.memory_space<vmem>>
        %dma_wait3A_89 = tpu.memref_squeeze %dma_wait3A_88 : memref<1x128xi32, #tpu.memory_space<vmem>> -> memref<128xi32, #tpu.memory_space<vmem>>
        %dma_wait3A_90 = arith.constant 0 : i32
        %dma_wait3A_91 = arith.constant 0 : i32
        %dma_wait3A_92 = tpu.memref_slice %arg11[%dma_wait3A_90, %dma_wait3A_91] : memref<10240x128xf32, #tpu.memory_space<vmem_shared>> -> memref<10240x128xf32, #tpu.memory_space<vmem_shared>>
        tpu.wait_indirect_dma semaphore(%run_scoped3A_80 : memref<!tpu.dma_semaphore, #tpu.memory_space<semaphore_mem>>) src(%arg9 : memref<128x128xf32, #tpu.memory_space<vmem>>) dst(%dma_wait3A_92 : memref<10240x128xf32, #tpu.memory_space<vmem_shared>>)
        tpu.yield
      }) : () -> ()
      %dma_wait3A_72 = arith.constant 39 : i32
      %dma_wait3A_73 = arith.constant 0 : i32
      %dma_wait3A_74 = tpu.memref_slice %arg7[%dma_wait3A_72, %dma_wait3A_73] : memref<40x128xi32, #tpu.memory_space<vmem>> -> memref<1x128xi32, #tpu.memory_space<vmem>>
      %dma_wait3A_75 = tpu.memref_squeeze %dma_wait3A_74 : memref<1x128xi32, #tpu.memory_space<vmem>> -> memref<128xi32, #tpu.memory_space<vmem>>
      %dma_wait3A_76 = arith.constant 0 : i32
      %dma_wait3A_77 = arith.constant 0 : i32
      %dma_wait3A_78 = tpu.memref_slice %arg2[%dma_wait3A_76, %dma_wait3A_77] : memref<10240x128xf32, #tpu.memory_space<hbm>> -> memref<10240x128xf32, #tpu.memory_space<hbm>>
      tpu.wait_indirect_dma semaphore(%arg13 : memref<!tpu.dma_semaphore, #tpu.memory_space<semaphore_mem>>) src(%dma_wait3A_78 : memref<10240x128xf32, #tpu.memory_space<hbm>>) dst(%arg10 : memref<128x128xf32, #tpu.memory_space<vmem>>)
      %run_scoped3A_79 = arith.constant 39 : i32
      "tpu.region"() ({
        %run_scoped3A_80 = tpu.sem_alloc : memref<!tpu.dma_semaphore, #tpu.memory_space<semaphore_mem>>
        %dma_start3A_81 = arith.constant 0 : i32
        %dma_start3A_82 = tpu.memref_slice %arg8[%run_scoped3A_79, %dma_start3A_81] : memref<40x128xi32, #tpu.memory_space<vmem>> -> memref<1x128xi32, #tpu.memory_space<vmem>>
        %dma_start3A_83 = tpu.memref_squeeze %dma_start3A_82 : memref<1x128xi32, #tpu.memory_space<vmem>> -> memref<128xi32, #tpu.memory_space<vmem>>
        %dma_start3A_84 = arith.constant 0 : i32
        %dma_start3A_85 = arith.constant 0 : i32
        %dma_start3A_86 = tpu.memref_slice %arg11[%dma_start3A_84, %dma_start3A_85] : memref<10240x128xf32, #tpu.memory_space<vmem_shared>> -> memref<10240x128xf32, #tpu.memory_space<vmem_shared>>
        tpu.enqueue_indirect_dma source(%arg10 : memref<128x128xf32, #tpu.memory_space<vmem>>) target(%dma_start3A_86 : memref<10240x128xf32, #tpu.memory_space<vmem_shared>>) offsets(%dma_start3A_83 : memref<128xi32, #tpu.memory_space<vmem>>) semaphore(%run_scoped3A_80 : memref<!tpu.dma_semaphore, #tpu.memory_space<semaphore_mem>>) {add = true}
        %dma_wait3A_87 = arith.constant 0 : i32
        %dma_wait3A_88 = tpu.memref_slice %arg8[%run_scoped3A_79, %dma_wait3A_87] : memref<40x128xi32, #tpu.memory_space<vmem>> -> memref<1x128xi32, #tpu.memory_space<vmem>>
        %dma_wait3A_89 = tpu.memref_squeeze %dma_wait3A_88 : memref<1x128xi32, #tpu.memory_space<vmem>> -> memref<128xi32, #tpu.memory_space<vmem>>
        %dma_wait3A_90 = arith.constant 0 : i32
        %dma_wait3A_91 = arith.constant 0 : i32
        %dma_wait3A_92 = tpu.memref_slice %arg11[%dma_wait3A_90, %dma_wait3A_91] : memref<10240x128xf32, #tpu.memory_space<vmem_shared>> -> memref<10240x128xf32, #tpu.memory_space<vmem_shared>>
        tpu.wait_indirect_dma semaphore(%run_scoped3A_80 : memref<!tpu.dma_semaphore, #tpu.memory_space<semaphore_mem>>) src(%arg10 : memref<128x128xf32, #tpu.memory_space<vmem>>) dst(%dma_wait3A_92 : memref<10240x128xf32, #tpu.memory_space<vmem_shared>>)
        tpu.yield
      }) : () -> ()
    } else {
    }
    %eq3A_3 = arith.constant 1 : i32
    %eq3A_4 = arith.cmpi eq, %arg0, %eq3A_3 : i32
    %convert_element_type3A_5 = arith.extui %eq3A_4 : i1 to i32
    %cond3A_6 = arith.constant 0 : i32
    %cond3A_7 = arith.cmpi ne, %convert_element_type3A_5, %cond3A_6 : i32
    scf.if %cond3A_7 {
      %mul3A_9 = arith.constant 80 : i32
      %mul3A_10 = arith.muli %arg1, %mul3A_9 : i32
      %add3A = arith.constant 1280 : i32
      %add3A_11 = arith.addi %add3A, %mul3A_10 : i32
      %add3A_12 = arith.constant 0 : i32
      %add3A_13 = arith.addi %add3A_11, %add3A_12 : i32
      "tpu.region"() ({
        %run_scoped3A_82 = tpu.sem_alloc : memref<!tpu.dma_semaphore, #tpu.memory_space<semaphore_mem>>
        %dma_start3A_83 = arith.constant 0 : i32
        %dma_start3A_84 = tpu.memref_slice %arg3[%add3A_13, %dma_start3A_83] : memref<2560x128xi32, #tpu.memory_space<hbm>> -> memref<40x128xi32, #tpu.memory_space<hbm>>
        %dma_start3A_85 = arith.constant 0 : i32
        %dma_start3A_86 = tpu.memref_slice %arg3[%add3A_13, %dma_start3A_85] : memref<2560x128xi32, #tpu.memory_space<hbm>> -> memref<40x128xi32, #tpu.memory_space<hbm>>
        tpu.enqueue_dma source(%dma_start3A_86 : memref<40x128xi32, #tpu.memory_space<hbm>>) target(%arg7 : memref<40x128xi32, #tpu.memory_space<vmem>>) target_semaphore(%run_scoped3A_82 : memref<!tpu.dma_semaphore, #tpu.memory_space<semaphore_mem>>)
        %dma_wait3A_87 = arith.constant 0 : i32
        %dma_wait3A_88 = tpu.memref_slice %arg3[%add3A_13, %dma_wait3A_87] : memref<2560x128xi32, #tpu.memory_space<hbm>> -> memref<40x128xi32, #tpu.memory_space<hbm>>
        %dma_wait3A_89 = arith.constant 0 : i32
        %dma_wait3A_90 = tpu.memref_slice %arg3[%add3A_13, %dma_wait3A_89] : memref<2560x128xi32, #tpu.memory_space<hbm>> -> memref<40x128xi32, #tpu.memory_space<hbm>>
        tpu.wait_dma2 semaphore(%run_scoped3A_82 : memref<!tpu.dma_semaphore, #tpu.memory_space<semaphore_mem>>) src(%dma_wait3A_90 : memref<40x128xi32, #tpu.memory_space<hbm>>) dst(%arg7 : memref<40x128xi32, #tpu.memory_space<vmem>>)
        tpu.yield
      }) : () -> ()
      "tpu.region"() ({
        %run_scoped3A_82 = tpu.sem_alloc : memref<!tpu.dma_semaphore, #tpu.memory_space<semaphore_mem>>
        %dma_start3A_83 = arith.constant 0 : i32
        %dma_start3A_84 = tpu.memref_slice %arg4[%add3A_13, %dma_start3A_83] : memref<2560x128xi32, #tpu.memory_space<hbm>> -> memref<40x128xi32, #tpu.memory_space<hbm>>
        %dma_start3A_85 = arith.constant 0 : i32
        %dma_start3A_86 = tpu.memref_slice %arg4[%add3A_13, %dma_start3A_85] : memref<2560x128xi32, #tpu.memory_space<hbm>> -> memref<40x128xi32, #tpu.memory_space<hbm>>
        tpu.enqueue_dma source(%dma_start3A_86 : memref<40x128xi32, #tpu.memory_space<hbm>>) target(%arg8 : memref<40x128xi32, #tpu.memory_space<vmem>>) target_semaphore(%run_scoped3A_82 : memref<!tpu.dma_semaphore, #tpu.memory_space<semaphore_mem>>)
        %dma_wait3A_87 = arith.constant 0 : i32
        %dma_wait3A_88 = tpu.memref_slice %arg4[%add3A_13, %dma_wait3A_87] : memref<2560x128xi32, #tpu.memory_space<hbm>> -> memref<40x128xi32, #tpu.memory_space<hbm>>
        %dma_wait3A_89 = arith.constant 0 : i32
        %dma_wait3A_90 = tpu.memref_slice %arg4[%add3A_13, %dma_wait3A_89] : memref<2560x128xi32, #tpu.memory_space<hbm>> -> memref<40x128xi32, #tpu.memory_space<hbm>>
        tpu.wait_dma2 semaphore(%run_scoped3A_82 : memref<!tpu.dma_semaphore, #tpu.memory_space<semaphore_mem>>) src(%dma_wait3A_90 : memref<40x128xi32, #tpu.memory_space<hbm>>) dst(%arg8 : memref<40x128xi32, #tpu.memory_space<vmem>>)
        tpu.yield
      }) : () -> ()
      %dma_start3A = arith.constant 0 : i32
      %dma_start3A_14 = arith.constant 0 : i32
      %dma_start3A_15 = tpu.memref_slice %arg7[%dma_start3A, %dma_start3A_14] : memref<40x128xi32, #tpu.memory_space<vmem>> -> memref<1x128xi32, #tpu.memory_space<vmem>>
      %dma_start3A_16 = tpu.memref_squeeze %dma_start3A_15 : memref<1x128xi32, #tpu.memory_space<vmem>> -> memref<128xi32, #tpu.memory_space<vmem>>
      %dma_start3A_17 = arith.constant 0 : i32
      %dma_start3A_18 = arith.constant 0 : i32
      %dma_start3A_19 = tpu.memref_slice %arg2[%dma_start3A_17, %dma_start3A_18] : memref<10240x128xf32, #tpu.memory_space<hbm>> -> memref<10240x128xf32, #tpu.memory_space<hbm>>
      tpu.enqueue_indirect_dma source(%dma_start3A_19 : memref<10240x128xf32, #tpu.memory_space<hbm>>) target(%arg9 : memref<128x128xf32, #tpu.memory_space<vmem>>) offsets(%dma_start3A_16 : memref<128xi32, #tpu.memory_space<vmem>>) semaphore(%arg12 : memref<!tpu.dma_semaphore, #tpu.memory_space<semaphore_mem>>)
      %dma_start3A_20 = arith.constant 1 : i32
      %dma_start3A_21 = arith.constant 0 : i32
      %dma_start3A_22 = tpu.memref_slice %arg7[%dma_start3A_20, %dma_start3A_21] : memref<40x128xi32, #tpu.memory_space<vmem>> -> memref<1x128xi32, #tpu.memory_space<vmem>>
      %dma_start3A_23 = tpu.memref_squeeze %dma_start3A_22 : memref<1x128xi32, #tpu.memory_space<vmem>> -> memref<128xi32, #tpu.memory_space<vmem>>
      %dma_start3A_24 = arith.constant 0 : i32
      %dma_start3A_25 = arith.constant 0 : i32
      %dma_start3A_26 = tpu.memref_slice %arg2[%dma_start3A_24, %dma_start3A_25] : memref<10240x128xf32, #tpu.memory_space<hbm>> -> memref<10240x128xf32, #tpu.memory_space<hbm>>
      tpu.enqueue_indirect_dma source(%dma_start3A_26 : memref<10240x128xf32, #tpu.memory_space<hbm>>) target(%arg10 : memref<128x128xf32, #tpu.memory_space<vmem>>) offsets(%dma_start3A_23 : memref<128xi32, #tpu.memory_space<vmem>>) semaphore(%arg13 : memref<!tpu.dma_semaphore, #tpu.memory_space<semaphore_mem>>)
      %scan3A = arith.constant 0 : i32
      %scan3A_27 = arith.constant 19 : i32
      %scan3A_28 = arith.addi %scan3A, %scan3A_27 : i32
      %scan3A_29 = arith.constant 1 : i32
      scf.for %scan3A_82 = %scan3A to %scan3A_28 step %scan3A_29  : i32 {
        %mul3A_83 = arith.constant 2 : i32
        %mul3A_84 = arith.muli %scan3A_82, %mul3A_83 : i32
        %add3A_85 = arith.constant 0 : i32
        %add3A_86 = arith.addi %add3A_85, %mul3A_84 : i32
        %dma_wait3A_87 = arith.constant 0 : i32
        %dma_wait3A_88 = tpu.memref_slice %arg7[%add3A_86, %dma_wait3A_87] : memref<40x128xi32, #tpu.memory_space<vmem>> -> memref<1x128xi32, #tpu.memory_space<vmem>>
        %dma_wait3A_89 = tpu.memref_squeeze %dma_wait3A_88 : memref<1x128xi32, #tpu.memory_space<vmem>> -> memref<128xi32, #tpu.memory_space<vmem>>
        %dma_wait3A_90 = arith.constant 0 : i32
        %dma_wait3A_91 = arith.constant 0 : i32
        %dma_wait3A_92 = tpu.memref_slice %arg2[%dma_wait3A_90, %dma_wait3A_91] : memref<10240x128xf32, #tpu.memory_space<hbm>> -> memref<10240x128xf32, #tpu.memory_space<hbm>>
        tpu.wait_indirect_dma semaphore(%arg12 : memref<!tpu.dma_semaphore, #tpu.memory_space<semaphore_mem>>) src(%dma_wait3A_92 : memref<10240x128xf32, #tpu.memory_space<hbm>>) dst(%arg9 : memref<128x128xf32, #tpu.memory_space<vmem>>)
        "tpu.region"() ({
          %run_scoped3A_119 = tpu.sem_alloc : memref<!tpu.dma_semaphore, #tpu.memory_space<semaphore_mem>>
          %dma_start3A_120 = arith.constant 0 : i32
          %dma_start3A_121 = tpu.memref_slice %arg8[%add3A_86, %dma_start3A_120] : memref<40x128xi32, #tpu.memory_space<vmem>> -> memref<1x128xi32, #tpu.memory_space<vmem>>
          %dma_start3A_122 = tpu.memref_squeeze %dma_start3A_121 : memref<1x128xi32, #tpu.memory_space<vmem>> -> memref<128xi32, #tpu.memory_space<vmem>>
          %dma_start3A_123 = arith.constant 0 : i32
          %dma_start3A_124 = arith.constant 0 : i32
          %dma_start3A_125 = tpu.memref_slice %arg11[%dma_start3A_123, %dma_start3A_124] : memref<10240x128xf32, #tpu.memory_space<vmem_shared>> -> memref<10240x128xf32, #tpu.memory_space<vmem_shared>>
          tpu.enqueue_indirect_dma source(%arg9 : memref<128x128xf32, #tpu.memory_space<vmem>>) target(%dma_start3A_125 : memref<10240x128xf32, #tpu.memory_space<vmem_shared>>) offsets(%dma_start3A_122 : memref<128xi32, #tpu.memory_space<vmem>>) semaphore(%run_scoped3A_119 : memref<!tpu.dma_semaphore, #tpu.memory_space<semaphore_mem>>) {add = true}
          %dma_wait3A_126 = arith.constant 0 : i32
          %dma_wait3A_127 = tpu.memref_slice %arg8[%add3A_86, %dma_wait3A_126] : memref<40x128xi32, #tpu.memory_space<vmem>> -> memref<1x128xi32, #tpu.memory_space<vmem>>
          %dma_wait3A_128 = tpu.memref_squeeze %dma_wait3A_127 : memref<1x128xi32, #tpu.memory_space<vmem>> -> memref<128xi32, #tpu.memory_space<vmem>>
          %dma_wait3A_129 = arith.constant 0 : i32
          %dma_wait3A_130 = arith.constant 0 : i32
          %dma_wait3A_131 = tpu.memref_slice %arg11[%dma_wait3A_129, %dma_wait3A_130] : memref<10240x128xf32, #tpu.memory_space<vmem_shared>> -> memref<10240x128xf32, #tpu.memory_space<vmem_shared>>
          tpu.wait_indirect_dma semaphore(%run_scoped3A_119 : memref<!tpu.dma_semaphore, #tpu.memory_space<semaphore_mem>>) src(%arg9 : memref<128x128xf32, #tpu.memory_space<vmem>>) dst(%dma_wait3A_131 : memref<10240x128xf32, #tpu.memory_space<vmem_shared>>)
          tpu.yield
        }) : () -> ()
        %add3A_93 = arith.constant 2 : i32
        %add3A_94 = arith.addi %add3A_86, %add3A_93 : i32
        %dma_start3A_95 = arith.constant 0 : i32
        %dma_start3A_96 = tpu.memref_slice %arg7[%add3A_94, %dma_start3A_95] : memref<40x128xi32, #tpu.memory_space<vmem>> -> memref<1x128xi32, #tpu.memory_space<vmem>>
        %dma_start3A_97 = tpu.memref_squeeze %dma_start3A_96 : memref<1x128xi32, #tpu.memory_space<vmem>> -> memref<128xi32, #tpu.memory_space<vmem>>
        %dma_start3A_98 = arith.constant 0 : i32
        %dma_start3A_99 = arith.constant 0 : i32
        %dma_start3A_100 = tpu.memref_slice %arg2[%dma_start3A_98, %dma_start3A_99] : memref<10240x128xf32, #tpu.memory_space<hbm>> -> memref<10240x128xf32, #tpu.memory_space<hbm>>
        tpu.enqueue_indirect_dma source(%dma_start3A_100 : memref<10240x128xf32, #tpu.memory_space<hbm>>) target(%arg9 : memref<128x128xf32, #tpu.memory_space<vmem>>) offsets(%dma_start3A_97 : memref<128xi32, #tpu.memory_space<vmem>>) semaphore(%arg12 : memref<!tpu.dma_semaphore, #tpu.memory_space<semaphore_mem>>)
        %add3A_101 = arith.constant 1 : i32
        %add3A_102 = arith.addi %add3A_86, %add3A_101 : i32
        %dma_wait3A_103 = arith.constant 0 : i32
        %dma_wait3A_104 = tpu.memref_slice %arg7[%add3A_102, %dma_wait3A_103] : memref<40x128xi32, #tpu.memory_space<vmem>> -> memref<1x128xi32, #tpu.memory_space<vmem>>
        %dma_wait3A_105 = tpu.memref_squeeze %dma_wait3A_104 : memref<1x128xi32, #tpu.memory_space<vmem>> -> memref<128xi32, #tpu.memory_space<vmem>>
        %dma_wait3A_106 = arith.constant 0 : i32
        %dma_wait3A_107 = arith.constant 0 : i32
        %dma_wait3A_108 = tpu.memref_slice %arg2[%dma_wait3A_106, %dma_wait3A_107] : memref<10240x128xf32, #tpu.memory_space<hbm>> -> memref<10240x128xf32, #tpu.memory_space<hbm>>
        tpu.wait_indirect_dma semaphore(%arg13 : memref<!tpu.dma_semaphore, #tpu.memory_space<semaphore_mem>>) src(%dma_wait3A_108 : memref<10240x128xf32, #tpu.memory_space<hbm>>) dst(%arg10 : memref<128x128xf32, #tpu.memory_space<vmem>>)
        %add3A_109 = arith.constant 1 : i32
        %add3A_110 = arith.addi %add3A_86, %add3A_109 : i32
        "tpu.region"() ({
          %run_scoped3A_119 = tpu.sem_alloc : memref<!tpu.dma_semaphore, #tpu.memory_space<semaphore_mem>>
          %dma_start3A_120 = arith.constant 0 : i32
          %dma_start3A_121 = tpu.memref_slice %arg8[%add3A_110, %dma_start3A_120] : memref<40x128xi32, #tpu.memory_space<vmem>> -> memref<1x128xi32, #tpu.memory_space<vmem>>
          %dma_start3A_122 = tpu.memref_squeeze %dma_start3A_121 : memref<1x128xi32, #tpu.memory_space<vmem>> -> memref<128xi32, #tpu.memory_space<vmem>>
          %dma_start3A_123 = arith.constant 0 : i32
          %dma_start3A_124 = arith.constant 0 : i32
          %dma_start3A_125 = tpu.memref_slice %arg11[%dma_start3A_123, %dma_start3A_124] : memref<10240x128xf32, #tpu.memory_space<vmem_shared>> -> memref<10240x128xf32, #tpu.memory_space<vmem_shared>>
          tpu.enqueue_indirect_dma source(%arg10 : memref<128x128xf32, #tpu.memory_space<vmem>>) target(%dma_start3A_125 : memref<10240x128xf32, #tpu.memory_space<vmem_shared>>) offsets(%dma_start3A_122 : memref<128xi32, #tpu.memory_space<vmem>>) semaphore(%run_scoped3A_119 : memref<!tpu.dma_semaphore, #tpu.memory_space<semaphore_mem>>) {add = true}
          %dma_wait3A_126 = arith.constant 0 : i32
          %dma_wait3A_127 = tpu.memref_slice %arg8[%add3A_110, %dma_wait3A_126] : memref<40x128xi32, #tpu.memory_space<vmem>> -> memref<1x128xi32, #tpu.memory_space<vmem>>
          %dma_wait3A_128 = tpu.memref_squeeze %dma_wait3A_127 : memref<1x128xi32, #tpu.memory_space<vmem>> -> memref<128xi32, #tpu.memory_space<vmem>>
          %dma_wait3A_129 = arith.constant 0 : i32
          %dma_wait3A_130 = arith.constant 0 : i32
          %dma_wait3A_131 = tpu.memref_slice %arg11[%dma_wait3A_129, %dma_wait3A_130] : memref<10240x128xf32, #tpu.memory_space<vmem_shared>> -> memref<10240x128xf32, #tpu.memory_space<vmem_shared>>
          tpu.wait_indirect_dma semaphore(%run_scoped3A_119 : memref<!tpu.dma_semaphore, #tpu.memory_space<semaphore_mem>>) src(%arg10 : memref<128x128xf32, #tpu.memory_space<vmem>>) dst(%dma_wait3A_131 : memref<10240x128xf32, #tpu.memory_space<vmem_shared>>)
          tpu.yield
        }) : () -> ()
        %add3A_111 = arith.constant 3 : i32
        %add3A_112 = arith.addi %add3A_86, %add3A_111 : i32
        %dma_start3A_113 = arith.constant 0 : i32
        %dma_start3A_114 = tpu.memref_slice %arg7[%add3A_112, %dma_start3A_113] : memref<40x128xi32, #tpu.memory_space<vmem>> -> memref<1x128xi32, #tpu.memory_space<vmem>>
        %dma_start3A_115 = tpu.memref_squeeze %dma_start3A_114 : memref<1x128xi32, #tpu.memory_space<vmem>> -> memref<128xi32, #tpu.memory_space<vmem>>
        %dma_start3A_116 = arith.constant 0 : i32
        %dma_start3A_117 = arith.constant 0 : i32
        %dma_start3A_118 = tpu.memref_slice %arg2[%dma_start3A_116, %dma_start3A_117] : memref<10240x128xf32, #tpu.memory_space<hbm>> -> memref<10240x128xf32, #tpu.memory_space<hbm>>
        tpu.enqueue_indirect_dma source(%dma_start3A_118 : memref<10240x128xf32, #tpu.memory_space<hbm>>) target(%arg10 : memref<128x128xf32, #tpu.memory_space<vmem>>) offsets(%dma_start3A_115 : memref<128xi32, #tpu.memory_space<vmem>>) semaphore(%arg13 : memref<!tpu.dma_semaphore, #tpu.memory_space<semaphore_mem>>)
      }
      %scan3A_30 = arith.constant 19 : i32
      %dma_wait3A = arith.constant 38 : i32
      %dma_wait3A_31 = arith.constant 0 : i32
      %dma_wait3A_32 = tpu.memref_slice %arg7[%dma_wait3A, %dma_wait3A_31] : memref<40x128xi32, #tpu.memory_space<vmem>> -> memref<1x128xi32, #tpu.memory_space<vmem>>
      %dma_wait3A_33 = tpu.memref_squeeze %dma_wait3A_32 : memref<1x128xi32, #tpu.memory_space<vmem>> -> memref<128xi32, #tpu.memory_space<vmem>>
      %dma_wait3A_34 = arith.constant 0 : i32
      %dma_wait3A_35 = arith.constant 0 : i32
      %dma_wait3A_36 = tpu.memref_slice %arg2[%dma_wait3A_34, %dma_wait3A_35] : memref<10240x128xf32, #tpu.memory_space<hbm>> -> memref<10240x128xf32, #tpu.memory_space<hbm>>
      tpu.wait_indirect_dma semaphore(%arg12 : memref<!tpu.dma_semaphore, #tpu.memory_space<semaphore_mem>>) src(%dma_wait3A_36 : memref<10240x128xf32, #tpu.memory_space<hbm>>) dst(%arg9 : memref<128x128xf32, #tpu.memory_space<vmem>>)
      %run_scoped3A = arith.constant 38 : i32
      "tpu.region"() ({
        %run_scoped3A_82 = tpu.sem_alloc : memref<!tpu.dma_semaphore, #tpu.memory_space<semaphore_mem>>
        %dma_start3A_83 = arith.constant 0 : i32
        %dma_start3A_84 = tpu.memref_slice %arg8[%run_scoped3A, %dma_start3A_83] : memref<40x128xi32, #tpu.memory_space<vmem>> -> memref<1x128xi32, #tpu.memory_space<vmem>>
        %dma_start3A_85 = tpu.memref_squeeze %dma_start3A_84 : memref<1x128xi32, #tpu.memory_space<vmem>> -> memref<128xi32, #tpu.memory_space<vmem>>
        %dma_start3A_86 = arith.constant 0 : i32
        %dma_start3A_87 = arith.constant 0 : i32
        %dma_start3A_88 = tpu.memref_slice %arg11[%dma_start3A_86, %dma_start3A_87] : memref<10240x128xf32, #tpu.memory_space<vmem_shared>> -> memref<10240x128xf32, #tpu.memory_space<vmem_shared>>
        tpu.enqueue_indirect_dma source(%arg9 : memref<128x128xf32, #tpu.memory_space<vmem>>) target(%dma_start3A_88 : memref<10240x128xf32, #tpu.memory_space<vmem_shared>>) offsets(%dma_start3A_85 : memref<128xi32, #tpu.memory_space<vmem>>) semaphore(%run_scoped3A_82 : memref<!tpu.dma_semaphore, #tpu.memory_space<semaphore_mem>>) {add = true}
        %dma_wait3A_89 = arith.constant 0 : i32
        %dma_wait3A_90 = tpu.memref_slice %arg8[%run_scoped3A, %dma_wait3A_89] : memref<40x128xi32, #tpu.memory_space<vmem>> -> memref<1x128xi32, #tpu.memory_space<vmem>>
        %dma_wait3A_91 = tpu.memref_squeeze %dma_wait3A_90 : memref<1x128xi32, #tpu.memory_space<vmem>> -> memref<128xi32, #tpu.memory_space<vmem>>
        %dma_wait3A_92 = arith.constant 0 : i32
        %dma_wait3A_93 = arith.constant 0 : i32
        %dma_wait3A_94 = tpu.memref_slice %arg11[%dma_wait3A_92, %dma_wait3A_93] : memref<10240x128xf32, #tpu.memory_space<vmem_shared>> -> memref<10240x128xf32, #tpu.memory_space<vmem_shared>>
        tpu.wait_indirect_dma semaphore(%run_scoped3A_82 : memref<!tpu.dma_semaphore, #tpu.memory_space<semaphore_mem>>) src(%arg9 : memref<128x128xf32, #tpu.memory_space<vmem>>) dst(%dma_wait3A_94 : memref<10240x128xf32, #tpu.memory_space<vmem_shared>>)
        tpu.yield
      }) : () -> ()
      %dma_wait3A_37 = arith.constant 39 : i32
      %dma_wait3A_38 = arith.constant 0 : i32
      %dma_wait3A_39 = tpu.memref_slice %arg7[%dma_wait3A_37, %dma_wait3A_38] : memref<40x128xi32, #tpu.memory_space<vmem>> -> memref<1x128xi32, #tpu.memory_space<vmem>>
      %dma_wait3A_40 = tpu.memref_squeeze %dma_wait3A_39 : memref<1x128xi32, #tpu.memory_space<vmem>> -> memref<128xi32, #tpu.memory_space<vmem>>
      %dma_wait3A_41 = arith.constant 0 : i32
      %dma_wait3A_42 = arith.constant 0 : i32
      %dma_wait3A_43 = tpu.memref_slice %arg2[%dma_wait3A_41, %dma_wait3A_42] : memref<10240x128xf32, #tpu.memory_space<hbm>> -> memref<10240x128xf32, #tpu.memory_space<hbm>>
      tpu.wait_indirect_dma semaphore(%arg13 : memref<!tpu.dma_semaphore, #tpu.memory_space<semaphore_mem>>) src(%dma_wait3A_43 : memref<10240x128xf32, #tpu.memory_space<hbm>>) dst(%arg10 : memref<128x128xf32, #tpu.memory_space<vmem>>)
      %run_scoped3A_44 = arith.constant 39 : i32
      "tpu.region"() ({
        %run_scoped3A_82 = tpu.sem_alloc : memref<!tpu.dma_semaphore, #tpu.memory_space<semaphore_mem>>
        %dma_start3A_83 = arith.constant 0 : i32
        %dma_start3A_84 = tpu.memref_slice %arg8[%run_scoped3A_44, %dma_start3A_83] : memref<40x128xi32, #tpu.memory_space<vmem>> -> memref<1x128xi32, #tpu.memory_space<vmem>>
        %dma_start3A_85 = tpu.memref_squeeze %dma_start3A_84 : memref<1x128xi32, #tpu.memory_space<vmem>> -> memref<128xi32, #tpu.memory_space<vmem>>
        %dma_start3A_86 = arith.constant 0 : i32
        %dma_start3A_87 = arith.constant 0 : i32
        %dma_start3A_88 = tpu.memref_slice %arg11[%dma_start3A_86, %dma_start3A_87] : memref<10240x128xf32, #tpu.memory_space<vmem_shared>> -> memref<10240x128xf32, #tpu.memory_space<vmem_shared>>
        tpu.enqueue_indirect_dma source(%arg10 : memref<128x128xf32, #tpu.memory_space<vmem>>) target(%dma_start3A_88 : memref<10240x128xf32, #tpu.memory_space<vmem_shared>>) offsets(%dma_start3A_85 : memref<128xi32, #tpu.memory_space<vmem>>) semaphore(%run_scoped3A_82 : memref<!tpu.dma_semaphore, #tpu.memory_space<semaphore_mem>>) {add = true}
        %dma_wait3A_89 = arith.constant 0 : i32
        %dma_wait3A_90 = tpu.memref_slice %arg8[%run_scoped3A_44, %dma_wait3A_89] : memref<40x128xi32, #tpu.memory_space<vmem>> -> memref<1x128xi32, #tpu.memory_space<vmem>>
        %dma_wait3A_91 = tpu.memref_squeeze %dma_wait3A_90 : memref<1x128xi32, #tpu.memory_space<vmem>> -> memref<128xi32, #tpu.memory_space<vmem>>
        %dma_wait3A_92 = arith.constant 0 : i32
        %dma_wait3A_93 = arith.constant 0 : i32
        %dma_wait3A_94 = tpu.memref_slice %arg11[%dma_wait3A_92, %dma_wait3A_93] : memref<10240x128xf32, #tpu.memory_space<vmem_shared>> -> memref<10240x128xf32, #tpu.memory_space<vmem_shared>>
        tpu.wait_indirect_dma semaphore(%run_scoped3A_82 : memref<!tpu.dma_semaphore, #tpu.memory_space<semaphore_mem>>) src(%arg10 : memref<128x128xf32, #tpu.memory_space<vmem>>) dst(%dma_wait3A_94 : memref<10240x128xf32, #tpu.memory_space<vmem_shared>>)
        tpu.yield
      }) : () -> ()
      %add3A_45 = arith.constant 40 : i32
      %add3A_46 = arith.addi %add3A_11, %add3A_45 : i32
      "tpu.region"() ({
        %run_scoped3A_82 = tpu.sem_alloc : memref<!tpu.dma_semaphore, #tpu.memory_space<semaphore_mem>>
        %dma_start3A_83 = arith.constant 0 : i32
        %dma_start3A_84 = tpu.memref_slice %arg3[%add3A_46, %dma_start3A_83] : memref<2560x128xi32, #tpu.memory_space<hbm>> -> memref<40x128xi32, #tpu.memory_space<hbm>>
        %dma_start3A_85 = arith.constant 0 : i32
        %dma_start3A_86 = tpu.memref_slice %arg3[%add3A_46, %dma_start3A_85] : memref<2560x128xi32, #tpu.memory_space<hbm>> -> memref<40x128xi32, #tpu.memory_space<hbm>>
        tpu.enqueue_dma source(%dma_start3A_86 : memref<40x128xi32, #tpu.memory_space<hbm>>) target(%arg7 : memref<40x128xi32, #tpu.memory_space<vmem>>) target_semaphore(%run_scoped3A_82 : memref<!tpu.dma_semaphore, #tpu.memory_space<semaphore_mem>>)
        %dma_wait3A_87 = arith.constant 0 : i32
        %dma_wait3A_88 = tpu.memref_slice %arg3[%add3A_46, %dma_wait3A_87] : memref<2560x128xi32, #tpu.memory_space<hbm>> -> memref<40x128xi32, #tpu.memory_space<hbm>>
        %dma_wait3A_89 = arith.constant 0 : i32
        %dma_wait3A_90 = tpu.memref_slice %arg3[%add3A_46, %dma_wait3A_89] : memref<2560x128xi32, #tpu.memory_space<hbm>> -> memref<40x128xi32, #tpu.memory_space<hbm>>
        tpu.wait_dma2 semaphore(%run_scoped3A_82 : memref<!tpu.dma_semaphore, #tpu.memory_space<semaphore_mem>>) src(%dma_wait3A_90 : memref<40x128xi32, #tpu.memory_space<hbm>>) dst(%arg7 : memref<40x128xi32, #tpu.memory_space<vmem>>)
        tpu.yield
      }) : () -> ()
      "tpu.region"() ({
        %run_scoped3A_82 = tpu.sem_alloc : memref<!tpu.dma_semaphore, #tpu.memory_space<semaphore_mem>>
        %dma_start3A_83 = arith.constant 0 : i32
        %dma_start3A_84 = tpu.memref_slice %arg4[%add3A_46, %dma_start3A_83] : memref<2560x128xi32, #tpu.memory_space<hbm>> -> memref<40x128xi32, #tpu.memory_space<hbm>>
        %dma_start3A_85 = arith.constant 0 : i32
        %dma_start3A_86 = tpu.memref_slice %arg4[%add3A_46, %dma_start3A_85] : memref<2560x128xi32, #tpu.memory_space<hbm>> -> memref<40x128xi32, #tpu.memory_space<hbm>>
        tpu.enqueue_dma source(%dma_start3A_86 : memref<40x128xi32, #tpu.memory_space<hbm>>) target(%arg8 : memref<40x128xi32, #tpu.memory_space<vmem>>) target_semaphore(%run_scoped3A_82 : memref<!tpu.dma_semaphore, #tpu.memory_space<semaphore_mem>>)
        %dma_wait3A_87 = arith.constant 0 : i32
        %dma_wait3A_88 = tpu.memref_slice %arg4[%add3A_46, %dma_wait3A_87] : memref<2560x128xi32, #tpu.memory_space<hbm>> -> memref<40x128xi32, #tpu.memory_space<hbm>>
        %dma_wait3A_89 = arith.constant 0 : i32
        %dma_wait3A_90 = tpu.memref_slice %arg4[%add3A_46, %dma_wait3A_89] : memref<2560x128xi32, #tpu.memory_space<hbm>> -> memref<40x128xi32, #tpu.memory_space<hbm>>
        tpu.wait_dma2 semaphore(%run_scoped3A_82 : memref<!tpu.dma_semaphore, #tpu.memory_space<semaphore_mem>>) src(%dma_wait3A_90 : memref<40x128xi32, #tpu.memory_space<hbm>>) dst(%arg8 : memref<40x128xi32, #tpu.memory_space<vmem>>)
        tpu.yield
      }) : () -> ()
      %dma_start3A_47 = arith.constant 0 : i32
      %dma_start3A_48 = arith.constant 0 : i32
      %dma_start3A_49 = tpu.memref_slice %arg7[%dma_start3A_47, %dma_start3A_48] : memref<40x128xi32, #tpu.memory_space<vmem>> -> memref<1x128xi32, #tpu.memory_space<vmem>>
      %dma_start3A_50 = tpu.memref_squeeze %dma_start3A_49 : memref<1x128xi32, #tpu.memory_space<vmem>> -> memref<128xi32, #tpu.memory_space<vmem>>
      %dma_start3A_51 = arith.constant 0 : i32
      %dma_start3A_52 = arith.constant 0 : i32
      %dma_start3A_53 = tpu.memref_slice %arg2[%dma_start3A_51, %dma_start3A_52] : memref<10240x128xf32, #tpu.memory_space<hbm>> -> memref<10240x128xf32, #tpu.memory_space<hbm>>
      tpu.enqueue_indirect_dma source(%dma_start3A_53 : memref<10240x128xf32, #tpu.memory_space<hbm>>) target(%arg9 : memref<128x128xf32, #tpu.memory_space<vmem>>) offsets(%dma_start3A_50 : memref<128xi32, #tpu.memory_space<vmem>>) semaphore(%arg12 : memref<!tpu.dma_semaphore, #tpu.memory_space<semaphore_mem>>)
      %dma_start3A_54 = arith.constant 1 : i32
      %dma_start3A_55 = arith.constant 0 : i32
      %dma_start3A_56 = tpu.memref_slice %arg7[%dma_start3A_54, %dma_start3A_55] : memref<40x128xi32, #tpu.memory_space<vmem>> -> memref<1x128xi32, #tpu.memory_space<vmem>>
      %dma_start3A_57 = tpu.memref_squeeze %dma_start3A_56 : memref<1x128xi32, #tpu.memory_space<vmem>> -> memref<128xi32, #tpu.memory_space<vmem>>
      %dma_start3A_58 = arith.constant 0 : i32
      %dma_start3A_59 = arith.constant 0 : i32
      %dma_start3A_60 = tpu.memref_slice %arg2[%dma_start3A_58, %dma_start3A_59] : memref<10240x128xf32, #tpu.memory_space<hbm>> -> memref<10240x128xf32, #tpu.memory_space<hbm>>
      tpu.enqueue_indirect_dma source(%dma_start3A_60 : memref<10240x128xf32, #tpu.memory_space<hbm>>) target(%arg10 : memref<128x128xf32, #tpu.memory_space<vmem>>) offsets(%dma_start3A_57 : memref<128xi32, #tpu.memory_space<vmem>>) semaphore(%arg13 : memref<!tpu.dma_semaphore, #tpu.memory_space<semaphore_mem>>)
      %scan3A_61 = arith.constant 0 : i32
      %scan3A_62 = arith.constant 19 : i32
      %scan3A_63 = arith.addi %scan3A_61, %scan3A_62 : i32
      %scan3A_64 = arith.constant 1 : i32
      scf.for %scan3A_82 = %scan3A_61 to %scan3A_63 step %scan3A_64  : i32 {
        %mul3A_83 = arith.constant 2 : i32
        %mul3A_84 = arith.muli %scan3A_82, %mul3A_83 : i32
        %add3A_85 = arith.constant 0 : i32
        %add3A_86 = arith.addi %add3A_85, %mul3A_84 : i32
        %dma_wait3A_87 = arith.constant 0 : i32
        %dma_wait3A_88 = tpu.memref_slice %arg7[%add3A_86, %dma_wait3A_87] : memref<40x128xi32, #tpu.memory_space<vmem>> -> memref<1x128xi32, #tpu.memory_space<vmem>>
        %dma_wait3A_89 = tpu.memref_squeeze %dma_wait3A_88 : memref<1x128xi32, #tpu.memory_space<vmem>> -> memref<128xi32, #tpu.memory_space<vmem>>
        %dma_wait3A_90 = arith.constant 0 : i32
        %dma_wait3A_91 = arith.constant 0 : i32
        %dma_wait3A_92 = tpu.memref_slice %arg2[%dma_wait3A_90, %dma_wait3A_91] : memref<10240x128xf32, #tpu.memory_space<hbm>> -> memref<10240x128xf32, #tpu.memory_space<hbm>>
        tpu.wait_indirect_dma semaphore(%arg12 : memref<!tpu.dma_semaphore, #tpu.memory_space<semaphore_mem>>) src(%dma_wait3A_92 : memref<10240x128xf32, #tpu.memory_space<hbm>>) dst(%arg9 : memref<128x128xf32, #tpu.memory_space<vmem>>)
        "tpu.region"() ({
          %run_scoped3A_119 = tpu.sem_alloc : memref<!tpu.dma_semaphore, #tpu.memory_space<semaphore_mem>>
          %dma_start3A_120 = arith.constant 0 : i32
          %dma_start3A_121 = tpu.memref_slice %arg8[%add3A_86, %dma_start3A_120] : memref<40x128xi32, #tpu.memory_space<vmem>> -> memref<1x128xi32, #tpu.memory_space<vmem>>
          %dma_start3A_122 = tpu.memref_squeeze %dma_start3A_121 : memref<1x128xi32, #tpu.memory_space<vmem>> -> memref<128xi32, #tpu.memory_space<vmem>>
          %dma_start3A_123 = arith.constant 0 : i32
          %dma_start3A_124 = arith.constant 0 : i32
          %dma_start3A_125 = tpu.memref_slice %arg11[%dma_start3A_123, %dma_start3A_124] : memref<10240x128xf32, #tpu.memory_space<vmem_shared>> -> memref<10240x128xf32, #tpu.memory_space<vmem_shared>>
          tpu.enqueue_indirect_dma source(%arg9 : memref<128x128xf32, #tpu.memory_space<vmem>>) target(%dma_start3A_125 : memref<10240x128xf32, #tpu.memory_space<vmem_shared>>) offsets(%dma_start3A_122 : memref<128xi32, #tpu.memory_space<vmem>>) semaphore(%run_scoped3A_119 : memref<!tpu.dma_semaphore, #tpu.memory_space<semaphore_mem>>) {add = true}
          %dma_wait3A_126 = arith.constant 0 : i32
          %dma_wait3A_127 = tpu.memref_slice %arg8[%add3A_86, %dma_wait3A_126] : memref<40x128xi32, #tpu.memory_space<vmem>> -> memref<1x128xi32, #tpu.memory_space<vmem>>
          %dma_wait3A_128 = tpu.memref_squeeze %dma_wait3A_127 : memref<1x128xi32, #tpu.memory_space<vmem>> -> memref<128xi32, #tpu.memory_space<vmem>>
          %dma_wait3A_129 = arith.constant 0 : i32
          %dma_wait3A_130 = arith.constant 0 : i32
          %dma_wait3A_131 = tpu.memref_slice %arg11[%dma_wait3A_129, %dma_wait3A_130] : memref<10240x128xf32, #tpu.memory_space<vmem_shared>> -> memref<10240x128xf32, #tpu.memory_space<vmem_shared>>
          tpu.wait_indirect_dma semaphore(%run_scoped3A_119 : memref<!tpu.dma_semaphore, #tpu.memory_space<semaphore_mem>>) src(%arg9 : memref<128x128xf32, #tpu.memory_space<vmem>>) dst(%dma_wait3A_131 : memref<10240x128xf32, #tpu.memory_space<vmem_shared>>)
          tpu.yield
        }) : () -> ()
        %add3A_93 = arith.constant 2 : i32
        %add3A_94 = arith.addi %add3A_86, %add3A_93 : i32
        %dma_start3A_95 = arith.constant 0 : i32
        %dma_start3A_96 = tpu.memref_slice %arg7[%add3A_94, %dma_start3A_95] : memref<40x128xi32, #tpu.memory_space<vmem>> -> memref<1x128xi32, #tpu.memory_space<vmem>>
        %dma_start3A_97 = tpu.memref_squeeze %dma_start3A_96 : memref<1x128xi32, #tpu.memory_space<vmem>> -> memref<128xi32, #tpu.memory_space<vmem>>
        %dma_start3A_98 = arith.constant 0 : i32
        %dma_start3A_99 = arith.constant 0 : i32
        %dma_start3A_100 = tpu.memref_slice %arg2[%dma_start3A_98, %dma_start3A_99] : memref<10240x128xf32, #tpu.memory_space<hbm>> -> memref<10240x128xf32, #tpu.memory_space<hbm>>
        tpu.enqueue_indirect_dma source(%dma_start3A_100 : memref<10240x128xf32, #tpu.memory_space<hbm>>) target(%arg9 : memref<128x128xf32, #tpu.memory_space<vmem>>) offsets(%dma_start3A_97 : memref<128xi32, #tpu.memory_space<vmem>>) semaphore(%arg12 : memref<!tpu.dma_semaphore, #tpu.memory_space<semaphore_mem>>)
        %add3A_101 = arith.constant 1 : i32
        %add3A_102 = arith.addi %add3A_86, %add3A_101 : i32
        %dma_wait3A_103 = arith.constant 0 : i32
        %dma_wait3A_104 = tpu.memref_slice %arg7[%add3A_102, %dma_wait3A_103] : memref<40x128xi32, #tpu.memory_space<vmem>> -> memref<1x128xi32, #tpu.memory_space<vmem>>
        %dma_wait3A_105 = tpu.memref_squeeze %dma_wait3A_104 : memref<1x128xi32, #tpu.memory_space<vmem>> -> memref<128xi32, #tpu.memory_space<vmem>>
        %dma_wait3A_106 = arith.constant 0 : i32
        %dma_wait3A_107 = arith.constant 0 : i32
        %dma_wait3A_108 = tpu.memref_slice %arg2[%dma_wait3A_106, %dma_wait3A_107] : memref<10240x128xf32, #tpu.memory_space<hbm>> -> memref<10240x128xf32, #tpu.memory_space<hbm>>
        tpu.wait_indirect_dma semaphore(%arg13 : memref<!tpu.dma_semaphore, #tpu.memory_space<semaphore_mem>>) src(%dma_wait3A_108 : memref<10240x128xf32, #tpu.memory_space<hbm>>) dst(%arg10 : memref<128x128xf32, #tpu.memory_space<vmem>>)
        %add3A_109 = arith.constant 1 : i32
        %add3A_110 = arith.addi %add3A_86, %add3A_109 : i32
        "tpu.region"() ({
          %run_scoped3A_119 = tpu.sem_alloc : memref<!tpu.dma_semaphore, #tpu.memory_space<semaphore_mem>>
          %dma_start3A_120 = arith.constant 0 : i32
          %dma_start3A_121 = tpu.memref_slice %arg8[%add3A_110, %dma_start3A_120] : memref<40x128xi32, #tpu.memory_space<vmem>> -> memref<1x128xi32, #tpu.memory_space<vmem>>
          %dma_start3A_122 = tpu.memref_squeeze %dma_start3A_121 : memref<1x128xi32, #tpu.memory_space<vmem>> -> memref<128xi32, #tpu.memory_space<vmem>>
          %dma_start3A_123 = arith.constant 0 : i32
          %dma_start3A_124 = arith.constant 0 : i32
          %dma_start3A_125 = tpu.memref_slice %arg11[%dma_start3A_123, %dma_start3A_124] : memref<10240x128xf32, #tpu.memory_space<vmem_shared>> -> memref<10240x128xf32, #tpu.memory_space<vmem_shared>>
          tpu.enqueue_indirect_dma source(%arg10 : memref<128x128xf32, #tpu.memory_space<vmem>>) target(%dma_start3A_125 : memref<10240x128xf32, #tpu.memory_space<vmem_shared>>) offsets(%dma_start3A_122 : memref<128xi32, #tpu.memory_space<vmem>>) semaphore(%run_scoped3A_119 : memref<!tpu.dma_semaphore, #tpu.memory_space<semaphore_mem>>) {add = true}
          %dma_wait3A_126 = arith.constant 0 : i32
          %dma_wait3A_127 = tpu.memref_slice %arg8[%add3A_110, %dma_wait3A_126] : memref<40x128xi32, #tpu.memory_space<vmem>> -> memref<1x128xi32, #tpu.memory_space<vmem>>
          %dma_wait3A_128 = tpu.memref_squeeze %dma_wait3A_127 : memref<1x128xi32, #tpu.memory_space<vmem>> -> memref<128xi32, #tpu.memory_space<vmem>>
          %dma_wait3A_129 = arith.constant 0 : i32
          %dma_wait3A_130 = arith.constant 0 : i32
          %dma_wait3A_131 = tpu.memref_slice %arg11[%dma_wait3A_129, %dma_wait3A_130] : memref<10240x128xf32, #tpu.memory_space<vmem_shared>> -> memref<10240x128xf32, #tpu.memory_space<vmem_shared>>
          tpu.wait_indirect_dma semaphore(%run_scoped3A_119 : memref<!tpu.dma_semaphore, #tpu.memory_space<semaphore_mem>>) src(%arg10 : memref<128x128xf32, #tpu.memory_space<vmem>>) dst(%dma_wait3A_131 : memref<10240x128xf32, #tpu.memory_space<vmem_shared>>)
          tpu.yield
        }) : () -> ()
        %add3A_111 = arith.constant 3 : i32
        %add3A_112 = arith.addi %add3A_86, %add3A_111 : i32
        %dma_start3A_113 = arith.constant 0 : i32
        %dma_start3A_114 = tpu.memref_slice %arg7[%add3A_112, %dma_start3A_113] : memref<40x128xi32, #tpu.memory_space<vmem>> -> memref<1x128xi32, #tpu.memory_space<vmem>>
        %dma_start3A_115 = tpu.memref_squeeze %dma_start3A_114 : memref<1x128xi32, #tpu.memory_space<vmem>> -> memref<128xi32, #tpu.memory_space<vmem>>
        %dma_start3A_116 = arith.constant 0 : i32
        %dma_start3A_117 = arith.constant 0 : i32
        %dma_start3A_118 = tpu.memref_slice %arg2[%dma_start3A_116, %dma_start3A_117] : memref<10240x128xf32, #tpu.memory_space<hbm>> -> memref<10240x128xf32, #tpu.memory_space<hbm>>
        tpu.enqueue_indirect_dma source(%dma_start3A_118 : memref<10240x128xf32, #tpu.memory_space<hbm>>) target(%arg10 : memref<128x128xf32, #tpu.memory_space<vmem>>) offsets(%dma_start3A_115 : memref<128xi32, #tpu.memory_space<vmem>>) semaphore(%arg13 : memref<!tpu.dma_semaphore, #tpu.memory_space<semaphore_mem>>)
      }
      %scan3A_65 = arith.constant 19 : i32
      %dma_wait3A_66 = arith.constant 38 : i32
      %dma_wait3A_67 = arith.constant 0 : i32
      %dma_wait3A_68 = tpu.memref_slice %arg7[%dma_wait3A_66, %dma_wait3A_67] : memref<40x128xi32, #tpu.memory_space<vmem>> -> memref<1x128xi32, #tpu.memory_space<vmem>>
      %dma_wait3A_69 = tpu.memref_squeeze %dma_wait3A_68 : memref<1x128xi32, #tpu.memory_space<vmem>> -> memref<128xi32, #tpu.memory_space<vmem>>
      %dma_wait3A_70 = arith.constant 0 : i32
      %dma_wait3A_71 = arith.constant 0 : i32
      %dma_wait3A_72 = tpu.memref_slice %arg2[%dma_wait3A_70, %dma_wait3A_71] : memref<10240x128xf32, #tpu.memory_space<hbm>> -> memref<10240x128xf32, #tpu.memory_space<hbm>>
      tpu.wait_indirect_dma semaphore(%arg12 : memref<!tpu.dma_semaphore, #tpu.memory_space<semaphore_mem>>) src(%dma_wait3A_72 : memref<10240x128xf32, #tpu.memory_space<hbm>>) dst(%arg9 : memref<128x128xf32, #tpu.memory_space<vmem>>)
      %run_scoped3A_73 = arith.constant 38 : i32
      "tpu.region"() ({
        %run_scoped3A_82 = tpu.sem_alloc : memref<!tpu.dma_semaphore, #tpu.memory_space<semaphore_mem>>
        %dma_start3A_83 = arith.constant 0 : i32
        %dma_start3A_84 = tpu.memref_slice %arg8[%run_scoped3A_73, %dma_start3A_83] : memref<40x128xi32, #tpu.memory_space<vmem>> -> memref<1x128xi32, #tpu.memory_space<vmem>>
        %dma_start3A_85 = tpu.memref_squeeze %dma_start3A_84 : memref<1x128xi32, #tpu.memory_space<vmem>> -> memref<128xi32, #tpu.memory_space<vmem>>
        %dma_start3A_86 = arith.constant 0 : i32
        %dma_start3A_87 = arith.constant 0 : i32
        %dma_start3A_88 = tpu.memref_slice %arg11[%dma_start3A_86, %dma_start3A_87] : memref<10240x128xf32, #tpu.memory_space<vmem_shared>> -> memref<10240x128xf32, #tpu.memory_space<vmem_shared>>
        tpu.enqueue_indirect_dma source(%arg9 : memref<128x128xf32, #tpu.memory_space<vmem>>) target(%dma_start3A_88 : memref<10240x128xf32, #tpu.memory_space<vmem_shared>>) offsets(%dma_start3A_85 : memref<128xi32, #tpu.memory_space<vmem>>) semaphore(%run_scoped3A_82 : memref<!tpu.dma_semaphore, #tpu.memory_space<semaphore_mem>>) {add = true}
        %dma_wait3A_89 = arith.constant 0 : i32
        %dma_wait3A_90 = tpu.memref_slice %arg8[%run_scoped3A_73, %dma_wait3A_89] : memref<40x128xi32, #tpu.memory_space<vmem>> -> memref<1x128xi32, #tpu.memory_space<vmem>>
        %dma_wait3A_91 = tpu.memref_squeeze %dma_wait3A_90 : memref<1x128xi32, #tpu.memory_space<vmem>> -> memref<128xi32, #tpu.memory_space<vmem>>
        %dma_wait3A_92 = arith.constant 0 : i32
        %dma_wait3A_93 = arith.constant 0 : i32
        %dma_wait3A_94 = tpu.memref_slice %arg11[%dma_wait3A_92, %dma_wait3A_93] : memref<10240x128xf32, #tpu.memory_space<vmem_shared>> -> memref<10240x128xf32, #tpu.memory_space<vmem_shared>>
        tpu.wait_indirect_dma semaphore(%run_scoped3A_82 : memref<!tpu.dma_semaphore, #tpu.memory_space<semaphore_mem>>) src(%arg9 : memref<128x128xf32, #tpu.memory_space<vmem>>) dst(%dma_wait3A_94 : memref<10240x128xf32, #tpu.memory_space<vmem_shared>>)
        tpu.yield
      }) : () -> ()
      %dma_wait3A_74 = arith.constant 39 : i32
      %dma_wait3A_75 = arith.constant 0 : i32
      %dma_wait3A_76 = tpu.memref_slice %arg7[%dma_wait3A_74, %dma_wait3A_75] : memref<40x128xi32, #tpu.memory_space<vmem>> -> memref<1x128xi32, #tpu.memory_space<vmem>>
      %dma_wait3A_77 = tpu.memref_squeeze %dma_wait3A_76 : memref<1x128xi32, #tpu.memory_space<vmem>> -> memref<128xi32, #tpu.memory_space<vmem>>
      %dma_wait3A_78 = arith.constant 0 : i32
      %dma_wait3A_79 = arith.constant 0 : i32
      %dma_wait3A_80 = tpu.memref_slice %arg2[%dma_wait3A_78, %dma_wait3A_79] : memref<10240x128xf32, #tpu.memory_space<hbm>> -> memref<10240x128xf32, #tpu.memory_space<hbm>>
      tpu.wait_indirect_dma semaphore(%arg13 : memref<!tpu.dma_semaphore, #tpu.memory_space<semaphore_mem>>) src(%dma_wait3A_80 : memref<10240x128xf32, #tpu.memory_space<hbm>>) dst(%arg10 : memref<128x128xf32, #tpu.memory_space<vmem>>)
      %run_scoped3A_81 = arith.constant 39 : i32
      "tpu.region"() ({
        %run_scoped3A_82 = tpu.sem_alloc : memref<!tpu.dma_semaphore, #tpu.memory_space<semaphore_mem>>
        %dma_start3A_83 = arith.constant 0 : i32
        %dma_start3A_84 = tpu.memref_slice %arg8[%run_scoped3A_81, %dma_start3A_83] : memref<40x128xi32, #tpu.memory_space<vmem>> -> memref<1x128xi32, #tpu.memory_space<vmem>>
        %dma_start3A_85 = tpu.memref_squeeze %dma_start3A_84 : memref<1x128xi32, #tpu.memory_space<vmem>> -> memref<128xi32, #tpu.memory_space<vmem>>
        %dma_start3A_86 = arith.constant 0 : i32
        %dma_start3A_87 = arith.constant 0 : i32
        %dma_start3A_88 = tpu.memref_slice %arg11[%dma_start3A_86, %dma_start3A_87] : memref<10240x128xf32, #tpu.memory_space<vmem_shared>> -> memref<10240x128xf32, #tpu.memory_space<vmem_shared>>
        tpu.enqueue_indirect_dma source(%arg10 : memref<128x128xf32, #tpu.memory_space<vmem>>) target(%dma_start3A_88 : memref<10240x128xf32, #tpu.memory_space<vmem_shared>>) offsets(%dma_start3A_85 : memref<128xi32, #tpu.memory_space<vmem>>) semaphore(%run_scoped3A_82 : memref<!tpu.dma_semaphore, #tpu.memory_space<semaphore_mem>>) {add = true}
        %dma_wait3A_89 = arith.constant 0 : i32
        %dma_wait3A_90 = tpu.memref_slice %arg8[%run_scoped3A_81, %dma_wait3A_89] : memref<40x128xi32, #tpu.memory_space<vmem>> -> memref<1x128xi32, #tpu.memory_space<vmem>>
        %dma_wait3A_91 = tpu.memref_squeeze %dma_wait3A_90 : memref<1x128xi32, #tpu.memory_space<vmem>> -> memref<128xi32, #tpu.memory_space<vmem>>
        %dma_wait3A_92 = arith.constant 0 : i32
        %dma_wait3A_93 = arith.constant 0 : i32
        %dma_wait3A_94 = tpu.memref_slice %arg11[%dma_wait3A_92, %dma_wait3A_93] : memref<10240x128xf32, #tpu.memory_space<vmem_shared>> -> memref<10240x128xf32, #tpu.memory_space<vmem_shared>>
        tpu.wait_indirect_dma semaphore(%run_scoped3A_82 : memref<!tpu.dma_semaphore, #tpu.memory_space<semaphore_mem>>) src(%arg10 : memref<128x128xf32, #tpu.memory_space<vmem>>) dst(%dma_wait3A_94 : memref<10240x128xf32, #tpu.memory_space<vmem_shared>>)
        tpu.yield
      }) : () -> ()
    } else {
    }
    %barrier3A_8 = arith.constant 0 : index
    tpu.barrier barrier_id(%barrier3A_8)
    "tpu.region"() ({
      %run_scoped3A = tpu.sem_alloc : memref<!tpu.dma_semaphore, #tpu.memory_space<semaphore_mem>>
      %dma_start3A = arith.constant 0 : i32
      %dma_start3A_9 = arith.constant 0 : i32
      %dma_start3A_10 = tpu.memref_slice %arg6[%arg0, %dma_start3A, %dma_start3A_9] : memref<2x10240x128xf32, #tpu.memory_space<hbm>> -> memref<1x10240x128xf32, #tpu.memory_space<hbm>>
      %dma_start3A_11 = tpu.memref_squeeze %dma_start3A_10 : memref<1x10240x128xf32, #tpu.memory_space<hbm>> -> memref<10240x128xf32, #tpu.memory_space<hbm>>
      %dma_start3A_12 = arith.constant 0 : i32
      %dma_start3A_13 = tpu.memref_slice %dma_start3A_11[%mul3A_0, %dma_start3A_12] : memref<10240x128xf32, #tpu.memory_space<hbm>> -> memref<640x128xf32, #tpu.memory_space<hbm>>
      %dma_start3A_14 = arith.constant 0 : i32
      %dma_start3A_15 = tpu.memref_slice %arg11[%mul3A_0, %dma_start3A_14] : memref<10240x128xf32, #tpu.memory_space<vmem_shared>> -> memref<640x128xf32, #tpu.memory_space<vmem_shared>>
      tpu.enqueue_dma source(%dma_start3A_15 : memref<640x128xf32, #tpu.memory_space<vmem_shared>>) target(%dma_start3A_13 : memref<640x128xf32, #tpu.memory_space<hbm>>) target_semaphore(%run_scoped3A : memref<!tpu.dma_semaphore, #tpu.memory_space<semaphore_mem>>)
      %dma_wait3A = arith.constant 0 : i32
      %dma_wait3A_16 = arith.constant 0 : i32
      %dma_wait3A_17 = tpu.memref_slice %arg6[%arg0, %dma_wait3A, %dma_wait3A_16] : memref<2x10240x128xf32, #tpu.memory_space<hbm>> -> memref<1x10240x128xf32, #tpu.memory_space<hbm>>
      %dma_wait3A_18 = tpu.memref_squeeze %dma_wait3A_17 : memref<1x10240x128xf32, #tpu.memory_space<hbm>> -> memref<10240x128xf32, #tpu.memory_space<hbm>>
      %dma_wait3A_19 = arith.constant 0 : i32
      %dma_wait3A_20 = tpu.memref_slice %dma_wait3A_18[%mul3A_0, %dma_wait3A_19] : memref<10240x128xf32, #tpu.memory_space<hbm>> -> memref<640x128xf32, #tpu.memory_space<hbm>>
      %dma_wait3A_21 = arith.constant 0 : i32
      %dma_wait3A_22 = tpu.memref_slice %arg11[%mul3A_0, %dma_wait3A_21] : memref<10240x128xf32, #tpu.memory_space<vmem_shared>> -> memref<640x128xf32, #tpu.memory_space<vmem_shared>>
      tpu.wait_dma2 semaphore(%run_scoped3A : memref<!tpu.dma_semaphore, #tpu.memory_space<semaphore_mem>>) src(%dma_wait3A_22 : memref<640x128xf32, #tpu.memory_space<vmem_shared>>) dst(%dma_wait3A_20 : memref<640x128xf32, #tpu.memory_space<hbm>>)
      tpu.yield
    }) : () -> ()
    return
  }
}

#map = affine_map<(d0, d1) -> (0, 0)>
#map1 = affine_map<(d0, d1) -> (0, 0, 0)>
module attributes {stable_mosaic.version = 14 : i64} {
  func.func @_sc_scatter(%arg0: i32, %arg1: i32, %arg2: memref<10240x128xf32, #tpu.memory_space<hbm>>, %arg3: memref<2560x128xi32, #tpu.memory_space<hbm>>, %arg4: memref<2560x128xi32, #tpu.memory_space<hbm>>, %arg5: memref<640x128xf32, #tpu.memory_space<hbm>>, %arg6: memref<2x10240x128xf32, #tpu.memory_space<hbm>>, %arg7: memref<40x128xi32, #tpu.memory_space<vmem>>, %arg8: memref<40x128xi32, #tpu.memory_space<vmem>>, %arg9: memref<128x128xf32, #tpu.memory_space<vmem>>, %arg10: memref<128x128xf32, #tpu.memory_space<vmem>>, %arg11: memref<10240x128xf32, #tpu.memory_space<vmem_shared>>, %arg12: memref<!tpu.dma_semaphore, #tpu.memory_space<semaphore_mem>>, %arg13: memref<!tpu.dma_semaphore, #tpu.memory_space<semaphore_mem>>) attributes {dimension_semantics = [#tpu.dimension_semantics<core_parallel>, #tpu.dimension_semantics<subcore_parallel>], iteration_bounds = array<i64: 2, 16>, scalar_prefetch = 0 : i64, scratch_operands = 7 : i64, tpu.core_type = #tpu.core_type<sc_vector_subcore>, window_params = [{transform_indices = #map}, {transform_indices = #map}, {transform_indices = #map}, {transform_indices = #map}, {transform_indices = #map1}]} {
    %mul3A = arith.constant 640 : i32
    %mul3A_0 = arith.muli %arg1, %mul3A : i32
    "tpu.region"() ({
      %run_scoped3A = tpu.sem_alloc : memref<!tpu.dma_semaphore, #tpu.memory_space<semaphore_mem>>
      %dma_start3A = arith.constant 0 : i32
      %dma_start3A_9 = tpu.memref_slice %arg11[%mul3A_0, %dma_start3A] : memref<10240x128xf32, #tpu.memory_space<vmem_shared>> -> memref<640x128xf32, #tpu.memory_space<vmem_shared>>
      tpu.enqueue_dma source(%arg5 : memref<640x128xf32, #tpu.memory_space<hbm>>) target(%dma_start3A_9 : memref<640x128xf32, #tpu.memory_space<vmem_shared>>) target_semaphore(%run_scoped3A : memref<!tpu.dma_semaphore, #tpu.memory_space<semaphore_mem>>)
      %dma_wait3A = arith.constant 0 : i32
      %dma_wait3A_10 = tpu.memref_slice %arg11[%mul3A_0, %dma_wait3A] : memref<10240x128xf32, #tpu.memory_space<vmem_shared>> -> memref<640x128xf32, #tpu.memory_space<vmem_shared>>
      tpu.wait_dma2 semaphore(%run_scoped3A : memref<!tpu.dma_semaphore, #tpu.memory_space<semaphore_mem>>) src(%arg5 : memref<640x128xf32, #tpu.memory_space<hbm>>) dst(%dma_wait3A_10 : memref<640x128xf32, #tpu.memory_space<vmem_shared>>)
      tpu.yield
    }) : () -> ()
    %barrier3A = arith.constant 0 : index
    tpu.barrier barrier_id(%barrier3A)
    %eq3A = arith.constant 0 : i32
    %eq3A_1 = arith.cmpi eq, %arg0, %eq3A : i32
    %convert_element_type3A = arith.extui %eq3A_1 : i1 to i32
    %cond3A = arith.constant 0 : i32
    %cond3A_2 = arith.cmpi ne, %convert_element_type3A, %cond3A : i32
    scf.if %cond3A_2 {
      %mul3A_9 = arith.constant 80 : i32
      %mul3A_10 = arith.muli %arg1, %mul3A_9 : i32
      %add3A = arith.constant 0 : i32
      %add3A_11 = arith.addi %mul3A_10, %add3A : i32
      "tpu.region"() ({
        %run_scoped3A_80 = tpu.sem_alloc : memref<!tpu.dma_semaphore, #tpu.memory_space<semaphore_mem>>
        %dma_start3A_81 = arith.constant 0 : i32
        %dma_start3A_82 = tpu.memref_slice %arg3[%add3A_11, %dma_start3A_81] : memref<2560x128xi32, #tpu.memory_space<hbm>> -> memref<40x128xi32, #tpu.memory_space<hbm>>
        %dma_start3A_83 = arith.constant 0 : i32
        %dma_start3A_84 = tpu.memref_slice %arg3[%add3A_11, %dma_start3A_83] : memref<2560x128xi32, #tpu.memory_space<hbm>> -> memref<40x128xi32, #tpu.memory_space<hbm>>
        tpu.enqueue_dma source(%dma_start3A_84 : memref<40x128xi32, #tpu.memory_space<hbm>>) target(%arg7 : memref<40x128xi32, #tpu.memory_space<vmem>>) target_semaphore(%run_scoped3A_80 : memref<!tpu.dma_semaphore, #tpu.memory_space<semaphore_mem>>)
        %dma_wait3A_85 = arith.constant 0 : i32
        %dma_wait3A_86 = tpu.memref_slice %arg3[%add3A_11, %dma_wait3A_85] : memref<2560x128xi32, #tpu.memory_space<hbm>> -> memref<40x128xi32, #tpu.memory_space<hbm>>
        %dma_wait3A_87 = arith.constant 0 : i32
        %dma_wait3A_88 = tpu.memref_slice %arg3[%add3A_11, %dma_wait3A_87] : memref<2560x128xi32, #tpu.memory_space<hbm>> -> memref<40x128xi32, #tpu.memory_space<hbm>>
        tpu.wait_dma2 semaphore(%run_scoped3A_80 : memref<!tpu.dma_semaphore, #tpu.memory_space<semaphore_mem>>) src(%dma_wait3A_88 : memref<40x128xi32, #tpu.memory_space<hbm>>) dst(%arg7 : memref<40x128xi32, #tpu.memory_space<vmem>>)
        tpu.yield
      }) : () -> ()
      "tpu.region"() ({
        %run_scoped3A_80 = tpu.sem_alloc : memref<!tpu.dma_semaphore, #tpu.memory_space<semaphore_mem>>
        %dma_start3A_81 = arith.constant 0 : i32
        %dma_start3A_82 = tpu.memref_slice %arg4[%add3A_11, %dma_start3A_81] : memref<2560x128xi32, #tpu.memory_space<hbm>> -> memref<40x128xi32, #tpu.memory_space<hbm>>
        %dma_start3A_83 = arith.constant 0 : i32
        %dma_start3A_84 = tpu.memref_slice %arg4[%add3A_11, %dma_start3A_83] : memref<2560x128xi32, #tpu.memory_space<hbm>> -> memref<40x128xi32, #tpu.memory_space<hbm>>
        tpu.enqueue_dma source(%dma_start3A_84 : memref<40x128xi32, #tpu.memory_space<hbm>>) target(%arg8 : memref<40x128xi32, #tpu.memory_space<vmem>>) target_semaphore(%run_scoped3A_80 : memref<!tpu.dma_semaphore, #tpu.memory_space<semaphore_mem>>)
        %dma_wait3A_85 = arith.constant 0 : i32
        %dma_wait3A_86 = tpu.memref_slice %arg4[%add3A_11, %dma_wait3A_85] : memref<2560x128xi32, #tpu.memory_space<hbm>> -> memref<40x128xi32, #tpu.memory_space<hbm>>
        %dma_wait3A_87 = arith.constant 0 : i32
        %dma_wait3A_88 = tpu.memref_slice %arg4[%add3A_11, %dma_wait3A_87] : memref<2560x128xi32, #tpu.memory_space<hbm>> -> memref<40x128xi32, #tpu.memory_space<hbm>>
        tpu.wait_dma2 semaphore(%run_scoped3A_80 : memref<!tpu.dma_semaphore, #tpu.memory_space<semaphore_mem>>) src(%dma_wait3A_88 : memref<40x128xi32, #tpu.memory_space<hbm>>) dst(%arg8 : memref<40x128xi32, #tpu.memory_space<vmem>>)
        tpu.yield
      }) : () -> ()
      %dma_start3A = arith.constant 0 : i32
      %dma_start3A_12 = arith.constant 0 : i32
      %dma_start3A_13 = tpu.memref_slice %arg7[%dma_start3A, %dma_start3A_12] : memref<40x128xi32, #tpu.memory_space<vmem>> -> memref<1x128xi32, #tpu.memory_space<vmem>>
      %dma_start3A_14 = tpu.memref_squeeze %dma_start3A_13 : memref<1x128xi32, #tpu.memory_space<vmem>> -> memref<128xi32, #tpu.memory_space<vmem>>
      %dma_start3A_15 = arith.constant 0 : i32
      %dma_start3A_16 = arith.constant 0 : i32
      %dma_start3A_17 = tpu.memref_slice %arg2[%dma_start3A_15, %dma_start3A_16] : memref<10240x128xf32, #tpu.memory_space<hbm>> -> memref<10240x128xf32, #tpu.memory_space<hbm>>
      tpu.enqueue_indirect_dma source(%dma_start3A_17 : memref<10240x128xf32, #tpu.memory_space<hbm>>) target(%arg9 : memref<128x128xf32, #tpu.memory_space<vmem>>) offsets(%dma_start3A_14 : memref<128xi32, #tpu.memory_space<vmem>>) semaphore(%arg12 : memref<!tpu.dma_semaphore, #tpu.memory_space<semaphore_mem>>)
      %dma_start3A_18 = arith.constant 1 : i32
      %dma_start3A_19 = arith.constant 0 : i32
      %dma_start3A_20 = tpu.memref_slice %arg7[%dma_start3A_18, %dma_start3A_19] : memref<40x128xi32, #tpu.memory_space<vmem>> -> memref<1x128xi32, #tpu.memory_space<vmem>>
      %dma_start3A_21 = tpu.memref_squeeze %dma_start3A_20 : memref<1x128xi32, #tpu.memory_space<vmem>> -> memref<128xi32, #tpu.memory_space<vmem>>
      %dma_start3A_22 = arith.constant 0 : i32
      %dma_start3A_23 = arith.constant 0 : i32
      %dma_start3A_24 = tpu.memref_slice %arg2[%dma_start3A_22, %dma_start3A_23] : memref<10240x128xf32, #tpu.memory_space<hbm>> -> memref<10240x128xf32, #tpu.memory_space<hbm>>
      tpu.enqueue_indirect_dma source(%dma_start3A_24 : memref<10240x128xf32, #tpu.memory_space<hbm>>) target(%arg10 : memref<128x128xf32, #tpu.memory_space<vmem>>) offsets(%dma_start3A_21 : memref<128xi32, #tpu.memory_space<vmem>>) semaphore(%arg13 : memref<!tpu.dma_semaphore, #tpu.memory_space<semaphore_mem>>)
      %scan3A = arith.constant 0 : i32
      %scan3A_25 = arith.constant 19 : i32
      %scan3A_26 = arith.addi %scan3A, %scan3A_25 : i32
      %scan3A_27 = arith.constant 1 : i32
      scf.for %scan3A_80 = %scan3A to %scan3A_26 step %scan3A_27  : i32 {
        %mul3A_81 = arith.constant 2 : i32
        %mul3A_82 = arith.muli %scan3A_80, %mul3A_81 : i32
        %add3A_83 = arith.constant 0 : i32
        %add3A_84 = arith.addi %add3A_83, %mul3A_82 : i32
        %dma_wait3A_85 = arith.constant 0 : i32
        %dma_wait3A_86 = tpu.memref_slice %arg7[%add3A_84, %dma_wait3A_85] : memref<40x128xi32, #tpu.memory_space<vmem>> -> memref<1x128xi32, #tpu.memory_space<vmem>>
        %dma_wait3A_87 = tpu.memref_squeeze %dma_wait3A_86 : memref<1x128xi32, #tpu.memory_space<vmem>> -> memref<128xi32, #tpu.memory_space<vmem>>
        %dma_wait3A_88 = arith.constant 0 : i32
        %dma_wait3A_89 = arith.constant 0 : i32
        %dma_wait3A_90 = tpu.memref_slice %arg2[%dma_wait3A_88, %dma_wait3A_89] : memref<10240x128xf32, #tpu.memory_space<hbm>> -> memref<10240x128xf32, #tpu.memory_space<hbm>>
        tpu.wait_indirect_dma semaphore(%arg12 : memref<!tpu.dma_semaphore, #tpu.memory_space<semaphore_mem>>) src(%dma_wait3A_90 : memref<10240x128xf32, #tpu.memory_space<hbm>>) dst(%arg9 : memref<128x128xf32, #tpu.memory_space<vmem>>)
        "tpu.region"() ({
          %run_scoped3A_117 = tpu.sem_alloc : memref<!tpu.dma_semaphore, #tpu.memory_space<semaphore_mem>>
          %dma_start3A_118 = arith.constant 0 : i32
          %dma_start3A_119 = tpu.memref_slice %arg8[%add3A_84, %dma_start3A_118] : memref<40x128xi32, #tpu.memory_space<vmem>> -> memref<1x128xi32, #tpu.memory_space<vmem>>
          %dma_start3A_120 = tpu.memref_squeeze %dma_start3A_119 : memref<1x128xi32, #tpu.memory_space<vmem>> -> memref<128xi32, #tpu.memory_space<vmem>>
          %dma_start3A_121 = arith.constant 0 : i32
          %dma_start3A_122 = arith.constant 0 : i32
          %dma_start3A_123 = tpu.memref_slice %arg11[%dma_start3A_121, %dma_start3A_122] : memref<10240x128xf32, #tpu.memory_space<vmem_shared>> -> memref<10240x128xf32, #tpu.memory_space<vmem_shared>>
          tpu.enqueue_indirect_dma source(%arg9 : memref<128x128xf32, #tpu.memory_space<vmem>>) target(%dma_start3A_123 : memref<10240x128xf32, #tpu.memory_space<vmem_shared>>) offsets(%dma_start3A_120 : memref<128xi32, #tpu.memory_space<vmem>>) semaphore(%run_scoped3A_117 : memref<!tpu.dma_semaphore, #tpu.memory_space<semaphore_mem>>) {add = true}
          %dma_wait3A_124 = arith.constant 0 : i32
          %dma_wait3A_125 = tpu.memref_slice %arg8[%add3A_84, %dma_wait3A_124] : memref<40x128xi32, #tpu.memory_space<vmem>> -> memref<1x128xi32, #tpu.memory_space<vmem>>
          %dma_wait3A_126 = tpu.memref_squeeze %dma_wait3A_125 : memref<1x128xi32, #tpu.memory_space<vmem>> -> memref<128xi32, #tpu.memory_space<vmem>>
          %dma_wait3A_127 = arith.constant 0 : i32
          %dma_wait3A_128 = arith.constant 0 : i32
          %dma_wait3A_129 = tpu.memref_slice %arg11[%dma_wait3A_127, %dma_wait3A_128] : memref<10240x128xf32, #tpu.memory_space<vmem_shared>> -> memref<10240x128xf32, #tpu.memory_space<vmem_shared>>
          tpu.wait_indirect_dma semaphore(%run_scoped3A_117 : memref<!tpu.dma_semaphore, #tpu.memory_space<semaphore_mem>>) src(%arg9 : memref<128x128xf32, #tpu.memory_space<vmem>>) dst(%dma_wait3A_129 : memref<10240x128xf32, #tpu.memory_space<vmem_shared>>)
          tpu.yield
        }) : () -> ()
        %add3A_91 = arith.constant 2 : i32
        %add3A_92 = arith.addi %add3A_84, %add3A_91 : i32
        %dma_start3A_93 = arith.constant 0 : i32
        %dma_start3A_94 = tpu.memref_slice %arg7[%add3A_92, %dma_start3A_93] : memref<40x128xi32, #tpu.memory_space<vmem>> -> memref<1x128xi32, #tpu.memory_space<vmem>>
        %dma_start3A_95 = tpu.memref_squeeze %dma_start3A_94 : memref<1x128xi32, #tpu.memory_space<vmem>> -> memref<128xi32, #tpu.memory_space<vmem>>
        %dma_start3A_96 = arith.constant 0 : i32
        %dma_start3A_97 = arith.constant 0 : i32
        %dma_start3A_98 = tpu.memref_slice %arg2[%dma_start3A_96, %dma_start3A_97] : memref<10240x128xf32, #tpu.memory_space<hbm>> -> memref<10240x128xf32, #tpu.memory_space<hbm>>
        tpu.enqueue_indirect_dma source(%dma_start3A_98 : memref<10240x128xf32, #tpu.memory_space<hbm>>) target(%arg9 : memref<128x128xf32, #tpu.memory_space<vmem>>) offsets(%dma_start3A_95 : memref<128xi32, #tpu.memory_space<vmem>>) semaphore(%arg12 : memref<!tpu.dma_semaphore, #tpu.memory_space<semaphore_mem>>)
        %add3A_99 = arith.constant 1 : i32
        %add3A_100 = arith.addi %add3A_84, %add3A_99 : i32
        %dma_wait3A_101 = arith.constant 0 : i32
        %dma_wait3A_102 = tpu.memref_slice %arg7[%add3A_100, %dma_wait3A_101] : memref<40x128xi32, #tpu.memory_space<vmem>> -> memref<1x128xi32, #tpu.memory_space<vmem>>
        %dma_wait3A_103 = tpu.memref_squeeze %dma_wait3A_102 : memref<1x128xi32, #tpu.memory_space<vmem>> -> memref<128xi32, #tpu.memory_space<vmem>>
        %dma_wait3A_104 = arith.constant 0 : i32
        %dma_wait3A_105 = arith.constant 0 : i32
        %dma_wait3A_106 = tpu.memref_slice %arg2[%dma_wait3A_104, %dma_wait3A_105] : memref<10240x128xf32, #tpu.memory_space<hbm>> -> memref<10240x128xf32, #tpu.memory_space<hbm>>
        tpu.wait_indirect_dma semaphore(%arg13 : memref<!tpu.dma_semaphore, #tpu.memory_space<semaphore_mem>>) src(%dma_wait3A_106 : memref<10240x128xf32, #tpu.memory_space<hbm>>) dst(%arg10 : memref<128x128xf32, #tpu.memory_space<vmem>>)
        %add3A_107 = arith.constant 1 : i32
        %add3A_108 = arith.addi %add3A_84, %add3A_107 : i32
        "tpu.region"() ({
          %run_scoped3A_117 = tpu.sem_alloc : memref<!tpu.dma_semaphore, #tpu.memory_space<semaphore_mem>>
          %dma_start3A_118 = arith.constant 0 : i32
          %dma_start3A_119 = tpu.memref_slice %arg8[%add3A_108, %dma_start3A_118] : memref<40x128xi32, #tpu.memory_space<vmem>> -> memref<1x128xi32, #tpu.memory_space<vmem>>
          %dma_start3A_120 = tpu.memref_squeeze %dma_start3A_119 : memref<1x128xi32, #tpu.memory_space<vmem>> -> memref<128xi32, #tpu.memory_space<vmem>>
          %dma_start3A_121 = arith.constant 0 : i32
          %dma_start3A_122 = arith.constant 0 : i32
          %dma_start3A_123 = tpu.memref_slice %arg11[%dma_start3A_121, %dma_start3A_122] : memref<10240x128xf32, #tpu.memory_space<vmem_shared>> -> memref<10240x128xf32, #tpu.memory_space<vmem_shared>>
          tpu.enqueue_indirect_dma source(%arg10 : memref<128x128xf32, #tpu.memory_space<vmem>>) target(%dma_start3A_123 : memref<10240x128xf32, #tpu.memory_space<vmem_shared>>) offsets(%dma_start3A_120 : memref<128xi32, #tpu.memory_space<vmem>>) semaphore(%run_scoped3A_117 : memref<!tpu.dma_semaphore, #tpu.memory_space<semaphore_mem>>) {add = true}
          %dma_wait3A_124 = arith.constant 0 : i32
          %dma_wait3A_125 = tpu.memref_slice %arg8[%add3A_108, %dma_wait3A_124] : memref<40x128xi32, #tpu.memory_space<vmem>> -> memref<1x128xi32, #tpu.memory_space<vmem>>
          %dma_wait3A_126 = tpu.memref_squeeze %dma_wait3A_125 : memref<1x128xi32, #tpu.memory_space<vmem>> -> memref<128xi32, #tpu.memory_space<vmem>>
          %dma_wait3A_127 = arith.constant 0 : i32
          %dma_wait3A_128 = arith.constant 0 : i32
          %dma_wait3A_129 = tpu.memref_slice %arg11[%dma_wait3A_127, %dma_wait3A_128] : memref<10240x128xf32, #tpu.memory_space<vmem_shared>> -> memref<10240x128xf32, #tpu.memory_space<vmem_shared>>
          tpu.wait_indirect_dma semaphore(%run_scoped3A_117 : memref<!tpu.dma_semaphore, #tpu.memory_space<semaphore_mem>>) src(%arg10 : memref<128x128xf32, #tpu.memory_space<vmem>>) dst(%dma_wait3A_129 : memref<10240x128xf32, #tpu.memory_space<vmem_shared>>)
          tpu.yield
        }) : () -> ()
        %add3A_109 = arith.constant 3 : i32
        %add3A_110 = arith.addi %add3A_84, %add3A_109 : i32
        %dma_start3A_111 = arith.constant 0 : i32
        %dma_start3A_112 = tpu.memref_slice %arg7[%add3A_110, %dma_start3A_111] : memref<40x128xi32, #tpu.memory_space<vmem>> -> memref<1x128xi32, #tpu.memory_space<vmem>>
        %dma_start3A_113 = tpu.memref_squeeze %dma_start3A_112 : memref<1x128xi32, #tpu.memory_space<vmem>> -> memref<128xi32, #tpu.memory_space<vmem>>
        %dma_start3A_114 = arith.constant 0 : i32
        %dma_start3A_115 = arith.constant 0 : i32
        %dma_start3A_116 = tpu.memref_slice %arg2[%dma_start3A_114, %dma_start3A_115] : memref<10240x128xf32, #tpu.memory_space<hbm>> -> memref<10240x128xf32, #tpu.memory_space<hbm>>
        tpu.enqueue_indirect_dma source(%dma_start3A_116 : memref<10240x128xf32, #tpu.memory_space<hbm>>) target(%arg10 : memref<128x128xf32, #tpu.memory_space<vmem>>) offsets(%dma_start3A_113 : memref<128xi32, #tpu.memory_space<vmem>>) semaphore(%arg13 : memref<!tpu.dma_semaphore, #tpu.memory_space<semaphore_mem>>)
      }
      %scan3A_28 = arith.constant 19 : i32
      %dma_wait3A = arith.constant 38 : i32
      %dma_wait3A_29 = arith.constant 0 : i32
      %dma_wait3A_30 = tpu.memref_slice %arg7[%dma_wait3A, %dma_wait3A_29] : memref<40x128xi32, #tpu.memory_space<vmem>> -> memref<1x128xi32, #tpu.memory_space<vmem>>
      %dma_wait3A_31 = tpu.memref_squeeze %dma_wait3A_30 : memref<1x128xi32, #tpu.memory_space<vmem>> -> memref<128xi32, #tpu.memory_space<vmem>>
      %dma_wait3A_32 = arith.constant 0 : i32
      %dma_wait3A_33 = arith.constant 0 : i32
      %dma_wait3A_34 = tpu.memref_slice %arg2[%dma_wait3A_32, %dma_wait3A_33] : memref<10240x128xf32, #tpu.memory_space<hbm>> -> memref<10240x128xf32, #tpu.memory_space<hbm>>
      tpu.wait_indirect_dma semaphore(%arg12 : memref<!tpu.dma_semaphore, #tpu.memory_space<semaphore_mem>>) src(%dma_wait3A_34 : memref<10240x128xf32, #tpu.memory_space<hbm>>) dst(%arg9 : memref<128x128xf32, #tpu.memory_space<vmem>>)
      %run_scoped3A = arith.constant 38 : i32
      "tpu.region"() ({
        %run_scoped3A_80 = tpu.sem_alloc : memref<!tpu.dma_semaphore, #tpu.memory_space<semaphore_mem>>
        %dma_start3A_81 = arith.constant 0 : i32
        %dma_start3A_82 = tpu.memref_slice %arg8[%run_scoped3A, %dma_start3A_81] : memref<40x128xi32, #tpu.memory_space<vmem>> -> memref<1x128xi32, #tpu.memory_space<vmem>>
        %dma_start3A_83 = tpu.memref_squeeze %dma_start3A_82 : memref<1x128xi32, #tpu.memory_space<vmem>> -> memref<128xi32, #tpu.memory_space<vmem>>
        %dma_start3A_84 = arith.constant 0 : i32
        %dma_start3A_85 = arith.constant 0 : i32
        %dma_start3A_86 = tpu.memref_slice %arg11[%dma_start3A_84, %dma_start3A_85] : memref<10240x128xf32, #tpu.memory_space<vmem_shared>> -> memref<10240x128xf32, #tpu.memory_space<vmem_shared>>
        tpu.enqueue_indirect_dma source(%arg9 : memref<128x128xf32, #tpu.memory_space<vmem>>) target(%dma_start3A_86 : memref<10240x128xf32, #tpu.memory_space<vmem_shared>>) offsets(%dma_start3A_83 : memref<128xi32, #tpu.memory_space<vmem>>) semaphore(%run_scoped3A_80 : memref<!tpu.dma_semaphore, #tpu.memory_space<semaphore_mem>>) {add = true}
        %dma_wait3A_87 = arith.constant 0 : i32
        %dma_wait3A_88 = tpu.memref_slice %arg8[%run_scoped3A, %dma_wait3A_87] : memref<40x128xi32, #tpu.memory_space<vmem>> -> memref<1x128xi32, #tpu.memory_space<vmem>>
        %dma_wait3A_89 = tpu.memref_squeeze %dma_wait3A_88 : memref<1x128xi32, #tpu.memory_space<vmem>> -> memref<128xi32, #tpu.memory_space<vmem>>
        %dma_wait3A_90 = arith.constant 0 : i32
        %dma_wait3A_91 = arith.constant 0 : i32
        %dma_wait3A_92 = tpu.memref_slice %arg11[%dma_wait3A_90, %dma_wait3A_91] : memref<10240x128xf32, #tpu.memory_space<vmem_shared>> -> memref<10240x128xf32, #tpu.memory_space<vmem_shared>>
        tpu.wait_indirect_dma semaphore(%run_scoped3A_80 : memref<!tpu.dma_semaphore, #tpu.memory_space<semaphore_mem>>) src(%arg9 : memref<128x128xf32, #tpu.memory_space<vmem>>) dst(%dma_wait3A_92 : memref<10240x128xf32, #tpu.memory_space<vmem_shared>>)
        tpu.yield
      }) : () -> ()
      %dma_wait3A_35 = arith.constant 39 : i32
      %dma_wait3A_36 = arith.constant 0 : i32
      %dma_wait3A_37 = tpu.memref_slice %arg7[%dma_wait3A_35, %dma_wait3A_36] : memref<40x128xi32, #tpu.memory_space<vmem>> -> memref<1x128xi32, #tpu.memory_space<vmem>>
      %dma_wait3A_38 = tpu.memref_squeeze %dma_wait3A_37 : memref<1x128xi32, #tpu.memory_space<vmem>> -> memref<128xi32, #tpu.memory_space<vmem>>
      %dma_wait3A_39 = arith.constant 0 : i32
      %dma_wait3A_40 = arith.constant 0 : i32
      %dma_wait3A_41 = tpu.memref_slice %arg2[%dma_wait3A_39, %dma_wait3A_40] : memref<10240x128xf32, #tpu.memory_space<hbm>> -> memref<10240x128xf32, #tpu.memory_space<hbm>>
      tpu.wait_indirect_dma semaphore(%arg13 : memref<!tpu.dma_semaphore, #tpu.memory_space<semaphore_mem>>) src(%dma_wait3A_41 : memref<10240x128xf32, #tpu.memory_space<hbm>>) dst(%arg10 : memref<128x128xf32, #tpu.memory_space<vmem>>)
      %run_scoped3A_42 = arith.constant 39 : i32
      "tpu.region"() ({
        %run_scoped3A_80 = tpu.sem_alloc : memref<!tpu.dma_semaphore, #tpu.memory_space<semaphore_mem>>
        %dma_start3A_81 = arith.constant 0 : i32
        %dma_start3A_82 = tpu.memref_slice %arg8[%run_scoped3A_42, %dma_start3A_81] : memref<40x128xi32, #tpu.memory_space<vmem>> -> memref<1x128xi32, #tpu.memory_space<vmem>>
        %dma_start3A_83 = tpu.memref_squeeze %dma_start3A_82 : memref<1x128xi32, #tpu.memory_space<vmem>> -> memref<128xi32, #tpu.memory_space<vmem>>
        %dma_start3A_84 = arith.constant 0 : i32
        %dma_start3A_85 = arith.constant 0 : i32
        %dma_start3A_86 = tpu.memref_slice %arg11[%dma_start3A_84, %dma_start3A_85] : memref<10240x128xf32, #tpu.memory_space<vmem_shared>> -> memref<10240x128xf32, #tpu.memory_space<vmem_shared>>
        tpu.enqueue_indirect_dma source(%arg10 : memref<128x128xf32, #tpu.memory_space<vmem>>) target(%dma_start3A_86 : memref<10240x128xf32, #tpu.memory_space<vmem_shared>>) offsets(%dma_start3A_83 : memref<128xi32, #tpu.memory_space<vmem>>) semaphore(%run_scoped3A_80 : memref<!tpu.dma_semaphore, #tpu.memory_space<semaphore_mem>>) {add = true}
        %dma_wait3A_87 = arith.constant 0 : i32
        %dma_wait3A_88 = tpu.memref_slice %arg8[%run_scoped3A_42, %dma_wait3A_87] : memref<40x128xi32, #tpu.memory_space<vmem>> -> memref<1x128xi32, #tpu.memory_space<vmem>>
        %dma_wait3A_89 = tpu.memref_squeeze %dma_wait3A_88 : memref<1x128xi32, #tpu.memory_space<vmem>> -> memref<128xi32, #tpu.memory_space<vmem>>
        %dma_wait3A_90 = arith.constant 0 : i32
        %dma_wait3A_91 = arith.constant 0 : i32
        %dma_wait3A_92 = tpu.memref_slice %arg11[%dma_wait3A_90, %dma_wait3A_91] : memref<10240x128xf32, #tpu.memory_space<vmem_shared>> -> memref<10240x128xf32, #tpu.memory_space<vmem_shared>>
        tpu.wait_indirect_dma semaphore(%run_scoped3A_80 : memref<!tpu.dma_semaphore, #tpu.memory_space<semaphore_mem>>) src(%arg10 : memref<128x128xf32, #tpu.memory_space<vmem>>) dst(%dma_wait3A_92 : memref<10240x128xf32, #tpu.memory_space<vmem_shared>>)
        tpu.yield
      }) : () -> ()
      %add3A_43 = arith.constant 40 : i32
      %add3A_44 = arith.addi %mul3A_10, %add3A_43 : i32
      "tpu.region"() ({
        %run_scoped3A_80 = tpu.sem_alloc : memref<!tpu.dma_semaphore, #tpu.memory_space<semaphore_mem>>
        %dma_start3A_81 = arith.constant 0 : i32
        %dma_start3A_82 = tpu.memref_slice %arg3[%add3A_44, %dma_start3A_81] : memref<2560x128xi32, #tpu.memory_space<hbm>> -> memref<40x128xi32, #tpu.memory_space<hbm>>
        %dma_start3A_83 = arith.constant 0 : i32
        %dma_start3A_84 = tpu.memref_slice %arg3[%add3A_44, %dma_start3A_83] : memref<2560x128xi32, #tpu.memory_space<hbm>> -> memref<40x128xi32, #tpu.memory_space<hbm>>
        tpu.enqueue_dma source(%dma_start3A_84 : memref<40x128xi32, #tpu.memory_space<hbm>>) target(%arg7 : memref<40x128xi32, #tpu.memory_space<vmem>>) target_semaphore(%run_scoped3A_80 : memref<!tpu.dma_semaphore, #tpu.memory_space<semaphore_mem>>)
        %dma_wait3A_85 = arith.constant 0 : i32
        %dma_wait3A_86 = tpu.memref_slice %arg3[%add3A_44, %dma_wait3A_85] : memref<2560x128xi32, #tpu.memory_space<hbm>> -> memref<40x128xi32, #tpu.memory_space<hbm>>
        %dma_wait3A_87 = arith.constant 0 : i32
        %dma_wait3A_88 = tpu.memref_slice %arg3[%add3A_44, %dma_wait3A_87] : memref<2560x128xi32, #tpu.memory_space<hbm>> -> memref<40x128xi32, #tpu.memory_space<hbm>>
        tpu.wait_dma2 semaphore(%run_scoped3A_80 : memref<!tpu.dma_semaphore, #tpu.memory_space<semaphore_mem>>) src(%dma_wait3A_88 : memref<40x128xi32, #tpu.memory_space<hbm>>) dst(%arg7 : memref<40x128xi32, #tpu.memory_space<vmem>>)
        tpu.yield
      }) : () -> ()
      "tpu.region"() ({
        %run_scoped3A_80 = tpu.sem_alloc : memref<!tpu.dma_semaphore, #tpu.memory_space<semaphore_mem>>
        %dma_start3A_81 = arith.constant 0 : i32
        %dma_start3A_82 = tpu.memref_slice %arg4[%add3A_44, %dma_start3A_81] : memref<2560x128xi32, #tpu.memory_space<hbm>> -> memref<40x128xi32, #tpu.memory_space<hbm>>
        %dma_start3A_83 = arith.constant 0 : i32
        %dma_start3A_84 = tpu.memref_slice %arg4[%add3A_44, %dma_start3A_83] : memref<2560x128xi32, #tpu.memory_space<hbm>> -> memref<40x128xi32, #tpu.memory_space<hbm>>
        tpu.enqueue_dma source(%dma_start3A_84 : memref<40x128xi32, #tpu.memory_space<hbm>>) target(%arg8 : memref<40x128xi32, #tpu.memory_space<vmem>>) target_semaphore(%run_scoped3A_80 : memref<!tpu.dma_semaphore, #tpu.memory_space<semaphore_mem>>)
        %dma_wait3A_85 = arith.constant 0 : i32
        %dma_wait3A_86 = tpu.memref_slice %arg4[%add3A_44, %dma_wait3A_85] : memref<2560x128xi32, #tpu.memory_space<hbm>> -> memref<40x128xi32, #tpu.memory_space<hbm>>
        %dma_wait3A_87 = arith.constant 0 : i32
        %dma_wait3A_88 = tpu.memref_slice %arg4[%add3A_44, %dma_wait3A_87] : memref<2560x128xi32, #tpu.memory_space<hbm>> -> memref<40x128xi32, #tpu.memory_space<hbm>>
        tpu.wait_dma2 semaphore(%run_scoped3A_80 : memref<!tpu.dma_semaphore, #tpu.memory_space<semaphore_mem>>) src(%dma_wait3A_88 : memref<40x128xi32, #tpu.memory_space<hbm>>) dst(%arg8 : memref<40x128xi32, #tpu.memory_space<vmem>>)
        tpu.yield
      }) : () -> ()
      %dma_start3A_45 = arith.constant 0 : i32
      %dma_start3A_46 = arith.constant 0 : i32
      %dma_start3A_47 = tpu.memref_slice %arg7[%dma_start3A_45, %dma_start3A_46] : memref<40x128xi32, #tpu.memory_space<vmem>> -> memref<1x128xi32, #tpu.memory_space<vmem>>
      %dma_start3A_48 = tpu.memref_squeeze %dma_start3A_47 : memref<1x128xi32, #tpu.memory_space<vmem>> -> memref<128xi32, #tpu.memory_space<vmem>>
      %dma_start3A_49 = arith.constant 0 : i32
      %dma_start3A_50 = arith.constant 0 : i32
      %dma_start3A_51 = tpu.memref_slice %arg2[%dma_start3A_49, %dma_start3A_50] : memref<10240x128xf32, #tpu.memory_space<hbm>> -> memref<10240x128xf32, #tpu.memory_space<hbm>>
      tpu.enqueue_indirect_dma source(%dma_start3A_51 : memref<10240x128xf32, #tpu.memory_space<hbm>>) target(%arg9 : memref<128x128xf32, #tpu.memory_space<vmem>>) offsets(%dma_start3A_48 : memref<128xi32, #tpu.memory_space<vmem>>) semaphore(%arg12 : memref<!tpu.dma_semaphore, #tpu.memory_space<semaphore_mem>>)
      %dma_start3A_52 = arith.constant 1 : i32
      %dma_start3A_53 = arith.constant 0 : i32
      %dma_start3A_54 = tpu.memref_slice %arg7[%dma_start3A_52, %dma_start3A_53] : memref<40x128xi32, #tpu.memory_space<vmem>> -> memref<1x128xi32, #tpu.memory_space<vmem>>
      %dma_start3A_55 = tpu.memref_squeeze %dma_start3A_54 : memref<1x128xi32, #tpu.memory_space<vmem>> -> memref<128xi32, #tpu.memory_space<vmem>>
      %dma_start3A_56 = arith.constant 0 : i32
      %dma_start3A_57 = arith.constant 0 : i32
      %dma_start3A_58 = tpu.memref_slice %arg2[%dma_start3A_56, %dma_start3A_57] : memref<10240x128xf32, #tpu.memory_space<hbm>> -> memref<10240x128xf32, #tpu.memory_space<hbm>>
      tpu.enqueue_indirect_dma source(%dma_start3A_58 : memref<10240x128xf32, #tpu.memory_space<hbm>>) target(%arg10 : memref<128x128xf32, #tpu.memory_space<vmem>>) offsets(%dma_start3A_55 : memref<128xi32, #tpu.memory_space<vmem>>) semaphore(%arg13 : memref<!tpu.dma_semaphore, #tpu.memory_space<semaphore_mem>>)
      %scan3A_59 = arith.constant 0 : i32
      %scan3A_60 = arith.constant 19 : i32
      %scan3A_61 = arith.addi %scan3A_59, %scan3A_60 : i32
      %scan3A_62 = arith.constant 1 : i32
      scf.for %scan3A_80 = %scan3A_59 to %scan3A_61 step %scan3A_62  : i32 {
        %mul3A_81 = arith.constant 2 : i32
        %mul3A_82 = arith.muli %scan3A_80, %mul3A_81 : i32
        %add3A_83 = arith.constant 0 : i32
        %add3A_84 = arith.addi %add3A_83, %mul3A_82 : i32
        %dma_wait3A_85 = arith.constant 0 : i32
        %dma_wait3A_86 = tpu.memref_slice %arg7[%add3A_84, %dma_wait3A_85] : memref<40x128xi32, #tpu.memory_space<vmem>> -> memref<1x128xi32, #tpu.memory_space<vmem>>
        %dma_wait3A_87 = tpu.memref_squeeze %dma_wait3A_86 : memref<1x128xi32, #tpu.memory_space<vmem>> -> memref<128xi32, #tpu.memory_space<vmem>>
        %dma_wait3A_88 = arith.constant 0 : i32
        %dma_wait3A_89 = arith.constant 0 : i32
        %dma_wait3A_90 = tpu.memref_slice %arg2[%dma_wait3A_88, %dma_wait3A_89] : memref<10240x128xf32, #tpu.memory_space<hbm>> -> memref<10240x128xf32, #tpu.memory_space<hbm>>
        tpu.wait_indirect_dma semaphore(%arg12 : memref<!tpu.dma_semaphore, #tpu.memory_space<semaphore_mem>>) src(%dma_wait3A_90 : memref<10240x128xf32, #tpu.memory_space<hbm>>) dst(%arg9 : memref<128x128xf32, #tpu.memory_space<vmem>>)
        "tpu.region"() ({
          %run_scoped3A_117 = tpu.sem_alloc : memref<!tpu.dma_semaphore, #tpu.memory_space<semaphore_mem>>
          %dma_start3A_118 = arith.constant 0 : i32
          %dma_start3A_119 = tpu.memref_slice %arg8[%add3A_84, %dma_start3A_118] : memref<40x128xi32, #tpu.memory_space<vmem>> -> memref<1x128xi32, #tpu.memory_space<vmem>>
          %dma_start3A_120 = tpu.memref_squeeze %dma_start3A_119 : memref<1x128xi32, #tpu.memory_space<vmem>> -> memref<128xi32, #tpu.memory_space<vmem>>
          %dma_start3A_121 = arith.constant 0 : i32
          %dma_start3A_122 = arith.constant 0 : i32
          %dma_start3A_123 = tpu.memref_slice %arg11[%dma_start3A_121, %dma_start3A_122] : memref<10240x128xf32, #tpu.memory_space<vmem_shared>> -> memref<10240x128xf32, #tpu.memory_space<vmem_shared>>
          tpu.enqueue_indirect_dma source(%arg9 : memref<128x128xf32, #tpu.memory_space<vmem>>) target(%dma_start3A_123 : memref<10240x128xf32, #tpu.memory_space<vmem_shared>>) offsets(%dma_start3A_120 : memref<128xi32, #tpu.memory_space<vmem>>) semaphore(%run_scoped3A_117 : memref<!tpu.dma_semaphore, #tpu.memory_space<semaphore_mem>>) {add = true}
          %dma_wait3A_124 = arith.constant 0 : i32
          %dma_wait3A_125 = tpu.memref_slice %arg8[%add3A_84, %dma_wait3A_124] : memref<40x128xi32, #tpu.memory_space<vmem>> -> memref<1x128xi32, #tpu.memory_space<vmem>>
          %dma_wait3A_126 = tpu.memref_squeeze %dma_wait3A_125 : memref<1x128xi32, #tpu.memory_space<vmem>> -> memref<128xi32, #tpu.memory_space<vmem>>
          %dma_wait3A_127 = arith.constant 0 : i32
          %dma_wait3A_128 = arith.constant 0 : i32
          %dma_wait3A_129 = tpu.memref_slice %arg11[%dma_wait3A_127, %dma_wait3A_128] : memref<10240x128xf32, #tpu.memory_space<vmem_shared>> -> memref<10240x128xf32, #tpu.memory_space<vmem_shared>>
          tpu.wait_indirect_dma semaphore(%run_scoped3A_117 : memref<!tpu.dma_semaphore, #tpu.memory_space<semaphore_mem>>) src(%arg9 : memref<128x128xf32, #tpu.memory_space<vmem>>) dst(%dma_wait3A_129 : memref<10240x128xf32, #tpu.memory_space<vmem_shared>>)
          tpu.yield
        }) : () -> ()
        %add3A_91 = arith.constant 2 : i32
        %add3A_92 = arith.addi %add3A_84, %add3A_91 : i32
        %dma_start3A_93 = arith.constant 0 : i32
        %dma_start3A_94 = tpu.memref_slice %arg7[%add3A_92, %dma_start3A_93] : memref<40x128xi32, #tpu.memory_space<vmem>> -> memref<1x128xi32, #tpu.memory_space<vmem>>
        %dma_start3A_95 = tpu.memref_squeeze %dma_start3A_94 : memref<1x128xi32, #tpu.memory_space<vmem>> -> memref<128xi32, #tpu.memory_space<vmem>>
        %dma_start3A_96 = arith.constant 0 : i32
        %dma_start3A_97 = arith.constant 0 : i32
        %dma_start3A_98 = tpu.memref_slice %arg2[%dma_start3A_96, %dma_start3A_97] : memref<10240x128xf32, #tpu.memory_space<hbm>> -> memref<10240x128xf32, #tpu.memory_space<hbm>>
        tpu.enqueue_indirect_dma source(%dma_start3A_98 : memref<10240x128xf32, #tpu.memory_space<hbm>>) target(%arg9 : memref<128x128xf32, #tpu.memory_space<vmem>>) offsets(%dma_start3A_95 : memref<128xi32, #tpu.memory_space<vmem>>) semaphore(%arg12 : memref<!tpu.dma_semaphore, #tpu.memory_space<semaphore_mem>>)
        %add3A_99 = arith.constant 1 : i32
        %add3A_100 = arith.addi %add3A_84, %add3A_99 : i32
        %dma_wait3A_101 = arith.constant 0 : i32
        %dma_wait3A_102 = tpu.memref_slice %arg7[%add3A_100, %dma_wait3A_101] : memref<40x128xi32, #tpu.memory_space<vmem>> -> memref<1x128xi32, #tpu.memory_space<vmem>>
        %dma_wait3A_103 = tpu.memref_squeeze %dma_wait3A_102 : memref<1x128xi32, #tpu.memory_space<vmem>> -> memref<128xi32, #tpu.memory_space<vmem>>
        %dma_wait3A_104 = arith.constant 0 : i32
        %dma_wait3A_105 = arith.constant 0 : i32
        %dma_wait3A_106 = tpu.memref_slice %arg2[%dma_wait3A_104, %dma_wait3A_105] : memref<10240x128xf32, #tpu.memory_space<hbm>> -> memref<10240x128xf32, #tpu.memory_space<hbm>>
        tpu.wait_indirect_dma semaphore(%arg13 : memref<!tpu.dma_semaphore, #tpu.memory_space<semaphore_mem>>) src(%dma_wait3A_106 : memref<10240x128xf32, #tpu.memory_space<hbm>>) dst(%arg10 : memref<128x128xf32, #tpu.memory_space<vmem>>)
        %add3A_107 = arith.constant 1 : i32
        %add3A_108 = arith.addi %add3A_84, %add3A_107 : i32
        "tpu.region"() ({
          %run_scoped3A_117 = tpu.sem_alloc : memref<!tpu.dma_semaphore, #tpu.memory_space<semaphore_mem>>
          %dma_start3A_118 = arith.constant 0 : i32
          %dma_start3A_119 = tpu.memref_slice %arg8[%add3A_108, %dma_start3A_118] : memref<40x128xi32, #tpu.memory_space<vmem>> -> memref<1x128xi32, #tpu.memory_space<vmem>>
          %dma_start3A_120 = tpu.memref_squeeze %dma_start3A_119 : memref<1x128xi32, #tpu.memory_space<vmem>> -> memref<128xi32, #tpu.memory_space<vmem>>
          %dma_start3A_121 = arith.constant 0 : i32
          %dma_start3A_122 = arith.constant 0 : i32
          %dma_start3A_123 = tpu.memref_slice %arg11[%dma_start3A_121, %dma_start3A_122] : memref<10240x128xf32, #tpu.memory_space<vmem_shared>> -> memref<10240x128xf32, #tpu.memory_space<vmem_shared>>
          tpu.enqueue_indirect_dma source(%arg10 : memref<128x128xf32, #tpu.memory_space<vmem>>) target(%dma_start3A_123 : memref<10240x128xf32, #tpu.memory_space<vmem_shared>>) offsets(%dma_start3A_120 : memref<128xi32, #tpu.memory_space<vmem>>) semaphore(%run_scoped3A_117 : memref<!tpu.dma_semaphore, #tpu.memory_space<semaphore_mem>>) {add = true}
          %dma_wait3A_124 = arith.constant 0 : i32
          %dma_wait3A_125 = tpu.memref_slice %arg8[%add3A_108, %dma_wait3A_124] : memref<40x128xi32, #tpu.memory_space<vmem>> -> memref<1x128xi32, #tpu.memory_space<vmem>>
          %dma_wait3A_126 = tpu.memref_squeeze %dma_wait3A_125 : memref<1x128xi32, #tpu.memory_space<vmem>> -> memref<128xi32, #tpu.memory_space<vmem>>
          %dma_wait3A_127 = arith.constant 0 : i32
          %dma_wait3A_128 = arith.constant 0 : i32
          %dma_wait3A_129 = tpu.memref_slice %arg11[%dma_wait3A_127, %dma_wait3A_128] : memref<10240x128xf32, #tpu.memory_space<vmem_shared>> -> memref<10240x128xf32, #tpu.memory_space<vmem_shared>>
          tpu.wait_indirect_dma semaphore(%run_scoped3A_117 : memref<!tpu.dma_semaphore, #tpu.memory_space<semaphore_mem>>) src(%arg10 : memref<128x128xf32, #tpu.memory_space<vmem>>) dst(%dma_wait3A_129 : memref<10240x128xf32, #tpu.memory_space<vmem_shared>>)
          tpu.yield
        }) : () -> ()
        %add3A_109 = arith.constant 3 : i32
        %add3A_110 = arith.addi %add3A_84, %add3A_109 : i32
        %dma_start3A_111 = arith.constant 0 : i32
        %dma_start3A_112 = tpu.memref_slice %arg7[%add3A_110, %dma_start3A_111] : memref<40x128xi32, #tpu.memory_space<vmem>> -> memref<1x128xi32, #tpu.memory_space<vmem>>
        %dma_start3A_113 = tpu.memref_squeeze %dma_start3A_112 : memref<1x128xi32, #tpu.memory_space<vmem>> -> memref<128xi32, #tpu.memory_space<vmem>>
        %dma_start3A_114 = arith.constant 0 : i32
        %dma_start3A_115 = arith.constant 0 : i32
        %dma_start3A_116 = tpu.memref_slice %arg2[%dma_start3A_114, %dma_start3A_115] : memref<10240x128xf32, #tpu.memory_space<hbm>> -> memref<10240x128xf32, #tpu.memory_space<hbm>>
        tpu.enqueue_indirect_dma source(%dma_start3A_116 : memref<10240x128xf32, #tpu.memory_space<hbm>>) target(%arg10 : memref<128x128xf32, #tpu.memory_space<vmem>>) offsets(%dma_start3A_113 : memref<128xi32, #tpu.memory_space<vmem>>) semaphore(%arg13 : memref<!tpu.dma_semaphore, #tpu.memory_space<semaphore_mem>>)
      }
      %scan3A_63 = arith.constant 19 : i32
      %dma_wait3A_64 = arith.constant 38 : i32
      %dma_wait3A_65 = arith.constant 0 : i32
      %dma_wait3A_66 = tpu.memref_slice %arg7[%dma_wait3A_64, %dma_wait3A_65] : memref<40x128xi32, #tpu.memory_space<vmem>> -> memref<1x128xi32, #tpu.memory_space<vmem>>
      %dma_wait3A_67 = tpu.memref_squeeze %dma_wait3A_66 : memref<1x128xi32, #tpu.memory_space<vmem>> -> memref<128xi32, #tpu.memory_space<vmem>>
      %dma_wait3A_68 = arith.constant 0 : i32
      %dma_wait3A_69 = arith.constant 0 : i32
      %dma_wait3A_70 = tpu.memref_slice %arg2[%dma_wait3A_68, %dma_wait3A_69] : memref<10240x128xf32, #tpu.memory_space<hbm>> -> memref<10240x128xf32, #tpu.memory_space<hbm>>
      tpu.wait_indirect_dma semaphore(%arg12 : memref<!tpu.dma_semaphore, #tpu.memory_space<semaphore_mem>>) src(%dma_wait3A_70 : memref<10240x128xf32, #tpu.memory_space<hbm>>) dst(%arg9 : memref<128x128xf32, #tpu.memory_space<vmem>>)
      %run_scoped3A_71 = arith.constant 38 : i32
      "tpu.region"() ({
        %run_scoped3A_80 = tpu.sem_alloc : memref<!tpu.dma_semaphore, #tpu.memory_space<semaphore_mem>>
        %dma_start3A_81 = arith.constant 0 : i32
        %dma_start3A_82 = tpu.memref_slice %arg8[%run_scoped3A_71, %dma_start3A_81] : memref<40x128xi32, #tpu.memory_space<vmem>> -> memref<1x128xi32, #tpu.memory_space<vmem>>
        %dma_start3A_83 = tpu.memref_squeeze %dma_start3A_82 : memref<1x128xi32, #tpu.memory_space<vmem>> -> memref<128xi32, #tpu.memory_space<vmem>>
        %dma_start3A_84 = arith.constant 0 : i32
        %dma_start3A_85 = arith.constant 0 : i32
        %dma_start3A_86 = tpu.memref_slice %arg11[%dma_start3A_84, %dma_start3A_85] : memref<10240x128xf32, #tpu.memory_space<vmem_shared>> -> memref<10240x128xf32, #tpu.memory_space<vmem_shared>>
        tpu.enqueue_indirect_dma source(%arg9 : memref<128x128xf32, #tpu.memory_space<vmem>>) target(%dma_start3A_86 : memref<10240x128xf32, #tpu.memory_space<vmem_shared>>) offsets(%dma_start3A_83 : memref<128xi32, #tpu.memory_space<vmem>>) semaphore(%run_scoped3A_80 : memref<!tpu.dma_semaphore, #tpu.memory_space<semaphore_mem>>) {add = true}
        %dma_wait3A_87 = arith.constant 0 : i32
        %dma_wait3A_88 = tpu.memref_slice %arg8[%run_scoped3A_71, %dma_wait3A_87] : memref<40x128xi32, #tpu.memory_space<vmem>> -> memref<1x128xi32, #tpu.memory_space<vmem>>
        %dma_wait3A_89 = tpu.memref_squeeze %dma_wait3A_88 : memref<1x128xi32, #tpu.memory_space<vmem>> -> memref<128xi32, #tpu.memory_space<vmem>>
        %dma_wait3A_90 = arith.constant 0 : i32
        %dma_wait3A_91 = arith.constant 0 : i32
        %dma_wait3A_92 = tpu.memref_slice %arg11[%dma_wait3A_90, %dma_wait3A_91] : memref<10240x128xf32, #tpu.memory_space<vmem_shared>> -> memref<10240x128xf32, #tpu.memory_space<vmem_shared>>
        tpu.wait_indirect_dma semaphore(%run_scoped3A_80 : memref<!tpu.dma_semaphore, #tpu.memory_space<semaphore_mem>>) src(%arg9 : memref<128x128xf32, #tpu.memory_space<vmem>>) dst(%dma_wait3A_92 : memref<10240x128xf32, #tpu.memory_space<vmem_shared>>)
        tpu.yield
      }) : () -> ()
      %dma_wait3A_72 = arith.constant 39 : i32
      %dma_wait3A_73 = arith.constant 0 : i32
      %dma_wait3A_74 = tpu.memref_slice %arg7[%dma_wait3A_72, %dma_wait3A_73] : memref<40x128xi32, #tpu.memory_space<vmem>> -> memref<1x128xi32, #tpu.memory_space<vmem>>
      %dma_wait3A_75 = tpu.memref_squeeze %dma_wait3A_74 : memref<1x128xi32, #tpu.memory_space<vmem>> -> memref<128xi32, #tpu.memory_space<vmem>>
      %dma_wait3A_76 = arith.constant 0 : i32
      %dma_wait3A_77 = arith.constant 0 : i32
      %dma_wait3A_78 = tpu.memref_slice %arg2[%dma_wait3A_76, %dma_wait3A_77] : memref<10240x128xf32, #tpu.memory_space<hbm>> -> memref<10240x128xf32, #tpu.memory_space<hbm>>
      tpu.wait_indirect_dma semaphore(%arg13 : memref<!tpu.dma_semaphore, #tpu.memory_space<semaphore_mem>>) src(%dma_wait3A_78 : memref<10240x128xf32, #tpu.memory_space<hbm>>) dst(%arg10 : memref<128x128xf32, #tpu.memory_space<vmem>>)
      %run_scoped3A_79 = arith.constant 39 : i32
      "tpu.region"() ({
        %run_scoped3A_80 = tpu.sem_alloc : memref<!tpu.dma_semaphore, #tpu.memory_space<semaphore_mem>>
        %dma_start3A_81 = arith.constant 0 : i32
        %dma_start3A_82 = tpu.memref_slice %arg8[%run_scoped3A_79, %dma_start3A_81] : memref<40x128xi32, #tpu.memory_space<vmem>> -> memref<1x128xi32, #tpu.memory_space<vmem>>
        %dma_start3A_83 = tpu.memref_squeeze %dma_start3A_82 : memref<1x128xi32, #tpu.memory_space<vmem>> -> memref<128xi32, #tpu.memory_space<vmem>>
        %dma_start3A_84 = arith.constant 0 : i32
        %dma_start3A_85 = arith.constant 0 : i32
        %dma_start3A_86 = tpu.memref_slice %arg11[%dma_start3A_84, %dma_start3A_85] : memref<10240x128xf32, #tpu.memory_space<vmem_shared>> -> memref<10240x128xf32, #tpu.memory_space<vmem_shared>>
        tpu.enqueue_indirect_dma source(%arg10 : memref<128x128xf32, #tpu.memory_space<vmem>>) target(%dma_start3A_86 : memref<10240x128xf32, #tpu.memory_space<vmem_shared>>) offsets(%dma_start3A_83 : memref<128xi32, #tpu.memory_space<vmem>>) semaphore(%run_scoped3A_80 : memref<!tpu.dma_semaphore, #tpu.memory_space<semaphore_mem>>) {add = true}
        %dma_wait3A_87 = arith.constant 0 : i32
        %dma_wait3A_88 = tpu.memref_slice %arg8[%run_scoped3A_79, %dma_wait3A_87] : memref<40x128xi32, #tpu.memory_space<vmem>> -> memref<1x128xi32, #tpu.memory_space<vmem>>
        %dma_wait3A_89 = tpu.memref_squeeze %dma_wait3A_88 : memref<1x128xi32, #tpu.memory_space<vmem>> -> memref<128xi32, #tpu.memory_space<vmem>>
        %dma_wait3A_90 = arith.constant 0 : i32
        %dma_wait3A_91 = arith.constant 0 : i32
        %dma_wait3A_92 = tpu.memref_slice %arg11[%dma_wait3A_90, %dma_wait3A_91] : memref<10240x128xf32, #tpu.memory_space<vmem_shared>> -> memref<10240x128xf32, #tpu.memory_space<vmem_shared>>
        tpu.wait_indirect_dma semaphore(%run_scoped3A_80 : memref<!tpu.dma_semaphore, #tpu.memory_space<semaphore_mem>>) src(%arg10 : memref<128x128xf32, #tpu.memory_space<vmem>>) dst(%dma_wait3A_92 : memref<10240x128xf32, #tpu.memory_space<vmem_shared>>)
        tpu.yield
      }) : () -> ()
    } else {
    }
    %eq3A_3 = arith.constant 1 : i32
    %eq3A_4 = arith.cmpi eq, %arg0, %eq3A_3 : i32
    %convert_element_type3A_5 = arith.extui %eq3A_4 : i1 to i32
    %cond3A_6 = arith.constant 0 : i32
    %cond3A_7 = arith.cmpi ne, %convert_element_type3A_5, %cond3A_6 : i32
    scf.if %cond3A_7 {
      %mul3A_9 = arith.constant 80 : i32
      %mul3A_10 = arith.muli %arg1, %mul3A_9 : i32
      %add3A = arith.constant 1280 : i32
      %add3A_11 = arith.addi %add3A, %mul3A_10 : i32
      %add3A_12 = arith.constant 0 : i32
      %add3A_13 = arith.addi %add3A_11, %add3A_12 : i32
      "tpu.region"() ({
        %run_scoped3A_82 = tpu.sem_alloc : memref<!tpu.dma_semaphore, #tpu.memory_space<semaphore_mem>>
        %dma_start3A_83 = arith.constant 0 : i32
        %dma_start3A_84 = tpu.memref_slice %arg3[%add3A_13, %dma_start3A_83] : memref<2560x128xi32, #tpu.memory_space<hbm>> -> memref<40x128xi32, #tpu.memory_space<hbm>>
        %dma_start3A_85 = arith.constant 0 : i32
        %dma_start3A_86 = tpu.memref_slice %arg3[%add3A_13, %dma_start3A_85] : memref<2560x128xi32, #tpu.memory_space<hbm>> -> memref<40x128xi32, #tpu.memory_space<hbm>>
        tpu.enqueue_dma source(%dma_start3A_86 : memref<40x128xi32, #tpu.memory_space<hbm>>) target(%arg7 : memref<40x128xi32, #tpu.memory_space<vmem>>) target_semaphore(%run_scoped3A_82 : memref<!tpu.dma_semaphore, #tpu.memory_space<semaphore_mem>>)
        %dma_wait3A_87 = arith.constant 0 : i32
        %dma_wait3A_88 = tpu.memref_slice %arg3[%add3A_13, %dma_wait3A_87] : memref<2560x128xi32, #tpu.memory_space<hbm>> -> memref<40x128xi32, #tpu.memory_space<hbm>>
        %dma_wait3A_89 = arith.constant 0 : i32
        %dma_wait3A_90 = tpu.memref_slice %arg3[%add3A_13, %dma_wait3A_89] : memref<2560x128xi32, #tpu.memory_space<hbm>> -> memref<40x128xi32, #tpu.memory_space<hbm>>
        tpu.wait_dma2 semaphore(%run_scoped3A_82 : memref<!tpu.dma_semaphore, #tpu.memory_space<semaphore_mem>>) src(%dma_wait3A_90 : memref<40x128xi32, #tpu.memory_space<hbm>>) dst(%arg7 : memref<40x128xi32, #tpu.memory_space<vmem>>)
        tpu.yield
      }) : () -> ()
      "tpu.region"() ({
        %run_scoped3A_82 = tpu.sem_alloc : memref<!tpu.dma_semaphore, #tpu.memory_space<semaphore_mem>>
        %dma_start3A_83 = arith.constant 0 : i32
        %dma_start3A_84 = tpu.memref_slice %arg4[%add3A_13, %dma_start3A_83] : memref<2560x128xi32, #tpu.memory_space<hbm>> -> memref<40x128xi32, #tpu.memory_space<hbm>>
        %dma_start3A_85 = arith.constant 0 : i32
        %dma_start3A_86 = tpu.memref_slice %arg4[%add3A_13, %dma_start3A_85] : memref<2560x128xi32, #tpu.memory_space<hbm>> -> memref<40x128xi32, #tpu.memory_space<hbm>>
        tpu.enqueue_dma source(%dma_start3A_86 : memref<40x128xi32, #tpu.memory_space<hbm>>) target(%arg8 : memref<40x128xi32, #tpu.memory_space<vmem>>) target_semaphore(%run_scoped3A_82 : memref<!tpu.dma_semaphore, #tpu.memory_space<semaphore_mem>>)
        %dma_wait3A_87 = arith.constant 0 : i32
        %dma_wait3A_88 = tpu.memref_slice %arg4[%add3A_13, %dma_wait3A_87] : memref<2560x128xi32, #tpu.memory_space<hbm>> -> memref<40x128xi32, #tpu.memory_space<hbm>>
        %dma_wait3A_89 = arith.constant 0 : i32
        %dma_wait3A_90 = tpu.memref_slice %arg4[%add3A_13, %dma_wait3A_89] : memref<2560x128xi32, #tpu.memory_space<hbm>> -> memref<40x128xi32, #tpu.memory_space<hbm>>
        tpu.wait_dma2 semaphore(%run_scoped3A_82 : memref<!tpu.dma_semaphore, #tpu.memory_space<semaphore_mem>>) src(%dma_wait3A_90 : memref<40x128xi32, #tpu.memory_space<hbm>>) dst(%arg8 : memref<40x128xi32, #tpu.memory_space<vmem>>)
        tpu.yield
      }) : () -> ()
      %dma_start3A = arith.constant 0 : i32
      %dma_start3A_14 = arith.constant 0 : i32
      %dma_start3A_15 = tpu.memref_slice %arg7[%dma_start3A, %dma_start3A_14] : memref<40x128xi32, #tpu.memory_space<vmem>> -> memref<1x128xi32, #tpu.memory_space<vmem>>
      %dma_start3A_16 = tpu.memref_squeeze %dma_start3A_15 : memref<1x128xi32, #tpu.memory_space<vmem>> -> memref<128xi32, #tpu.memory_space<vmem>>
      %dma_start3A_17 = arith.constant 0 : i32
      %dma_start3A_18 = arith.constant 0 : i32
      %dma_start3A_19 = tpu.memref_slice %arg2[%dma_start3A_17, %dma_start3A_18] : memref<10240x128xf32, #tpu.memory_space<hbm>> -> memref<10240x128xf32, #tpu.memory_space<hbm>>
      tpu.enqueue_indirect_dma source(%dma_start3A_19 : memref<10240x128xf32, #tpu.memory_space<hbm>>) target(%arg9 : memref<128x128xf32, #tpu.memory_space<vmem>>) offsets(%dma_start3A_16 : memref<128xi32, #tpu.memory_space<vmem>>) semaphore(%arg12 : memref<!tpu.dma_semaphore, #tpu.memory_space<semaphore_mem>>)
      %dma_start3A_20 = arith.constant 1 : i32
      %dma_start3A_21 = arith.constant 0 : i32
      %dma_start3A_22 = tpu.memref_slice %arg7[%dma_start3A_20, %dma_start3A_21] : memref<40x128xi32, #tpu.memory_space<vmem>> -> memref<1x128xi32, #tpu.memory_space<vmem>>
      %dma_start3A_23 = tpu.memref_squeeze %dma_start3A_22 : memref<1x128xi32, #tpu.memory_space<vmem>> -> memref<128xi32, #tpu.memory_space<vmem>>
      %dma_start3A_24 = arith.constant 0 : i32
      %dma_start3A_25 = arith.constant 0 : i32
      %dma_start3A_26 = tpu.memref_slice %arg2[%dma_start3A_24, %dma_start3A_25] : memref<10240x128xf32, #tpu.memory_space<hbm>> -> memref<10240x128xf32, #tpu.memory_space<hbm>>
      tpu.enqueue_indirect_dma source(%dma_start3A_26 : memref<10240x128xf32, #tpu.memory_space<hbm>>) target(%arg10 : memref<128x128xf32, #tpu.memory_space<vmem>>) offsets(%dma_start3A_23 : memref<128xi32, #tpu.memory_space<vmem>>) semaphore(%arg13 : memref<!tpu.dma_semaphore, #tpu.memory_space<semaphore_mem>>)
      %scan3A = arith.constant 0 : i32
      %scan3A_27 = arith.constant 19 : i32
      %scan3A_28 = arith.addi %scan3A, %scan3A_27 : i32
      %scan3A_29 = arith.constant 1 : i32
      scf.for %scan3A_82 = %scan3A to %scan3A_28 step %scan3A_29  : i32 {
        %mul3A_83 = arith.constant 2 : i32
        %mul3A_84 = arith.muli %scan3A_82, %mul3A_83 : i32
        %add3A_85 = arith.constant 0 : i32
        %add3A_86 = arith.addi %add3A_85, %mul3A_84 : i32
        %dma_wait3A_87 = arith.constant 0 : i32
        %dma_wait3A_88 = tpu.memref_slice %arg7[%add3A_86, %dma_wait3A_87] : memref<40x128xi32, #tpu.memory_space<vmem>> -> memref<1x128xi32, #tpu.memory_space<vmem>>
        %dma_wait3A_89 = tpu.memref_squeeze %dma_wait3A_88 : memref<1x128xi32, #tpu.memory_space<vmem>> -> memref<128xi32, #tpu.memory_space<vmem>>
        %dma_wait3A_90 = arith.constant 0 : i32
        %dma_wait3A_91 = arith.constant 0 : i32
        %dma_wait3A_92 = tpu.memref_slice %arg2[%dma_wait3A_90, %dma_wait3A_91] : memref<10240x128xf32, #tpu.memory_space<hbm>> -> memref<10240x128xf32, #tpu.memory_space<hbm>>
        tpu.wait_indirect_dma semaphore(%arg12 : memref<!tpu.dma_semaphore, #tpu.memory_space<semaphore_mem>>) src(%dma_wait3A_92 : memref<10240x128xf32, #tpu.memory_space<hbm>>) dst(%arg9 : memref<128x128xf32, #tpu.memory_space<vmem>>)
        "tpu.region"() ({
          %run_scoped3A_119 = tpu.sem_alloc : memref<!tpu.dma_semaphore, #tpu.memory_space<semaphore_mem>>
          %dma_start3A_120 = arith.constant 0 : i32
          %dma_start3A_121 = tpu.memref_slice %arg8[%add3A_86, %dma_start3A_120] : memref<40x128xi32, #tpu.memory_space<vmem>> -> memref<1x128xi32, #tpu.memory_space<vmem>>
          %dma_start3A_122 = tpu.memref_squeeze %dma_start3A_121 : memref<1x128xi32, #tpu.memory_space<vmem>> -> memref<128xi32, #tpu.memory_space<vmem>>
          %dma_start3A_123 = arith.constant 0 : i32
          %dma_start3A_124 = arith.constant 0 : i32
          %dma_start3A_125 = tpu.memref_slice %arg11[%dma_start3A_123, %dma_start3A_124] : memref<10240x128xf32, #tpu.memory_space<vmem_shared>> -> memref<10240x128xf32, #tpu.memory_space<vmem_shared>>
          tpu.enqueue_indirect_dma source(%arg9 : memref<128x128xf32, #tpu.memory_space<vmem>>) target(%dma_start3A_125 : memref<10240x128xf32, #tpu.memory_space<vmem_shared>>) offsets(%dma_start3A_122 : memref<128xi32, #tpu.memory_space<vmem>>) semaphore(%run_scoped3A_119 : memref<!tpu.dma_semaphore, #tpu.memory_space<semaphore_mem>>) {add = true}
          %dma_wait3A_126 = arith.constant 0 : i32
          %dma_wait3A_127 = tpu.memref_slice %arg8[%add3A_86, %dma_wait3A_126] : memref<40x128xi32, #tpu.memory_space<vmem>> -> memref<1x128xi32, #tpu.memory_space<vmem>>
          %dma_wait3A_128 = tpu.memref_squeeze %dma_wait3A_127 : memref<1x128xi32, #tpu.memory_space<vmem>> -> memref<128xi32, #tpu.memory_space<vmem>>
          %dma_wait3A_129 = arith.constant 0 : i32
          %dma_wait3A_130 = arith.constant 0 : i32
          %dma_wait3A_131 = tpu.memref_slice %arg11[%dma_wait3A_129, %dma_wait3A_130] : memref<10240x128xf32, #tpu.memory_space<vmem_shared>> -> memref<10240x128xf32, #tpu.memory_space<vmem_shared>>
          tpu.wait_indirect_dma semaphore(%run_scoped3A_119 : memref<!tpu.dma_semaphore, #tpu.memory_space<semaphore_mem>>) src(%arg9 : memref<128x128xf32, #tpu.memory_space<vmem>>) dst(%dma_wait3A_131 : memref<10240x128xf32, #tpu.memory_space<vmem_shared>>)
          tpu.yield
        }) : () -> ()
        %add3A_93 = arith.constant 2 : i32
        %add3A_94 = arith.addi %add3A_86, %add3A_93 : i32
        %dma_start3A_95 = arith.constant 0 : i32
        %dma_start3A_96 = tpu.memref_slice %arg7[%add3A_94, %dma_start3A_95] : memref<40x128xi32, #tpu.memory_space<vmem>> -> memref<1x128xi32, #tpu.memory_space<vmem>>
        %dma_start3A_97 = tpu.memref_squeeze %dma_start3A_96 : memref<1x128xi32, #tpu.memory_space<vmem>> -> memref<128xi32, #tpu.memory_space<vmem>>
        %dma_start3A_98 = arith.constant 0 : i32
        %dma_start3A_99 = arith.constant 0 : i32
        %dma_start3A_100 = tpu.memref_slice %arg2[%dma_start3A_98, %dma_start3A_99] : memref<10240x128xf32, #tpu.memory_space<hbm>> -> memref<10240x128xf32, #tpu.memory_space<hbm>>
        tpu.enqueue_indirect_dma source(%dma_start3A_100 : memref<10240x128xf32, #tpu.memory_space<hbm>>) target(%arg9 : memref<128x128xf32, #tpu.memory_space<vmem>>) offsets(%dma_start3A_97 : memref<128xi32, #tpu.memory_space<vmem>>) semaphore(%arg12 : memref<!tpu.dma_semaphore, #tpu.memory_space<semaphore_mem>>)
        %add3A_101 = arith.constant 1 : i32
        %add3A_102 = arith.addi %add3A_86, %add3A_101 : i32
        %dma_wait3A_103 = arith.constant 0 : i32
        %dma_wait3A_104 = tpu.memref_slice %arg7[%add3A_102, %dma_wait3A_103] : memref<40x128xi32, #tpu.memory_space<vmem>> -> memref<1x128xi32, #tpu.memory_space<vmem>>
        %dma_wait3A_105 = tpu.memref_squeeze %dma_wait3A_104 : memref<1x128xi32, #tpu.memory_space<vmem>> -> memref<128xi32, #tpu.memory_space<vmem>>
        %dma_wait3A_106 = arith.constant 0 : i32
        %dma_wait3A_107 = arith.constant 0 : i32
        %dma_wait3A_108 = tpu.memref_slice %arg2[%dma_wait3A_106, %dma_wait3A_107] : memref<10240x128xf32, #tpu.memory_space<hbm>> -> memref<10240x128xf32, #tpu.memory_space<hbm>>
        tpu.wait_indirect_dma semaphore(%arg13 : memref<!tpu.dma_semaphore, #tpu.memory_space<semaphore_mem>>) src(%dma_wait3A_108 : memref<10240x128xf32, #tpu.memory_space<hbm>>) dst(%arg10 : memref<128x128xf32, #tpu.memory_space<vmem>>)
        %add3A_109 = arith.constant 1 : i32
        %add3A_110 = arith.addi %add3A_86, %add3A_109 : i32
        "tpu.region"() ({
          %run_scoped3A_119 = tpu.sem_alloc : memref<!tpu.dma_semaphore, #tpu.memory_space<semaphore_mem>>
          %dma_start3A_120 = arith.constant 0 : i32
          %dma_start3A_121 = tpu.memref_slice %arg8[%add3A_110, %dma_start3A_120] : memref<40x128xi32, #tpu.memory_space<vmem>> -> memref<1x128xi32, #tpu.memory_space<vmem>>
          %dma_start3A_122 = tpu.memref_squeeze %dma_start3A_121 : memref<1x128xi32, #tpu.memory_space<vmem>> -> memref<128xi32, #tpu.memory_space<vmem>>
          %dma_start3A_123 = arith.constant 0 : i32
          %dma_start3A_124 = arith.constant 0 : i32
          %dma_start3A_125 = tpu.memref_slice %arg11[%dma_start3A_123, %dma_start3A_124] : memref<10240x128xf32, #tpu.memory_space<vmem_shared>> -> memref<10240x128xf32, #tpu.memory_space<vmem_shared>>
          tpu.enqueue_indirect_dma source(%arg10 : memref<128x128xf32, #tpu.memory_space<vmem>>) target(%dma_start3A_125 : memref<10240x128xf32, #tpu.memory_space<vmem_shared>>) offsets(%dma_start3A_122 : memref<128xi32, #tpu.memory_space<vmem>>) semaphore(%run_scoped3A_119 : memref<!tpu.dma_semaphore, #tpu.memory_space<semaphore_mem>>) {add = true}
          %dma_wait3A_126 = arith.constant 0 : i32
          %dma_wait3A_127 = tpu.memref_slice %arg8[%add3A_110, %dma_wait3A_126] : memref<40x128xi32, #tpu.memory_space<vmem>> -> memref<1x128xi32, #tpu.memory_space<vmem>>
          %dma_wait3A_128 = tpu.memref_squeeze %dma_wait3A_127 : memref<1x128xi32, #tpu.memory_space<vmem>> -> memref<128xi32, #tpu.memory_space<vmem>>
          %dma_wait3A_129 = arith.constant 0 : i32
          %dma_wait3A_130 = arith.constant 0 : i32
          %dma_wait3A_131 = tpu.memref_slice %arg11[%dma_wait3A_129, %dma_wait3A_130] : memref<10240x128xf32, #tpu.memory_space<vmem_shared>> -> memref<10240x128xf32, #tpu.memory_space<vmem_shared>>
          tpu.wait_indirect_dma semaphore(%run_scoped3A_119 : memref<!tpu.dma_semaphore, #tpu.memory_space<semaphore_mem>>) src(%arg10 : memref<128x128xf32, #tpu.memory_space<vmem>>) dst(%dma_wait3A_131 : memref<10240x128xf32, #tpu.memory_space<vmem_shared>>)
          tpu.yield
        }) : () -> ()
        %add3A_111 = arith.constant 3 : i32
        %add3A_112 = arith.addi %add3A_86, %add3A_111 : i32
        %dma_start3A_113 = arith.constant 0 : i32
        %dma_start3A_114 = tpu.memref_slice %arg7[%add3A_112, %dma_start3A_113] : memref<40x128xi32, #tpu.memory_space<vmem>> -> memref<1x128xi32, #tpu.memory_space<vmem>>
        %dma_start3A_115 = tpu.memref_squeeze %dma_start3A_114 : memref<1x128xi32, #tpu.memory_space<vmem>> -> memref<128xi32, #tpu.memory_space<vmem>>
        %dma_start3A_116 = arith.constant 0 : i32
        %dma_start3A_117 = arith.constant 0 : i32
        %dma_start3A_118 = tpu.memref_slice %arg2[%dma_start3A_116, %dma_start3A_117] : memref<10240x128xf32, #tpu.memory_space<hbm>> -> memref<10240x128xf32, #tpu.memory_space<hbm>>
        tpu.enqueue_indirect_dma source(%dma_start3A_118 : memref<10240x128xf32, #tpu.memory_space<hbm>>) target(%arg10 : memref<128x128xf32, #tpu.memory_space<vmem>>) offsets(%dma_start3A_115 : memref<128xi32, #tpu.memory_space<vmem>>) semaphore(%arg13 : memref<!tpu.dma_semaphore, #tpu.memory_space<semaphore_mem>>)
      }
      %scan3A_30 = arith.constant 19 : i32
      %dma_wait3A = arith.constant 38 : i32
      %dma_wait3A_31 = arith.constant 0 : i32
      %dma_wait3A_32 = tpu.memref_slice %arg7[%dma_wait3A, %dma_wait3A_31] : memref<40x128xi32, #tpu.memory_space<vmem>> -> memref<1x128xi32, #tpu.memory_space<vmem>>
      %dma_wait3A_33 = tpu.memref_squeeze %dma_wait3A_32 : memref<1x128xi32, #tpu.memory_space<vmem>> -> memref<128xi32, #tpu.memory_space<vmem>>
      %dma_wait3A_34 = arith.constant 0 : i32
      %dma_wait3A_35 = arith.constant 0 : i32
      %dma_wait3A_36 = tpu.memref_slice %arg2[%dma_wait3A_34, %dma_wait3A_35] : memref<10240x128xf32, #tpu.memory_space<hbm>> -> memref<10240x128xf32, #tpu.memory_space<hbm>>
      tpu.wait_indirect_dma semaphore(%arg12 : memref<!tpu.dma_semaphore, #tpu.memory_space<semaphore_mem>>) src(%dma_wait3A_36 : memref<10240x128xf32, #tpu.memory_space<hbm>>) dst(%arg9 : memref<128x128xf32, #tpu.memory_space<vmem>>)
      %run_scoped3A = arith.constant 38 : i32
      "tpu.region"() ({
        %run_scoped3A_82 = tpu.sem_alloc : memref<!tpu.dma_semaphore, #tpu.memory_space<semaphore_mem>>
        %dma_start3A_83 = arith.constant 0 : i32
        %dma_start3A_84 = tpu.memref_slice %arg8[%run_scoped3A, %dma_start3A_83] : memref<40x128xi32, #tpu.memory_space<vmem>> -> memref<1x128xi32, #tpu.memory_space<vmem>>
        %dma_start3A_85 = tpu.memref_squeeze %dma_start3A_84 : memref<1x128xi32, #tpu.memory_space<vmem>> -> memref<128xi32, #tpu.memory_space<vmem>>
        %dma_start3A_86 = arith.constant 0 : i32
        %dma_start3A_87 = arith.constant 0 : i32
        %dma_start3A_88 = tpu.memref_slice %arg11[%dma_start3A_86, %dma_start3A_87] : memref<10240x128xf32, #tpu.memory_space<vmem_shared>> -> memref<10240x128xf32, #tpu.memory_space<vmem_shared>>
        tpu.enqueue_indirect_dma source(%arg9 : memref<128x128xf32, #tpu.memory_space<vmem>>) target(%dma_start3A_88 : memref<10240x128xf32, #tpu.memory_space<vmem_shared>>) offsets(%dma_start3A_85 : memref<128xi32, #tpu.memory_space<vmem>>) semaphore(%run_scoped3A_82 : memref<!tpu.dma_semaphore, #tpu.memory_space<semaphore_mem>>) {add = true}
        %dma_wait3A_89 = arith.constant 0 : i32
        %dma_wait3A_90 = tpu.memref_slice %arg8[%run_scoped3A, %dma_wait3A_89] : memref<40x128xi32, #tpu.memory_space<vmem>> -> memref<1x128xi32, #tpu.memory_space<vmem>>
        %dma_wait3A_91 = tpu.memref_squeeze %dma_wait3A_90 : memref<1x128xi32, #tpu.memory_space<vmem>> -> memref<128xi32, #tpu.memory_space<vmem>>
        %dma_wait3A_92 = arith.constant 0 : i32
        %dma_wait3A_93 = arith.constant 0 : i32
        %dma_wait3A_94 = tpu.memref_slice %arg11[%dma_wait3A_92, %dma_wait3A_93] : memref<10240x128xf32, #tpu.memory_space<vmem_shared>> -> memref<10240x128xf32, #tpu.memory_space<vmem_shared>>
        tpu.wait_indirect_dma semaphore(%run_scoped3A_82 : memref<!tpu.dma_semaphore, #tpu.memory_space<semaphore_mem>>) src(%arg9 : memref<128x128xf32, #tpu.memory_space<vmem>>) dst(%dma_wait3A_94 : memref<10240x128xf32, #tpu.memory_space<vmem_shared>>)
        tpu.yield
      }) : () -> ()
      %dma_wait3A_37 = arith.constant 39 : i32
      %dma_wait3A_38 = arith.constant 0 : i32
      %dma_wait3A_39 = tpu.memref_slice %arg7[%dma_wait3A_37, %dma_wait3A_38] : memref<40x128xi32, #tpu.memory_space<vmem>> -> memref<1x128xi32, #tpu.memory_space<vmem>>
      %dma_wait3A_40 = tpu.memref_squeeze %dma_wait3A_39 : memref<1x128xi32, #tpu.memory_space<vmem>> -> memref<128xi32, #tpu.memory_space<vmem>>
      %dma_wait3A_41 = arith.constant 0 : i32
      %dma_wait3A_42 = arith.constant 0 : i32
      %dma_wait3A_43 = tpu.memref_slice %arg2[%dma_wait3A_41, %dma_wait3A_42] : memref<10240x128xf32, #tpu.memory_space<hbm>> -> memref<10240x128xf32, #tpu.memory_space<hbm>>
      tpu.wait_indirect_dma semaphore(%arg13 : memref<!tpu.dma_semaphore, #tpu.memory_space<semaphore_mem>>) src(%dma_wait3A_43 : memref<10240x128xf32, #tpu.memory_space<hbm>>) dst(%arg10 : memref<128x128xf32, #tpu.memory_space<vmem>>)
      %run_scoped3A_44 = arith.constant 39 : i32
      "tpu.region"() ({
        %run_scoped3A_82 = tpu.sem_alloc : memref<!tpu.dma_semaphore, #tpu.memory_space<semaphore_mem>>
        %dma_start3A_83 = arith.constant 0 : i32
        %dma_start3A_84 = tpu.memref_slice %arg8[%run_scoped3A_44, %dma_start3A_83] : memref<40x128xi32, #tpu.memory_space<vmem>> -> memref<1x128xi32, #tpu.memory_space<vmem>>
        %dma_start3A_85 = tpu.memref_squeeze %dma_start3A_84 : memref<1x128xi32, #tpu.memory_space<vmem>> -> memref<128xi32, #tpu.memory_space<vmem>>
        %dma_start3A_86 = arith.constant 0 : i32
        %dma_start3A_87 = arith.constant 0 : i32
        %dma_start3A_88 = tpu.memref_slice %arg11[%dma_start3A_86, %dma_start3A_87] : memref<10240x128xf32, #tpu.memory_space<vmem_shared>> -> memref<10240x128xf32, #tpu.memory_space<vmem_shared>>
        tpu.enqueue_indirect_dma source(%arg10 : memref<128x128xf32, #tpu.memory_space<vmem>>) target(%dma_start3A_88 : memref<10240x128xf32, #tpu.memory_space<vmem_shared>>) offsets(%dma_start3A_85 : memref<128xi32, #tpu.memory_space<vmem>>) semaphore(%run_scoped3A_82 : memref<!tpu.dma_semaphore, #tpu.memory_space<semaphore_mem>>) {add = true}
        %dma_wait3A_89 = arith.constant 0 : i32
        %dma_wait3A_90 = tpu.memref_slice %arg8[%run_scoped3A_44, %dma_wait3A_89] : memref<40x128xi32, #tpu.memory_space<vmem>> -> memref<1x128xi32, #tpu.memory_space<vmem>>
        %dma_wait3A_91 = tpu.memref_squeeze %dma_wait3A_90 : memref<1x128xi32, #tpu.memory_space<vmem>> -> memref<128xi32, #tpu.memory_space<vmem>>
        %dma_wait3A_92 = arith.constant 0 : i32
        %dma_wait3A_93 = arith.constant 0 : i32
        %dma_wait3A_94 = tpu.memref_slice %arg11[%dma_wait3A_92, %dma_wait3A_93] : memref<10240x128xf32, #tpu.memory_space<vmem_shared>> -> memref<10240x128xf32, #tpu.memory_space<vmem_shared>>
        tpu.wait_indirect_dma semaphore(%run_scoped3A_82 : memref<!tpu.dma_semaphore, #tpu.memory_space<semaphore_mem>>) src(%arg10 : memref<128x128xf32, #tpu.memory_space<vmem>>) dst(%dma_wait3A_94 : memref<10240x128xf32, #tpu.memory_space<vmem_shared>>)
        tpu.yield
      }) : () -> ()
      %add3A_45 = arith.constant 40 : i32
      %add3A_46 = arith.addi %add3A_11, %add3A_45 : i32
      "tpu.region"() ({
        %run_scoped3A_82 = tpu.sem_alloc : memref<!tpu.dma_semaphore, #tpu.memory_space<semaphore_mem>>
        %dma_start3A_83 = arith.constant 0 : i32
        %dma_start3A_84 = tpu.memref_slice %arg3[%add3A_46, %dma_start3A_83] : memref<2560x128xi32, #tpu.memory_space<hbm>> -> memref<40x128xi32, #tpu.memory_space<hbm>>
        %dma_start3A_85 = arith.constant 0 : i32
        %dma_start3A_86 = tpu.memref_slice %arg3[%add3A_46, %dma_start3A_85] : memref<2560x128xi32, #tpu.memory_space<hbm>> -> memref<40x128xi32, #tpu.memory_space<hbm>>
        tpu.enqueue_dma source(%dma_start3A_86 : memref<40x128xi32, #tpu.memory_space<hbm>>) target(%arg7 : memref<40x128xi32, #tpu.memory_space<vmem>>) target_semaphore(%run_scoped3A_82 : memref<!tpu.dma_semaphore, #tpu.memory_space<semaphore_mem>>)
        %dma_wait3A_87 = arith.constant 0 : i32
        %dma_wait3A_88 = tpu.memref_slice %arg3[%add3A_46, %dma_wait3A_87] : memref<2560x128xi32, #tpu.memory_space<hbm>> -> memref<40x128xi32, #tpu.memory_space<hbm>>
        %dma_wait3A_89 = arith.constant 0 : i32
        %dma_wait3A_90 = tpu.memref_slice %arg3[%add3A_46, %dma_wait3A_89] : memref<2560x128xi32, #tpu.memory_space<hbm>> -> memref<40x128xi32, #tpu.memory_space<hbm>>
        tpu.wait_dma2 semaphore(%run_scoped3A_82 : memref<!tpu.dma_semaphore, #tpu.memory_space<semaphore_mem>>) src(%dma_wait3A_90 : memref<40x128xi32, #tpu.memory_space<hbm>>) dst(%arg7 : memref<40x128xi32, #tpu.memory_space<vmem>>)
        tpu.yield
      }) : () -> ()
      "tpu.region"() ({
        %run_scoped3A_82 = tpu.sem_alloc : memref<!tpu.dma_semaphore, #tpu.memory_space<semaphore_mem>>
        %dma_start3A_83 = arith.constant 0 : i32
        %dma_start3A_84 = tpu.memref_slice %arg4[%add3A_46, %dma_start3A_83] : memref<2560x128xi32, #tpu.memory_space<hbm>> -> memref<40x128xi32, #tpu.memory_space<hbm>>
        %dma_start3A_85 = arith.constant 0 : i32
        %dma_start3A_86 = tpu.memref_slice %arg4[%add3A_46, %dma_start3A_85] : memref<2560x128xi32, #tpu.memory_space<hbm>> -> memref<40x128xi32, #tpu.memory_space<hbm>>
        tpu.enqueue_dma source(%dma_start3A_86 : memref<40x128xi32, #tpu.memory_space<hbm>>) target(%arg8 : memref<40x128xi32, #tpu.memory_space<vmem>>) target_semaphore(%run_scoped3A_82 : memref<!tpu.dma_semaphore, #tpu.memory_space<semaphore_mem>>)
        %dma_wait3A_87 = arith.constant 0 : i32
        %dma_wait3A_88 = tpu.memref_slice %arg4[%add3A_46, %dma_wait3A_87] : memref<2560x128xi32, #tpu.memory_space<hbm>> -> memref<40x128xi32, #tpu.memory_space<hbm>>
        %dma_wait3A_89 = arith.constant 0 : i32
        %dma_wait3A_90 = tpu.memref_slice %arg4[%add3A_46, %dma_wait3A_89] : memref<2560x128xi32, #tpu.memory_space<hbm>> -> memref<40x128xi32, #tpu.memory_space<hbm>>
        tpu.wait_dma2 semaphore(%run_scoped3A_82 : memref<!tpu.dma_semaphore, #tpu.memory_space<semaphore_mem>>) src(%dma_wait3A_90 : memref<40x128xi32, #tpu.memory_space<hbm>>) dst(%arg8 : memref<40x128xi32, #tpu.memory_space<vmem>>)
        tpu.yield
      }) : () -> ()
      %dma_start3A_47 = arith.constant 0 : i32
      %dma_start3A_48 = arith.constant 0 : i32
      %dma_start3A_49 = tpu.memref_slice %arg7[%dma_start3A_47, %dma_start3A_48] : memref<40x128xi32, #tpu.memory_space<vmem>> -> memref<1x128xi32, #tpu.memory_space<vmem>>
      %dma_start3A_50 = tpu.memref_squeeze %dma_start3A_49 : memref<1x128xi32, #tpu.memory_space<vmem>> -> memref<128xi32, #tpu.memory_space<vmem>>
      %dma_start3A_51 = arith.constant 0 : i32
      %dma_start3A_52 = arith.constant 0 : i32
      %dma_start3A_53 = tpu.memref_slice %arg2[%dma_start3A_51, %dma_start3A_52] : memref<10240x128xf32, #tpu.memory_space<hbm>> -> memref<10240x128xf32, #tpu.memory_space<hbm>>
      tpu.enqueue_indirect_dma source(%dma_start3A_53 : memref<10240x128xf32, #tpu.memory_space<hbm>>) target(%arg9 : memref<128x128xf32, #tpu.memory_space<vmem>>) offsets(%dma_start3A_50 : memref<128xi32, #tpu.memory_space<vmem>>) semaphore(%arg12 : memref<!tpu.dma_semaphore, #tpu.memory_space<semaphore_mem>>)
      %dma_start3A_54 = arith.constant 1 : i32
      %dma_start3A_55 = arith.constant 0 : i32
      %dma_start3A_56 = tpu.memref_slice %arg7[%dma_start3A_54, %dma_start3A_55] : memref<40x128xi32, #tpu.memory_space<vmem>> -> memref<1x128xi32, #tpu.memory_space<vmem>>
      %dma_start3A_57 = tpu.memref_squeeze %dma_start3A_56 : memref<1x128xi32, #tpu.memory_space<vmem>> -> memref<128xi32, #tpu.memory_space<vmem>>
      %dma_start3A_58 = arith.constant 0 : i32
      %dma_start3A_59 = arith.constant 0 : i32
      %dma_start3A_60 = tpu.memref_slice %arg2[%dma_start3A_58, %dma_start3A_59] : memref<10240x128xf32, #tpu.memory_space<hbm>> -> memref<10240x128xf32, #tpu.memory_space<hbm>>
      tpu.enqueue_indirect_dma source(%dma_start3A_60 : memref<10240x128xf32, #tpu.memory_space<hbm>>) target(%arg10 : memref<128x128xf32, #tpu.memory_space<vmem>>) offsets(%dma_start3A_57 : memref<128xi32, #tpu.memory_space<vmem>>) semaphore(%arg13 : memref<!tpu.dma_semaphore, #tpu.memory_space<semaphore_mem>>)
      %scan3A_61 = arith.constant 0 : i32
      %scan3A_62 = arith.constant 19 : i32
      %scan3A_63 = arith.addi %scan3A_61, %scan3A_62 : i32
      %scan3A_64 = arith.constant 1 : i32
      scf.for %scan3A_82 = %scan3A_61 to %scan3A_63 step %scan3A_64  : i32 {
        %mul3A_83 = arith.constant 2 : i32
        %mul3A_84 = arith.muli %scan3A_82, %mul3A_83 : i32
        %add3A_85 = arith.constant 0 : i32
        %add3A_86 = arith.addi %add3A_85, %mul3A_84 : i32
        %dma_wait3A_87 = arith.constant 0 : i32
        %dma_wait3A_88 = tpu.memref_slice %arg7[%add3A_86, %dma_wait3A_87] : memref<40x128xi32, #tpu.memory_space<vmem>> -> memref<1x128xi32, #tpu.memory_space<vmem>>
        %dma_wait3A_89 = tpu.memref_squeeze %dma_wait3A_88 : memref<1x128xi32, #tpu.memory_space<vmem>> -> memref<128xi32, #tpu.memory_space<vmem>>
        %dma_wait3A_90 = arith.constant 0 : i32
        %dma_wait3A_91 = arith.constant 0 : i32
        %dma_wait3A_92 = tpu.memref_slice %arg2[%dma_wait3A_90, %dma_wait3A_91] : memref<10240x128xf32, #tpu.memory_space<hbm>> -> memref<10240x128xf32, #tpu.memory_space<hbm>>
        tpu.wait_indirect_dma semaphore(%arg12 : memref<!tpu.dma_semaphore, #tpu.memory_space<semaphore_mem>>) src(%dma_wait3A_92 : memref<10240x128xf32, #tpu.memory_space<hbm>>) dst(%arg9 : memref<128x128xf32, #tpu.memory_space<vmem>>)
        "tpu.region"() ({
          %run_scoped3A_119 = tpu.sem_alloc : memref<!tpu.dma_semaphore, #tpu.memory_space<semaphore_mem>>
          %dma_start3A_120 = arith.constant 0 : i32
          %dma_start3A_121 = tpu.memref_slice %arg8[%add3A_86, %dma_start3A_120] : memref<40x128xi32, #tpu.memory_space<vmem>> -> memref<1x128xi32, #tpu.memory_space<vmem>>
          %dma_start3A_122 = tpu.memref_squeeze %dma_start3A_121 : memref<1x128xi32, #tpu.memory_space<vmem>> -> memref<128xi32, #tpu.memory_space<vmem>>
          %dma_start3A_123 = arith.constant 0 : i32
          %dma_start3A_124 = arith.constant 0 : i32
          %dma_start3A_125 = tpu.memref_slice %arg11[%dma_start3A_123, %dma_start3A_124] : memref<10240x128xf32, #tpu.memory_space<vmem_shared>> -> memref<10240x128xf32, #tpu.memory_space<vmem_shared>>
          tpu.enqueue_indirect_dma source(%arg9 : memref<128x128xf32, #tpu.memory_space<vmem>>) target(%dma_start3A_125 : memref<10240x128xf32, #tpu.memory_space<vmem_shared>>) offsets(%dma_start3A_122 : memref<128xi32, #tpu.memory_space<vmem>>) semaphore(%run_scoped3A_119 : memref<!tpu.dma_semaphore, #tpu.memory_space<semaphore_mem>>) {add = true}
          %dma_wait3A_126 = arith.constant 0 : i32
          %dma_wait3A_127 = tpu.memref_slice %arg8[%add3A_86, %dma_wait3A_126] : memref<40x128xi32, #tpu.memory_space<vmem>> -> memref<1x128xi32, #tpu.memory_space<vmem>>
          %dma_wait3A_128 = tpu.memref_squeeze %dma_wait3A_127 : memref<1x128xi32, #tpu.memory_space<vmem>> -> memref<128xi32, #tpu.memory_space<vmem>>
          %dma_wait3A_129 = arith.constant 0 : i32
          %dma_wait3A_130 = arith.constant 0 : i32
          %dma_wait3A_131 = tpu.memref_slice %arg11[%dma_wait3A_129, %dma_wait3A_130] : memref<10240x128xf32, #tpu.memory_space<vmem_shared>> -> memref<10240x128xf32, #tpu.memory_space<vmem_shared>>
          tpu.wait_indirect_dma semaphore(%run_scoped3A_119 : memref<!tpu.dma_semaphore, #tpu.memory_space<semaphore_mem>>) src(%arg9 : memref<128x128xf32, #tpu.memory_space<vmem>>) dst(%dma_wait3A_131 : memref<10240x128xf32, #tpu.memory_space<vmem_shared>>)
          tpu.yield
        }) : () -> ()
        %add3A_93 = arith.constant 2 : i32
        %add3A_94 = arith.addi %add3A_86, %add3A_93 : i32
        %dma_start3A_95 = arith.constant 0 : i32
        %dma_start3A_96 = tpu.memref_slice %arg7[%add3A_94, %dma_start3A_95] : memref<40x128xi32, #tpu.memory_space<vmem>> -> memref<1x128xi32, #tpu.memory_space<vmem>>
        %dma_start3A_97 = tpu.memref_squeeze %dma_start3A_96 : memref<1x128xi32, #tpu.memory_space<vmem>> -> memref<128xi32, #tpu.memory_space<vmem>>
        %dma_start3A_98 = arith.constant 0 : i32
        %dma_start3A_99 = arith.constant 0 : i32
        %dma_start3A_100 = tpu.memref_slice %arg2[%dma_start3A_98, %dma_start3A_99] : memref<10240x128xf32, #tpu.memory_space<hbm>> -> memref<10240x128xf32, #tpu.memory_space<hbm>>
        tpu.enqueue_indirect_dma source(%dma_start3A_100 : memref<10240x128xf32, #tpu.memory_space<hbm>>) target(%arg9 : memref<128x128xf32, #tpu.memory_space<vmem>>) offsets(%dma_start3A_97 : memref<128xi32, #tpu.memory_space<vmem>>) semaphore(%arg12 : memref<!tpu.dma_semaphore, #tpu.memory_space<semaphore_mem>>)
        %add3A_101 = arith.constant 1 : i32
        %add3A_102 = arith.addi %add3A_86, %add3A_101 : i32
        %dma_wait3A_103 = arith.constant 0 : i32
        %dma_wait3A_104 = tpu.memref_slice %arg7[%add3A_102, %dma_wait3A_103] : memref<40x128xi32, #tpu.memory_space<vmem>> -> memref<1x128xi32, #tpu.memory_space<vmem>>
        %dma_wait3A_105 = tpu.memref_squeeze %dma_wait3A_104 : memref<1x128xi32, #tpu.memory_space<vmem>> -> memref<128xi32, #tpu.memory_space<vmem>>
        %dma_wait3A_106 = arith.constant 0 : i32
        %dma_wait3A_107 = arith.constant 0 : i32
        %dma_wait3A_108 = tpu.memref_slice %arg2[%dma_wait3A_106, %dma_wait3A_107] : memref<10240x128xf32, #tpu.memory_space<hbm>> -> memref<10240x128xf32, #tpu.memory_space<hbm>>
        tpu.wait_indirect_dma semaphore(%arg13 : memref<!tpu.dma_semaphore, #tpu.memory_space<semaphore_mem>>) src(%dma_wait3A_108 : memref<10240x128xf32, #tpu.memory_space<hbm>>) dst(%arg10 : memref<128x128xf32, #tpu.memory_space<vmem>>)
        %add3A_109 = arith.constant 1 : i32
        %add3A_110 = arith.addi %add3A_86, %add3A_109 : i32
        "tpu.region"() ({
          %run_scoped3A_119 = tpu.sem_alloc : memref<!tpu.dma_semaphore, #tpu.memory_space<semaphore_mem>>
          %dma_start3A_120 = arith.constant 0 : i32
          %dma_start3A_121 = tpu.memref_slice %arg8[%add3A_110, %dma_start3A_120] : memref<40x128xi32, #tpu.memory_space<vmem>> -> memref<1x128xi32, #tpu.memory_space<vmem>>
          %dma_start3A_122 = tpu.memref_squeeze %dma_start3A_121 : memref<1x128xi32, #tpu.memory_space<vmem>> -> memref<128xi32, #tpu.memory_space<vmem>>
          %dma_start3A_123 = arith.constant 0 : i32
          %dma_start3A_124 = arith.constant 0 : i32
          %dma_start3A_125 = tpu.memref_slice %arg11[%dma_start3A_123, %dma_start3A_124] : memref<10240x128xf32, #tpu.memory_space<vmem_shared>> -> memref<10240x128xf32, #tpu.memory_space<vmem_shared>>
          tpu.enqueue_indirect_dma source(%arg10 : memref<128x128xf32, #tpu.memory_space<vmem>>) target(%dma_start3A_125 : memref<10240x128xf32, #tpu.memory_space<vmem_shared>>) offsets(%dma_start3A_122 : memref<128xi32, #tpu.memory_space<vmem>>) semaphore(%run_scoped3A_119 : memref<!tpu.dma_semaphore, #tpu.memory_space<semaphore_mem>>) {add = true}
          %dma_wait3A_126 = arith.constant 0 : i32
          %dma_wait3A_127 = tpu.memref_slice %arg8[%add3A_110, %dma_wait3A_126] : memref<40x128xi32, #tpu.memory_space<vmem>> -> memref<1x128xi32, #tpu.memory_space<vmem>>
          %dma_wait3A_128 = tpu.memref_squeeze %dma_wait3A_127 : memref<1x128xi32, #tpu.memory_space<vmem>> -> memref<128xi32, #tpu.memory_space<vmem>>
          %dma_wait3A_129 = arith.constant 0 : i32
          %dma_wait3A_130 = arith.constant 0 : i32
          %dma_wait3A_131 = tpu.memref_slice %arg11[%dma_wait3A_129, %dma_wait3A_130] : memref<10240x128xf32, #tpu.memory_space<vmem_shared>> -> memref<10240x128xf32, #tpu.memory_space<vmem_shared>>
          tpu.wait_indirect_dma semaphore(%run_scoped3A_119 : memref<!tpu.dma_semaphore, #tpu.memory_space<semaphore_mem>>) src(%arg10 : memref<128x128xf32, #tpu.memory_space<vmem>>) dst(%dma_wait3A_131 : memref<10240x128xf32, #tpu.memory_space<vmem_shared>>)
          tpu.yield
        }) : () -> ()
        %add3A_111 = arith.constant 3 : i32
        %add3A_112 = arith.addi %add3A_86, %add3A_111 : i32
        %dma_start3A_113 = arith.constant 0 : i32
        %dma_start3A_114 = tpu.memref_slice %arg7[%add3A_112, %dma_start3A_113] : memref<40x128xi32, #tpu.memory_space<vmem>> -> memref<1x128xi32, #tpu.memory_space<vmem>>
        %dma_start3A_115 = tpu.memref_squeeze %dma_start3A_114 : memref<1x128xi32, #tpu.memory_space<vmem>> -> memref<128xi32, #tpu.memory_space<vmem>>
        %dma_start3A_116 = arith.constant 0 : i32
        %dma_start3A_117 = arith.constant 0 : i32
        %dma_start3A_118 = tpu.memref_slice %arg2[%dma_start3A_116, %dma_start3A_117] : memref<10240x128xf32, #tpu.memory_space<hbm>> -> memref<10240x128xf32, #tpu.memory_space<hbm>>
        tpu.enqueue_indirect_dma source(%dma_start3A_118 : memref<10240x128xf32, #tpu.memory_space<hbm>>) target(%arg10 : memref<128x128xf32, #tpu.memory_space<vmem>>) offsets(%dma_start3A_115 : memref<128xi32, #tpu.memory_space<vmem>>) semaphore(%arg13 : memref<!tpu.dma_semaphore, #tpu.memory_space<semaphore_mem>>)
      }
      %scan3A_65 = arith.constant 19 : i32
      %dma_wait3A_66 = arith.constant 38 : i32
      %dma_wait3A_67 = arith.constant 0 : i32
      %dma_wait3A_68 = tpu.memref_slice %arg7[%dma_wait3A_66, %dma_wait3A_67] : memref<40x128xi32, #tpu.memory_space<vmem>> -> memref<1x128xi32, #tpu.memory_space<vmem>>
      %dma_wait3A_69 = tpu.memref_squeeze %dma_wait3A_68 : memref<1x128xi32, #tpu.memory_space<vmem>> -> memref<128xi32, #tpu.memory_space<vmem>>
      %dma_wait3A_70 = arith.constant 0 : i32
      %dma_wait3A_71 = arith.constant 0 : i32
      %dma_wait3A_72 = tpu.memref_slice %arg2[%dma_wait3A_70, %dma_wait3A_71] : memref<10240x128xf32, #tpu.memory_space<hbm>> -> memref<10240x128xf32, #tpu.memory_space<hbm>>
      tpu.wait_indirect_dma semaphore(%arg12 : memref<!tpu.dma_semaphore, #tpu.memory_space<semaphore_mem>>) src(%dma_wait3A_72 : memref<10240x128xf32, #tpu.memory_space<hbm>>) dst(%arg9 : memref<128x128xf32, #tpu.memory_space<vmem>>)
      %run_scoped3A_73 = arith.constant 38 : i32
      "tpu.region"() ({
        %run_scoped3A_82 = tpu.sem_alloc : memref<!tpu.dma_semaphore, #tpu.memory_space<semaphore_mem>>
        %dma_start3A_83 = arith.constant 0 : i32
        %dma_start3A_84 = tpu.memref_slice %arg8[%run_scoped3A_73, %dma_start3A_83] : memref<40x128xi32, #tpu.memory_space<vmem>> -> memref<1x128xi32, #tpu.memory_space<vmem>>
        %dma_start3A_85 = tpu.memref_squeeze %dma_start3A_84 : memref<1x128xi32, #tpu.memory_space<vmem>> -> memref<128xi32, #tpu.memory_space<vmem>>
        %dma_start3A_86 = arith.constant 0 : i32
        %dma_start3A_87 = arith.constant 0 : i32
        %dma_start3A_88 = tpu.memref_slice %arg11[%dma_start3A_86, %dma_start3A_87] : memref<10240x128xf32, #tpu.memory_space<vmem_shared>> -> memref<10240x128xf32, #tpu.memory_space<vmem_shared>>
        tpu.enqueue_indirect_dma source(%arg9 : memref<128x128xf32, #tpu.memory_space<vmem>>) target(%dma_start3A_88 : memref<10240x128xf32, #tpu.memory_space<vmem_shared>>) offsets(%dma_start3A_85 : memref<128xi32, #tpu.memory_space<vmem>>) semaphore(%run_scoped3A_82 : memref<!tpu.dma_semaphore, #tpu.memory_space<semaphore_mem>>) {add = true}
        %dma_wait3A_89 = arith.constant 0 : i32
        %dma_wait3A_90 = tpu.memref_slice %arg8[%run_scoped3A_73, %dma_wait3A_89] : memref<40x128xi32, #tpu.memory_space<vmem>> -> memref<1x128xi32, #tpu.memory_space<vmem>>
        %dma_wait3A_91 = tpu.memref_squeeze %dma_wait3A_90 : memref<1x128xi32, #tpu.memory_space<vmem>> -> memref<128xi32, #tpu.memory_space<vmem>>
        %dma_wait3A_92 = arith.constant 0 : i32
        %dma_wait3A_93 = arith.constant 0 : i32
        %dma_wait3A_94 = tpu.memref_slice %arg11[%dma_wait3A_92, %dma_wait3A_93] : memref<10240x128xf32, #tpu.memory_space<vmem_shared>> -> memref<10240x128xf32, #tpu.memory_space<vmem_shared>>
        tpu.wait_indirect_dma semaphore(%run_scoped3A_82 : memref<!tpu.dma_semaphore, #tpu.memory_space<semaphore_mem>>) src(%arg9 : memref<128x128xf32, #tpu.memory_space<vmem>>) dst(%dma_wait3A_94 : memref<10240x128xf32, #tpu.memory_space<vmem_shared>>)
        tpu.yield
      }) : () -> ()
      %dma_wait3A_74 = arith.constant 39 : i32
      %dma_wait3A_75 = arith.constant 0 : i32
      %dma_wait3A_76 = tpu.memref_slice %arg7[%dma_wait3A_74, %dma_wait3A_75] : memref<40x128xi32, #tpu.memory_space<vmem>> -> memref<1x128xi32, #tpu.memory_space<vmem>>
      %dma_wait3A_77 = tpu.memref_squeeze %dma_wait3A_76 : memref<1x128xi32, #tpu.memory_space<vmem>> -> memref<128xi32, #tpu.memory_space<vmem>>
      %dma_wait3A_78 = arith.constant 0 : i32
      %dma_wait3A_79 = arith.constant 0 : i32
      %dma_wait3A_80 = tpu.memref_slice %arg2[%dma_wait3A_78, %dma_wait3A_79] : memref<10240x128xf32, #tpu.memory_space<hbm>> -> memref<10240x128xf32, #tpu.memory_space<hbm>>
      tpu.wait_indirect_dma semaphore(%arg13 : memref<!tpu.dma_semaphore, #tpu.memory_space<semaphore_mem>>) src(%dma_wait3A_80 : memref<10240x128xf32, #tpu.memory_space<hbm>>) dst(%arg10 : memref<128x128xf32, #tpu.memory_space<vmem>>)
      %run_scoped3A_81 = arith.constant 39 : i32
      "tpu.region"() ({
        %run_scoped3A_82 = tpu.sem_alloc : memref<!tpu.dma_semaphore, #tpu.memory_space<semaphore_mem>>
        %dma_start3A_83 = arith.constant 0 : i32
        %dma_start3A_84 = tpu.memref_slice %arg8[%run_scoped3A_81, %dma_start3A_83] : memref<40x128xi32, #tpu.memory_space<vmem>> -> memref<1x128xi32, #tpu.memory_space<vmem>>
        %dma_start3A_85 = tpu.memref_squeeze %dma_start3A_84 : memref<1x128xi32, #tpu.memory_space<vmem>> -> memref<128xi32, #tpu.memory_space<vmem>>
        %dma_start3A_86 = arith.constant 0 : i32
        %dma_start3A_87 = arith.constant 0 : i32
        %dma_start3A_88 = tpu.memref_slice %arg11[%dma_start3A_86, %dma_start3A_87] : memref<10240x128xf32, #tpu.memory_space<vmem_shared>> -> memref<10240x128xf32, #tpu.memory_space<vmem_shared>>
        tpu.enqueue_indirect_dma source(%arg10 : memref<128x128xf32, #tpu.memory_space<vmem>>) target(%dma_start3A_88 : memref<10240x128xf32, #tpu.memory_space<vmem_shared>>) offsets(%dma_start3A_85 : memref<128xi32, #tpu.memory_space<vmem>>) semaphore(%run_scoped3A_82 : memref<!tpu.dma_semaphore, #tpu.memory_space<semaphore_mem>>) {add = true}
        %dma_wait3A_89 = arith.constant 0 : i32
        %dma_wait3A_90 = tpu.memref_slice %arg8[%run_scoped3A_81, %dma_wait3A_89] : memref<40x128xi32, #tpu.memory_space<vmem>> -> memref<1x128xi32, #tpu.memory_space<vmem>>
        %dma_wait3A_91 = tpu.memref_squeeze %dma_wait3A_90 : memref<1x128xi32, #tpu.memory_space<vmem>> -> memref<128xi32, #tpu.memory_space<vmem>>
        %dma_wait3A_92 = arith.constant 0 : i32
        %dma_wait3A_93 = arith.constant 0 : i32
        %dma_wait3A_94 = tpu.memref_slice %arg11[%dma_wait3A_92, %dma_wait3A_93] : memref<10240x128xf32, #tpu.memory_space<vmem_shared>> -> memref<10240x128xf32, #tpu.memory_space<vmem_shared>>
        tpu.wait_indirect_dma semaphore(%run_scoped3A_82 : memref<!tpu.dma_semaphore, #tpu.memory_space<semaphore_mem>>) src(%arg10 : memref<128x128xf32, #tpu.memory_space<vmem>>) dst(%dma_wait3A_94 : memref<10240x128xf32, #tpu.memory_space<vmem_shared>>)
        tpu.yield
      }) : () -> ()
    } else {
    }
    %barrier3A_8 = arith.constant 0 : index
    tpu.barrier barrier_id(%barrier3A_8)
    "tpu.region"() ({
      %run_scoped3A = tpu.sem_alloc : memref<!tpu.dma_semaphore, #tpu.memory_space<semaphore_mem>>
      %dma_start3A = arith.constant 0 : i32
      %dma_start3A_9 = arith.constant 0 : i32
      %dma_start3A_10 = tpu.memref_slice %arg6[%arg0, %dma_start3A, %dma_start3A_9] : memref<2x10240x128xf32, #tpu.memory_space<hbm>> -> memref<1x10240x128xf32, #tpu.memory_space<hbm>>
      %dma_start3A_11 = tpu.memref_squeeze %dma_start3A_10 : memref<1x10240x128xf32, #tpu.memory_space<hbm>> -> memref<10240x128xf32, #tpu.memory_space<hbm>>
      %dma_start3A_12 = arith.constant 0 : i32
      %dma_start3A_13 = tpu.memref_slice %dma_start3A_11[%mul3A_0, %dma_start3A_12] : memref<10240x128xf32, #tpu.memory_space<hbm>> -> memref<640x128xf32, #tpu.memory_space<hbm>>
      %dma_start3A_14 = arith.constant 0 : i32
      %dma_start3A_15 = tpu.memref_slice %arg11[%mul3A_0, %dma_start3A_14] : memref<10240x128xf32, #tpu.memory_space<vmem_shared>> -> memref<640x128xf32, #tpu.memory_space<vmem_shared>>
      tpu.enqueue_dma source(%dma_start3A_15 : memref<640x128xf32, #tpu.memory_space<vmem_shared>>) target(%dma_start3A_13 : memref<640x128xf32, #tpu.memory_space<hbm>>) target_semaphore(%run_scoped3A : memref<!tpu.dma_semaphore, #tpu.memory_space<semaphore_mem>>)
      %dma_wait3A = arith.constant 0 : i32
      %dma_wait3A_16 = arith.constant 0 : i32
      %dma_wait3A_17 = tpu.memref_slice %arg6[%arg0, %dma_wait3A, %dma_wait3A_16] : memref<2x10240x128xf32, #tpu.memory_space<hbm>> -> memref<1x10240x128xf32, #tpu.memory_space<hbm>>
      %dma_wait3A_18 = tpu.memref_squeeze %dma_wait3A_17 : memref<1x10240x128xf32, #tpu.memory_space<hbm>> -> memref<10240x128xf32, #tpu.memory_space<hbm>>
      %dma_wait3A_19 = arith.constant 0 : i32
      %dma_wait3A_20 = tpu.memref_slice %dma_wait3A_18[%mul3A_0, %dma_wait3A_19] : memref<10240x128xf32, #tpu.memory_space<hbm>> -> memref<640x128xf32, #tpu.memory_space<hbm>>
      %dma_wait3A_21 = arith.constant 0 : i32
      %dma_wait3A_22 = tpu.memref_slice %arg11[%mul3A_0, %dma_wait3A_21] : memref<10240x128xf32, #tpu.memory_space<vmem_shared>> -> memref<640x128xf32, #tpu.memory_space<vmem_shared>>
      tpu.wait_dma2 semaphore(%run_scoped3A : memref<!tpu.dma_semaphore, #tpu.memory_space<semaphore_mem>>) src(%dma_wait3A_22 : memref<640x128xf32, #tpu.memory_space<vmem_shared>>) dst(%dma_wait3A_20 : memref<640x128xf32, #tpu.memory_space<hbm>>)
      tpu.yield
    }) : () -> ()
    return
  }
}

#map = affine_map<(d0, d1) -> (0, 0)>
#map1 = affine_map<(d0, d1) -> (0, 0, 0)>
module attributes {stable_mosaic.version = 14 : i64} {
  func.func @_sc_scatter(%arg0: i32, %arg1: i32, %arg2: memref<10240x128xf32, #tpu.memory_space<hbm>>, %arg3: memref<2560x128xi32, #tpu.memory_space<hbm>>, %arg4: memref<2560x128xi32, #tpu.memory_space<hbm>>, %arg5: memref<640x128xf32, #tpu.memory_space<hbm>>, %arg6: memref<2x10240x128xf32, #tpu.memory_space<hbm>>, %arg7: memref<40x128xi32, #tpu.memory_space<vmem>>, %arg8: memref<40x128xi32, #tpu.memory_space<vmem>>, %arg9: memref<128x128xf32, #tpu.memory_space<vmem>>, %arg10: memref<128x128xf32, #tpu.memory_space<vmem>>, %arg11: memref<10240x128xf32, #tpu.memory_space<vmem_shared>>, %arg12: memref<!tpu.dma_semaphore, #tpu.memory_space<semaphore_mem>>, %arg13: memref<!tpu.dma_semaphore, #tpu.memory_space<semaphore_mem>>) attributes {dimension_semantics = [#tpu.dimension_semantics<core_parallel>, #tpu.dimension_semantics<subcore_parallel>], iteration_bounds = array<i64: 2, 16>, scalar_prefetch = 0 : i64, scratch_operands = 7 : i64, tpu.core_type = #tpu.core_type<sc_vector_subcore>, window_params = [{transform_indices = #map}, {transform_indices = #map}, {transform_indices = #map}, {transform_indices = #map}, {transform_indices = #map1}]} {
    %mul3A = arith.constant 640 : i32
    %mul3A_0 = arith.muli %arg1, %mul3A : i32
    "tpu.region"() ({
      %run_scoped3A = tpu.sem_alloc : memref<!tpu.dma_semaphore, #tpu.memory_space<semaphore_mem>>
      %dma_start3A = arith.constant 0 : i32
      %dma_start3A_9 = tpu.memref_slice %arg11[%mul3A_0, %dma_start3A] : memref<10240x128xf32, #tpu.memory_space<vmem_shared>> -> memref<640x128xf32, #tpu.memory_space<vmem_shared>>
      tpu.enqueue_dma source(%arg5 : memref<640x128xf32, #tpu.memory_space<hbm>>) target(%dma_start3A_9 : memref<640x128xf32, #tpu.memory_space<vmem_shared>>) target_semaphore(%run_scoped3A : memref<!tpu.dma_semaphore, #tpu.memory_space<semaphore_mem>>)
      %dma_wait3A = arith.constant 0 : i32
      %dma_wait3A_10 = tpu.memref_slice %arg11[%mul3A_0, %dma_wait3A] : memref<10240x128xf32, #tpu.memory_space<vmem_shared>> -> memref<640x128xf32, #tpu.memory_space<vmem_shared>>
      tpu.wait_dma2 semaphore(%run_scoped3A : memref<!tpu.dma_semaphore, #tpu.memory_space<semaphore_mem>>) src(%arg5 : memref<640x128xf32, #tpu.memory_space<hbm>>) dst(%dma_wait3A_10 : memref<640x128xf32, #tpu.memory_space<vmem_shared>>)
      tpu.yield
    }) : () -> ()
    %barrier3A = arith.constant 0 : index
    tpu.barrier barrier_id(%barrier3A)
    %eq3A = arith.constant 0 : i32
    %eq3A_1 = arith.cmpi eq, %arg0, %eq3A : i32
    %convert_element_type3A = arith.extui %eq3A_1 : i1 to i32
    %cond3A = arith.constant 0 : i32
    %cond3A_2 = arith.cmpi ne, %convert_element_type3A, %cond3A : i32
    scf.if %cond3A_2 {
      %mul3A_9 = arith.constant 80 : i32
      %mul3A_10 = arith.muli %arg1, %mul3A_9 : i32
      %add3A = arith.constant 0 : i32
      %add3A_11 = arith.addi %mul3A_10, %add3A : i32
      "tpu.region"() ({
        %run_scoped3A_80 = tpu.sem_alloc : memref<!tpu.dma_semaphore, #tpu.memory_space<semaphore_mem>>
        %dma_start3A_81 = arith.constant 0 : i32
        %dma_start3A_82 = tpu.memref_slice %arg3[%add3A_11, %dma_start3A_81] : memref<2560x128xi32, #tpu.memory_space<hbm>> -> memref<40x128xi32, #tpu.memory_space<hbm>>
        %dma_start3A_83 = arith.constant 0 : i32
        %dma_start3A_84 = tpu.memref_slice %arg3[%add3A_11, %dma_start3A_83] : memref<2560x128xi32, #tpu.memory_space<hbm>> -> memref<40x128xi32, #tpu.memory_space<hbm>>
        tpu.enqueue_dma source(%dma_start3A_84 : memref<40x128xi32, #tpu.memory_space<hbm>>) target(%arg7 : memref<40x128xi32, #tpu.memory_space<vmem>>) target_semaphore(%run_scoped3A_80 : memref<!tpu.dma_semaphore, #tpu.memory_space<semaphore_mem>>)
        %dma_wait3A_85 = arith.constant 0 : i32
        %dma_wait3A_86 = tpu.memref_slice %arg3[%add3A_11, %dma_wait3A_85] : memref<2560x128xi32, #tpu.memory_space<hbm>> -> memref<40x128xi32, #tpu.memory_space<hbm>>
        %dma_wait3A_87 = arith.constant 0 : i32
        %dma_wait3A_88 = tpu.memref_slice %arg3[%add3A_11, %dma_wait3A_87] : memref<2560x128xi32, #tpu.memory_space<hbm>> -> memref<40x128xi32, #tpu.memory_space<hbm>>
        tpu.wait_dma2 semaphore(%run_scoped3A_80 : memref<!tpu.dma_semaphore, #tpu.memory_space<semaphore_mem>>) src(%dma_wait3A_88 : memref<40x128xi32, #tpu.memory_space<hbm>>) dst(%arg7 : memref<40x128xi32, #tpu.memory_space<vmem>>)
        tpu.yield
      }) : () -> ()
      "tpu.region"() ({
        %run_scoped3A_80 = tpu.sem_alloc : memref<!tpu.dma_semaphore, #tpu.memory_space<semaphore_mem>>
        %dma_start3A_81 = arith.constant 0 : i32
        %dma_start3A_82 = tpu.memref_slice %arg4[%add3A_11, %dma_start3A_81] : memref<2560x128xi32, #tpu.memory_space<hbm>> -> memref<40x128xi32, #tpu.memory_space<hbm>>
        %dma_start3A_83 = arith.constant 0 : i32
        %dma_start3A_84 = tpu.memref_slice %arg4[%add3A_11, %dma_start3A_83] : memref<2560x128xi32, #tpu.memory_space<hbm>> -> memref<40x128xi32, #tpu.memory_space<hbm>>
        tpu.enqueue_dma source(%dma_start3A_84 : memref<40x128xi32, #tpu.memory_space<hbm>>) target(%arg8 : memref<40x128xi32, #tpu.memory_space<vmem>>) target_semaphore(%run_scoped3A_80 : memref<!tpu.dma_semaphore, #tpu.memory_space<semaphore_mem>>)
        %dma_wait3A_85 = arith.constant 0 : i32
        %dma_wait3A_86 = tpu.memref_slice %arg4[%add3A_11, %dma_wait3A_85] : memref<2560x128xi32, #tpu.memory_space<hbm>> -> memref<40x128xi32, #tpu.memory_space<hbm>>
        %dma_wait3A_87 = arith.constant 0 : i32
        %dma_wait3A_88 = tpu.memref_slice %arg4[%add3A_11, %dma_wait3A_87] : memref<2560x128xi32, #tpu.memory_space<hbm>> -> memref<40x128xi32, #tpu.memory_space<hbm>>
        tpu.wait_dma2 semaphore(%run_scoped3A_80 : memref<!tpu.dma_semaphore, #tpu.memory_space<semaphore_mem>>) src(%dma_wait3A_88 : memref<40x128xi32, #tpu.memory_space<hbm>>) dst(%arg8 : memref<40x128xi32, #tpu.memory_space<vmem>>)
        tpu.yield
      }) : () -> ()
      %dma_start3A = arith.constant 0 : i32
      %dma_start3A_12 = arith.constant 0 : i32
      %dma_start3A_13 = tpu.memref_slice %arg7[%dma_start3A, %dma_start3A_12] : memref<40x128xi32, #tpu.memory_space<vmem>> -> memref<1x128xi32, #tpu.memory_space<vmem>>
      %dma_start3A_14 = tpu.memref_squeeze %dma_start3A_13 : memref<1x128xi32, #tpu.memory_space<vmem>> -> memref<128xi32, #tpu.memory_space<vmem>>
      %dma_start3A_15 = arith.constant 0 : i32
      %dma_start3A_16 = arith.constant 0 : i32
      %dma_start3A_17 = tpu.memref_slice %arg2[%dma_start3A_15, %dma_start3A_16] : memref<10240x128xf32, #tpu.memory_space<hbm>> -> memref<10240x128xf32, #tpu.memory_space<hbm>>
      tpu.enqueue_indirect_dma source(%dma_start3A_17 : memref<10240x128xf32, #tpu.memory_space<hbm>>) target(%arg9 : memref<128x128xf32, #tpu.memory_space<vmem>>) offsets(%dma_start3A_14 : memref<128xi32, #tpu.memory_space<vmem>>) semaphore(%arg12 : memref<!tpu.dma_semaphore, #tpu.memory_space<semaphore_mem>>)
      %dma_start3A_18 = arith.constant 1 : i32
      %dma_start3A_19 = arith.constant 0 : i32
      %dma_start3A_20 = tpu.memref_slice %arg7[%dma_start3A_18, %dma_start3A_19] : memref<40x128xi32, #tpu.memory_space<vmem>> -> memref<1x128xi32, #tpu.memory_space<vmem>>
      %dma_start3A_21 = tpu.memref_squeeze %dma_start3A_20 : memref<1x128xi32, #tpu.memory_space<vmem>> -> memref<128xi32, #tpu.memory_space<vmem>>
      %dma_start3A_22 = arith.constant 0 : i32
      %dma_start3A_23 = arith.constant 0 : i32
      %dma_start3A_24 = tpu.memref_slice %arg2[%dma_start3A_22, %dma_start3A_23] : memref<10240x128xf32, #tpu.memory_space<hbm>> -> memref<10240x128xf32, #tpu.memory_space<hbm>>
      tpu.enqueue_indirect_dma source(%dma_start3A_24 : memref<10240x128xf32, #tpu.memory_space<hbm>>) target(%arg10 : memref<128x128xf32, #tpu.memory_space<vmem>>) offsets(%dma_start3A_21 : memref<128xi32, #tpu.memory_space<vmem>>) semaphore(%arg13 : memref<!tpu.dma_semaphore, #tpu.memory_space<semaphore_mem>>)
      %scan3A = arith.constant 0 : i32
      %scan3A_25 = arith.constant 19 : i32
      %scan3A_26 = arith.addi %scan3A, %scan3A_25 : i32
      %scan3A_27 = arith.constant 1 : i32
      scf.for %scan3A_80 = %scan3A to %scan3A_26 step %scan3A_27  : i32 {
        %mul3A_81 = arith.constant 2 : i32
        %mul3A_82 = arith.muli %scan3A_80, %mul3A_81 : i32
        %add3A_83 = arith.constant 0 : i32
        %add3A_84 = arith.addi %add3A_83, %mul3A_82 : i32
        %dma_wait3A_85 = arith.constant 0 : i32
        %dma_wait3A_86 = tpu.memref_slice %arg7[%add3A_84, %dma_wait3A_85] : memref<40x128xi32, #tpu.memory_space<vmem>> -> memref<1x128xi32, #tpu.memory_space<vmem>>
        %dma_wait3A_87 = tpu.memref_squeeze %dma_wait3A_86 : memref<1x128xi32, #tpu.memory_space<vmem>> -> memref<128xi32, #tpu.memory_space<vmem>>
        %dma_wait3A_88 = arith.constant 0 : i32
        %dma_wait3A_89 = arith.constant 0 : i32
        %dma_wait3A_90 = tpu.memref_slice %arg2[%dma_wait3A_88, %dma_wait3A_89] : memref<10240x128xf32, #tpu.memory_space<hbm>> -> memref<10240x128xf32, #tpu.memory_space<hbm>>
        tpu.wait_indirect_dma semaphore(%arg12 : memref<!tpu.dma_semaphore, #tpu.memory_space<semaphore_mem>>) src(%dma_wait3A_90 : memref<10240x128xf32, #tpu.memory_space<hbm>>) dst(%arg9 : memref<128x128xf32, #tpu.memory_space<vmem>>)
        "tpu.region"() ({
          %run_scoped3A_117 = tpu.sem_alloc : memref<!tpu.dma_semaphore, #tpu.memory_space<semaphore_mem>>
          %dma_start3A_118 = arith.constant 0 : i32
          %dma_start3A_119 = tpu.memref_slice %arg8[%add3A_84, %dma_start3A_118] : memref<40x128xi32, #tpu.memory_space<vmem>> -> memref<1x128xi32, #tpu.memory_space<vmem>>
          %dma_start3A_120 = tpu.memref_squeeze %dma_start3A_119 : memref<1x128xi32, #tpu.memory_space<vmem>> -> memref<128xi32, #tpu.memory_space<vmem>>
          %dma_start3A_121 = arith.constant 0 : i32
          %dma_start3A_122 = arith.constant 0 : i32
          %dma_start3A_123 = tpu.memref_slice %arg11[%dma_start3A_121, %dma_start3A_122] : memref<10240x128xf32, #tpu.memory_space<vmem_shared>> -> memref<10240x128xf32, #tpu.memory_space<vmem_shared>>
          tpu.enqueue_indirect_dma source(%arg9 : memref<128x128xf32, #tpu.memory_space<vmem>>) target(%dma_start3A_123 : memref<10240x128xf32, #tpu.memory_space<vmem_shared>>) offsets(%dma_start3A_120 : memref<128xi32, #tpu.memory_space<vmem>>) semaphore(%run_scoped3A_117 : memref<!tpu.dma_semaphore, #tpu.memory_space<semaphore_mem>>) {add = true}
          %dma_wait3A_124 = arith.constant 0 : i32
          %dma_wait3A_125 = tpu.memref_slice %arg8[%add3A_84, %dma_wait3A_124] : memref<40x128xi32, #tpu.memory_space<vmem>> -> memref<1x128xi32, #tpu.memory_space<vmem>>
          %dma_wait3A_126 = tpu.memref_squeeze %dma_wait3A_125 : memref<1x128xi32, #tpu.memory_space<vmem>> -> memref<128xi32, #tpu.memory_space<vmem>>
          %dma_wait3A_127 = arith.constant 0 : i32
          %dma_wait3A_128 = arith.constant 0 : i32
          %dma_wait3A_129 = tpu.memref_slice %arg11[%dma_wait3A_127, %dma_wait3A_128] : memref<10240x128xf32, #tpu.memory_space<vmem_shared>> -> memref<10240x128xf32, #tpu.memory_space<vmem_shared>>
          tpu.wait_indirect_dma semaphore(%run_scoped3A_117 : memref<!tpu.dma_semaphore, #tpu.memory_space<semaphore_mem>>) src(%arg9 : memref<128x128xf32, #tpu.memory_space<vmem>>) dst(%dma_wait3A_129 : memref<10240x128xf32, #tpu.memory_space<vmem_shared>>)
          tpu.yield
        }) : () -> ()
        %add3A_91 = arith.constant 2 : i32
        %add3A_92 = arith.addi %add3A_84, %add3A_91 : i32
        %dma_start3A_93 = arith.constant 0 : i32
        %dma_start3A_94 = tpu.memref_slice %arg7[%add3A_92, %dma_start3A_93] : memref<40x128xi32, #tpu.memory_space<vmem>> -> memref<1x128xi32, #tpu.memory_space<vmem>>
        %dma_start3A_95 = tpu.memref_squeeze %dma_start3A_94 : memref<1x128xi32, #tpu.memory_space<vmem>> -> memref<128xi32, #tpu.memory_space<vmem>>
        %dma_start3A_96 = arith.constant 0 : i32
        %dma_start3A_97 = arith.constant 0 : i32
        %dma_start3A_98 = tpu.memref_slice %arg2[%dma_start3A_96, %dma_start3A_97] : memref<10240x128xf32, #tpu.memory_space<hbm>> -> memref<10240x128xf32, #tpu.memory_space<hbm>>
        tpu.enqueue_indirect_dma source(%dma_start3A_98 : memref<10240x128xf32, #tpu.memory_space<hbm>>) target(%arg9 : memref<128x128xf32, #tpu.memory_space<vmem>>) offsets(%dma_start3A_95 : memref<128xi32, #tpu.memory_space<vmem>>) semaphore(%arg12 : memref<!tpu.dma_semaphore, #tpu.memory_space<semaphore_mem>>)
        %add3A_99 = arith.constant 1 : i32
        %add3A_100 = arith.addi %add3A_84, %add3A_99 : i32
        %dma_wait3A_101 = arith.constant 0 : i32
        %dma_wait3A_102 = tpu.memref_slice %arg7[%add3A_100, %dma_wait3A_101] : memref<40x128xi32, #tpu.memory_space<vmem>> -> memref<1x128xi32, #tpu.memory_space<vmem>>
        %dma_wait3A_103 = tpu.memref_squeeze %dma_wait3A_102 : memref<1x128xi32, #tpu.memory_space<vmem>> -> memref<128xi32, #tpu.memory_space<vmem>>
        %dma_wait3A_104 = arith.constant 0 : i32
        %dma_wait3A_105 = arith.constant 0 : i32
        %dma_wait3A_106 = tpu.memref_slice %arg2[%dma_wait3A_104, %dma_wait3A_105] : memref<10240x128xf32, #tpu.memory_space<hbm>> -> memref<10240x128xf32, #tpu.memory_space<hbm>>
        tpu.wait_indirect_dma semaphore(%arg13 : memref<!tpu.dma_semaphore, #tpu.memory_space<semaphore_mem>>) src(%dma_wait3A_106 : memref<10240x128xf32, #tpu.memory_space<hbm>>) dst(%arg10 : memref<128x128xf32, #tpu.memory_space<vmem>>)
        %add3A_107 = arith.constant 1 : i32
        %add3A_108 = arith.addi %add3A_84, %add3A_107 : i32
        "tpu.region"() ({
          %run_scoped3A_117 = tpu.sem_alloc : memref<!tpu.dma_semaphore, #tpu.memory_space<semaphore_mem>>
          %dma_start3A_118 = arith.constant 0 : i32
          %dma_start3A_119 = tpu.memref_slice %arg8[%add3A_108, %dma_start3A_118] : memref<40x128xi32, #tpu.memory_space<vmem>> -> memref<1x128xi32, #tpu.memory_space<vmem>>
          %dma_start3A_120 = tpu.memref_squeeze %dma_start3A_119 : memref<1x128xi32, #tpu.memory_space<vmem>> -> memref<128xi32, #tpu.memory_space<vmem>>
          %dma_start3A_121 = arith.constant 0 : i32
          %dma_start3A_122 = arith.constant 0 : i32
          %dma_start3A_123 = tpu.memref_slice %arg11[%dma_start3A_121, %dma_start3A_122] : memref<10240x128xf32, #tpu.memory_space<vmem_shared>> -> memref<10240x128xf32, #tpu.memory_space<vmem_shared>>
          tpu.enqueue_indirect_dma source(%arg10 : memref<128x128xf32, #tpu.memory_space<vmem>>) target(%dma_start3A_123 : memref<10240x128xf32, #tpu.memory_space<vmem_shared>>) offsets(%dma_start3A_120 : memref<128xi32, #tpu.memory_space<vmem>>) semaphore(%run_scoped3A_117 : memref<!tpu.dma_semaphore, #tpu.memory_space<semaphore_mem>>) {add = true}
          %dma_wait3A_124 = arith.constant 0 : i32
          %dma_wait3A_125 = tpu.memref_slice %arg8[%add3A_108, %dma_wait3A_124] : memref<40x128xi32, #tpu.memory_space<vmem>> -> memref<1x128xi32, #tpu.memory_space<vmem>>
          %dma_wait3A_126 = tpu.memref_squeeze %dma_wait3A_125 : memref<1x128xi32, #tpu.memory_space<vmem>> -> memref<128xi32, #tpu.memory_space<vmem>>
          %dma_wait3A_127 = arith.constant 0 : i32
          %dma_wait3A_128 = arith.constant 0 : i32
          %dma_wait3A_129 = tpu.memref_slice %arg11[%dma_wait3A_127, %dma_wait3A_128] : memref<10240x128xf32, #tpu.memory_space<vmem_shared>> -> memref<10240x128xf32, #tpu.memory_space<vmem_shared>>
          tpu.wait_indirect_dma semaphore(%run_scoped3A_117 : memref<!tpu.dma_semaphore, #tpu.memory_space<semaphore_mem>>) src(%arg10 : memref<128x128xf32, #tpu.memory_space<vmem>>) dst(%dma_wait3A_129 : memref<10240x128xf32, #tpu.memory_space<vmem_shared>>)
          tpu.yield
        }) : () -> ()
        %add3A_109 = arith.constant 3 : i32
        %add3A_110 = arith.addi %add3A_84, %add3A_109 : i32
        %dma_start3A_111 = arith.constant 0 : i32
        %dma_start3A_112 = tpu.memref_slice %arg7[%add3A_110, %dma_start3A_111] : memref<40x128xi32, #tpu.memory_space<vmem>> -> memref<1x128xi32, #tpu.memory_space<vmem>>
        %dma_start3A_113 = tpu.memref_squeeze %dma_start3A_112 : memref<1x128xi32, #tpu.memory_space<vmem>> -> memref<128xi32, #tpu.memory_space<vmem>>
        %dma_start3A_114 = arith.constant 0 : i32
        %dma_start3A_115 = arith.constant 0 : i32
        %dma_start3A_116 = tpu.memref_slice %arg2[%dma_start3A_114, %dma_start3A_115] : memref<10240x128xf32, #tpu.memory_space<hbm>> -> memref<10240x128xf32, #tpu.memory_space<hbm>>
        tpu.enqueue_indirect_dma source(%dma_start3A_116 : memref<10240x128xf32, #tpu.memory_space<hbm>>) target(%arg10 : memref<128x128xf32, #tpu.memory_space<vmem>>) offsets(%dma_start3A_113 : memref<128xi32, #tpu.memory_space<vmem>>) semaphore(%arg13 : memref<!tpu.dma_semaphore, #tpu.memory_space<semaphore_mem>>)
      }
      %scan3A_28 = arith.constant 19 : i32
      %dma_wait3A = arith.constant 38 : i32
      %dma_wait3A_29 = arith.constant 0 : i32
      %dma_wait3A_30 = tpu.memref_slice %arg7[%dma_wait3A, %dma_wait3A_29] : memref<40x128xi32, #tpu.memory_space<vmem>> -> memref<1x128xi32, #tpu.memory_space<vmem>>
      %dma_wait3A_31 = tpu.memref_squeeze %dma_wait3A_30 : memref<1x128xi32, #tpu.memory_space<vmem>> -> memref<128xi32, #tpu.memory_space<vmem>>
      %dma_wait3A_32 = arith.constant 0 : i32
      %dma_wait3A_33 = arith.constant 0 : i32
      %dma_wait3A_34 = tpu.memref_slice %arg2[%dma_wait3A_32, %dma_wait3A_33] : memref<10240x128xf32, #tpu.memory_space<hbm>> -> memref<10240x128xf32, #tpu.memory_space<hbm>>
      tpu.wait_indirect_dma semaphore(%arg12 : memref<!tpu.dma_semaphore, #tpu.memory_space<semaphore_mem>>) src(%dma_wait3A_34 : memref<10240x128xf32, #tpu.memory_space<hbm>>) dst(%arg9 : memref<128x128xf32, #tpu.memory_space<vmem>>)
      %run_scoped3A = arith.constant 38 : i32
      "tpu.region"() ({
        %run_scoped3A_80 = tpu.sem_alloc : memref<!tpu.dma_semaphore, #tpu.memory_space<semaphore_mem>>
        %dma_start3A_81 = arith.constant 0 : i32
        %dma_start3A_82 = tpu.memref_slice %arg8[%run_scoped3A, %dma_start3A_81] : memref<40x128xi32, #tpu.memory_space<vmem>> -> memref<1x128xi32, #tpu.memory_space<vmem>>
        %dma_start3A_83 = tpu.memref_squeeze %dma_start3A_82 : memref<1x128xi32, #tpu.memory_space<vmem>> -> memref<128xi32, #tpu.memory_space<vmem>>
        %dma_start3A_84 = arith.constant 0 : i32
        %dma_start3A_85 = arith.constant 0 : i32
        %dma_start3A_86 = tpu.memref_slice %arg11[%dma_start3A_84, %dma_start3A_85] : memref<10240x128xf32, #tpu.memory_space<vmem_shared>> -> memref<10240x128xf32, #tpu.memory_space<vmem_shared>>
        tpu.enqueue_indirect_dma source(%arg9 : memref<128x128xf32, #tpu.memory_space<vmem>>) target(%dma_start3A_86 : memref<10240x128xf32, #tpu.memory_space<vmem_shared>>) offsets(%dma_start3A_83 : memref<128xi32, #tpu.memory_space<vmem>>) semaphore(%run_scoped3A_80 : memref<!tpu.dma_semaphore, #tpu.memory_space<semaphore_mem>>) {add = true}
        %dma_wait3A_87 = arith.constant 0 : i32
        %dma_wait3A_88 = tpu.memref_slice %arg8[%run_scoped3A, %dma_wait3A_87] : memref<40x128xi32, #tpu.memory_space<vmem>> -> memref<1x128xi32, #tpu.memory_space<vmem>>
        %dma_wait3A_89 = tpu.memref_squeeze %dma_wait3A_88 : memref<1x128xi32, #tpu.memory_space<vmem>> -> memref<128xi32, #tpu.memory_space<vmem>>
        %dma_wait3A_90 = arith.constant 0 : i32
        %dma_wait3A_91 = arith.constant 0 : i32
        %dma_wait3A_92 = tpu.memref_slice %arg11[%dma_wait3A_90, %dma_wait3A_91] : memref<10240x128xf32, #tpu.memory_space<vmem_shared>> -> memref<10240x128xf32, #tpu.memory_space<vmem_shared>>
        tpu.wait_indirect_dma semaphore(%run_scoped3A_80 : memref<!tpu.dma_semaphore, #tpu.memory_space<semaphore_mem>>) src(%arg9 : memref<128x128xf32, #tpu.memory_space<vmem>>) dst(%dma_wait3A_92 : memref<10240x128xf32, #tpu.memory_space<vmem_shared>>)
        tpu.yield
      }) : () -> ()
      %dma_wait3A_35 = arith.constant 39 : i32
      %dma_wait3A_36 = arith.constant 0 : i32
      %dma_wait3A_37 = tpu.memref_slice %arg7[%dma_wait3A_35, %dma_wait3A_36] : memref<40x128xi32, #tpu.memory_space<vmem>> -> memref<1x128xi32, #tpu.memory_space<vmem>>
      %dma_wait3A_38 = tpu.memref_squeeze %dma_wait3A_37 : memref<1x128xi32, #tpu.memory_space<vmem>> -> memref<128xi32, #tpu.memory_space<vmem>>
      %dma_wait3A_39 = arith.constant 0 : i32
      %dma_wait3A_40 = arith.constant 0 : i32
      %dma_wait3A_41 = tpu.memref_slice %arg2[%dma_wait3A_39, %dma_wait3A_40] : memref<10240x128xf32, #tpu.memory_space<hbm>> -> memref<10240x128xf32, #tpu.memory_space<hbm>>
      tpu.wait_indirect_dma semaphore(%arg13 : memref<!tpu.dma_semaphore, #tpu.memory_space<semaphore_mem>>) src(%dma_wait3A_41 : memref<10240x128xf32, #tpu.memory_space<hbm>>) dst(%arg10 : memref<128x128xf32, #tpu.memory_space<vmem>>)
      %run_scoped3A_42 = arith.constant 39 : i32
      "tpu.region"() ({
        %run_scoped3A_80 = tpu.sem_alloc : memref<!tpu.dma_semaphore, #tpu.memory_space<semaphore_mem>>
        %dma_start3A_81 = arith.constant 0 : i32
        %dma_start3A_82 = tpu.memref_slice %arg8[%run_scoped3A_42, %dma_start3A_81] : memref<40x128xi32, #tpu.memory_space<vmem>> -> memref<1x128xi32, #tpu.memory_space<vmem>>
        %dma_start3A_83 = tpu.memref_squeeze %dma_start3A_82 : memref<1x128xi32, #tpu.memory_space<vmem>> -> memref<128xi32, #tpu.memory_space<vmem>>
        %dma_start3A_84 = arith.constant 0 : i32
        %dma_start3A_85 = arith.constant 0 : i32
        %dma_start3A_86 = tpu.memref_slice %arg11[%dma_start3A_84, %dma_start3A_85] : memref<10240x128xf32, #tpu.memory_space<vmem_shared>> -> memref<10240x128xf32, #tpu.memory_space<vmem_shared>>
        tpu.enqueue_indirect_dma source(%arg10 : memref<128x128xf32, #tpu.memory_space<vmem>>) target(%dma_start3A_86 : memref<10240x128xf32, #tpu.memory_space<vmem_shared>>) offsets(%dma_start3A_83 : memref<128xi32, #tpu.memory_space<vmem>>) semaphore(%run_scoped3A_80 : memref<!tpu.dma_semaphore, #tpu.memory_space<semaphore_mem>>) {add = true}
        %dma_wait3A_87 = arith.constant 0 : i32
        %dma_wait3A_88 = tpu.memref_slice %arg8[%run_scoped3A_42, %dma_wait3A_87] : memref<40x128xi32, #tpu.memory_space<vmem>> -> memref<1x128xi32, #tpu.memory_space<vmem>>
        %dma_wait3A_89 = tpu.memref_squeeze %dma_wait3A_88 : memref<1x128xi32, #tpu.memory_space<vmem>> -> memref<128xi32, #tpu.memory_space<vmem>>
        %dma_wait3A_90 = arith.constant 0 : i32
        %dma_wait3A_91 = arith.constant 0 : i32
        %dma_wait3A_92 = tpu.memref_slice %arg11[%dma_wait3A_90, %dma_wait3A_91] : memref<10240x128xf32, #tpu.memory_space<vmem_shared>> -> memref<10240x128xf32, #tpu.memory_space<vmem_shared>>
        tpu.wait_indirect_dma semaphore(%run_scoped3A_80 : memref<!tpu.dma_semaphore, #tpu.memory_space<semaphore_mem>>) src(%arg10 : memref<128x128xf32, #tpu.memory_space<vmem>>) dst(%dma_wait3A_92 : memref<10240x128xf32, #tpu.memory_space<vmem_shared>>)
        tpu.yield
      }) : () -> ()
      %add3A_43 = arith.constant 40 : i32
      %add3A_44 = arith.addi %mul3A_10, %add3A_43 : i32
      "tpu.region"() ({
        %run_scoped3A_80 = tpu.sem_alloc : memref<!tpu.dma_semaphore, #tpu.memory_space<semaphore_mem>>
        %dma_start3A_81 = arith.constant 0 : i32
        %dma_start3A_82 = tpu.memref_slice %arg3[%add3A_44, %dma_start3A_81] : memref<2560x128xi32, #tpu.memory_space<hbm>> -> memref<40x128xi32, #tpu.memory_space<hbm>>
        %dma_start3A_83 = arith.constant 0 : i32
        %dma_start3A_84 = tpu.memref_slice %arg3[%add3A_44, %dma_start3A_83] : memref<2560x128xi32, #tpu.memory_space<hbm>> -> memref<40x128xi32, #tpu.memory_space<hbm>>
        tpu.enqueue_dma source(%dma_start3A_84 : memref<40x128xi32, #tpu.memory_space<hbm>>) target(%arg7 : memref<40x128xi32, #tpu.memory_space<vmem>>) target_semaphore(%run_scoped3A_80 : memref<!tpu.dma_semaphore, #tpu.memory_space<semaphore_mem>>)
        %dma_wait3A_85 = arith.constant 0 : i32
        %dma_wait3A_86 = tpu.memref_slice %arg3[%add3A_44, %dma_wait3A_85] : memref<2560x128xi32, #tpu.memory_space<hbm>> -> memref<40x128xi32, #tpu.memory_space<hbm>>
        %dma_wait3A_87 = arith.constant 0 : i32
        %dma_wait3A_88 = tpu.memref_slice %arg3[%add3A_44, %dma_wait3A_87] : memref<2560x128xi32, #tpu.memory_space<hbm>> -> memref<40x128xi32, #tpu.memory_space<hbm>>
        tpu.wait_dma2 semaphore(%run_scoped3A_80 : memref<!tpu.dma_semaphore, #tpu.memory_space<semaphore_mem>>) src(%dma_wait3A_88 : memref<40x128xi32, #tpu.memory_space<hbm>>) dst(%arg7 : memref<40x128xi32, #tpu.memory_space<vmem>>)
        tpu.yield
      }) : () -> ()
      "tpu.region"() ({
        %run_scoped3A_80 = tpu.sem_alloc : memref<!tpu.dma_semaphore, #tpu.memory_space<semaphore_mem>>
        %dma_start3A_81 = arith.constant 0 : i32
        %dma_start3A_82 = tpu.memref_slice %arg4[%add3A_44, %dma_start3A_81] : memref<2560x128xi32, #tpu.memory_space<hbm>> -> memref<40x128xi32, #tpu.memory_space<hbm>>
        %dma_start3A_83 = arith.constant 0 : i32
        %dma_start3A_84 = tpu.memref_slice %arg4[%add3A_44, %dma_start3A_83] : memref<2560x128xi32, #tpu.memory_space<hbm>> -> memref<40x128xi32, #tpu.memory_space<hbm>>
        tpu.enqueue_dma source(%dma_start3A_84 : memref<40x128xi32, #tpu.memory_space<hbm>>) target(%arg8 : memref<40x128xi32, #tpu.memory_space<vmem>>) target_semaphore(%run_scoped3A_80 : memref<!tpu.dma_semaphore, #tpu.memory_space<semaphore_mem>>)
        %dma_wait3A_85 = arith.constant 0 : i32
        %dma_wait3A_86 = tpu.memref_slice %arg4[%add3A_44, %dma_wait3A_85] : memref<2560x128xi32, #tpu.memory_space<hbm>> -> memref<40x128xi32, #tpu.memory_space<hbm>>
        %dma_wait3A_87 = arith.constant 0 : i32
        %dma_wait3A_88 = tpu.memref_slice %arg4[%add3A_44, %dma_wait3A_87] : memref<2560x128xi32, #tpu.memory_space<hbm>> -> memref<40x128xi32, #tpu.memory_space<hbm>>
        tpu.wait_dma2 semaphore(%run_scoped3A_80 : memref<!tpu.dma_semaphore, #tpu.memory_space<semaphore_mem>>) src(%dma_wait3A_88 : memref<40x128xi32, #tpu.memory_space<hbm>>) dst(%arg8 : memref<40x128xi32, #tpu.memory_space<vmem>>)
        tpu.yield
      }) : () -> ()
      %dma_start3A_45 = arith.constant 0 : i32
      %dma_start3A_46 = arith.constant 0 : i32
      %dma_start3A_47 = tpu.memref_slice %arg7[%dma_start3A_45, %dma_start3A_46] : memref<40x128xi32, #tpu.memory_space<vmem>> -> memref<1x128xi32, #tpu.memory_space<vmem>>
      %dma_start3A_48 = tpu.memref_squeeze %dma_start3A_47 : memref<1x128xi32, #tpu.memory_space<vmem>> -> memref<128xi32, #tpu.memory_space<vmem>>
      %dma_start3A_49 = arith.constant 0 : i32
      %dma_start3A_50 = arith.constant 0 : i32
      %dma_start3A_51 = tpu.memref_slice %arg2[%dma_start3A_49, %dma_start3A_50] : memref<10240x128xf32, #tpu.memory_space<hbm>> -> memref<10240x128xf32, #tpu.memory_space<hbm>>
      tpu.enqueue_indirect_dma source(%dma_start3A_51 : memref<10240x128xf32, #tpu.memory_space<hbm>>) target(%arg9 : memref<128x128xf32, #tpu.memory_space<vmem>>) offsets(%dma_start3A_48 : memref<128xi32, #tpu.memory_space<vmem>>) semaphore(%arg12 : memref<!tpu.dma_semaphore, #tpu.memory_space<semaphore_mem>>)
      %dma_start3A_52 = arith.constant 1 : i32
      %dma_start3A_53 = arith.constant 0 : i32
      %dma_start3A_54 = tpu.memref_slice %arg7[%dma_start3A_52, %dma_start3A_53] : memref<40x128xi32, #tpu.memory_space<vmem>> -> memref<1x128xi32, #tpu.memory_space<vmem>>
      %dma_start3A_55 = tpu.memref_squeeze %dma_start3A_54 : memref<1x128xi32, #tpu.memory_space<vmem>> -> memref<128xi32, #tpu.memory_space<vmem>>
      %dma_start3A_56 = arith.constant 0 : i32
      %dma_start3A_57 = arith.constant 0 : i32
      %dma_start3A_58 = tpu.memref_slice %arg2[%dma_start3A_56, %dma_start3A_57] : memref<10240x128xf32, #tpu.memory_space<hbm>> -> memref<10240x128xf32, #tpu.memory_space<hbm>>
      tpu.enqueue_indirect_dma source(%dma_start3A_58 : memref<10240x128xf32, #tpu.memory_space<hbm>>) target(%arg10 : memref<128x128xf32, #tpu.memory_space<vmem>>) offsets(%dma_start3A_55 : memref<128xi32, #tpu.memory_space<vmem>>) semaphore(%arg13 : memref<!tpu.dma_semaphore, #tpu.memory_space<semaphore_mem>>)
      %scan3A_59 = arith.constant 0 : i32
      %scan3A_60 = arith.constant 19 : i32
      %scan3A_61 = arith.addi %scan3A_59, %scan3A_60 : i32
      %scan3A_62 = arith.constant 1 : i32
      scf.for %scan3A_80 = %scan3A_59 to %scan3A_61 step %scan3A_62  : i32 {
        %mul3A_81 = arith.constant 2 : i32
        %mul3A_82 = arith.muli %scan3A_80, %mul3A_81 : i32
        %add3A_83 = arith.constant 0 : i32
        %add3A_84 = arith.addi %add3A_83, %mul3A_82 : i32
        %dma_wait3A_85 = arith.constant 0 : i32
        %dma_wait3A_86 = tpu.memref_slice %arg7[%add3A_84, %dma_wait3A_85] : memref<40x128xi32, #tpu.memory_space<vmem>> -> memref<1x128xi32, #tpu.memory_space<vmem>>
        %dma_wait3A_87 = tpu.memref_squeeze %dma_wait3A_86 : memref<1x128xi32, #tpu.memory_space<vmem>> -> memref<128xi32, #tpu.memory_space<vmem>>
        %dma_wait3A_88 = arith.constant 0 : i32
        %dma_wait3A_89 = arith.constant 0 : i32
        %dma_wait3A_90 = tpu.memref_slice %arg2[%dma_wait3A_88, %dma_wait3A_89] : memref<10240x128xf32, #tpu.memory_space<hbm>> -> memref<10240x128xf32, #tpu.memory_space<hbm>>
        tpu.wait_indirect_dma semaphore(%arg12 : memref<!tpu.dma_semaphore, #tpu.memory_space<semaphore_mem>>) src(%dma_wait3A_90 : memref<10240x128xf32, #tpu.memory_space<hbm>>) dst(%arg9 : memref<128x128xf32, #tpu.memory_space<vmem>>)
        "tpu.region"() ({
          %run_scoped3A_117 = tpu.sem_alloc : memref<!tpu.dma_semaphore, #tpu.memory_space<semaphore_mem>>
          %dma_start3A_118 = arith.constant 0 : i32
          %dma_start3A_119 = tpu.memref_slice %arg8[%add3A_84, %dma_start3A_118] : memref<40x128xi32, #tpu.memory_space<vmem>> -> memref<1x128xi32, #tpu.memory_space<vmem>>
          %dma_start3A_120 = tpu.memref_squeeze %dma_start3A_119 : memref<1x128xi32, #tpu.memory_space<vmem>> -> memref<128xi32, #tpu.memory_space<vmem>>
          %dma_start3A_121 = arith.constant 0 : i32
          %dma_start3A_122 = arith.constant 0 : i32
          %dma_start3A_123 = tpu.memref_slice %arg11[%dma_start3A_121, %dma_start3A_122] : memref<10240x128xf32, #tpu.memory_space<vmem_shared>> -> memref<10240x128xf32, #tpu.memory_space<vmem_shared>>
          tpu.enqueue_indirect_dma source(%arg9 : memref<128x128xf32, #tpu.memory_space<vmem>>) target(%dma_start3A_123 : memref<10240x128xf32, #tpu.memory_space<vmem_shared>>) offsets(%dma_start3A_120 : memref<128xi32, #tpu.memory_space<vmem>>) semaphore(%run_scoped3A_117 : memref<!tpu.dma_semaphore, #tpu.memory_space<semaphore_mem>>) {add = true}
          %dma_wait3A_124 = arith.constant 0 : i32
          %dma_wait3A_125 = tpu.memref_slice %arg8[%add3A_84, %dma_wait3A_124] : memref<40x128xi32, #tpu.memory_space<vmem>> -> memref<1x128xi32, #tpu.memory_space<vmem>>
          %dma_wait3A_126 = tpu.memref_squeeze %dma_wait3A_125 : memref<1x128xi32, #tpu.memory_space<vmem>> -> memref<128xi32, #tpu.memory_space<vmem>>
          %dma_wait3A_127 = arith.constant 0 : i32
          %dma_wait3A_128 = arith.constant 0 : i32
          %dma_wait3A_129 = tpu.memref_slice %arg11[%dma_wait3A_127, %dma_wait3A_128] : memref<10240x128xf32, #tpu.memory_space<vmem_shared>> -> memref<10240x128xf32, #tpu.memory_space<vmem_shared>>
          tpu.wait_indirect_dma semaphore(%run_scoped3A_117 : memref<!tpu.dma_semaphore, #tpu.memory_space<semaphore_mem>>) src(%arg9 : memref<128x128xf32, #tpu.memory_space<vmem>>) dst(%dma_wait3A_129 : memref<10240x128xf32, #tpu.memory_space<vmem_shared>>)
          tpu.yield
        }) : () -> ()
        %add3A_91 = arith.constant 2 : i32
        %add3A_92 = arith.addi %add3A_84, %add3A_91 : i32
        %dma_start3A_93 = arith.constant 0 : i32
        %dma_start3A_94 = tpu.memref_slice %arg7[%add3A_92, %dma_start3A_93] : memref<40x128xi32, #tpu.memory_space<vmem>> -> memref<1x128xi32, #tpu.memory_space<vmem>>
        %dma_start3A_95 = tpu.memref_squeeze %dma_start3A_94 : memref<1x128xi32, #tpu.memory_space<vmem>> -> memref<128xi32, #tpu.memory_space<vmem>>
        %dma_start3A_96 = arith.constant 0 : i32
        %dma_start3A_97 = arith.constant 0 : i32
        %dma_start3A_98 = tpu.memref_slice %arg2[%dma_start3A_96, %dma_start3A_97] : memref<10240x128xf32, #tpu.memory_space<hbm>> -> memref<10240x128xf32, #tpu.memory_space<hbm>>
        tpu.enqueue_indirect_dma source(%dma_start3A_98 : memref<10240x128xf32, #tpu.memory_space<hbm>>) target(%arg9 : memref<128x128xf32, #tpu.memory_space<vmem>>) offsets(%dma_start3A_95 : memref<128xi32, #tpu.memory_space<vmem>>) semaphore(%arg12 : memref<!tpu.dma_semaphore, #tpu.memory_space<semaphore_mem>>)
        %add3A_99 = arith.constant 1 : i32
        %add3A_100 = arith.addi %add3A_84, %add3A_99 : i32
        %dma_wait3A_101 = arith.constant 0 : i32
        %dma_wait3A_102 = tpu.memref_slice %arg7[%add3A_100, %dma_wait3A_101] : memref<40x128xi32, #tpu.memory_space<vmem>> -> memref<1x128xi32, #tpu.memory_space<vmem>>
        %dma_wait3A_103 = tpu.memref_squeeze %dma_wait3A_102 : memref<1x128xi32, #tpu.memory_space<vmem>> -> memref<128xi32, #tpu.memory_space<vmem>>
        %dma_wait3A_104 = arith.constant 0 : i32
        %dma_wait3A_105 = arith.constant 0 : i32
        %dma_wait3A_106 = tpu.memref_slice %arg2[%dma_wait3A_104, %dma_wait3A_105] : memref<10240x128xf32, #tpu.memory_space<hbm>> -> memref<10240x128xf32, #tpu.memory_space<hbm>>
        tpu.wait_indirect_dma semaphore(%arg13 : memref<!tpu.dma_semaphore, #tpu.memory_space<semaphore_mem>>) src(%dma_wait3A_106 : memref<10240x128xf32, #tpu.memory_space<hbm>>) dst(%arg10 : memref<128x128xf32, #tpu.memory_space<vmem>>)
        %add3A_107 = arith.constant 1 : i32
        %add3A_108 = arith.addi %add3A_84, %add3A_107 : i32
        "tpu.region"() ({
          %run_scoped3A_117 = tpu.sem_alloc : memref<!tpu.dma_semaphore, #tpu.memory_space<semaphore_mem>>
          %dma_start3A_118 = arith.constant 0 : i32
          %dma_start3A_119 = tpu.memref_slice %arg8[%add3A_108, %dma_start3A_118] : memref<40x128xi32, #tpu.memory_space<vmem>> -> memref<1x128xi32, #tpu.memory_space<vmem>>
          %dma_start3A_120 = tpu.memref_squeeze %dma_start3A_119 : memref<1x128xi32, #tpu.memory_space<vmem>> -> memref<128xi32, #tpu.memory_space<vmem>>
          %dma_start3A_121 = arith.constant 0 : i32
          %dma_start3A_122 = arith.constant 0 : i32
          %dma_start3A_123 = tpu.memref_slice %arg11[%dma_start3A_121, %dma_start3A_122] : memref<10240x128xf32, #tpu.memory_space<vmem_shared>> -> memref<10240x128xf32, #tpu.memory_space<vmem_shared>>
          tpu.enqueue_indirect_dma source(%arg10 : memref<128x128xf32, #tpu.memory_space<vmem>>) target(%dma_start3A_123 : memref<10240x128xf32, #tpu.memory_space<vmem_shared>>) offsets(%dma_start3A_120 : memref<128xi32, #tpu.memory_space<vmem>>) semaphore(%run_scoped3A_117 : memref<!tpu.dma_semaphore, #tpu.memory_space<semaphore_mem>>) {add = true}
          %dma_wait3A_124 = arith.constant 0 : i32
          %dma_wait3A_125 = tpu.memref_slice %arg8[%add3A_108, %dma_wait3A_124] : memref<40x128xi32, #tpu.memory_space<vmem>> -> memref<1x128xi32, #tpu.memory_space<vmem>>
          %dma_wait3A_126 = tpu.memref_squeeze %dma_wait3A_125 : memref<1x128xi32, #tpu.memory_space<vmem>> -> memref<128xi32, #tpu.memory_space<vmem>>
          %dma_wait3A_127 = arith.constant 0 : i32
          %dma_wait3A_128 = arith.constant 0 : i32
          %dma_wait3A_129 = tpu.memref_slice %arg11[%dma_wait3A_127, %dma_wait3A_128] : memref<10240x128xf32, #tpu.memory_space<vmem_shared>> -> memref<10240x128xf32, #tpu.memory_space<vmem_shared>>
          tpu.wait_indirect_dma semaphore(%run_scoped3A_117 : memref<!tpu.dma_semaphore, #tpu.memory_space<semaphore_mem>>) src(%arg10 : memref<128x128xf32, #tpu.memory_space<vmem>>) dst(%dma_wait3A_129 : memref<10240x128xf32, #tpu.memory_space<vmem_shared>>)
          tpu.yield
        }) : () -> ()
        %add3A_109 = arith.constant 3 : i32
        %add3A_110 = arith.addi %add3A_84, %add3A_109 : i32
        %dma_start3A_111 = arith.constant 0 : i32
        %dma_start3A_112 = tpu.memref_slice %arg7[%add3A_110, %dma_start3A_111] : memref<40x128xi32, #tpu.memory_space<vmem>> -> memref<1x128xi32, #tpu.memory_space<vmem>>
        %dma_start3A_113 = tpu.memref_squeeze %dma_start3A_112 : memref<1x128xi32, #tpu.memory_space<vmem>> -> memref<128xi32, #tpu.memory_space<vmem>>
        %dma_start3A_114 = arith.constant 0 : i32
        %dma_start3A_115 = arith.constant 0 : i32
        %dma_start3A_116 = tpu.memref_slice %arg2[%dma_start3A_114, %dma_start3A_115] : memref<10240x128xf32, #tpu.memory_space<hbm>> -> memref<10240x128xf32, #tpu.memory_space<hbm>>
        tpu.enqueue_indirect_dma source(%dma_start3A_116 : memref<10240x128xf32, #tpu.memory_space<hbm>>) target(%arg10 : memref<128x128xf32, #tpu.memory_space<vmem>>) offsets(%dma_start3A_113 : memref<128xi32, #tpu.memory_space<vmem>>) semaphore(%arg13 : memref<!tpu.dma_semaphore, #tpu.memory_space<semaphore_mem>>)
      }
      %scan3A_63 = arith.constant 19 : i32
      %dma_wait3A_64 = arith.constant 38 : i32
      %dma_wait3A_65 = arith.constant 0 : i32
      %dma_wait3A_66 = tpu.memref_slice %arg7[%dma_wait3A_64, %dma_wait3A_65] : memref<40x128xi32, #tpu.memory_space<vmem>> -> memref<1x128xi32, #tpu.memory_space<vmem>>
      %dma_wait3A_67 = tpu.memref_squeeze %dma_wait3A_66 : memref<1x128xi32, #tpu.memory_space<vmem>> -> memref<128xi32, #tpu.memory_space<vmem>>
      %dma_wait3A_68 = arith.constant 0 : i32
      %dma_wait3A_69 = arith.constant 0 : i32
      %dma_wait3A_70 = tpu.memref_slice %arg2[%dma_wait3A_68, %dma_wait3A_69] : memref<10240x128xf32, #tpu.memory_space<hbm>> -> memref<10240x128xf32, #tpu.memory_space<hbm>>
      tpu.wait_indirect_dma semaphore(%arg12 : memref<!tpu.dma_semaphore, #tpu.memory_space<semaphore_mem>>) src(%dma_wait3A_70 : memref<10240x128xf32, #tpu.memory_space<hbm>>) dst(%arg9 : memref<128x128xf32, #tpu.memory_space<vmem>>)
      %run_scoped3A_71 = arith.constant 38 : i32
      "tpu.region"() ({
        %run_scoped3A_80 = tpu.sem_alloc : memref<!tpu.dma_semaphore, #tpu.memory_space<semaphore_mem>>
        %dma_start3A_81 = arith.constant 0 : i32
        %dma_start3A_82 = tpu.memref_slice %arg8[%run_scoped3A_71, %dma_start3A_81] : memref<40x128xi32, #tpu.memory_space<vmem>> -> memref<1x128xi32, #tpu.memory_space<vmem>>
        %dma_start3A_83 = tpu.memref_squeeze %dma_start3A_82 : memref<1x128xi32, #tpu.memory_space<vmem>> -> memref<128xi32, #tpu.memory_space<vmem>>
        %dma_start3A_84 = arith.constant 0 : i32
        %dma_start3A_85 = arith.constant 0 : i32
        %dma_start3A_86 = tpu.memref_slice %arg11[%dma_start3A_84, %dma_start3A_85] : memref<10240x128xf32, #tpu.memory_space<vmem_shared>> -> memref<10240x128xf32, #tpu.memory_space<vmem_shared>>
        tpu.enqueue_indirect_dma source(%arg9 : memref<128x128xf32, #tpu.memory_space<vmem>>) target(%dma_start3A_86 : memref<10240x128xf32, #tpu.memory_space<vmem_shared>>) offsets(%dma_start3A_83 : memref<128xi32, #tpu.memory_space<vmem>>) semaphore(%run_scoped3A_80 : memref<!tpu.dma_semaphore, #tpu.memory_space<semaphore_mem>>) {add = true}
        %dma_wait3A_87 = arith.constant 0 : i32
        %dma_wait3A_88 = tpu.memref_slice %arg8[%run_scoped3A_71, %dma_wait3A_87] : memref<40x128xi32, #tpu.memory_space<vmem>> -> memref<1x128xi32, #tpu.memory_space<vmem>>
        %dma_wait3A_89 = tpu.memref_squeeze %dma_wait3A_88 : memref<1x128xi32, #tpu.memory_space<vmem>> -> memref<128xi32, #tpu.memory_space<vmem>>
        %dma_wait3A_90 = arith.constant 0 : i32
        %dma_wait3A_91 = arith.constant 0 : i32
        %dma_wait3A_92 = tpu.memref_slice %arg11[%dma_wait3A_90, %dma_wait3A_91] : memref<10240x128xf32, #tpu.memory_space<vmem_shared>> -> memref<10240x128xf32, #tpu.memory_space<vmem_shared>>
        tpu.wait_indirect_dma semaphore(%run_scoped3A_80 : memref<!tpu.dma_semaphore, #tpu.memory_space<semaphore_mem>>) src(%arg9 : memref<128x128xf32, #tpu.memory_space<vmem>>) dst(%dma_wait3A_92 : memref<10240x128xf32, #tpu.memory_space<vmem_shared>>)
        tpu.yield
      }) : () -> ()
      %dma_wait3A_72 = arith.constant 39 : i32
      %dma_wait3A_73 = arith.constant 0 : i32
      %dma_wait3A_74 = tpu.memref_slice %arg7[%dma_wait3A_72, %dma_wait3A_73] : memref<40x128xi32, #tpu.memory_space<vmem>> -> memref<1x128xi32, #tpu.memory_space<vmem>>
      %dma_wait3A_75 = tpu.memref_squeeze %dma_wait3A_74 : memref<1x128xi32, #tpu.memory_space<vmem>> -> memref<128xi32, #tpu.memory_space<vmem>>
      %dma_wait3A_76 = arith.constant 0 : i32
      %dma_wait3A_77 = arith.constant 0 : i32
      %dma_wait3A_78 = tpu.memref_slice %arg2[%dma_wait3A_76, %dma_wait3A_77] : memref<10240x128xf32, #tpu.memory_space<hbm>> -> memref<10240x128xf32, #tpu.memory_space<hbm>>
      tpu.wait_indirect_dma semaphore(%arg13 : memref<!tpu.dma_semaphore, #tpu.memory_space<semaphore_mem>>) src(%dma_wait3A_78 : memref<10240x128xf32, #tpu.memory_space<hbm>>) dst(%arg10 : memref<128x128xf32, #tpu.memory_space<vmem>>)
      %run_scoped3A_79 = arith.constant 39 : i32
      "tpu.region"() ({
        %run_scoped3A_80 = tpu.sem_alloc : memref<!tpu.dma_semaphore, #tpu.memory_space<semaphore_mem>>
        %dma_start3A_81 = arith.constant 0 : i32
        %dma_start3A_82 = tpu.memref_slice %arg8[%run_scoped3A_79, %dma_start3A_81] : memref<40x128xi32, #tpu.memory_space<vmem>> -> memref<1x128xi32, #tpu.memory_space<vmem>>
        %dma_start3A_83 = tpu.memref_squeeze %dma_start3A_82 : memref<1x128xi32, #tpu.memory_space<vmem>> -> memref<128xi32, #tpu.memory_space<vmem>>
        %dma_start3A_84 = arith.constant 0 : i32
        %dma_start3A_85 = arith.constant 0 : i32
        %dma_start3A_86 = tpu.memref_slice %arg11[%dma_start3A_84, %dma_start3A_85] : memref<10240x128xf32, #tpu.memory_space<vmem_shared>> -> memref<10240x128xf32, #tpu.memory_space<vmem_shared>>
        tpu.enqueue_indirect_dma source(%arg10 : memref<128x128xf32, #tpu.memory_space<vmem>>) target(%dma_start3A_86 : memref<10240x128xf32, #tpu.memory_space<vmem_shared>>) offsets(%dma_start3A_83 : memref<128xi32, #tpu.memory_space<vmem>>) semaphore(%run_scoped3A_80 : memref<!tpu.dma_semaphore, #tpu.memory_space<semaphore_mem>>) {add = true}
        %dma_wait3A_87 = arith.constant 0 : i32
        %dma_wait3A_88 = tpu.memref_slice %arg8[%run_scoped3A_79, %dma_wait3A_87] : memref<40x128xi32, #tpu.memory_space<vmem>> -> memref<1x128xi32, #tpu.memory_space<vmem>>
        %dma_wait3A_89 = tpu.memref_squeeze %dma_wait3A_88 : memref<1x128xi32, #tpu.memory_space<vmem>> -> memref<128xi32, #tpu.memory_space<vmem>>
        %dma_wait3A_90 = arith.constant 0 : i32
        %dma_wait3A_91 = arith.constant 0 : i32
        %dma_wait3A_92 = tpu.memref_slice %arg11[%dma_wait3A_90, %dma_wait3A_91] : memref<10240x128xf32, #tpu.memory_space<vmem_shared>> -> memref<10240x128xf32, #tpu.memory_space<vmem_shared>>
        tpu.wait_indirect_dma semaphore(%run_scoped3A_80 : memref<!tpu.dma_semaphore, #tpu.memory_space<semaphore_mem>>) src(%arg10 : memref<128x128xf32, #tpu.memory_space<vmem>>) dst(%dma_wait3A_92 : memref<10240x128xf32, #tpu.memory_space<vmem_shared>>)
        tpu.yield
      }) : () -> ()
    } else {
    }
    %eq3A_3 = arith.constant 1 : i32
    %eq3A_4 = arith.cmpi eq, %arg0, %eq3A_3 : i32
    %convert_element_type3A_5 = arith.extui %eq3A_4 : i1 to i32
    %cond3A_6 = arith.constant 0 : i32
    %cond3A_7 = arith.cmpi ne, %convert_element_type3A_5, %cond3A_6 : i32
    scf.if %cond3A_7 {
      %mul3A_9 = arith.constant 80 : i32
      %mul3A_10 = arith.muli %arg1, %mul3A_9 : i32
      %add3A = arith.constant 1280 : i32
      %add3A_11 = arith.addi %add3A, %mul3A_10 : i32
      %add3A_12 = arith.constant 0 : i32
      %add3A_13 = arith.addi %add3A_11, %add3A_12 : i32
      "tpu.region"() ({
        %run_scoped3A_82 = tpu.sem_alloc : memref<!tpu.dma_semaphore, #tpu.memory_space<semaphore_mem>>
        %dma_start3A_83 = arith.constant 0 : i32
        %dma_start3A_84 = tpu.memref_slice %arg3[%add3A_13, %dma_start3A_83] : memref<2560x128xi32, #tpu.memory_space<hbm>> -> memref<40x128xi32, #tpu.memory_space<hbm>>
        %dma_start3A_85 = arith.constant 0 : i32
        %dma_start3A_86 = tpu.memref_slice %arg3[%add3A_13, %dma_start3A_85] : memref<2560x128xi32, #tpu.memory_space<hbm>> -> memref<40x128xi32, #tpu.memory_space<hbm>>
        tpu.enqueue_dma source(%dma_start3A_86 : memref<40x128xi32, #tpu.memory_space<hbm>>) target(%arg7 : memref<40x128xi32, #tpu.memory_space<vmem>>) target_semaphore(%run_scoped3A_82 : memref<!tpu.dma_semaphore, #tpu.memory_space<semaphore_mem>>)
        %dma_wait3A_87 = arith.constant 0 : i32
        %dma_wait3A_88 = tpu.memref_slice %arg3[%add3A_13, %dma_wait3A_87] : memref<2560x128xi32, #tpu.memory_space<hbm>> -> memref<40x128xi32, #tpu.memory_space<hbm>>
        %dma_wait3A_89 = arith.constant 0 : i32
        %dma_wait3A_90 = tpu.memref_slice %arg3[%add3A_13, %dma_wait3A_89] : memref<2560x128xi32, #tpu.memory_space<hbm>> -> memref<40x128xi32, #tpu.memory_space<hbm>>
        tpu.wait_dma2 semaphore(%run_scoped3A_82 : memref<!tpu.dma_semaphore, #tpu.memory_space<semaphore_mem>>) src(%dma_wait3A_90 : memref<40x128xi32, #tpu.memory_space<hbm>>) dst(%arg7 : memref<40x128xi32, #tpu.memory_space<vmem>>)
        tpu.yield
      }) : () -> ()
      "tpu.region"() ({
        %run_scoped3A_82 = tpu.sem_alloc : memref<!tpu.dma_semaphore, #tpu.memory_space<semaphore_mem>>
        %dma_start3A_83 = arith.constant 0 : i32
        %dma_start3A_84 = tpu.memref_slice %arg4[%add3A_13, %dma_start3A_83] : memref<2560x128xi32, #tpu.memory_space<hbm>> -> memref<40x128xi32, #tpu.memory_space<hbm>>
        %dma_start3A_85 = arith.constant 0 : i32
        %dma_start3A_86 = tpu.memref_slice %arg4[%add3A_13, %dma_start3A_85] : memref<2560x128xi32, #tpu.memory_space<hbm>> -> memref<40x128xi32, #tpu.memory_space<hbm>>
        tpu.enqueue_dma source(%dma_start3A_86 : memref<40x128xi32, #tpu.memory_space<hbm>>) target(%arg8 : memref<40x128xi32, #tpu.memory_space<vmem>>) target_semaphore(%run_scoped3A_82 : memref<!tpu.dma_semaphore, #tpu.memory_space<semaphore_mem>>)
        %dma_wait3A_87 = arith.constant 0 : i32
        %dma_wait3A_88 = tpu.memref_slice %arg4[%add3A_13, %dma_wait3A_87] : memref<2560x128xi32, #tpu.memory_space<hbm>> -> memref<40x128xi32, #tpu.memory_space<hbm>>
        %dma_wait3A_89 = arith.constant 0 : i32
        %dma_wait3A_90 = tpu.memref_slice %arg4[%add3A_13, %dma_wait3A_89] : memref<2560x128xi32, #tpu.memory_space<hbm>> -> memref<40x128xi32, #tpu.memory_space<hbm>>
        tpu.wait_dma2 semaphore(%run_scoped3A_82 : memref<!tpu.dma_semaphore, #tpu.memory_space<semaphore_mem>>) src(%dma_wait3A_90 : memref<40x128xi32, #tpu.memory_space<hbm>>) dst(%arg8 : memref<40x128xi32, #tpu.memory_space<vmem>>)
        tpu.yield
      }) : () -> ()
      %dma_start3A = arith.constant 0 : i32
      %dma_start3A_14 = arith.constant 0 : i32
      %dma_start3A_15 = tpu.memref_slice %arg7[%dma_start3A, %dma_start3A_14] : memref<40x128xi32, #tpu.memory_space<vmem>> -> memref<1x128xi32, #tpu.memory_space<vmem>>
      %dma_start3A_16 = tpu.memref_squeeze %dma_start3A_15 : memref<1x128xi32, #tpu.memory_space<vmem>> -> memref<128xi32, #tpu.memory_space<vmem>>
      %dma_start3A_17 = arith.constant 0 : i32
      %dma_start3A_18 = arith.constant 0 : i32
      %dma_start3A_19 = tpu.memref_slice %arg2[%dma_start3A_17, %dma_start3A_18] : memref<10240x128xf32, #tpu.memory_space<hbm>> -> memref<10240x128xf32, #tpu.memory_space<hbm>>
      tpu.enqueue_indirect_dma source(%dma_start3A_19 : memref<10240x128xf32, #tpu.memory_space<hbm>>) target(%arg9 : memref<128x128xf32, #tpu.memory_space<vmem>>) offsets(%dma_start3A_16 : memref<128xi32, #tpu.memory_space<vmem>>) semaphore(%arg12 : memref<!tpu.dma_semaphore, #tpu.memory_space<semaphore_mem>>)
      %dma_start3A_20 = arith.constant 1 : i32
      %dma_start3A_21 = arith.constant 0 : i32
      %dma_start3A_22 = tpu.memref_slice %arg7[%dma_start3A_20, %dma_start3A_21] : memref<40x128xi32, #tpu.memory_space<vmem>> -> memref<1x128xi32, #tpu.memory_space<vmem>>
      %dma_start3A_23 = tpu.memref_squeeze %dma_start3A_22 : memref<1x128xi32, #tpu.memory_space<vmem>> -> memref<128xi32, #tpu.memory_space<vmem>>
      %dma_start3A_24 = arith.constant 0 : i32
      %dma_start3A_25 = arith.constant 0 : i32
      %dma_start3A_26 = tpu.memref_slice %arg2[%dma_start3A_24, %dma_start3A_25] : memref<10240x128xf32, #tpu.memory_space<hbm>> -> memref<10240x128xf32, #tpu.memory_space<hbm>>
      tpu.enqueue_indirect_dma source(%dma_start3A_26 : memref<10240x128xf32, #tpu.memory_space<hbm>>) target(%arg10 : memref<128x128xf32, #tpu.memory_space<vmem>>) offsets(%dma_start3A_23 : memref<128xi32, #tpu.memory_space<vmem>>) semaphore(%arg13 : memref<!tpu.dma_semaphore, #tpu.memory_space<semaphore_mem>>)
      %scan3A = arith.constant 0 : i32
      %scan3A_27 = arith.constant 19 : i32
      %scan3A_28 = arith.addi %scan3A, %scan3A_27 : i32
      %scan3A_29 = arith.constant 1 : i32
      scf.for %scan3A_82 = %scan3A to %scan3A_28 step %scan3A_29  : i32 {
        %mul3A_83 = arith.constant 2 : i32
        %mul3A_84 = arith.muli %scan3A_82, %mul3A_83 : i32
        %add3A_85 = arith.constant 0 : i32
        %add3A_86 = arith.addi %add3A_85, %mul3A_84 : i32
        %dma_wait3A_87 = arith.constant 0 : i32
        %dma_wait3A_88 = tpu.memref_slice %arg7[%add3A_86, %dma_wait3A_87] : memref<40x128xi32, #tpu.memory_space<vmem>> -> memref<1x128xi32, #tpu.memory_space<vmem>>
        %dma_wait3A_89 = tpu.memref_squeeze %dma_wait3A_88 : memref<1x128xi32, #tpu.memory_space<vmem>> -> memref<128xi32, #tpu.memory_space<vmem>>
        %dma_wait3A_90 = arith.constant 0 : i32
        %dma_wait3A_91 = arith.constant 0 : i32
        %dma_wait3A_92 = tpu.memref_slice %arg2[%dma_wait3A_90, %dma_wait3A_91] : memref<10240x128xf32, #tpu.memory_space<hbm>> -> memref<10240x128xf32, #tpu.memory_space<hbm>>
        tpu.wait_indirect_dma semaphore(%arg12 : memref<!tpu.dma_semaphore, #tpu.memory_space<semaphore_mem>>) src(%dma_wait3A_92 : memref<10240x128xf32, #tpu.memory_space<hbm>>) dst(%arg9 : memref<128x128xf32, #tpu.memory_space<vmem>>)
        "tpu.region"() ({
          %run_scoped3A_119 = tpu.sem_alloc : memref<!tpu.dma_semaphore, #tpu.memory_space<semaphore_mem>>
          %dma_start3A_120 = arith.constant 0 : i32
          %dma_start3A_121 = tpu.memref_slice %arg8[%add3A_86, %dma_start3A_120] : memref<40x128xi32, #tpu.memory_space<vmem>> -> memref<1x128xi32, #tpu.memory_space<vmem>>
          %dma_start3A_122 = tpu.memref_squeeze %dma_start3A_121 : memref<1x128xi32, #tpu.memory_space<vmem>> -> memref<128xi32, #tpu.memory_space<vmem>>
          %dma_start3A_123 = arith.constant 0 : i32
          %dma_start3A_124 = arith.constant 0 : i32
          %dma_start3A_125 = tpu.memref_slice %arg11[%dma_start3A_123, %dma_start3A_124] : memref<10240x128xf32, #tpu.memory_space<vmem_shared>> -> memref<10240x128xf32, #tpu.memory_space<vmem_shared>>
          tpu.enqueue_indirect_dma source(%arg9 : memref<128x128xf32, #tpu.memory_space<vmem>>) target(%dma_start3A_125 : memref<10240x128xf32, #tpu.memory_space<vmem_shared>>) offsets(%dma_start3A_122 : memref<128xi32, #tpu.memory_space<vmem>>) semaphore(%run_scoped3A_119 : memref<!tpu.dma_semaphore, #tpu.memory_space<semaphore_mem>>) {add = true}
          %dma_wait3A_126 = arith.constant 0 : i32
          %dma_wait3A_127 = tpu.memref_slice %arg8[%add3A_86, %dma_wait3A_126] : memref<40x128xi32, #tpu.memory_space<vmem>> -> memref<1x128xi32, #tpu.memory_space<vmem>>
          %dma_wait3A_128 = tpu.memref_squeeze %dma_wait3A_127 : memref<1x128xi32, #tpu.memory_space<vmem>> -> memref<128xi32, #tpu.memory_space<vmem>>
          %dma_wait3A_129 = arith.constant 0 : i32
          %dma_wait3A_130 = arith.constant 0 : i32
          %dma_wait3A_131 = tpu.memref_slice %arg11[%dma_wait3A_129, %dma_wait3A_130] : memref<10240x128xf32, #tpu.memory_space<vmem_shared>> -> memref<10240x128xf32, #tpu.memory_space<vmem_shared>>
          tpu.wait_indirect_dma semaphore(%run_scoped3A_119 : memref<!tpu.dma_semaphore, #tpu.memory_space<semaphore_mem>>) src(%arg9 : memref<128x128xf32, #tpu.memory_space<vmem>>) dst(%dma_wait3A_131 : memref<10240x128xf32, #tpu.memory_space<vmem_shared>>)
          tpu.yield
        }) : () -> ()
        %add3A_93 = arith.constant 2 : i32
        %add3A_94 = arith.addi %add3A_86, %add3A_93 : i32
        %dma_start3A_95 = arith.constant 0 : i32
        %dma_start3A_96 = tpu.memref_slice %arg7[%add3A_94, %dma_start3A_95] : memref<40x128xi32, #tpu.memory_space<vmem>> -> memref<1x128xi32, #tpu.memory_space<vmem>>
        %dma_start3A_97 = tpu.memref_squeeze %dma_start3A_96 : memref<1x128xi32, #tpu.memory_space<vmem>> -> memref<128xi32, #tpu.memory_space<vmem>>
        %dma_start3A_98 = arith.constant 0 : i32
        %dma_start3A_99 = arith.constant 0 : i32
        %dma_start3A_100 = tpu.memref_slice %arg2[%dma_start3A_98, %dma_start3A_99] : memref<10240x128xf32, #tpu.memory_space<hbm>> -> memref<10240x128xf32, #tpu.memory_space<hbm>>
        tpu.enqueue_indirect_dma source(%dma_start3A_100 : memref<10240x128xf32, #tpu.memory_space<hbm>>) target(%arg9 : memref<128x128xf32, #tpu.memory_space<vmem>>) offsets(%dma_start3A_97 : memref<128xi32, #tpu.memory_space<vmem>>) semaphore(%arg12 : memref<!tpu.dma_semaphore, #tpu.memory_space<semaphore_mem>>)
        %add3A_101 = arith.constant 1 : i32
        %add3A_102 = arith.addi %add3A_86, %add3A_101 : i32
        %dma_wait3A_103 = arith.constant 0 : i32
        %dma_wait3A_104 = tpu.memref_slice %arg7[%add3A_102, %dma_wait3A_103] : memref<40x128xi32, #tpu.memory_space<vmem>> -> memref<1x128xi32, #tpu.memory_space<vmem>>
        %dma_wait3A_105 = tpu.memref_squeeze %dma_wait3A_104 : memref<1x128xi32, #tpu.memory_space<vmem>> -> memref<128xi32, #tpu.memory_space<vmem>>
        %dma_wait3A_106 = arith.constant 0 : i32
        %dma_wait3A_107 = arith.constant 0 : i32
        %dma_wait3A_108 = tpu.memref_slice %arg2[%dma_wait3A_106, %dma_wait3A_107] : memref<10240x128xf32, #tpu.memory_space<hbm>> -> memref<10240x128xf32, #tpu.memory_space<hbm>>
        tpu.wait_indirect_dma semaphore(%arg13 : memref<!tpu.dma_semaphore, #tpu.memory_space<semaphore_mem>>) src(%dma_wait3A_108 : memref<10240x128xf32, #tpu.memory_space<hbm>>) dst(%arg10 : memref<128x128xf32, #tpu.memory_space<vmem>>)
        %add3A_109 = arith.constant 1 : i32
        %add3A_110 = arith.addi %add3A_86, %add3A_109 : i32
        "tpu.region"() ({
          %run_scoped3A_119 = tpu.sem_alloc : memref<!tpu.dma_semaphore, #tpu.memory_space<semaphore_mem>>
          %dma_start3A_120 = arith.constant 0 : i32
          %dma_start3A_121 = tpu.memref_slice %arg8[%add3A_110, %dma_start3A_120] : memref<40x128xi32, #tpu.memory_space<vmem>> -> memref<1x128xi32, #tpu.memory_space<vmem>>
          %dma_start3A_122 = tpu.memref_squeeze %dma_start3A_121 : memref<1x128xi32, #tpu.memory_space<vmem>> -> memref<128xi32, #tpu.memory_space<vmem>>
          %dma_start3A_123 = arith.constant 0 : i32
          %dma_start3A_124 = arith.constant 0 : i32
          %dma_start3A_125 = tpu.memref_slice %arg11[%dma_start3A_123, %dma_start3A_124] : memref<10240x128xf32, #tpu.memory_space<vmem_shared>> -> memref<10240x128xf32, #tpu.memory_space<vmem_shared>>
          tpu.enqueue_indirect_dma source(%arg10 : memref<128x128xf32, #tpu.memory_space<vmem>>) target(%dma_start3A_125 : memref<10240x128xf32, #tpu.memory_space<vmem_shared>>) offsets(%dma_start3A_122 : memref<128xi32, #tpu.memory_space<vmem>>) semaphore(%run_scoped3A_119 : memref<!tpu.dma_semaphore, #tpu.memory_space<semaphore_mem>>) {add = true}
          %dma_wait3A_126 = arith.constant 0 : i32
          %dma_wait3A_127 = tpu.memref_slice %arg8[%add3A_110, %dma_wait3A_126] : memref<40x128xi32, #tpu.memory_space<vmem>> -> memref<1x128xi32, #tpu.memory_space<vmem>>
          %dma_wait3A_128 = tpu.memref_squeeze %dma_wait3A_127 : memref<1x128xi32, #tpu.memory_space<vmem>> -> memref<128xi32, #tpu.memory_space<vmem>>
          %dma_wait3A_129 = arith.constant 0 : i32
          %dma_wait3A_130 = arith.constant 0 : i32
          %dma_wait3A_131 = tpu.memref_slice %arg11[%dma_wait3A_129, %dma_wait3A_130] : memref<10240x128xf32, #tpu.memory_space<vmem_shared>> -> memref<10240x128xf32, #tpu.memory_space<vmem_shared>>
          tpu.wait_indirect_dma semaphore(%run_scoped3A_119 : memref<!tpu.dma_semaphore, #tpu.memory_space<semaphore_mem>>) src(%arg10 : memref<128x128xf32, #tpu.memory_space<vmem>>) dst(%dma_wait3A_131 : memref<10240x128xf32, #tpu.memory_space<vmem_shared>>)
          tpu.yield
        }) : () -> ()
        %add3A_111 = arith.constant 3 : i32
        %add3A_112 = arith.addi %add3A_86, %add3A_111 : i32
        %dma_start3A_113 = arith.constant 0 : i32
        %dma_start3A_114 = tpu.memref_slice %arg7[%add3A_112, %dma_start3A_113] : memref<40x128xi32, #tpu.memory_space<vmem>> -> memref<1x128xi32, #tpu.memory_space<vmem>>
        %dma_start3A_115 = tpu.memref_squeeze %dma_start3A_114 : memref<1x128xi32, #tpu.memory_space<vmem>> -> memref<128xi32, #tpu.memory_space<vmem>>
        %dma_start3A_116 = arith.constant 0 : i32
        %dma_start3A_117 = arith.constant 0 : i32
        %dma_start3A_118 = tpu.memref_slice %arg2[%dma_start3A_116, %dma_start3A_117] : memref<10240x128xf32, #tpu.memory_space<hbm>> -> memref<10240x128xf32, #tpu.memory_space<hbm>>
        tpu.enqueue_indirect_dma source(%dma_start3A_118 : memref<10240x128xf32, #tpu.memory_space<hbm>>) target(%arg10 : memref<128x128xf32, #tpu.memory_space<vmem>>) offsets(%dma_start3A_115 : memref<128xi32, #tpu.memory_space<vmem>>) semaphore(%arg13 : memref<!tpu.dma_semaphore, #tpu.memory_space<semaphore_mem>>)
      }
      %scan3A_30 = arith.constant 19 : i32
      %dma_wait3A = arith.constant 38 : i32
      %dma_wait3A_31 = arith.constant 0 : i32
      %dma_wait3A_32 = tpu.memref_slice %arg7[%dma_wait3A, %dma_wait3A_31] : memref<40x128xi32, #tpu.memory_space<vmem>> -> memref<1x128xi32, #tpu.memory_space<vmem>>
      %dma_wait3A_33 = tpu.memref_squeeze %dma_wait3A_32 : memref<1x128xi32, #tpu.memory_space<vmem>> -> memref<128xi32, #tpu.memory_space<vmem>>
      %dma_wait3A_34 = arith.constant 0 : i32
      %dma_wait3A_35 = arith.constant 0 : i32
      %dma_wait3A_36 = tpu.memref_slice %arg2[%dma_wait3A_34, %dma_wait3A_35] : memref<10240x128xf32, #tpu.memory_space<hbm>> -> memref<10240x128xf32, #tpu.memory_space<hbm>>
      tpu.wait_indirect_dma semaphore(%arg12 : memref<!tpu.dma_semaphore, #tpu.memory_space<semaphore_mem>>) src(%dma_wait3A_36 : memref<10240x128xf32, #tpu.memory_space<hbm>>) dst(%arg9 : memref<128x128xf32, #tpu.memory_space<vmem>>)
      %run_scoped3A = arith.constant 38 : i32
      "tpu.region"() ({
        %run_scoped3A_82 = tpu.sem_alloc : memref<!tpu.dma_semaphore, #tpu.memory_space<semaphore_mem>>
        %dma_start3A_83 = arith.constant 0 : i32
        %dma_start3A_84 = tpu.memref_slice %arg8[%run_scoped3A, %dma_start3A_83] : memref<40x128xi32, #tpu.memory_space<vmem>> -> memref<1x128xi32, #tpu.memory_space<vmem>>
        %dma_start3A_85 = tpu.memref_squeeze %dma_start3A_84 : memref<1x128xi32, #tpu.memory_space<vmem>> -> memref<128xi32, #tpu.memory_space<vmem>>
        %dma_start3A_86 = arith.constant 0 : i32
        %dma_start3A_87 = arith.constant 0 : i32
        %dma_start3A_88 = tpu.memref_slice %arg11[%dma_start3A_86, %dma_start3A_87] : memref<10240x128xf32, #tpu.memory_space<vmem_shared>> -> memref<10240x128xf32, #tpu.memory_space<vmem_shared>>
        tpu.enqueue_indirect_dma source(%arg9 : memref<128x128xf32, #tpu.memory_space<vmem>>) target(%dma_start3A_88 : memref<10240x128xf32, #tpu.memory_space<vmem_shared>>) offsets(%dma_start3A_85 : memref<128xi32, #tpu.memory_space<vmem>>) semaphore(%run_scoped3A_82 : memref<!tpu.dma_semaphore, #tpu.memory_space<semaphore_mem>>) {add = true}
        %dma_wait3A_89 = arith.constant 0 : i32
        %dma_wait3A_90 = tpu.memref_slice %arg8[%run_scoped3A, %dma_wait3A_89] : memref<40x128xi32, #tpu.memory_space<vmem>> -> memref<1x128xi32, #tpu.memory_space<vmem>>
        %dma_wait3A_91 = tpu.memref_squeeze %dma_wait3A_90 : memref<1x128xi32, #tpu.memory_space<vmem>> -> memref<128xi32, #tpu.memory_space<vmem>>
        %dma_wait3A_92 = arith.constant 0 : i32
        %dma_wait3A_93 = arith.constant 0 : i32
        %dma_wait3A_94 = tpu.memref_slice %arg11[%dma_wait3A_92, %dma_wait3A_93] : memref<10240x128xf32, #tpu.memory_space<vmem_shared>> -> memref<10240x128xf32, #tpu.memory_space<vmem_shared>>
        tpu.wait_indirect_dma semaphore(%run_scoped3A_82 : memref<!tpu.dma_semaphore, #tpu.memory_space<semaphore_mem>>) src(%arg9 : memref<128x128xf32, #tpu.memory_space<vmem>>) dst(%dma_wait3A_94 : memref<10240x128xf32, #tpu.memory_space<vmem_shared>>)
        tpu.yield
      }) : () -> ()
      %dma_wait3A_37 = arith.constant 39 : i32
      %dma_wait3A_38 = arith.constant 0 : i32
      %dma_wait3A_39 = tpu.memref_slice %arg7[%dma_wait3A_37, %dma_wait3A_38] : memref<40x128xi32, #tpu.memory_space<vmem>> -> memref<1x128xi32, #tpu.memory_space<vmem>>
      %dma_wait3A_40 = tpu.memref_squeeze %dma_wait3A_39 : memref<1x128xi32, #tpu.memory_space<vmem>> -> memref<128xi32, #tpu.memory_space<vmem>>
      %dma_wait3A_41 = arith.constant 0 : i32
      %dma_wait3A_42 = arith.constant 0 : i32
      %dma_wait3A_43 = tpu.memref_slice %arg2[%dma_wait3A_41, %dma_wait3A_42] : memref<10240x128xf32, #tpu.memory_space<hbm>> -> memref<10240x128xf32, #tpu.memory_space<hbm>>
      tpu.wait_indirect_dma semaphore(%arg13 : memref<!tpu.dma_semaphore, #tpu.memory_space<semaphore_mem>>) src(%dma_wait3A_43 : memref<10240x128xf32, #tpu.memory_space<hbm>>) dst(%arg10 : memref<128x128xf32, #tpu.memory_space<vmem>>)
      %run_scoped3A_44 = arith.constant 39 : i32
      "tpu.region"() ({
        %run_scoped3A_82 = tpu.sem_alloc : memref<!tpu.dma_semaphore, #tpu.memory_space<semaphore_mem>>
        %dma_start3A_83 = arith.constant 0 : i32
        %dma_start3A_84 = tpu.memref_slice %arg8[%run_scoped3A_44, %dma_start3A_83] : memref<40x128xi32, #tpu.memory_space<vmem>> -> memref<1x128xi32, #tpu.memory_space<vmem>>
        %dma_start3A_85 = tpu.memref_squeeze %dma_start3A_84 : memref<1x128xi32, #tpu.memory_space<vmem>> -> memref<128xi32, #tpu.memory_space<vmem>>
        %dma_start3A_86 = arith.constant 0 : i32
        %dma_start3A_87 = arith.constant 0 : i32
        %dma_start3A_88 = tpu.memref_slice %arg11[%dma_start3A_86, %dma_start3A_87] : memref<10240x128xf32, #tpu.memory_space<vmem_shared>> -> memref<10240x128xf32, #tpu.memory_space<vmem_shared>>
        tpu.enqueue_indirect_dma source(%arg10 : memref<128x128xf32, #tpu.memory_space<vmem>>) target(%dma_start3A_88 : memref<10240x128xf32, #tpu.memory_space<vmem_shared>>) offsets(%dma_start3A_85 : memref<128xi32, #tpu.memory_space<vmem>>) semaphore(%run_scoped3A_82 : memref<!tpu.dma_semaphore, #tpu.memory_space<semaphore_mem>>) {add = true}
        %dma_wait3A_89 = arith.constant 0 : i32
        %dma_wait3A_90 = tpu.memref_slice %arg8[%run_scoped3A_44, %dma_wait3A_89] : memref<40x128xi32, #tpu.memory_space<vmem>> -> memref<1x128xi32, #tpu.memory_space<vmem>>
        %dma_wait3A_91 = tpu.memref_squeeze %dma_wait3A_90 : memref<1x128xi32, #tpu.memory_space<vmem>> -> memref<128xi32, #tpu.memory_space<vmem>>
        %dma_wait3A_92 = arith.constant 0 : i32
        %dma_wait3A_93 = arith.constant 0 : i32
        %dma_wait3A_94 = tpu.memref_slice %arg11[%dma_wait3A_92, %dma_wait3A_93] : memref<10240x128xf32, #tpu.memory_space<vmem_shared>> -> memref<10240x128xf32, #tpu.memory_space<vmem_shared>>
        tpu.wait_indirect_dma semaphore(%run_scoped3A_82 : memref<!tpu.dma_semaphore, #tpu.memory_space<semaphore_mem>>) src(%arg10 : memref<128x128xf32, #tpu.memory_space<vmem>>) dst(%dma_wait3A_94 : memref<10240x128xf32, #tpu.memory_space<vmem_shared>>)
        tpu.yield
      }) : () -> ()
      %add3A_45 = arith.constant 40 : i32
      %add3A_46 = arith.addi %add3A_11, %add3A_45 : i32
      "tpu.region"() ({
        %run_scoped3A_82 = tpu.sem_alloc : memref<!tpu.dma_semaphore, #tpu.memory_space<semaphore_mem>>
        %dma_start3A_83 = arith.constant 0 : i32
        %dma_start3A_84 = tpu.memref_slice %arg3[%add3A_46, %dma_start3A_83] : memref<2560x128xi32, #tpu.memory_space<hbm>> -> memref<40x128xi32, #tpu.memory_space<hbm>>
        %dma_start3A_85 = arith.constant 0 : i32
        %dma_start3A_86 = tpu.memref_slice %arg3[%add3A_46, %dma_start3A_85] : memref<2560x128xi32, #tpu.memory_space<hbm>> -> memref<40x128xi32, #tpu.memory_space<hbm>>
        tpu.enqueue_dma source(%dma_start3A_86 : memref<40x128xi32, #tpu.memory_space<hbm>>) target(%arg7 : memref<40x128xi32, #tpu.memory_space<vmem>>) target_semaphore(%run_scoped3A_82 : memref<!tpu.dma_semaphore, #tpu.memory_space<semaphore_mem>>)
        %dma_wait3A_87 = arith.constant 0 : i32
        %dma_wait3A_88 = tpu.memref_slice %arg3[%add3A_46, %dma_wait3A_87] : memref<2560x128xi32, #tpu.memory_space<hbm>> -> memref<40x128xi32, #tpu.memory_space<hbm>>
        %dma_wait3A_89 = arith.constant 0 : i32
        %dma_wait3A_90 = tpu.memref_slice %arg3[%add3A_46, %dma_wait3A_89] : memref<2560x128xi32, #tpu.memory_space<hbm>> -> memref<40x128xi32, #tpu.memory_space<hbm>>
        tpu.wait_dma2 semaphore(%run_scoped3A_82 : memref<!tpu.dma_semaphore, #tpu.memory_space<semaphore_mem>>) src(%dma_wait3A_90 : memref<40x128xi32, #tpu.memory_space<hbm>>) dst(%arg7 : memref<40x128xi32, #tpu.memory_space<vmem>>)
        tpu.yield
      }) : () -> ()
      "tpu.region"() ({
        %run_scoped3A_82 = tpu.sem_alloc : memref<!tpu.dma_semaphore, #tpu.memory_space<semaphore_mem>>
        %dma_start3A_83 = arith.constant 0 : i32
        %dma_start3A_84 = tpu.memref_slice %arg4[%add3A_46, %dma_start3A_83] : memref<2560x128xi32, #tpu.memory_space<hbm>> -> memref<40x128xi32, #tpu.memory_space<hbm>>
        %dma_start3A_85 = arith.constant 0 : i32
        %dma_start3A_86 = tpu.memref_slice %arg4[%add3A_46, %dma_start3A_85] : memref<2560x128xi32, #tpu.memory_space<hbm>> -> memref<40x128xi32, #tpu.memory_space<hbm>>
        tpu.enqueue_dma source(%dma_start3A_86 : memref<40x128xi32, #tpu.memory_space<hbm>>) target(%arg8 : memref<40x128xi32, #tpu.memory_space<vmem>>) target_semaphore(%run_scoped3A_82 : memref<!tpu.dma_semaphore, #tpu.memory_space<semaphore_mem>>)
        %dma_wait3A_87 = arith.constant 0 : i32
        %dma_wait3A_88 = tpu.memref_slice %arg4[%add3A_46, %dma_wait3A_87] : memref<2560x128xi32, #tpu.memory_space<hbm>> -> memref<40x128xi32, #tpu.memory_space<hbm>>
        %dma_wait3A_89 = arith.constant 0 : i32
        %dma_wait3A_90 = tpu.memref_slice %arg4[%add3A_46, %dma_wait3A_89] : memref<2560x128xi32, #tpu.memory_space<hbm>> -> memref<40x128xi32, #tpu.memory_space<hbm>>
        tpu.wait_dma2 semaphore(%run_scoped3A_82 : memref<!tpu.dma_semaphore, #tpu.memory_space<semaphore_mem>>) src(%dma_wait3A_90 : memref<40x128xi32, #tpu.memory_space<hbm>>) dst(%arg8 : memref<40x128xi32, #tpu.memory_space<vmem>>)
        tpu.yield
      }) : () -> ()
      %dma_start3A_47 = arith.constant 0 : i32
      %dma_start3A_48 = arith.constant 0 : i32
      %dma_start3A_49 = tpu.memref_slice %arg7[%dma_start3A_47, %dma_start3A_48] : memref<40x128xi32, #tpu.memory_space<vmem>> -> memref<1x128xi32, #tpu.memory_space<vmem>>
      %dma_start3A_50 = tpu.memref_squeeze %dma_start3A_49 : memref<1x128xi32, #tpu.memory_space<vmem>> -> memref<128xi32, #tpu.memory_space<vmem>>
      %dma_start3A_51 = arith.constant 0 : i32
      %dma_start3A_52 = arith.constant 0 : i32
      %dma_start3A_53 = tpu.memref_slice %arg2[%dma_start3A_51, %dma_start3A_52] : memref<10240x128xf32, #tpu.memory_space<hbm>> -> memref<10240x128xf32, #tpu.memory_space<hbm>>
      tpu.enqueue_indirect_dma source(%dma_start3A_53 : memref<10240x128xf32, #tpu.memory_space<hbm>>) target(%arg9 : memref<128x128xf32, #tpu.memory_space<vmem>>) offsets(%dma_start3A_50 : memref<128xi32, #tpu.memory_space<vmem>>) semaphore(%arg12 : memref<!tpu.dma_semaphore, #tpu.memory_space<semaphore_mem>>)
      %dma_start3A_54 = arith.constant 1 : i32
      %dma_start3A_55 = arith.constant 0 : i32
      %dma_start3A_56 = tpu.memref_slice %arg7[%dma_start3A_54, %dma_start3A_55] : memref<40x128xi32, #tpu.memory_space<vmem>> -> memref<1x128xi32, #tpu.memory_space<vmem>>
      %dma_start3A_57 = tpu.memref_squeeze %dma_start3A_56 : memref<1x128xi32, #tpu.memory_space<vmem>> -> memref<128xi32, #tpu.memory_space<vmem>>
      %dma_start3A_58 = arith.constant 0 : i32
      %dma_start3A_59 = arith.constant 0 : i32
      %dma_start3A_60 = tpu.memref_slice %arg2[%dma_start3A_58, %dma_start3A_59] : memref<10240x128xf32, #tpu.memory_space<hbm>> -> memref<10240x128xf32, #tpu.memory_space<hbm>>
      tpu.enqueue_indirect_dma source(%dma_start3A_60 : memref<10240x128xf32, #tpu.memory_space<hbm>>) target(%arg10 : memref<128x128xf32, #tpu.memory_space<vmem>>) offsets(%dma_start3A_57 : memref<128xi32, #tpu.memory_space<vmem>>) semaphore(%arg13 : memref<!tpu.dma_semaphore, #tpu.memory_space<semaphore_mem>>)
      %scan3A_61 = arith.constant 0 : i32
      %scan3A_62 = arith.constant 19 : i32
      %scan3A_63 = arith.addi %scan3A_61, %scan3A_62 : i32
      %scan3A_64 = arith.constant 1 : i32
      scf.for %scan3A_82 = %scan3A_61 to %scan3A_63 step %scan3A_64  : i32 {
        %mul3A_83 = arith.constant 2 : i32
        %mul3A_84 = arith.muli %scan3A_82, %mul3A_83 : i32
        %add3A_85 = arith.constant 0 : i32
        %add3A_86 = arith.addi %add3A_85, %mul3A_84 : i32
        %dma_wait3A_87 = arith.constant 0 : i32
        %dma_wait3A_88 = tpu.memref_slice %arg7[%add3A_86, %dma_wait3A_87] : memref<40x128xi32, #tpu.memory_space<vmem>> -> memref<1x128xi32, #tpu.memory_space<vmem>>
        %dma_wait3A_89 = tpu.memref_squeeze %dma_wait3A_88 : memref<1x128xi32, #tpu.memory_space<vmem>> -> memref<128xi32, #tpu.memory_space<vmem>>
        %dma_wait3A_90 = arith.constant 0 : i32
        %dma_wait3A_91 = arith.constant 0 : i32
        %dma_wait3A_92 = tpu.memref_slice %arg2[%dma_wait3A_90, %dma_wait3A_91] : memref<10240x128xf32, #tpu.memory_space<hbm>> -> memref<10240x128xf32, #tpu.memory_space<hbm>>
        tpu.wait_indirect_dma semaphore(%arg12 : memref<!tpu.dma_semaphore, #tpu.memory_space<semaphore_mem>>) src(%dma_wait3A_92 : memref<10240x128xf32, #tpu.memory_space<hbm>>) dst(%arg9 : memref<128x128xf32, #tpu.memory_space<vmem>>)
        "tpu.region"() ({
          %run_scoped3A_119 = tpu.sem_alloc : memref<!tpu.dma_semaphore, #tpu.memory_space<semaphore_mem>>
          %dma_start3A_120 = arith.constant 0 : i32
          %dma_start3A_121 = tpu.memref_slice %arg8[%add3A_86, %dma_start3A_120] : memref<40x128xi32, #tpu.memory_space<vmem>> -> memref<1x128xi32, #tpu.memory_space<vmem>>
          %dma_start3A_122 = tpu.memref_squeeze %dma_start3A_121 : memref<1x128xi32, #tpu.memory_space<vmem>> -> memref<128xi32, #tpu.memory_space<vmem>>
          %dma_start3A_123 = arith.constant 0 : i32
          %dma_start3A_124 = arith.constant 0 : i32
          %dma_start3A_125 = tpu.memref_slice %arg11[%dma_start3A_123, %dma_start3A_124] : memref<10240x128xf32, #tpu.memory_space<vmem_shared>> -> memref<10240x128xf32, #tpu.memory_space<vmem_shared>>
          tpu.enqueue_indirect_dma source(%arg9 : memref<128x128xf32, #tpu.memory_space<vmem>>) target(%dma_start3A_125 : memref<10240x128xf32, #tpu.memory_space<vmem_shared>>) offsets(%dma_start3A_122 : memref<128xi32, #tpu.memory_space<vmem>>) semaphore(%run_scoped3A_119 : memref<!tpu.dma_semaphore, #tpu.memory_space<semaphore_mem>>) {add = true}
          %dma_wait3A_126 = arith.constant 0 : i32
          %dma_wait3A_127 = tpu.memref_slice %arg8[%add3A_86, %dma_wait3A_126] : memref<40x128xi32, #tpu.memory_space<vmem>> -> memref<1x128xi32, #tpu.memory_space<vmem>>
          %dma_wait3A_128 = tpu.memref_squeeze %dma_wait3A_127 : memref<1x128xi32, #tpu.memory_space<vmem>> -> memref<128xi32, #tpu.memory_space<vmem>>
          %dma_wait3A_129 = arith.constant 0 : i32
          %dma_wait3A_130 = arith.constant 0 : i32
          %dma_wait3A_131 = tpu.memref_slice %arg11[%dma_wait3A_129, %dma_wait3A_130] : memref<10240x128xf32, #tpu.memory_space<vmem_shared>> -> memref<10240x128xf32, #tpu.memory_space<vmem_shared>>
          tpu.wait_indirect_dma semaphore(%run_scoped3A_119 : memref<!tpu.dma_semaphore, #tpu.memory_space<semaphore_mem>>) src(%arg9 : memref<128x128xf32, #tpu.memory_space<vmem>>) dst(%dma_wait3A_131 : memref<10240x128xf32, #tpu.memory_space<vmem_shared>>)
          tpu.yield
        }) : () -> ()
        %add3A_93 = arith.constant 2 : i32
        %add3A_94 = arith.addi %add3A_86, %add3A_93 : i32
        %dma_start3A_95 = arith.constant 0 : i32
        %dma_start3A_96 = tpu.memref_slice %arg7[%add3A_94, %dma_start3A_95] : memref<40x128xi32, #tpu.memory_space<vmem>> -> memref<1x128xi32, #tpu.memory_space<vmem>>
        %dma_start3A_97 = tpu.memref_squeeze %dma_start3A_96 : memref<1x128xi32, #tpu.memory_space<vmem>> -> memref<128xi32, #tpu.memory_space<vmem>>
        %dma_start3A_98 = arith.constant 0 : i32
        %dma_start3A_99 = arith.constant 0 : i32
        %dma_start3A_100 = tpu.memref_slice %arg2[%dma_start3A_98, %dma_start3A_99] : memref<10240x128xf32, #tpu.memory_space<hbm>> -> memref<10240x128xf32, #tpu.memory_space<hbm>>
        tpu.enqueue_indirect_dma source(%dma_start3A_100 : memref<10240x128xf32, #tpu.memory_space<hbm>>) target(%arg9 : memref<128x128xf32, #tpu.memory_space<vmem>>) offsets(%dma_start3A_97 : memref<128xi32, #tpu.memory_space<vmem>>) semaphore(%arg12 : memref<!tpu.dma_semaphore, #tpu.memory_space<semaphore_mem>>)
        %add3A_101 = arith.constant 1 : i32
        %add3A_102 = arith.addi %add3A_86, %add3A_101 : i32
        %dma_wait3A_103 = arith.constant 0 : i32
        %dma_wait3A_104 = tpu.memref_slice %arg7[%add3A_102, %dma_wait3A_103] : memref<40x128xi32, #tpu.memory_space<vmem>> -> memref<1x128xi32, #tpu.memory_space<vmem>>
        %dma_wait3A_105 = tpu.memref_squeeze %dma_wait3A_104 : memref<1x128xi32, #tpu.memory_space<vmem>> -> memref<128xi32, #tpu.memory_space<vmem>>
        %dma_wait3A_106 = arith.constant 0 : i32
        %dma_wait3A_107 = arith.constant 0 : i32
        %dma_wait3A_108 = tpu.memref_slice %arg2[%dma_wait3A_106, %dma_wait3A_107] : memref<10240x128xf32, #tpu.memory_space<hbm>> -> memref<10240x128xf32, #tpu.memory_space<hbm>>
        tpu.wait_indirect_dma semaphore(%arg13 : memref<!tpu.dma_semaphore, #tpu.memory_space<semaphore_mem>>) src(%dma_wait3A_108 : memref<10240x128xf32, #tpu.memory_space<hbm>>) dst(%arg10 : memref<128x128xf32, #tpu.memory_space<vmem>>)
        %add3A_109 = arith.constant 1 : i32
        %add3A_110 = arith.addi %add3A_86, %add3A_109 : i32
        "tpu.region"() ({
          %run_scoped3A_119 = tpu.sem_alloc : memref<!tpu.dma_semaphore, #tpu.memory_space<semaphore_mem>>
          %dma_start3A_120 = arith.constant 0 : i32
          %dma_start3A_121 = tpu.memref_slice %arg8[%add3A_110, %dma_start3A_120] : memref<40x128xi32, #tpu.memory_space<vmem>> -> memref<1x128xi32, #tpu.memory_space<vmem>>
          %dma_start3A_122 = tpu.memref_squeeze %dma_start3A_121 : memref<1x128xi32, #tpu.memory_space<vmem>> -> memref<128xi32, #tpu.memory_space<vmem>>
          %dma_start3A_123 = arith.constant 0 : i32
          %dma_start3A_124 = arith.constant 0 : i32
          %dma_start3A_125 = tpu.memref_slice %arg11[%dma_start3A_123, %dma_start3A_124] : memref<10240x128xf32, #tpu.memory_space<vmem_shared>> -> memref<10240x128xf32, #tpu.memory_space<vmem_shared>>
          tpu.enqueue_indirect_dma source(%arg10 : memref<128x128xf32, #tpu.memory_space<vmem>>) target(%dma_start3A_125 : memref<10240x128xf32, #tpu.memory_space<vmem_shared>>) offsets(%dma_start3A_122 : memref<128xi32, #tpu.memory_space<vmem>>) semaphore(%run_scoped3A_119 : memref<!tpu.dma_semaphore, #tpu.memory_space<semaphore_mem>>) {add = true}
          %dma_wait3A_126 = arith.constant 0 : i32
          %dma_wait3A_127 = tpu.memref_slice %arg8[%add3A_110, %dma_wait3A_126] : memref<40x128xi32, #tpu.memory_space<vmem>> -> memref<1x128xi32, #tpu.memory_space<vmem>>
          %dma_wait3A_128 = tpu.memref_squeeze %dma_wait3A_127 : memref<1x128xi32, #tpu.memory_space<vmem>> -> memref<128xi32, #tpu.memory_space<vmem>>
          %dma_wait3A_129 = arith.constant 0 : i32
          %dma_wait3A_130 = arith.constant 0 : i32
          %dma_wait3A_131 = tpu.memref_slice %arg11[%dma_wait3A_129, %dma_wait3A_130] : memref<10240x128xf32, #tpu.memory_space<vmem_shared>> -> memref<10240x128xf32, #tpu.memory_space<vmem_shared>>
          tpu.wait_indirect_dma semaphore(%run_scoped3A_119 : memref<!tpu.dma_semaphore, #tpu.memory_space<semaphore_mem>>) src(%arg10 : memref<128x128xf32, #tpu.memory_space<vmem>>) dst(%dma_wait3A_131 : memref<10240x128xf32, #tpu.memory_space<vmem_shared>>)
          tpu.yield
        }) : () -> ()
        %add3A_111 = arith.constant 3 : i32
        %add3A_112 = arith.addi %add3A_86, %add3A_111 : i32
        %dma_start3A_113 = arith.constant 0 : i32
        %dma_start3A_114 = tpu.memref_slice %arg7[%add3A_112, %dma_start3A_113] : memref<40x128xi32, #tpu.memory_space<vmem>> -> memref<1x128xi32, #tpu.memory_space<vmem>>
        %dma_start3A_115 = tpu.memref_squeeze %dma_start3A_114 : memref<1x128xi32, #tpu.memory_space<vmem>> -> memref<128xi32, #tpu.memory_space<vmem>>
        %dma_start3A_116 = arith.constant 0 : i32
        %dma_start3A_117 = arith.constant 0 : i32
        %dma_start3A_118 = tpu.memref_slice %arg2[%dma_start3A_116, %dma_start3A_117] : memref<10240x128xf32, #tpu.memory_space<hbm>> -> memref<10240x128xf32, #tpu.memory_space<hbm>>
        tpu.enqueue_indirect_dma source(%dma_start3A_118 : memref<10240x128xf32, #tpu.memory_space<hbm>>) target(%arg10 : memref<128x128xf32, #tpu.memory_space<vmem>>) offsets(%dma_start3A_115 : memref<128xi32, #tpu.memory_space<vmem>>) semaphore(%arg13 : memref<!tpu.dma_semaphore, #tpu.memory_space<semaphore_mem>>)
      }
      %scan3A_65 = arith.constant 19 : i32
      %dma_wait3A_66 = arith.constant 38 : i32
      %dma_wait3A_67 = arith.constant 0 : i32
      %dma_wait3A_68 = tpu.memref_slice %arg7[%dma_wait3A_66, %dma_wait3A_67] : memref<40x128xi32, #tpu.memory_space<vmem>> -> memref<1x128xi32, #tpu.memory_space<vmem>>
      %dma_wait3A_69 = tpu.memref_squeeze %dma_wait3A_68 : memref<1x128xi32, #tpu.memory_space<vmem>> -> memref<128xi32, #tpu.memory_space<vmem>>
      %dma_wait3A_70 = arith.constant 0 : i32
      %dma_wait3A_71 = arith.constant 0 : i32
      %dma_wait3A_72 = tpu.memref_slice %arg2[%dma_wait3A_70, %dma_wait3A_71] : memref<10240x128xf32, #tpu.memory_space<hbm>> -> memref<10240x128xf32, #tpu.memory_space<hbm>>
      tpu.wait_indirect_dma semaphore(%arg12 : memref<!tpu.dma_semaphore, #tpu.memory_space<semaphore_mem>>) src(%dma_wait3A_72 : memref<10240x128xf32, #tpu.memory_space<hbm>>) dst(%arg9 : memref<128x128xf32, #tpu.memory_space<vmem>>)
      %run_scoped3A_73 = arith.constant 38 : i32
      "tpu.region"() ({
        %run_scoped3A_82 = tpu.sem_alloc : memref<!tpu.dma_semaphore, #tpu.memory_space<semaphore_mem>>
        %dma_start3A_83 = arith.constant 0 : i32
        %dma_start3A_84 = tpu.memref_slice %arg8[%run_scoped3A_73, %dma_start3A_83] : memref<40x128xi32, #tpu.memory_space<vmem>> -> memref<1x128xi32, #tpu.memory_space<vmem>>
        %dma_start3A_85 = tpu.memref_squeeze %dma_start3A_84 : memref<1x128xi32, #tpu.memory_space<vmem>> -> memref<128xi32, #tpu.memory_space<vmem>>
        %dma_start3A_86 = arith.constant 0 : i32
        %dma_start3A_87 = arith.constant 0 : i32
        %dma_start3A_88 = tpu.memref_slice %arg11[%dma_start3A_86, %dma_start3A_87] : memref<10240x128xf32, #tpu.memory_space<vmem_shared>> -> memref<10240x128xf32, #tpu.memory_space<vmem_shared>>
        tpu.enqueue_indirect_dma source(%arg9 : memref<128x128xf32, #tpu.memory_space<vmem>>) target(%dma_start3A_88 : memref<10240x128xf32, #tpu.memory_space<vmem_shared>>) offsets(%dma_start3A_85 : memref<128xi32, #tpu.memory_space<vmem>>) semaphore(%run_scoped3A_82 : memref<!tpu.dma_semaphore, #tpu.memory_space<semaphore_mem>>) {add = true}
        %dma_wait3A_89 = arith.constant 0 : i32
        %dma_wait3A_90 = tpu.memref_slice %arg8[%run_scoped3A_73, %dma_wait3A_89] : memref<40x128xi32, #tpu.memory_space<vmem>> -> memref<1x128xi32, #tpu.memory_space<vmem>>
        %dma_wait3A_91 = tpu.memref_squeeze %dma_wait3A_90 : memref<1x128xi32, #tpu.memory_space<vmem>> -> memref<128xi32, #tpu.memory_space<vmem>>
        %dma_wait3A_92 = arith.constant 0 : i32
        %dma_wait3A_93 = arith.constant 0 : i32
        %dma_wait3A_94 = tpu.memref_slice %arg11[%dma_wait3A_92, %dma_wait3A_93] : memref<10240x128xf32, #tpu.memory_space<vmem_shared>> -> memref<10240x128xf32, #tpu.memory_space<vmem_shared>>
        tpu.wait_indirect_dma semaphore(%run_scoped3A_82 : memref<!tpu.dma_semaphore, #tpu.memory_space<semaphore_mem>>) src(%arg9 : memref<128x128xf32, #tpu.memory_space<vmem>>) dst(%dma_wait3A_94 : memref<10240x128xf32, #tpu.memory_space<vmem_shared>>)
        tpu.yield
      }) : () -> ()
      %dma_wait3A_74 = arith.constant 39 : i32
      %dma_wait3A_75 = arith.constant 0 : i32
      %dma_wait3A_76 = tpu.memref_slice %arg7[%dma_wait3A_74, %dma_wait3A_75] : memref<40x128xi32, #tpu.memory_space<vmem>> -> memref<1x128xi32, #tpu.memory_space<vmem>>
      %dma_wait3A_77 = tpu.memref_squeeze %dma_wait3A_76 : memref<1x128xi32, #tpu.memory_space<vmem>> -> memref<128xi32, #tpu.memory_space<vmem>>
      %dma_wait3A_78 = arith.constant 0 : i32
      %dma_wait3A_79 = arith.constant 0 : i32
      %dma_wait3A_80 = tpu.memref_slice %arg2[%dma_wait3A_78, %dma_wait3A_79] : memref<10240x128xf32, #tpu.memory_space<hbm>> -> memref<10240x128xf32, #tpu.memory_space<hbm>>
      tpu.wait_indirect_dma semaphore(%arg13 : memref<!tpu.dma_semaphore, #tpu.memory_space<semaphore_mem>>) src(%dma_wait3A_80 : memref<10240x128xf32, #tpu.memory_space<hbm>>) dst(%arg10 : memref<128x128xf32, #tpu.memory_space<vmem>>)
      %run_scoped3A_81 = arith.constant 39 : i32
      "tpu.region"() ({
        %run_scoped3A_82 = tpu.sem_alloc : memref<!tpu.dma_semaphore, #tpu.memory_space<semaphore_mem>>
        %dma_start3A_83 = arith.constant 0 : i32
        %dma_start3A_84 = tpu.memref_slice %arg8[%run_scoped3A_81, %dma_start3A_83] : memref<40x128xi32, #tpu.memory_space<vmem>> -> memref<1x128xi32, #tpu.memory_space<vmem>>
        %dma_start3A_85 = tpu.memref_squeeze %dma_start3A_84 : memref<1x128xi32, #tpu.memory_space<vmem>> -> memref<128xi32, #tpu.memory_space<vmem>>
        %dma_start3A_86 = arith.constant 0 : i32
        %dma_start3A_87 = arith.constant 0 : i32
        %dma_start3A_88 = tpu.memref_slice %arg11[%dma_start3A_86, %dma_start3A_87] : memref<10240x128xf32, #tpu.memory_space<vmem_shared>> -> memref<10240x128xf32, #tpu.memory_space<vmem_shared>>
        tpu.enqueue_indirect_dma source(%arg10 : memref<128x128xf32, #tpu.memory_space<vmem>>) target(%dma_start3A_88 : memref<10240x128xf32, #tpu.memory_space<vmem_shared>>) offsets(%dma_start3A_85 : memref<128xi32, #tpu.memory_space<vmem>>) semaphore(%run_scoped3A_82 : memref<!tpu.dma_semaphore, #tpu.memory_space<semaphore_mem>>) {add = true}
        %dma_wait3A_89 = arith.constant 0 : i32
        %dma_wait3A_90 = tpu.memref_slice %arg8[%run_scoped3A_81, %dma_wait3A_89] : memref<40x128xi32, #tpu.memory_space<vmem>> -> memref<1x128xi32, #tpu.memory_space<vmem>>
        %dma_wait3A_91 = tpu.memref_squeeze %dma_wait3A_90 : memref<1x128xi32, #tpu.memory_space<vmem>> -> memref<128xi32, #tpu.memory_space<vmem>>
        %dma_wait3A_92 = arith.constant 0 : i32
        %dma_wait3A_93 = arith.constant 0 : i32
        %dma_wait3A_94 = tpu.memref_slice %arg11[%dma_wait3A_92, %dma_wait3A_93] : memref<10240x128xf32, #tpu.memory_space<vmem_shared>> -> memref<10240x128xf32, #tpu.memory_space<vmem_shared>>
        tpu.wait_indirect_dma semaphore(%run_scoped3A_82 : memref<!tpu.dma_semaphore, #tpu.memory_space<semaphore_mem>>) src(%arg10 : memref<128x128xf32, #tpu.memory_space<vmem>>) dst(%dma_wait3A_94 : memref<10240x128xf32, #tpu.memory_space<vmem_shared>>)
        tpu.yield
      }) : () -> ()
    } else {
    }
    %barrier3A_8 = arith.constant 0 : index
    tpu.barrier barrier_id(%barrier3A_8)
    "tpu.region"() ({
      %run_scoped3A = tpu.sem_alloc : memref<!tpu.dma_semaphore, #tpu.memory_space<semaphore_mem>>
      %dma_start3A = arith.constant 0 : i32
      %dma_start3A_9 = arith.constant 0 : i32
      %dma_start3A_10 = tpu.memref_slice %arg6[%arg0, %dma_start3A, %dma_start3A_9] : memref<2x10240x128xf32, #tpu.memory_space<hbm>> -> memref<1x10240x128xf32, #tpu.memory_space<hbm>>
      %dma_start3A_11 = tpu.memref_squeeze %dma_start3A_10 : memref<1x10240x128xf32, #tpu.memory_space<hbm>> -> memref<10240x128xf32, #tpu.memory_space<hbm>>
      %dma_start3A_12 = arith.constant 0 : i32
      %dma_start3A_13 = tpu.memref_slice %dma_start3A_11[%mul3A_0, %dma_start3A_12] : memref<10240x128xf32, #tpu.memory_space<hbm>> -> memref<640x128xf32, #tpu.memory_space<hbm>>
      %dma_start3A_14 = arith.constant 0 : i32
      %dma_start3A_15 = tpu.memref_slice %arg11[%mul3A_0, %dma_start3A_14] : memref<10240x128xf32, #tpu.memory_space<vmem_shared>> -> memref<640x128xf32, #tpu.memory_space<vmem_shared>>
      tpu.enqueue_dma source(%dma_start3A_15 : memref<640x128xf32, #tpu.memory_space<vmem_shared>>) target(%dma_start3A_13 : memref<640x128xf32, #tpu.memory_space<hbm>>) target_semaphore(%run_scoped3A : memref<!tpu.dma_semaphore, #tpu.memory_space<semaphore_mem>>)
      %dma_wait3A = arith.constant 0 : i32
      %dma_wait3A_16 = arith.constant 0 : i32
      %dma_wait3A_17 = tpu.memref_slice %arg6[%arg0, %dma_wait3A, %dma_wait3A_16] : memref<2x10240x128xf32, #tpu.memory_space<hbm>> -> memref<1x10240x128xf32, #tpu.memory_space<hbm>>
      %dma_wait3A_18 = tpu.memref_squeeze %dma_wait3A_17 : memref<1x10240x128xf32, #tpu.memory_space<hbm>> -> memref<10240x128xf32, #tpu.memory_space<hbm>>
      %dma_wait3A_19 = arith.constant 0 : i32
      %dma_wait3A_20 = tpu.memref_slice %dma_wait3A_18[%mul3A_0, %dma_wait3A_19] : memref<10240x128xf32, #tpu.memory_space<hbm>> -> memref<640x128xf32, #tpu.memory_space<hbm>>
      %dma_wait3A_21 = arith.constant 0 : i32
      %dma_wait3A_22 = tpu.memref_slice %arg11[%mul3A_0, %dma_wait3A_21] : memref<10240x128xf32, #tpu.memory_space<vmem_shared>> -> memref<640x128xf32, #tpu.memory_space<vmem_shared>>
      tpu.wait_dma2 semaphore(%run_scoped3A : memref<!tpu.dma_semaphore, #tpu.memory_space<semaphore_mem>>) src(%dma_wait3A_22 : memref<640x128xf32, #tpu.memory_space<vmem_shared>>) dst(%dma_wait3A_20 : memref<640x128xf32, #tpu.memory_space<hbm>>)
      tpu.yield
    }) : () -> ()
    return
  }
}

#map = affine_map<(d0, d1) -> (0, 0, 0)>
#map1 = affine_map<(d0, d1) -> (0, 0)>
module attributes {stable_mosaic.version = 14 : i64} {
  func.func @_sc_degree(%arg0: i32, %arg1: i32, %arg2: memref<32x79x128xi32, #tpu.memory_space<hbm>>, %arg3: memref<640x128xf32, #tpu.memory_space<hbm>>, %arg4: memref<128x128xf32, #tpu.memory_space<hbm>>, %arg5: memref<2x10240x128xf32, #tpu.memory_space<hbm>>, %arg6: memref<79x128xi32, #tpu.memory_space<vmem>>, %arg7: memref<128x128xf32, #tpu.memory_space<vmem>>, %arg8: memref<10240x128xf32, #tpu.memory_space<vmem_shared>>) attributes {dimension_semantics = [#tpu.dimension_semantics<core_parallel>, #tpu.dimension_semantics<subcore_parallel>], iteration_bounds = array<i64: 2, 16>, scalar_prefetch = 0 : i64, scratch_operands = 3 : i64, tpu.core_type = #tpu.core_type<sc_vector_subcore>, window_params = [{transform_indices = #map}, {transform_indices = #map1}, {transform_indices = #map1}, {transform_indices = #map}]} {
    %mul3A = arith.constant 16 : i32
    %mul3A_0 = arith.muli %arg0, %mul3A : i32
    %add3A = arith.addi %mul3A_0, %arg1 : i32
    %mul3A_1 = arith.constant 640 : i32
    %mul3A_2 = arith.muli %arg1, %mul3A_1 : i32
    "tpu.region"() ({
      %run_scoped3A = tpu.sem_alloc : memref<!tpu.dma_semaphore, #tpu.memory_space<semaphore_mem>>
      %dma_start3A = arith.constant 0 : i32
      %dma_start3A_8 = tpu.memref_slice %arg8[%mul3A_2, %dma_start3A] : memref<10240x128xf32, #tpu.memory_space<vmem_shared>> -> memref<640x128xf32, #tpu.memory_space<vmem_shared>>
      tpu.enqueue_dma source(%arg3 : memref<640x128xf32, #tpu.memory_space<hbm>>) target(%dma_start3A_8 : memref<640x128xf32, #tpu.memory_space<vmem_shared>>) target_semaphore(%run_scoped3A : memref<!tpu.dma_semaphore, #tpu.memory_space<semaphore_mem>>)
      %dma_wait3A = arith.constant 0 : i32
      %dma_wait3A_9 = tpu.memref_slice %arg8[%mul3A_2, %dma_wait3A] : memref<10240x128xf32, #tpu.memory_space<vmem_shared>> -> memref<640x128xf32, #tpu.memory_space<vmem_shared>>
      tpu.wait_dma2 semaphore(%run_scoped3A : memref<!tpu.dma_semaphore, #tpu.memory_space<semaphore_mem>>) src(%arg3 : memref<640x128xf32, #tpu.memory_space<hbm>>) dst(%dma_wait3A_9 : memref<640x128xf32, #tpu.memory_space<vmem_shared>>)
      tpu.yield
    }) : () -> ()
    "tpu.region"() ({
      %run_scoped3A = tpu.sem_alloc : memref<!tpu.dma_semaphore, #tpu.memory_space<semaphore_mem>>
      %dma_start3A = arith.constant 0 : i32
      %dma_start3A_8 = arith.constant 0 : i32
      %dma_start3A_9 = tpu.memref_slice %arg2[%add3A, %dma_start3A, %dma_start3A_8] : memref<32x79x128xi32, #tpu.memory_space<hbm>> -> memref<1x79x128xi32, #tpu.memory_space<hbm>>
      %dma_start3A_10 = tpu.memref_squeeze %dma_start3A_9 : memref<1x79x128xi32, #tpu.memory_space<hbm>> -> memref<79x128xi32, #tpu.memory_space<hbm>>
      %dma_start3A_11 = arith.constant 0 : i32
      %dma_start3A_12 = arith.constant 0 : i32
      %dma_start3A_13 = tpu.memref_slice %arg2[%add3A, %dma_start3A_11, %dma_start3A_12] : memref<32x79x128xi32, #tpu.memory_space<hbm>> -> memref<1x79x128xi32, #tpu.memory_space<hbm>>
      %dma_start3A_14 = tpu.memref_squeeze %dma_start3A_13 : memref<1x79x128xi32, #tpu.memory_space<hbm>> -> memref<79x128xi32, #tpu.memory_space<hbm>>
      tpu.enqueue_dma source(%dma_start3A_14 : memref<79x128xi32, #tpu.memory_space<hbm>>) target(%arg6 : memref<79x128xi32, #tpu.memory_space<vmem>>) target_semaphore(%run_scoped3A : memref<!tpu.dma_semaphore, #tpu.memory_space<semaphore_mem>>)
      %dma_wait3A = arith.constant 0 : i32
      %dma_wait3A_15 = arith.constant 0 : i32
      %dma_wait3A_16 = tpu.memref_slice %arg2[%add3A, %dma_wait3A, %dma_wait3A_15] : memref<32x79x128xi32, #tpu.memory_space<hbm>> -> memref<1x79x128xi32, #tpu.memory_space<hbm>>
      %dma_wait3A_17 = tpu.memref_squeeze %dma_wait3A_16 : memref<1x79x128xi32, #tpu.memory_space<hbm>> -> memref<79x128xi32, #tpu.memory_space<hbm>>
      %dma_wait3A_18 = arith.constant 0 : i32
      %dma_wait3A_19 = arith.constant 0 : i32
      %dma_wait3A_20 = tpu.memref_slice %arg2[%add3A, %dma_wait3A_18, %dma_wait3A_19] : memref<32x79x128xi32, #tpu.memory_space<hbm>> -> memref<1x79x128xi32, #tpu.memory_space<hbm>>
      %dma_wait3A_21 = tpu.memref_squeeze %dma_wait3A_20 : memref<1x79x128xi32, #tpu.memory_space<hbm>> -> memref<79x128xi32, #tpu.memory_space<hbm>>
      tpu.wait_dma2 semaphore(%run_scoped3A : memref<!tpu.dma_semaphore, #tpu.memory_space<semaphore_mem>>) src(%dma_wait3A_21 : memref<79x128xi32, #tpu.memory_space<hbm>>) dst(%arg6 : memref<79x128xi32, #tpu.memory_space<vmem>>)
      tpu.yield
    }) : () -> ()
    "tpu.region"() ({
      %run_scoped3A = tpu.sem_alloc : memref<!tpu.dma_semaphore, #tpu.memory_space<semaphore_mem>>
      tpu.enqueue_dma source(%arg4 : memref<128x128xf32, #tpu.memory_space<hbm>>) target(%arg7 : memref<128x128xf32, #tpu.memory_space<vmem>>) target_semaphore(%run_scoped3A : memref<!tpu.dma_semaphore, #tpu.memory_space<semaphore_mem>>)
      tpu.wait_dma2 semaphore(%run_scoped3A : memref<!tpu.dma_semaphore, #tpu.memory_space<semaphore_mem>>) src(%arg4 : memref<128x128xf32, #tpu.memory_space<hbm>>) dst(%arg7 : memref<128x128xf32, #tpu.memory_space<vmem>>)
      tpu.yield
    }) : () -> ()
    %barrier3A = arith.constant 0 : index
    tpu.barrier barrier_id(%barrier3A)
    %scan3A = arith.constant 0 : i32
    %scan3A_3 = arith.constant 79 : i32
    %scan3A_4 = arith.addi %scan3A, %scan3A_3 : i32
    %scan3A_5 = arith.constant 1 : i32
    scf.for %scan3A_8 = %scan3A to %scan3A_4 step %scan3A_5  : i32 {
      %mul3A_9 = arith.constant 1 : i32
      %mul3A_10 = arith.muli %scan3A_8, %mul3A_9 : i32
      %add3A_11 = arith.constant 0 : i32
      %add3A_12 = arith.addi %add3A_11, %mul3A_10 : i32
      "tpu.region"() ({
        %run_scoped3A = tpu.sem_alloc : memref<!tpu.dma_semaphore, #tpu.memory_space<semaphore_mem>>
        %dma_start3A = arith.constant 0 : i32
        %dma_start3A_13 = tpu.memref_slice %arg6[%add3A_12, %dma_start3A] : memref<79x128xi32, #tpu.memory_space<vmem>> -> memref<1x128xi32, #tpu.memory_space<vmem>>
        %dma_start3A_14 = tpu.memref_squeeze %dma_start3A_13 : memref<1x128xi32, #tpu.memory_space<vmem>> -> memref<128xi32, #tpu.memory_space<vmem>>
        %dma_start3A_15 = arith.constant 0 : i32
        %dma_start3A_16 = arith.constant 0 : i32
        %dma_start3A_17 = tpu.memref_slice %arg8[%dma_start3A_15, %dma_start3A_16] : memref<10240x128xf32, #tpu.memory_space<vmem_shared>> -> memref<10240x128xf32, #tpu.memory_space<vmem_shared>>
        tpu.enqueue_indirect_dma source(%arg7 : memref<128x128xf32, #tpu.memory_space<vmem>>) target(%dma_start3A_17 : memref<10240x128xf32, #tpu.memory_space<vmem_shared>>) offsets(%dma_start3A_14 : memref<128xi32, #tpu.memory_space<vmem>>) semaphore(%run_scoped3A : memref<!tpu.dma_semaphore, #tpu.memory_space<semaphore_mem>>) {add = true}
        %dma_wait3A = arith.constant 0 : i32
        %dma_wait3A_18 = tpu.memref_slice %arg6[%add3A_12, %dma_wait3A] : memref<79x128xi32, #tpu.memory_space<vmem>> -> memref<1x128xi32, #tpu.memory_space<vmem>>
        %dma_wait3A_19 = tpu.memref_squeeze %dma_wait3A_18 : memref<1x128xi32, #tpu.memory_space<vmem>> -> memref<128xi32, #tpu.memory_space<vmem>>
        %dma_wait3A_20 = arith.constant 0 : i32
        %dma_wait3A_21 = arith.constant 0 : i32
        %dma_wait3A_22 = tpu.memref_slice %arg8[%dma_wait3A_20, %dma_wait3A_21] : memref<10240x128xf32, #tpu.memory_space<vmem_shared>> -> memref<10240x128xf32, #tpu.memory_space<vmem_shared>>
        tpu.wait_indirect_dma semaphore(%run_scoped3A : memref<!tpu.dma_semaphore, #tpu.memory_space<semaphore_mem>>) src(%arg7 : memref<128x128xf32, #tpu.memory_space<vmem>>) dst(%dma_wait3A_22 : memref<10240x128xf32, #tpu.memory_space<vmem_shared>>)
        tpu.yield
      }) : () -> ()
    }
    %scan3A_6 = arith.constant 79 : i32
    %barrier3A_7 = arith.constant 0 : index
    tpu.barrier barrier_id(%barrier3A_7)
    "tpu.region"() ({
      %run_scoped3A = tpu.sem_alloc : memref<!tpu.dma_semaphore, #tpu.memory_space<semaphore_mem>>
      %dma_start3A = arith.constant 0 : i32
      %dma_start3A_8 = arith.constant 0 : i32
      %dma_start3A_9 = tpu.memref_slice %arg5[%arg0, %dma_start3A, %dma_start3A_8] : memref<2x10240x128xf32, #tpu.memory_space<hbm>> -> memref<1x10240x128xf32, #tpu.memory_space<hbm>>
      %dma_start3A_10 = tpu.memref_squeeze %dma_start3A_9 : memref<1x10240x128xf32, #tpu.memory_space<hbm>> -> memref<10240x128xf32, #tpu.memory_space<hbm>>
      %dma_start3A_11 = arith.constant 0 : i32
      %dma_start3A_12 = tpu.memref_slice %dma_start3A_10[%mul3A_2, %dma_start3A_11] : memref<10240x128xf32, #tpu.memory_space<hbm>> -> memref<640x128xf32, #tpu.memory_space<hbm>>
      %dma_start3A_13 = arith.constant 0 : i32
      %dma_start3A_14 = tpu.memref_slice %arg8[%mul3A_2, %dma_start3A_13] : memref<10240x128xf32, #tpu.memory_space<vmem_shared>> -> memref<640x128xf32, #tpu.memory_space<vmem_shared>>
      tpu.enqueue_dma source(%dma_start3A_14 : memref<640x128xf32, #tpu.memory_space<vmem_shared>>) target(%dma_start3A_12 : memref<640x128xf32, #tpu.memory_space<hbm>>) target_semaphore(%run_scoped3A : memref<!tpu.dma_semaphore, #tpu.memory_space<semaphore_mem>>)
      %dma_wait3A = arith.constant 0 : i32
      %dma_wait3A_15 = arith.constant 0 : i32
      %dma_wait3A_16 = tpu.memref_slice %arg5[%arg0, %dma_wait3A, %dma_wait3A_15] : memref<2x10240x128xf32, #tpu.memory_space<hbm>> -> memref<1x10240x128xf32, #tpu.memory_space<hbm>>
      %dma_wait3A_17 = tpu.memref_squeeze %dma_wait3A_16 : memref<1x10240x128xf32, #tpu.memory_space<hbm>> -> memref<10240x128xf32, #tpu.memory_space<hbm>>
      %dma_wait3A_18 = arith.constant 0 : i32
      %dma_wait3A_19 = tpu.memref_slice %dma_wait3A_17[%mul3A_2, %dma_wait3A_18] : memref<10240x128xf32, #tpu.memory_space<hbm>> -> memref<640x128xf32, #tpu.memory_space<hbm>>
      %dma_wait3A_20 = arith.constant 0 : i32
      %dma_wait3A_21 = tpu.memref_slice %arg8[%mul3A_2, %dma_wait3A_20] : memref<10240x128xf32, #tpu.memory_space<vmem_shared>> -> memref<640x128xf32, #tpu.memory_space<vmem_shared>>
      tpu.wait_dma2 semaphore(%run_scoped3A : memref<!tpu.dma_semaphore, #tpu.memory_space<semaphore_mem>>) src(%dma_wait3A_21 : memref<640x128xf32, #tpu.memory_space<vmem_shared>>) dst(%dma_wait3A_19 : memref<640x128xf32, #tpu.memory_space<hbm>>)
      tpu.yield
    }) : () -> ()
    return
  }
}

module attributes {stable_mosaic.version = 14 : i64} {
  func.func @_mm_body(%arg0: i32, %arg1: memref<1024x128xf32, #tpu.memory_space<vmem>>, %arg2: memref<128x128xf32, #tpu.memory_space<vmem>>, %arg3: memref<1024x128xf32, #tpu.memory_space<vmem>>) attributes {dimension_semantics = [#tpu.dimension_semantics<arbitrary>], iteration_bounds = array<i64: 10>, scalar_prefetch = 0 : i64, scratch_operands = 0 : i64, tpu.core_type = #tpu.core_type<tc>, window_params = [{transform_indices = @transform_0, window_bounds = array<i64: 1024, 128>}, {pipeline_mode = #tpu.pipeline_mode<synchronous>, transform_indices = @transform_1, window_bounds = array<i64: 128, 128>}, {transform_indices = @transform_2, window_bounds = array<i64: 1024, 128>}]} {
    %get3A = arith.constant 0 : index
    %get3A_0 = arith.constant 0 : index
    %get3A_1 = vector.load %arg1[%get3A, %get3A_0] : memref<1024x128xf32, #tpu.memory_space<vmem>>, vector<1024x128xf32>
    %get3A_2 = arith.constant 0 : index
    %get3A_3 = arith.constant 0 : index
    %get3A_4 = vector.load %arg2[%get3A_2, %get3A_3] : memref<128x128xf32, #tpu.memory_space<vmem>>, vector<128x128xf32>
    %dot_general3A = arith.constant dense<0.000000e+00> : vector<1024x128xf32>
    %dot_general3A_5 = tpu.matmul %get3A_1, %get3A_4, %dot_general3A {dimension_numbers = #tpu.dot_dimension_numbers<[1], [0], [0], [1], [0, 0, 1, 1], [], []>, transpose_lhs_hint = false} : vector<1024x128xf32>, vector<128x128xf32>, vector<1024x128xf32> -> vector<1024x128xf32>
    %swap3A = arith.constant 0 : index
    %swap3A_6 = arith.constant 0 : index
    %swap3A_7 = vector.load %arg3[%swap3A, %swap3A_6] : memref<1024x128xf32, #tpu.memory_space<vmem>>, vector<1024x128xf32>
    tpu.vector_store %arg3[%swap3A, %swap3A_6], %dot_general3A_5 {strides = array<i32>} : memref<1024x128xf32, #tpu.memory_space<vmem>>, vector<1024x128xf32>,
    return
  }
  func.func @transform_0(%arg0: i32) -> (i32, i32) {
    %c0_i32 = arith.constant 0 : i32
    %c0_i32_0 = arith.constant 0 : i32
    return %arg0, %c0_i32 : i32, i32
  }
  func.func @transform_1(%arg0: i32) -> (i32, i32) {
    %c0_i32 = arith.constant 0 : i32
    %c0_i32_0 = arith.constant 0 : i32
    %c0_i32_1 = arith.constant 0 : i32
    return %c0_i32, %c0_i32_0 : i32, i32
  }
  func.func @transform_2(%arg0: i32) -> (i32, i32) {
    %c0_i32 = arith.constant 0 : i32
    %c0_i32_0 = arith.constant 0 : i32
    return %arg0, %c0_i32 : i32, i32
  }
}

module attributes {stable_mosaic.version = 14 : i64} {
  func.func @_g1_body(%arg0: i32, %arg1: memref<1024x128xf32, #tpu.memory_space<vmem>>, %arg2: memref<2x1024x16xf32, #tpu.memory_space<vmem>>, %arg3: memref<1024x128xf32, #tpu.memory_space<vmem>>) attributes {dimension_semantics = [#tpu.dimension_semantics<arbitrary>], iteration_bounds = array<i64: 10>, scalar_prefetch = 0 : i64, scratch_operands = 0 : i64, tpu.core_type = #tpu.core_type<tc>, window_params = [{transform_indices = @transform_0, window_bounds = array<i64: 1024, 128>}, {transform_indices = @transform_1, window_bounds = array<i64: 2, 1024, 16>}, {transform_indices = @transform_2, window_bounds = array<i64: 1024, 128>}]} {
    %get3A = arith.constant 0 : index
    %get3A_0 = arith.constant 0 : index
    %get3A_1 = arith.constant 0 : index
    %get3A_2 = vector.load %arg2[%get3A, %get3A_0, %get3A_1] : memref<2x1024x16xf32, #tpu.memory_space<vmem>>, vector<1x1024x1xf32>
    %get3A_3 = vector.shape_cast %get3A_2 : vector<1x1024x1xf32> to vector<1024x1xf32>
    %get3A_4 = arith.constant 1 : index
    %get3A_5 = arith.constant 0 : index
    %get3A_6 = arith.constant 0 : index
    %get3A_7 = vector.load %arg2[%get3A_4, %get3A_5, %get3A_6] : memref<2x1024x16xf32, #tpu.memory_space<vmem>>, vector<1x1024x1xf32>
    %get3A_8 = vector.shape_cast %get3A_7 : vector<1x1024x1xf32> to vector<1024x1xf32>
    %add3A = arith.addf %get3A_3, %get3A_8 : vector<1024x1xf32>
    %add3A_9 = arith.constant 1.000000e+00 : f32
    %add3A_10 = vector.broadcast %add3A_9 : f32 to vector<1024x1xf32>
    %add3A_11 = arith.addf %add3A, %add3A_10 : vector<1024x1xf32>
    %rsqrt3A = math.rsqrt %add3A_11 : vector<1024x1xf32>
    %get3A_12 = arith.constant 0 : index
    %get3A_13 = arith.constant 0 : index
    %get3A_14 = vector.load %arg1[%get3A_12, %get3A_13] : memref<1024x128xf32, #tpu.memory_space<vmem>>, vector<1024x128xf32>
    %mul3A = vector.broadcast %rsqrt3A : vector<1024x1xf32> to vector<1024x128xf32>
    %mul3A_15 = arith.mulf %mul3A, %get3A_14 : vector<1024x128xf32>
    %swap3A = arith.constant 0 : index
    %swap3A_16 = arith.constant 0 : index
    %swap3A_17 = vector.load %arg3[%swap3A, %swap3A_16] : memref<1024x128xf32, #tpu.memory_space<vmem>>, vector<1024x128xf32>
    tpu.vector_store %arg3[%swap3A, %swap3A_16], %mul3A_15 {strides = array<i32>} : memref<1024x128xf32, #tpu.memory_space<vmem>>, vector<1024x128xf32>,
    return
  }
  func.func @transform_0(%arg0: i32) -> (i32, i32) {
    %c0_i32 = arith.constant 0 : i32
    %c0_i32_0 = arith.constant 0 : i32
    return %arg0, %c0_i32 : i32, i32
  }
  func.func @transform_1(%arg0: i32) -> (i32, i32, i32) {
    %c0_i32 = arith.constant 0 : i32
    %c0_i32_0 = arith.constant 0 : i32
    %c0_i32_1 = arith.constant 0 : i32
    return %c0_i32, %arg0, %c0_i32_0 : i32, i32, i32
  }
  func.func @transform_2(%arg0: i32) -> (i32, i32) {
    %c0_i32 = arith.constant 0 : i32
    %c0_i32_0 = arith.constant 0 : i32
    return %arg0, %c0_i32 : i32, i32
  }
}

module attributes {stable_mosaic.version = 14 : i64} {
  func.func @_mid_body(%arg0: i32, %arg1: memref<2x1024x128xf32, #tpu.memory_space<vmem>>, %arg2: memref<1024x128xf32, #tpu.memory_space<vmem>>, %arg3: memref<2x1024x16xf32, #tpu.memory_space<vmem>>, %arg4: memref<1x128xf32, #tpu.memory_space<vmem>>, %arg5: memref<128x128xf32, #tpu.memory_space<vmem>>, %arg6: memref<1024x128xf32, #tpu.memory_space<vmem>>) attributes {dimension_semantics = [#tpu.dimension_semantics<arbitrary>], iteration_bounds = array<i64: 10>, scalar_prefetch = 0 : i64, scratch_operands = 0 : i64, tpu.core_type = #tpu.core_type<tc>, window_params = [{transform_indices = @transform_0, window_bounds = array<i64: 2, 1024, 128>}, {transform_indices = @transform_1, window_bounds = array<i64: 1024, 128>}, {transform_indices = @transform_2, window_bounds = array<i64: 2, 1024, 16>}, {pipeline_mode = #tpu.pipeline_mode<synchronous>, transform_indices = @transform_3, window_bounds = array<i64: 1, 128>}, {pipeline_mode = #tpu.pipeline_mode<synchronous>, transform_indices = @transform_4, window_bounds = array<i64: 128, 128>}, {transform_indices = @transform_5, window_bounds = array<i64: 1024, 128>}]} {
    %get3A = arith.constant 0 : index
    %get3A_0 = arith.constant 0 : index
    %get3A_1 = arith.constant 0 : index
    %get3A_2 = vector.load %arg3[%get3A, %get3A_0, %get3A_1] : memref<2x1024x16xf32, #tpu.memory_space<vmem>>, vector<1x1024x1xf32>
    %get3A_3 = vector.shape_cast %get3A_2 : vector<1x1024x1xf32> to vector<1024x1xf32>
    %get3A_4 = arith.constant 1 : index
    %get3A_5 = arith.constant 0 : index
    %get3A_6 = arith.constant 0 : index
    %get3A_7 = vector.load %arg3[%get3A_4, %get3A_5, %get3A_6] : memref<2x1024x16xf32, #tpu.memory_space<vmem>>, vector<1x1024x1xf32>
    %get3A_8 = vector.shape_cast %get3A_7 : vector<1x1024x1xf32> to vector<1024x1xf32>
    %add3A = arith.addf %get3A_3, %get3A_8 : vector<1024x1xf32>
    %add3A_9 = arith.constant 1.000000e+00 : f32
    %add3A_10 = vector.broadcast %add3A_9 : f32 to vector<1024x1xf32>
    %add3A_11 = arith.addf %add3A, %add3A_10 : vector<1024x1xf32>
    %rsqrt3A = math.rsqrt %add3A_11 : vector<1024x1xf32>
    %get3A_12 = arith.constant 0 : index
    %get3A_13 = arith.constant 0 : index
    %get3A_14 = arith.constant 0 : index
    %get3A_15 = vector.load %arg1[%get3A_12, %get3A_13, %get3A_14] : memref<2x1024x128xf32, #tpu.memory_space<vmem>>, vector<1x1024x128xf32>
    %get3A_16 = vector.shape_cast %get3A_15 : vector<1x1024x128xf32> to vector<1024x128xf32>
    %get3A_17 = arith.constant 1 : index
    %get3A_18 = arith.constant 0 : index
    %get3A_19 = arith.constant 0 : index
    %get3A_20 = vector.load %arg1[%get3A_17, %get3A_18, %get3A_19] : memref<2x1024x128xf32, #tpu.memory_space<vmem>>, vector<1x1024x128xf32>
    %get3A_21 = vector.shape_cast %get3A_20 : vector<1x1024x128xf32> to vector<1024x128xf32>
    %add3A_22 = arith.addf %get3A_16, %get3A_21 : vector<1024x128xf32>
    %get3A_23 = arith.constant 0 : index
    %get3A_24 = arith.constant 0 : index
    %get3A_25 = vector.load %arg2[%get3A_23, %get3A_24] : memref<1024x128xf32, #tpu.memory_space<vmem>>, vector<1024x128xf32>
    %add3A_26 = arith.addf %add3A_22, %get3A_25 : vector<1024x128xf32>
    %mul3A = vector.broadcast %rsqrt3A : vector<1024x1xf32> to vector<1024x128xf32>
    %mul3A_27 = arith.mulf %mul3A, %add3A_26 : vector<1024x128xf32>
    %get3A_28 = arith.constant 0 : index
    %get3A_29 = arith.constant 0 : index
    %get3A_30 = vector.load %arg4[%get3A_28, %get3A_29] : memref<1x128xf32, #tpu.memory_space<vmem>>, vector<1x128xf32>
    %add3A_31 = vector.broadcast %get3A_30 : vector<1x128xf32> to vector<1024x128xf32>
    %add3A_32 = arith.addf %mul3A_27, %add3A_31 : vector<1024x128xf32>
    %max3A = arith.constant 0.000000e+00 : f32
    %max3A_33 = vector.broadcast %max3A : f32 to vector<1024x128xf32>
    %max3A_34 = arith.maximumf %add3A_32, %max3A_33 : vector<1024x128xf32>
    %get3A_35 = arith.constant 0 : index
    %get3A_36 = arith.constant 0 : index
    %get3A_37 = vector.load %arg5[%get3A_35, %get3A_36] : memref<128x128xf32, #tpu.memory_space<vmem>>, vector<128x128xf32>
    %dot_general3A = arith.constant dense<0.000000e+00> : vector<1024x128xf32>
    %dot_general3A_38 = tpu.matmul %max3A_34, %get3A_37, %dot_general3A {dimension_numbers = #tpu.dot_dimension_numbers<[1], [0], [0], [1], [0, 0, 1, 1], [], []>, transpose_lhs_hint = false} : vector<1024x128xf32>, vector<128x128xf32>, vector<1024x128xf32> -> vector<1024x128xf32>
    %mul3A_39 = vector.broadcast %rsqrt3A : vector<1024x1xf32> to vector<1024x128xf32>
    %mul3A_40 = arith.mulf %mul3A_39, %dot_general3A_38 : vector<1024x128xf32>
    %swap3A = arith.constant 0 : index
    %swap3A_41 = arith.constant 0 : index
    %swap3A_42 = vector.load %arg6[%swap3A, %swap3A_41] : memref<1024x128xf32, #tpu.memory_space<vmem>>, vector<1024x128xf32>
    tpu.vector_store %arg6[%swap3A, %swap3A_41], %mul3A_40 {strides = array<i32>} : memref<1024x128xf32, #tpu.memory_space<vmem>>, vector<1024x128xf32>,
    return
  }
  func.func @transform_0(%arg0: i32) -> (i32, i32, i32) {
    %c0_i32 = arith.constant 0 : i32
    %c0_i32_0 = arith.constant 0 : i32
    %c0_i32_1 = arith.constant 0 : i32
    return %c0_i32, %arg0, %c0_i32_0 : i32, i32, i32
  }
  func.func @transform_1(%arg0: i32) -> (i32, i32) {
    %c0_i32 = arith.constant 0 : i32
    %c0_i32_0 = arith.constant 0 : i32
    return %arg0, %c0_i32 : i32, i32
  }
  func.func @transform_2(%arg0: i32) -> (i32, i32, i32) {
    %c0_i32 = arith.constant 0 : i32
    %c0_i32_0 = arith.constant 0 : i32
    %c0_i32_1 = arith.constant 0 : i32
    return %c0_i32, %arg0, %c0_i32_0 : i32, i32, i32
  }
  func.func @transform_3(%arg0: i32) -> (i32, i32) {
    %c0_i32 = arith.constant 0 : i32
    %c0_i32_0 = arith.constant 0 : i32
    %c0_i32_1 = arith.constant 0 : i32
    return %c0_i32, %c0_i32_0 : i32, i32
  }
  func.func @transform_4(%arg0: i32) -> (i32, i32) {
    %c0_i32 = arith.constant 0 : i32
    %c0_i32_0 = arith.constant 0 : i32
    %c0_i32_1 = arith.constant 0 : i32
    return %c0_i32, %c0_i32_0 : i32, i32
  }
  func.func @transform_5(%arg0: i32) -> (i32, i32) {
    %c0_i32 = arith.constant 0 : i32
    %c0_i32_0 = arith.constant 0 : i32
    return %arg0, %c0_i32 : i32, i32
  }
}

module attributes {stable_mosaic.version = 14 : i64} {
  func.func @_last_body(%arg0: i32, %arg1: memref<2x1024x128xf32, #tpu.memory_space<vmem>>, %arg2: memref<1024x128xf32, #tpu.memory_space<vmem>>, %arg3: memref<2x1024x16xf32, #tpu.memory_space<vmem>>, %arg4: memref<1x128xf32, #tpu.memory_space<vmem>>, %arg5: memref<1024x128xf32, #tpu.memory_space<vmem>>) attributes {dimension_semantics = [#tpu.dimension_semantics<arbitrary>], iteration_bounds = array<i64: 10>, scalar_prefetch = 0 : i64, scratch_operands = 0 : i64, tpu.core_type = #tpu.core_type<tc>, window_params = [{transform_indices = @transform_0, window_bounds = array<i64: 2, 1024, 128>}, {transform_indices = @transform_1, window_bounds = array<i64: 1024, 128>}, {transform_indices = @transform_2, window_bounds = array<i64: 2, 1024, 16>}, {pipeline_mode = #tpu.pipeline_mode<synchronous>, transform_indices = @transform_3, window_bounds = array<i64: 1, 128>}, {transform_indices = @transform_4, window_bounds = array<i64: 1024, 128>}]} {
    %get3A = arith.constant 0 : index
    %get3A_0 = arith.constant 0 : index
    %get3A_1 = arith.constant 0 : index
    %get3A_2 = vector.load %arg3[%get3A, %get3A_0, %get3A_1] : memref<2x1024x16xf32, #tpu.memory_space<vmem>>, vector<1x1024x1xf32>
    %get3A_3 = vector.shape_cast %get3A_2 : vector<1x1024x1xf32> to vector<1024x1xf32>
    %get3A_4 = arith.constant 1 : index
    %get3A_5 = arith.constant 0 : index
    %get3A_6 = arith.constant 0 : index
    %get3A_7 = vector.load %arg3[%get3A_4, %get3A_5, %get3A_6] : memref<2x1024x16xf32, #tpu.memory_space<vmem>>, vector<1x1024x1xf32>
    %get3A_8 = vector.shape_cast %get3A_7 : vector<1x1024x1xf32> to vector<1024x1xf32>
    %add3A = arith.addf %get3A_3, %get3A_8 : vector<1024x1xf32>
    %add3A_9 = arith.constant 1.000000e+00 : f32
    %add3A_10 = vector.broadcast %add3A_9 : f32 to vector<1024x1xf32>
    %add3A_11 = arith.addf %add3A, %add3A_10 : vector<1024x1xf32>
    %rsqrt3A = math.rsqrt %add3A_11 : vector<1024x1xf32>
    %get3A_12 = arith.constant 0 : index
    %get3A_13 = arith.constant 0 : index
    %get3A_14 = arith.constant 0 : index
    %get3A_15 = vector.load %arg1[%get3A_12, %get3A_13, %get3A_14] : memref<2x1024x128xf32, #tpu.memory_space<vmem>>, vector<1x1024x128xf32>
    %get3A_16 = vector.shape_cast %get3A_15 : vector<1x1024x128xf32> to vector<1024x128xf32>
    %get3A_17 = arith.constant 1 : index
    %get3A_18 = arith.constant 0 : index
    %get3A_19 = arith.constant 0 : index
    %get3A_20 = vector.load %arg1[%get3A_17, %get3A_18, %get3A_19] : memref<2x1024x128xf32, #tpu.memory_space<vmem>>, vector<1x1024x128xf32>
    %get3A_21 = vector.shape_cast %get3A_20 : vector<1x1024x128xf32> to vector<1024x128xf32>
    %add3A_22 = arith.addf %get3A_16, %get3A_21 : vector<1024x128xf32>
    %get3A_23 = arith.constant 0 : index
    %get3A_24 = arith.constant 0 : index
    %get3A_25 = vector.load %arg2[%get3A_23, %get3A_24] : memref<1024x128xf32, #tpu.memory_space<vmem>>, vector<1024x128xf32>
    %add3A_26 = arith.addf %add3A_22, %get3A_25 : vector<1024x128xf32>
    %mul3A = vector.broadcast %rsqrt3A : vector<1024x1xf32> to vector<1024x128xf32>
    %mul3A_27 = arith.mulf %mul3A, %add3A_26 : vector<1024x128xf32>
    %get3A_28 = arith.constant 0 : index
    %get3A_29 = arith.constant 0 : index
    %get3A_30 = vector.load %arg4[%get3A_28, %get3A_29] : memref<1x128xf32, #tpu.memory_space<vmem>>, vector<1x128xf32>
    %add3A_31 = vector.broadcast %get3A_30 : vector<1x128xf32> to vector<1024x128xf32>
    %add3A_32 = arith.addf %mul3A_27, %add3A_31 : vector<1024x128xf32>
    %swap3A = arith.constant 0 : index
    %swap3A_33 = arith.constant 0 : index
    %swap3A_34 = vector.load %arg5[%swap3A, %swap3A_33] : memref<1024x128xf32, #tpu.memory_space<vmem>>, vector<1024x128xf32>
    tpu.vector_store %arg5[%swap3A, %swap3A_33], %add3A_32 {strides = array<i32>} : memref<1024x128xf32, #tpu.memory_space<vmem>>, vector<1024x128xf32>,
    return
  }
  func.func @transform_0(%arg0: i32) -> (i32, i32, i32) {
    %c0_i32 = arith.constant 0 : i32
    %c0_i32_0 = arith.constant 0 : i32
    %c0_i32_1 = arith.constant 0 : i32
    return %c0_i32, %arg0, %c0_i32_0 : i32, i32, i32
  }
  func.func @transform_1(%arg0: i32) -> (i32, i32) {
    %c0_i32 = arith.constant 0 : i32
    %c0_i32_0 = arith.constant 0 : i32
    return %arg0, %c0_i32 : i32, i32
  }
  func.func @transform_2(%arg0: i32) -> (i32, i32, i32) {
    %c0_i32 = arith.constant 0 : i32
    %c0_i32_0 = arith.constant 0 : i32
    %c0_i32_1 = arith.constant 0 : i32
    return %c0_i32, %arg0, %c0_i32_0 : i32, i32, i32
  }
  func.func @transform_3(%arg0: i32) -> (i32, i32) {
    %c0_i32 = arith.constant 0 : i32
    %c0_i32_0 = arith.constant 0 : i32
    %c0_i32_1 = arith.constant 0 : i32
    return %c0_i32, %c0_i32_0 : i32, i32
  }
  func.func @transform_4(%arg0: i32) -> (i32, i32) {
    %c0_i32 = arith.constant 0 : i32
    %c0_i32_0 = arith.constant 0 : i32
    return %arg0, %c0_i32 : i32, i32
  }
}

</mosaic_0001>

<sc_bundles>
// kernel: kernel.11.cloned.1.call-start
scs
__scs_entry_jumppad:
0x0: {  	(pc) =	sbr.rel $0x88, $3  }
0x1: {  	(tag) =	ssettag $0x0;
	lr =	simm.s32 $0x1  }
0x2: {  	[smem:$0x3F99] =	sst lr;
	_ =	strace $0xD0000000  }
0x3: {  	_ = 	snop  }
0x4: {  	_ = 	snop  }
0x5: {  	_ = 	snop  }
0x6: {  	_ = 	snop  }
0x7: {  	_ = 	snop  }
__scs_overlays_trampoline_lowered:
0x8: {  	[smem:$0x3FA8] =	sst s0  }
0x9: {  	[smem:$0x3FA9] =	sst s1  }
0xa: {  	[smem:$0x3FAA] =	sst s2  }
0xb: {  	[smem:$0x3FAB] =	sst s3  }
0xc: {  	[smem:$0x3FAC] =	sst s4  }
0xd: {  	[smem:$0x3FAD] =	sst s5  }
0xe: {  	[smem:$0x3FAE] =	sst s6  }
0xf: {  	[smem:$0x3FAF] =	sst s7  }
0x10: {  	[smem:$0x3FB0] =	sst s8  }
0x11: {  	[smem:$0x3FB1] =	sst s9;
	s0 =	simm.s32 @!p0 $0x0  }
0x12: {  	s1 =	sld [smem:$0x3F97];
	s0 =	simm.s32 @p0 $0x1  }
0x13: {  	[smem:$0x3FB2] =	sst s0;
	s0 =	simm.s32 @!p1 $0x0  }
0x14: {  	s2 =	sld [smem:$0x3F96];
	s0 =	simm.s32 @p1 $0x1  }
0x15: {  	[smem:$0x3FB3] =	sst s0;
	s0 =	simm.s32 @!p2 $0x0  }
0x16: {  	s3 =	sld [smem:$0x3FDB];
	s0 =	simm.s32 @p2 $0x1  }
0x17: {  	s4 =	simm.s32 $0x1BF5;
	[smem:$0x3FB5] =	sst s0  }
0x18: {  	s0 =	sld [smem:$0x3F98];
	_ =	swait.ge [sflag:s4], $0x0  }
0x19: {  	s7 =	sld [smem:$0x3F99]  }
0x1a: {  	s8 =	sadd.s32 $0xFFFFE003, lr  }
0x1b: {  	s9 =	sadd.s32 $0xFFFFFEF7, lr;
	s5 =	simm.s32 $0xFFFFFFFF;
	p2 =	slt.u32 s8, $0xFFFFF086  }
0x1c: {  	p1 =	slt.u32 s9, $0xF7A;
	s5 =	simm.s32 @!p2 $0x0  }
0x1d: {  	s5 =	simm.s32 @p1 $0x1;
	p0 =	seq.s32 s7, s2  }
0x1e: {  	s7 =	smul.u32 @!p0 $0xF7A, s2;
	p2 =	seq.s32 @!p0 s5, $0x0  }
0x1f: {  	s9 =	smul.u32 $0xF7A, s1;
	s8 =	simm.s32 @!p0 $0x1BF5;
	p2 =	por !p2, p0  }
0x20: {  	[sflag:s8] =	ssyncset.s32 @!p0 $0xFFFFF086;
	s6 =	sadd.s32 @!p0 s3, s7;
	s7 =	simm.s32 @!p0 $0x108  }
0x21: {  	s3 =	sadd.s32 s3, s9;
	s6 =	sadd.s32 @!p0 $0x88, s6;
	s7 =	simm.s32 @p2 $0x1082  }
0x22: {  	[simem:s7], [sflag:s8] =	dma.local @!p0 [hbm:s6], $0xF7A  }
0x23: {  	s9 =	sor.u32 $0xD0000000, s2;
	s6 =	simm.s32 $0x108;
	_ =	swait.ge @!p0 [sflag:s8], $0x0  }
0x24: {  	s3 =	sadd.s32 $0x88, s3;
	s6 =	simm.s32 @!p1 $0x1082;
	[sflag:s4] =	ssyncset.s32 $0xFFFFF086  }
0x25: {  	[simem:s6], [sflag:s4] =	dma.local [hbm:s3], $0xF7A  }
0x26: {  	[smem:$0x3F99] =	sst s1;
	(tag) =	ssettag s2;
	_ =	strace s9  }
0x27: {  	s1 =	sld [smem:$0x3FA9]  }
0x28: {  	s2 =	sld [smem:$0x3FAA]  }
0x29: {  	s4 =	sld [smem:$0x3FAC]  }
0x2a: {  	p0 =	seq.s32 s5, $0x0;
	s5 =	sld [smem:$0x3FAD]  }
0x2b: {  	s6 =	sld [smem:$0x3FAE]  }
0x2c: {  	s7 =	sld [smem:$0x3FAF]  }
0x2d: {  	s3 =	simm.s32 $0x108;
	s8 =	sld [smem:$0x3FB0]  }
0x2e: {  	s3 =	simm.s32 @!p0 $0x1082;
	s9 =	sld [smem:$0x3FB1]  }
0x2f: {  	lr =	sadd.s32 s0, s3;
	s0 =	sld [smem:$0x3FA8]  }
0x30: {  	s3 =	sld [smem:$0x3FAB]  }
0x31: {  	[smem:$0x3FB4] =	sst s10  }
0x32: {  	s10 =	sld [smem:$0x3FB2];
	_ =	sdelay $0x3  }
0x33: {  	p0 =	seq.s32 s10, $0x1;
	s10 =	sld [smem:$0x3FB4];
	_ =	sdelay $0x3  }
0x34: {  	[smem:$0x3FB4] =	sst s10  }
0x35: {  	s10 =	sld [smem:$0x3FB3];
	_ =	sdelay $0x3  }
0x36: {  	p1 =	seq.s32 s10, $0x1;
	s10 =	sld [smem:$0x3FB4];
	_ =	sdelay $0x3  }
0x37: {  	[smem:$0x3FB4] =	sst s10  }
0x38: {  	s10 =	sld [smem:$0x3FB5]  }
0x39: {  	_ = 	snop;
	(pc) =	sbr.ind lr, $3  }
0x3a: {  	_ = 	snop  }
0x3b: {  	_ = 	snop  }
0x3c: {  	p2 =	seq.s32 s10, $0x1;
	s10 =	sld [smem:$0x3FB4]  }
0x3d: {  	_ =	shalt  }
0x3e: {  	_ =	shalt  }
0x3f: {  	_ =	shalt  }
0x40: {  	_ =	shalt  }
0x41: {  	_ =	shalt  }
0x42: {  	_ =	shalt  }
0x43: {  	_ =	shalt  }
0x44: {  	_ =	shalt  }
0x45: {  	_ =	shalt  }
0x46: {  	_ =	shalt  }
0x47: {  	_ =	shalt  }
0x48: {  	_ =	shalt  }
0x49: {  	_ =	shalt  }
0x4a: {  	_ =	shalt  }
0x4b: {  	_ =	shalt  }
0x4c: {  	_ =	shalt  }
0x4d: {  	_ =	shalt  }
0x4e: {  	_ =	shalt  }
0x4f: {  	_ =	shalt  }
0x50: {  	_ =	shalt  }
0x51: {  	_ =	shalt  }
0x52: {  	_ =	shalt  }
0x53: {  	_ =	shalt  }
0x54: {  	_ =	shalt  }
0x55: {  	_ =	shalt  }
0x56: {  	_ =	shalt  }
0x57: {  	_ =	shalt  }
0x58: {  	_ =	shalt  }
0x59: {  	_ =	shalt  }
0x5a: {  	_ =	shalt  }
0x5b: {  	_ =	shalt  }
0x5c: {  	_ =	shalt  }
0x5d: {  	_ =	shalt  }
0x5e: {  	_ =	shalt  }
0x5f: {  	_ =	shalt  }
0x60: {  	_ =	shalt  }
0x61: {  	_ =	shalt  }
0x62: {  	_ =	shalt  }
0x63: {  	_ =	shalt  }
0x64: {  	_ =	shalt  }
0x65: {  	_ =	shalt  }
0x66: {  	_ =	shalt  }
0x67: {  	_ =	shalt  }
0x68: {  	_ =	shalt  }
0x69: {  	_ =	shalt  }
0x6a: {  	_ =	shalt  }
0x6b: {  	_ =	shalt  }
0x6c: {  	_ =	shalt  }
0x6d: {  	_ =	shalt  }
0x6e: {  	_ =	shalt  }
0x6f: {  	_ =	shalt  }
0x70: {  	_ =	shalt  }
0x71: {  	_ =	shalt  }
0x72: {  	_ =	shalt  }
0x73: {  	_ =	shalt  }
0x74: {  	_ =	shalt  }
0x75: {  	_ =	shalt  }
0x76: {  	_ =	shalt  }
0x77: {  	_ =	shalt  }
0x78: {  	_ =	shalt  }
0x79: {  	_ =	shalt  }
0x7a: {  	_ =	shalt  }
0x7b: {  	_ =	shalt  }
0x7c: {  	_ =	shalt  }
0x7d: {  	_ =	shalt  }
0x7e: {  	_ =	shalt  }
0x7f: {  	_ =	shalt  }
0x80: {  	_ =	shalt  }
0x81: {  	_ =	shalt  }
0x82: {  	_ =	shalt  }
0x83: {  	_ =	shalt  }
0x84: {  	_ =	shalt  }
0x85: {  	_ =	shalt  }
0x86: {  	_ =	shalt  }
0x87: {  	_ =	shalt  }
.Lfunc_end0:
.L_simem_size_0:
called_computation_lowered:
.L_overlay_start_0:
0x88: {  	s2 =	sld [smem:$0x3FD9]  }
0x89: {  	s3 =	sld [smem:$0x3FFE];
	_ =	sdelay $0x1  }
0x8a: {  	s1 =	srdreg.scid  }
0x8b: {  	s0 =	sand.u32 $0x1, s1  }
0x8c: {  	s17 =	sshll.u32 s0, $0xA;
	s2 =	sadd.s32 s3, s2  }
0x8d: {  	s2 =	sadd.s32 s2, s17  }
0x8e: {  	[smem:$0x3FC0] =	sst s2  }
0x8f: {  	_ = 	snop  }
0x90: {  	s2 =	sld [smem:$0x3FD0];
	(tm) =	ssettm $0x1  }
0x91: {  	s18 =	sld [smem:$0x3FFB];
	_ =	sdelay $0x3  }
0x92: {  	_ =	strace s18  }
0x93: {  	s3 =	sld [smem:$0x3FFC];
	_ =	sdelay $0x3  }
0x94: {  	_ =	strace s3  }
0x95: {  	s3 =	sld [smem:$0x3FFD];
	_ =	sdelay $0x3  }
0x96: {  	_ =	strace s3  }
0x97: {  	_ =	strace $0x8FFFFFFF  }
0x98: {  	s19 =	sld [smem:$0x3FDB];
	_ =	sdelay $0x1  }
0x99: {  	s4 =	simm.s32 $_scs_section_size  }
0x9a: {  	s5 =	simm.s32 $_size__tile_overlayer_lowered;
	s6 =	simm.s32 $_tile_overlayer_lowered  }
0x9b: {  	s22 =	simm.s32 $0x1BFF;
	s21 =	sshll.u32 s6, $0x1;
	s3 =	sadd.s32 s4, s19  }
0x9c: {  	s7 =	simm.s32 $0x0;
	s20 =	sshll.u32 s5, $0x1;
	s5 =	sadd.s32 s21, s3  }
0x9d: {  	[timem:s7], [sflag:s22] =	dma.local [hbm:s5], s20  }
0x9e: {  	_ =	swait.ge [sflag:s22], s20  }
0x9f: {  	s4 =	ssub.s32 $0x0, s20;
	[sflag:s22] =	ssyncset.done $0x0  }
0xa0: {  	[sflag:s22] =	ssyncadd.s32 s4;
	_ =	sdelay $0x1  }
0xa1: {  	s23 =	simm.s32 $0x1B8B  }
0xa2: {  	_ =	swait.ge [sflag:s23], $0x1  }
0xa3: {  	[sflag:s23] =	ssyncset.done $0x0  }
0xa4: {  	s25 =	simm.s32 $0x1B8E;
	s24 =	sld [smem:$0x3FFE];
	[sflag:s23] =	ssyncadd.s32 $0xFFFFFFFF  }
0xa5: {  	s26 =	simm.s32 $execute0_lowered;
	[smem:$0x3FD2] =	sst s25  }
0xa6: {  	s5 =	sshll.u32 s26, $0x1;
	_ =	strace $0x80000046;
	[dreg:$0x1] =	wrdreg $0xFFFFFFFF  }
0xa7: {  	s28 =	simm.s32 $_size_execute0_lowered;
	s3 =	sadd.s32 s3, s5;
	[dreg:$0x0] =	wrdreg $0x0  }
0xa8: {  	s5 =	sshll.u32 s28, $0x1;
	[dreg:$0x2] =	wrdreg s3  }
0xa9: {  	[dreg:$0x3] =	wrdreg s5  }
0xaa: {  	[dreg:$0x4] =	wrdreg $0xC0  }
0xab: {  	_ =	task [dreg:s7], $0x5FFFF  }
0xac: {  	[dreg:$0x1] =	wrdreg $0xFFFFFFFF  }
0xad: {  	[dreg:$0x0] =	wrdreg $0x60  }
0xae: {  	[dreg:$0x2] =	wrdreg s2  }
0xaf: {  	[dreg:$0x3] =	wrdreg s24  }
0xb0: {  	[dreg:$0x4] =	wrdreg $0x68000  }
0xb1: {  	[dreg:$0x5] =	wrdreg $0x9  }
0xb2: {  	_ =	task.clear_ibuf [dreg:s7], $0x6FFFF;
	_ =	strace $0x90000046  }
0xb3: {  	s29 =	simm.s32 $0x9;
	_ =	strace $0x80000048  }
0xb4: {  	_ =	swait.ge [sflag:s29], $0x1  }
0xb5: {  	[sflag:s29] =	ssyncadd.s32 $0xFFFFFFFF  }
0xb6: {  	_ =	strace $0x90000048  }
0xb7: {  	_ =	sfence  }
0xb8: {  	s30 =	sld [smem:$0x0];
	_ =	sdelay $0x2  }
0xb9: {  	s31 =	sshll.u32 s1, $0xD;
	s1 =	sshrl.u32 s1, $0x2  }
0xba: {  	s3 =	sand.u32 $0x4000, s31;
	s1 =	sadd.s32 s1, s30  }
0xbb: {  	s0 =	sor.u32 s3, s0;
	s1 =	sshll.u32 s1, $0x11  }
0xbc: {  	s0 =	sor.u32 s1, s0  }
0xbd: {  	s0 =	sadd.s32 $0x8F2B, s0  }
0xbe: {  	[sflag:s0] =	ssyncadd.remote.s32 $0x1  }
0xbf: {  	_ =	sfence.sel $0xFFFF  }
0xc0: {  	[dreg:$0x0] =	wrdreg $0xFFFFFFFF;
	(pc) =	sbr.abs _section_cstart, $3  }
0xc1: {  	[dreg:$0x1] =	wrdreg $0xFFFFFFFF  }
0xc2: {  	_ =	task.clear_ibuf [dreg:s7], $0x2FFFF;
	_ =	strace $0x9FFFFFFF  }
0xc3: {  	(tm) =	ssettm $0x7FFFFFFF  }
tec
execute0_lowered:
.L_overlay_start_1:
0x0: {  	(tag) =	ssettag $0x1  }
0x1: {  	s7 =	rddreg [dreg:$0x0]  }
0x2: {  	s6 =	rddreg [dreg:$0x1]  }
0x3: {  	s1 =	rddreg [dreg:$0x2]  }
0x4: {  	s0 =	rddreg [dreg:$0x3];
	s2 =	simm.s32 $0x0  }
0x5: {  	s3 =	srdreg.scid;
	[smem:$0x7FF] =	sst s2;
	s4 =	sadd.s32 $0x4000, s6  }
0x6: {  	s5 =	sadd.s32 $0x3800, s6;
	s8 =	sand.u32 $0x1, s3;
	s3 =	stileid.u32  }
0x7: {  	_ =	strace $0x80000047;
	s9 =	smul.u32 $0x28000, s8;
	s10 =	sshll.u32 s8, $0x4  }
0x8: {  	s8 =	ssub.s32 $0x2, s8;
	s11 =	smul.u32 $0x50000, s3;
	s31 =	sshll.u32 s3, $0x6  }
0x9: {  	s14 =	smul.u32 $0x2800, s3;
	s10 =	sor.u32 s3, s10;
	s29 =	sshrl.u32 s8, $0x1  }
0xa: {  	s9 =	sadd.s32 s9, s6;
	s10 =	smul.u32 $0x500, s10;
	s8 =	ssub.s32 s8, s29  }
0xb: {  	s30 =	sshrl.u32 s11, $0x2;
	s6 =	sor.u32 $0x1C01, s31;
	s11 =	simm.s32 $0x2800  }
0xc: {  	s12 =	sadd.s32 s30, s1;
	s13 =	sadd.s32 $0x6800, s9;
	s8 =	smax.u32 s8, $0x1  }
0xd: {  	s7 =	sadd.s32 s7, s10;
	s9 =	sshrl.u32 s12, $0x3;
	s10 =	simm.s32 $0x1  }
0xe: {  	s12 =	simm.s32 $0x80;
	s13 =	sadd.s32 s14, s13;
	s14 =	simm.s32 $0x0  }
.LBB2_1:
0xf: {  	[spmem:s9], [sflag:s6] =	dma.local [hbm:s4], $0x2800  }
0x10: {  	_ =	swait.ge [sflag:s10], $0x2800  }
0x11: {  	[sflag:s10] =	ssyncset.done $0x0  }
0x12: {  	[sflag:s10] =	ssyncadd.s32 $0xFFFFD800  }
0x13: {  	[tilespmem:s2], [sflag:$0x1] =	stream.linear.gather [hbm4b:s7+s2], $0x2780, $0x38;
	[tilespmem:$0x1A800] =	vst v63  }
0x14: {  	_ =	swait.ge [sflag:s10], $0x2780  }
0x15: {  	[sflag:s10] =	ssyncset.done $0x0  }
0x16: {  	[sflag:s10] =	ssyncadd.s32 $0xFFFFD880  }
0x17: {  	[tilespmem:s11], [sflag:$0x1] =	stream.linear.gather [hbm4b:s5+s2], $0x4000, $0x38;
	[tilespmem:$0x1A800] =	vst v63  }
0x18: {  	_ =	swait.ge [sflag:s10], $0x4000  }
0x19: {  	[sflag:s10] =	ssyncset.done $0x0  }
0x1a: {  	[sflag:s10] =	ssyncadd.s32 $0xFFFFC000  }
0x1b: {  	s15 =	simm.s32 $0x0;
	[bflag:$0x0] =	sbarrier.arrive $0xFFFF  }
0x1c: {  	[spmem:s1] =	stream.indirect.scatter.add.f32 [tilespmem:s11], [sflag:$0x1], $0x80, s15, s12, $0xb8;
	[tilespmem:$0x1A800] =	vst v63  }
0x1d: {  	_ =	swait.ge [sflag:s10], $0x4000  }
0x1e: {  	s15 =	simm.s32 $0x200;
	[sflag:s10] =	ssyncset.done $0x0  }
.LBB2_2:
0x1f: {  	s16 =	sshra.s32 s15, $0x2;
	[sflag:s10] =	ssyncadd.s32 $0xFFFFC000;
	p0 =	sne.s32 s15, $0x9C00  }
0x20: {  	[spmem:s1] =	stream.indirect.scatter.add.f32 [tilespmem:s11], [sflag:$0x1], $0x80, s16, s12, $0xb8;
	[tilespmem:$0x1A800] =	vst v63  }
.Ltmp0:
0x21: {  	_ = 	snop;
	(pc) =	sbr.rel @p0 .LBB2_2-.Ltmp0, $4  }
0x22: {  	_ = 	snop  }
0x23: {  	s15 =	sadd.s32 $0x200, s15  }
0x24: {  	_ =	swait.ge [sflag:s10], $0x4000  }
0x25: {  	[sflag:s10] =	ssyncset.done $0x0  }
0x26: {  	s14 =	sadd.s32 $0x1, s14  }
0x27: {  	[sflag:s10] =	ssyncadd.s32 $0xFFFFC000;
	p0 =	sne.s32 s14, s8  }
.Ltmp1:
0x28: {  	[bflag:$0x0] =	sbarrier.arrive $0xFFFF;
	(pc) =	sbr.rel @p0 .LBB2_1-.Ltmp1, $4  }
0x29: {  	[hbm:s13], [sflag:s6] =	dma.local [spmem:s9], $0x2800  }
0x2a: {  	_ =	swait.ge [sflag:s10], $0x2800  }
0x2b: {  	[sflag:s10] =	ssyncset.done $0x0  }
0x2c: {  	[sflag:s10] =	ssyncadd.s32 $0xFFFFD800  }
0x2d: {  	_ =	sfence.sel $0x180000  }
0x2e: {  	[bflag:$0x0] =	sbarrier.arrive $0xFFFF  }
0x2f: {  	p0 =	sne.s32 s3, $0x0;
	_ =	strace $0x90000047  }
0x30: {  	s0 =	sadd.s32 @!p0 $0x100000, s0;
	[bflag:$0x2] =	sbarrier.arrive $0xFFFF  }
0x31: {  	[sflag:s0] =	ssyncadd.tile.s32 @!p0 $0x1;
	_ =	shalt  }
.Lfunc_end2:
_tile_overlayer_lowered:
.L_overlay_start_2:
0x32: {  	(tag) =	ssettag $0x2  }
0x33: {  	s0 =	rddreg [dreg:$0x0];
	s2 =	stileid.u32  }
0x34: {  	s1 =	rddreg [dreg:$0x1];
	p0 =	sne.s32 s2, $0x0  }
0x35: {  	s3 =	rddreg [dreg:$0x2];
	[bflag:$0x3] =	sbarrier.arrive $0xFFFF;
	s2 =	simm.s32 @!p0 $0x1C01  }
0x36: {  	[timem:s3], [sflag:s2] =	dma.local @!p0 [hbm:s0], s1  }
0x37: {  	s0 =	simm.s32 @!p0 $0x1  }
0x38: {  	_ =	swait.ge @!p0 [sflag:s0], s1  }
0x39: {  	s1 =	ssub.s32 @!p0 $0x0, s1;
	[sflag:s0] =	ssyncset.done @!p0 $0x0  }
0x3a: {  	[sflag:s0] =	ssyncadd.s32 @!p0 s1  }
0x3b: {  	[bflag:$0x3] =	sbarrier.arrive $0xFFFF  }
0x3c: {  	_ =	shalt  }

// kernel: kernel.14.cloned.1.call-start
scs
__scs_entry_jumppad:
0x0: {  	(pc) =	sbr.rel $0x88, $3  }
0x1: {  	(tag) =	ssettag $0x0;
	lr =	simm.s32 $0x1  }
0x2: {  	[smem:$0x3F99] =	sst lr;
	_ =	strace $0xD0000000  }
0x3: {  	_ = 	snop  }
0x4: {  	_ = 	snop  }
0x5: {  	_ = 	snop  }
0x6: {  	_ = 	snop  }
0x7: {  	_ = 	snop  }
__scs_overlays_trampoline_lowered:
0x8: {  	[smem:$0x3FA8] =	sst s0  }
0x9: {  	[smem:$0x3FA9] =	sst s1  }
0xa: {  	[smem:$0x3FAA] =	sst s2  }
0xb: {  	[smem:$0x3FAB] =	sst s3  }
0xc: {  	[smem:$0x3FAC] =	sst s4  }
0xd: {  	[smem:$0x3FAD] =	sst s5  }
0xe: {  	[smem:$0x3FAE] =	sst s6  }
0xf: {  	[smem:$0x3FAF] =	sst s7  }
0x10: {  	[smem:$0x3FB0] =	sst s8  }
0x11: {  	[smem:$0x3FB1] =	sst s9;
	s0 =	simm.s32 @!p0 $0x0  }
0x12: {  	s1 =	sld [smem:$0x3F97];
	s0 =	simm.s32 @p0 $0x1  }
0x13: {  	[smem:$0x3FB2] =	sst s0;
	s0 =	simm.s32 @!p1 $0x0  }
0x14: {  	s2 =	sld [smem:$0x3F96];
	s0 =	simm.s32 @p1 $0x1  }
0x15: {  	[smem:$0x3FB3] =	sst s0;
	s0 =	simm.s32 @!p2 $0x0  }
0x16: {  	s3 =	sld [smem:$0x3FDB];
	s0 =	simm.s32 @p2 $0x1  }
0x17: {  	s4 =	simm.s32 $0x1BF5;
	[smem:$0x3FB5] =	sst s0  }
0x18: {  	s0 =	sld [smem:$0x3F98];
	_ =	swait.ge [sflag:s4], $0x0  }
0x19: {  	s7 =	sld [smem:$0x3F99]  }
0x1a: {  	s8 =	sadd.s32 $0xFFFFE003, lr  }
0x1b: {  	s9 =	sadd.s32 $0xFFFFFEF7, lr;
	s5 =	simm.s32 $0xFFFFFFFF;
	p2 =	slt.u32 s8, $0xFFFFF086  }
0x1c: {  	p1 =	slt.u32 s9, $0xF7A;
	s5 =	simm.s32 @!p2 $0x0  }
0x1d: {  	s5 =	simm.s32 @p1 $0x1;
	p0 =	seq.s32 s7, s2  }
0x1e: {  	s7 =	smul.u32 @!p0 $0xF7A, s2;
	p2 =	seq.s32 @!p0 s5, $0x0  }
0x1f: {  	s9 =	smul.u32 $0xF7A, s1;
	s8 =	simm.s32 @!p0 $0x1BF5;
	p2 =	por !p2, p0  }
0x20: {  	[sflag:s8] =	ssyncset.s32 @!p0 $0xFFFFF086;
	s6 =	sadd.s32 @!p0 s3, s7;
	s7 =	simm.s32 @!p0 $0x108  }
0x21: {  	s3 =	sadd.s32 s3, s9;
	s6 =	sadd.s32 @!p0 $0x88, s6;
	s7 =	simm.s32 @p2 $0x1082  }
0x22: {  	[simem:s7], [sflag:s8] =	dma.local @!p0 [hbm:s6], $0xF7A  }
0x23: {  	s9 =	sor.u32 $0xD0000000, s2;
	s6 =	simm.s32 $0x108;
	_ =	swait.ge @!p0 [sflag:s8], $0x0  }
0x24: {  	s3 =	sadd.s32 $0x88, s3;
	s6 =	simm.s32 @!p1 $0x1082;
	[sflag:s4] =	ssyncset.s32 $0xFFFFF086  }
0x25: {  	[simem:s6], [sflag:s4] =	dma.local [hbm:s3], $0xF7A  }
0x26: {  	[smem:$0x3F99] =	sst s1;
	(tag) =	ssettag s2;
	_ =	strace s9  }
0x27: {  	s1 =	sld [smem:$0x3FA9]  }
0x28: {  	s2 =	sld [smem:$0x3FAA]  }
0x29: {  	s4 =	sld [smem:$0x3FAC]  }
0x2a: {  	p0 =	seq.s32 s5, $0x0;
	s5 =	sld [smem:$0x3FAD]  }
0x2b: {  	s6 =	sld [smem:$0x3FAE]  }
0x2c: {  	s7 =	sld [smem:$0x3FAF]  }
0x2d: {  	s3 =	simm.s32 $0x108;
	s8 =	sld [smem:$0x3FB0]  }
0x2e: {  	s3 =	simm.s32 @!p0 $0x1082;
	s9 =	sld [smem:$0x3FB1]  }
0x2f: {  	lr =	sadd.s32 s0, s3;
	s0 =	sld [smem:$0x3FA8]  }
0x30: {  	s3 =	sld [smem:$0x3FAB]  }
0x31: {  	[smem:$0x3FB4] =	sst s10  }
0x32: {  	s10 =	sld [smem:$0x3FB2];
	_ =	sdelay $0x3  }
0x33: {  	p0 =	seq.s32 s10, $0x1;
	s10 =	sld [smem:$0x3FB4];
	_ =	sdelay $0x3  }
0x34: {  	[smem:$0x3FB4] =	sst s10  }
0x35: {  	s10 =	sld [smem:$0x3FB3];
	_ =	sdelay $0x3  }
0x36: {  	p1 =	seq.s32 s10, $0x1;
	s10 =	sld [smem:$0x3FB4];
	_ =	sdelay $0x3  }
0x37: {  	[smem:$0x3FB4] =	sst s10  }
0x38: {  	s10 =	sld [smem:$0x3FB5]  }
0x39: {  	_ = 	snop;
	(pc) =	sbr.ind lr, $3  }
0x3a: {  	_ = 	snop  }
0x3b: {  	_ = 	snop  }
0x3c: {  	p2 =	seq.s32 s10, $0x1;
	s10 =	sld [smem:$0x3FB4]  }
0x3d: {  	_ =	shalt  }
0x3e: {  	_ =	shalt  }
0x3f: {  	_ =	shalt  }
0x40: {  	_ =	shalt  }
0x41: {  	_ =	shalt  }
0x42: {  	_ =	shalt  }
0x43: {  	_ =	shalt  }
0x44: {  	_ =	shalt  }
0x45: {  	_ =	shalt  }
0x46: {  	_ =	shalt  }
0x47: {  	_ =	shalt  }
0x48: {  	_ =	shalt  }
0x49: {  	_ =	shalt  }
0x4a: {  	_ =	shalt  }
0x4b: {  	_ =	shalt  }
0x4c: {  	_ =	shalt  }
0x4d: {  	_ =	shalt  }
0x4e: {  	_ =	shalt  }
0x4f: {  	_ =	shalt  }
0x50: {  	_ =	shalt  }
0x51: {  	_ =	shalt  }
0x52: {  	_ =	shalt  }
0x53: {  	_ =	shalt  }
0x54: {  	_ =	shalt  }
0x55: {  	_ =	shalt  }
0x56: {  	_ =	shalt  }
0x57: {  	_ =	shalt  }
0x58: {  	_ =	shalt  }
0x59: {  	_ =	shalt  }
0x5a: {  	_ =	shalt  }
0x5b: {  	_ =	shalt  }
0x5c: {  	_ =	shalt  }
0x5d: {  	_ =	shalt  }
0x5e: {  	_ =	shalt  }
0x5f: {  	_ =	shalt  }
0x60: {  	_ =	shalt  }
0x61: {  	_ =	shalt  }
0x62: {  	_ =	shalt  }
0x63: {  	_ =	shalt  }
0x64: {  	_ =	shalt  }
0x65: {  	_ =	shalt  }
0x66: {  	_ =	shalt  }
0x67: {  	_ =	shalt  }
0x68: {  	_ =	shalt  }
0x69: {  	_ =	shalt  }
0x6a: {  	_ =	shalt  }
0x6b: {  	_ =	shalt  }
0x6c: {  	_ =	shalt  }
0x6d: {  	_ =	shalt  }
0x6e: {  	_ =	shalt  }
0x6f: {  	_ =	shalt  }
0x70: {  	_ =	shalt  }
0x71: {  	_ =	shalt  }
0x72: {  	_ =	shalt  }
0x73: {  	_ =	shalt  }
0x74: {  	_ =	shalt  }
0x75: {  	_ =	shalt  }
0x76: {  	_ =	shalt  }
0x77: {  	_ =	shalt  }
0x78: {  	_ =	shalt  }
0x79: {  	_ =	shalt  }
0x7a: {  	_ =	shalt  }
0x7b: {  	_ =	shalt  }
0x7c: {  	_ =	shalt  }
0x7d: {  	_ =	shalt  }
0x7e: {  	_ =	shalt  }
0x7f: {  	_ =	shalt  }
0x80: {  	_ =	shalt  }
0x81: {  	_ =	shalt  }
0x82: {  	_ =	shalt  }
0x83: {  	_ =	shalt  }
0x84: {  	_ =	shalt  }
0x85: {  	_ =	shalt  }
0x86: {  	_ =	shalt  }
0x87: {  	_ =	shalt  }
.Lfunc_end0:
.L_simem_size_0:
called_computation.1_lowered:
.L_overlay_start_0:
0x88: {  	s2 =	sld [smem:$0x3FD9]  }
0x89: {  	s3 =	sld [smem:$0x3FFE];
	_ =	sdelay $0x1  }
0x8a: {  	s1 =	srdreg.scid  }
0x8b: {  	s0 =	sand.u32 $0x1, s1  }
0x8c: {  	s16 =	sshll.u32 s0, $0xA;
	s2 =	sadd.s32 s3, s2  }
0x8d: {  	s2 =	sadd.s32 s2, s16  }
0x8e: {  	[smem:$0x3FC0] =	sst s2  }
0x8f: {  	_ = 	snop  }
0x90: {  	(tm) =	ssettm $0x1  }
0x91: {  	s17 =	sld [smem:$0x3FFB];
	_ =	sdelay $0x3  }
0x92: {  	_ =	strace s17  }
0x93: {  	s2 =	sld [smem:$0x3FFC];
	_ =	sdelay $0x3  }
0x94: {  	_ =	strace s2  }
0x95: {  	s2 =	sld [smem:$0x3FFD];
	_ =	sdelay $0x3  }
0x96: {  	_ =	strace s2  }
0x97: {  	_ =	strace $0x8FFFFFFF  }
0x98: {  	s18 =	sld [smem:$0x3FDB];
	_ =	sdelay $0x1  }
0x99: {  	s19 =	simm.s32 $_scs_section_size  }
0x9a: {  	s4 =	simm.s32 $_size__tile_overlayer_lowered;
	s5 =	simm.s32 $_tile_overlayer_lowered  }
0x9b: {  	s22 =	simm.s32 $0x1BFF;
	s21 =	sshll.u32 s5, $0x1;
	s2 =	sadd.s32 s19, s18  }
0x9c: {  	s6 =	simm.s32 $0x0;
	s20 =	sshll.u32 s4, $0x1;
	s4 =	sadd.s32 s21, s2  }
0x9d: {  	[timem:s6], [sflag:s22] =	dma.local [hbm:s4], s20  }
0x9e: {  	_ =	swait.ge [sflag:s22], s20  }
0x9f: {  	s3 =	ssub.s32 $0x0, s20;
	[sflag:s22] =	ssyncset.done $0x0  }
0xa0: {  	[sflag:s22] =	ssyncadd.s32 s3;
	_ =	sdelay $0x1  }
0xa1: {  	s23 =	simm.s32 $0x1B8B  }
0xa2: {  	_ =	swait.ge [sflag:s23], $0x1  }
0xa3: {  	[sflag:s23] =	ssyncset.done $0x0  }
0xa4: {  	s25 =	simm.s32 $0x1B8E;
	s24 =	sld [smem:$0x3FFE];
	[sflag:s23] =	ssyncadd.s32 $0xFFFFFFFF  }
0xa5: {  	s26 =	simm.s32 $execute0_lowered;
	[smem:$0x3FD2] =	sst s25  }
0xa6: {  	s4 =	sshll.u32 s26, $0x1;
	_ =	strace $0x80000049;
	[dreg:$0x1] =	wrdreg $0xFFFFFFFF  }
0xa7: {  	s28 =	simm.s32 $_size_execute0_lowered;
	s2 =	sadd.s32 s2, s4;
	[dreg:$0x0] =	wrdreg $0x0  }
0xa8: {  	s4 =	sshll.u32 s28, $0x1;
	[dreg:$0x2] =	wrdreg s2  }
0xa9: {  	[dreg:$0x3] =	wrdreg s4  }
0xaa: {  	[dreg:$0x4] =	wrdreg $0xC0  }
0xab: {  	_ =	task [dreg:s6], $0x5FFFF  }
0xac: {  	[dreg:$0x1] =	wrdreg $0xFFFFFFFF  }
0xad: {  	[dreg:$0x0] =	wrdreg $0x60  }
0xae: {  	[dreg:$0x2] =	wrdreg s24  }
0xaf: {  	[dreg:$0x3] =	wrdreg $0xA8000  }
0xb0: {  	[dreg:$0x4] =	wrdreg $0x9  }
0xb1: {  	_ =	task.clear_ibuf [dreg:s6], $0x5FFFF;
	_ =	strace $0x90000049  }
0xb2: {  	s29 =	simm.s32 $0x9;
	_ =	strace $0x8000004B  }
0xb3: {  	_ =	swait.ge [sflag:s29], $0x1  }
0xb4: {  	[sflag:s29] =	ssyncadd.s32 $0xFFFFFFFF  }
0xb5: {  	_ =	strace $0x9000004B  }
0xb6: {  	_ =	sfence  }
0xb7: {  	s30 =	sld [smem:$0x0];
	_ =	sdelay $0x2  }
0xb8: {  	s31 =	sshll.u32 s1, $0xD;
	s1 =	sshrl.u32 s1, $0x2  }
0xb9: {  	s3 =	sand.u32 $0x4000, s31;
	s1 =	sadd.s32 s1, s30  }
0xba: {  	s0 =	sor.u32 s3, s0;
	s1 =	sshll.u32 s1, $0x11  }
0xbb: {  	s0 =	sor.u32 s1, s0  }
0xbc: {  	s0 =	sadd.s32 $0x8F2B, s0  }
0xbd: {  	[sflag:s0] =	ssyncadd.remote.s32 $0x1  }
0xbe: {  	_ =	sfence.sel $0xFFFF  }
0xbf: {  	[dreg:$0x0] =	wrdreg $0xFFFFFFFF;
	(pc) =	sbr.abs _section_cstart, $3  }
0xc0: {  	[dreg:$0x1] =	wrdreg $0xFFFFFFFF  }
0xc1: {  	_ =	task.clear_ibuf [dreg:s6], $0x2FFFF;
	_ =	strace $0x9FFFFFFF  }
0xc2: {  	(tm) =	ssettm $0x7FFFFFFF  }
0xc3: {  	_ =	shalt  }
tec
execute0_lowered:
.L_overlay_start_1:
0x0: {  	(tag) =	ssettag $0x1  }
0x1: {  	s6 =	rddreg [dreg:$0x0]  }
0x2: {  	s1 =	rddreg [dreg:$0x1]  }
0x3: {  	s0 =	rddreg [dreg:$0x2];
	s2 =	simm.s32 $0x0  }
0x4: {  	s3 =	srdreg.scid;
	s19 =	simm.s32 $0x80;
	s20 =	simm.s32 $0x2800  }
0x5: {  	s21 =	simm.s32 $0x6800;
	s22 =	simm.s32 $0x1;
	s23 =	simm.s32 $0x2  }
0x6: {  	[smem:$0x7FF] =	sst s2;
	s4 =	sadd.s32 $0x6A800, s6;
	s7 =	sand.u32 $0x1, s3  }
0x7: {  	s13 =	sadd.s32 $0x56800, s6;
	s3 =	stileid.u32;
	s8 =	smul.u32 $0x28000, s7  }
0x8: {  	s14 =	sadd.s32 $0x60800, s6;
	s5 =	sadd.s32 $0x4000, s6;
	s10 =	smul.u32 $0x50000, s3  }
0x9: {  	_ =	strace $0x8000004A;
	s9 =	ssub.s32 $0x2, s7;
	s24 =	smul.u32 $0x2800, s3  }
0xa: {  	s29 =	sshll.u32 s3, $0x6;
	s30 =	smul.u32 $0x500, s3;
	s26 =	sshrl.u32 s9, $0x1  }
0xb: {  	p0 =	seq.s32 s7, $0x1;
	s15 =	sadd.s32 s8, s6;
	s16 =	ssub.s32 s9, s26  }
0xc: {  	s28 =	sshrl.u32 s10, $0x2;
	s6 =	sor.u32 $0x1C03, s29;
	s18 =	sshrl.u32 s24, $0x3  }
0xd: {  	s7 =	sadd.s32 s13, s30;
	s8 =	sadd.s32 s14, s30;
	s26 =	simm.s32 $0x2780  }
0xe: {  	s17 =	sadd.s32 s28, s1;
	s31 =	sadd.s32 $0x280, s18;
	s12 =	sadd.s32 $0x5000, s18  }
.Ltmp0:
0xf: {  	s18 =	sadd.s32 $0x5280, s18;
	s25 =	sadd.s32 $0x92800, s15;
	(pc) =	sbr.rel .LBB2_1-.Ltmp0, $4  }
0x10: {  	s15 =	smax.u32 s16, $0x1;
	s9 =	sadd.s32 s13, s31;
	s10 =	sadd.s32 s14, s31  }
0x11: {  	s11 =	sadd.s32 s13, s12;
	s12 =	sadd.s32 s14, s12;
	s13 =	sadd.s32 s13, s18  }
0x12: {  	s14 =	sadd.s32 s14, s18;
	s16 =	sshrl.u32 s17, $0x3;
	s17 =	simm.s32 $0x3  }
0x13: {  	s18 =	simm.s32 $0x1400;
	s24 =	sadd.s32 s24, s25;
	s25 =	simm.s32 $0x2700  }
.LBB2_11:
0x14: {  	[tilespmem:s21], [sflag:$0x2] =	stream.indirect.gather [hbm4b:s4+s19], $0x80, s29, s19, $0xb8;
	[tilespmem:$0x1E800] =	vst v63  }
.LBB2_12:
0x15: {  	_ =	swait.ge [sflag:s22], $0x4000  }
0x16: {  	[sflag:s22] =	ssyncset.done $0x0  }
0x17: {  	[sflag:s22] =	ssyncadd.s32 $0xFFFFC000  }
0x18: {  	[spmem:s1] =	stream.indirect.scatter.add.f32 [tilespmem:s20], [sflag:$0x3], $0x80, s25, s19, $0xb8;
	[tilespmem:$0x1E800] =	vst v63  }
0x19: {  	_ =	swait.ge [sflag:s17], $0x4000  }
0x1a: {  	[sflag:s17] =	ssyncset.done $0x0  }
0x1b: {  	[sflag:s17] =	ssyncadd.s32 $0xFFFFC000  }
0x1c: {  	_ =	swait.ge [sflag:s23], $0x4000  }
0x1d: {  	[sflag:s23] =	ssyncset.done $0x0  }
0x1e: {  	[sflag:s23] =	ssyncadd.s32 $0xFFFFC000  }
0x1f: {  	[spmem:s1] =	stream.indirect.scatter.add.f32 [tilespmem:s21], [sflag:$0x3], $0x80, s26, s19, $0xb8;
	[tilespmem:$0x1E800] =	vst v63  }
0x20: {  	_ =	swait.ge [sflag:s17], $0x4000  }
0x21: {  	s2 =	sadd.s32 $0x1, s2;
	[sflag:s17] =	ssyncset.done $0x0  }
0x22: {  	p1 =	sne.s32 s2, s15;
	[sflag:s17] =	ssyncadd.s32 $0xFFFFC000  }
.Ltmp1:
0x23: {  	[bflag:$0x0] =	sbarrier.arrive $0xFFFF;
	(pc) =	sbr.rel @!p1 .LBB2_13-.Ltmp1, $4  }
0x24: {  	[hbm:s24], [sflag:s6] =	dma.local [spmem:s16], $0x2800  }
0x25: {  	_ =	swait.ge [sflag:s17], $0x2800  }
0x26: {  	[sflag:s17] =	ssyncset.done $0x0  }
0x27: {  	[sflag:s17] =	ssyncadd.s32 $0xFFFFD800  }
.LBB2_1:
0x28: {  	[spmem:s16], [sflag:s6] =	dma.local [hbm:s5], $0x2800  }
.Ltmp2:
0x29: {  	_ =	swait.ge [sflag:s17], $0x2800;
	(pc) =	sbr.rel @!p0 .LBB2_2-.Ltmp2, $4  }
0x2a: {  	[sflag:s17] =	ssyncset.done $0x0  }
0x2b: {  	[sflag:s17] =	ssyncadd.s32 $0xFFFFD800  }
0x2c: {  	[bflag:$0x0] =	sbarrier.arrive $0xFFFF  }
0x2d: {  	s28 =	simm.s32 $0x0  }
0x2e: {  	[tilespmem:s28], [sflag:$0x3] =	stream.linear.gather [hbm4b:s11+s28], $0x1400, $0x38;
	[tilespmem:$0x1E800] =	vst v63  }
0x2f: {  	_ =	swait.ge [sflag:s17], $0x1400  }
0x30: {  	[sflag:s17] =	ssyncset.done $0x0  }
0x31: {  	[sflag:s17] =	ssyncadd.s32 $0xFFFFEC00  }
0x32: {  	[tilespmem:s18], [sflag:$0x3] =	stream.linear.gather [hbm4b:s12+s28], $0x1400, $0x38;
	[tilespmem:$0x1E800] =	vst v63  }
0x33: {  	_ =	swait.ge [sflag:s17], $0x1400  }
0x34: {  	[sflag:s17] =	ssyncset.done $0x0  }
0x35: {  	[sflag:s17] =	ssyncadd.s32 $0xFFFFEC00  }
0x36: {  	[tilespmem:s20], [sflag:$0x1] =	stream.indirect.gather [hbm4b:s4+s19], $0x80, s28, s19, $0xb8;
	[tilespmem:$0x1E800] =	vst v63  }
0x37: {  	_ = 	snop  }
0x38: {  	[tilespmem:s21], [sflag:$0x2] =	stream.indirect.gather [hbm4b:s4+s19], $0x80, s19, s19, $0xb8;
	[tilespmem:$0x1E800] =	vst v63  }
0x39: {  	_ =	swait.ge [sflag:s22], $0x4000  }
0x3a: {  	[sflag:s22] =	ssyncset.done $0x0  }
0x3b: {  	s28 =	simm.s32 $0x1400;
	[sflag:s22] =	ssyncadd.s32 $0xFFFFC000  }
0x3c: {  	[spmem:s1] =	stream.indirect.scatter.add.f32 [tilespmem:s20], [sflag:$0x3], $0x80, s28, s19, $0xb8;
	[tilespmem:$0x1E800] =	vst v63  }
0x3d: {  	_ =	swait.ge [sflag:s17], $0x4000  }
0x3e: {  	[sflag:s17] =	ssyncset.done $0x0  }
0x3f: {  	s28 =	simm.s32 $0x100;
	[sflag:s17] =	ssyncadd.s32 $0xFFFFC000  }
0x40: {  	[tilespmem:s20], [sflag:$0x1] =	stream.indirect.gather [hbm4b:s4+s19], $0x80, s28, s19, $0xb8;
	[tilespmem:$0x1E800] =	vst v63  }
0x41: {  	_ =	swait.ge [sflag:s23], $0x4000  }
0x42: {  	[sflag:s23] =	ssyncset.done $0x0  }
0x43: {  	s28 =	simm.s32 $0x1480;
	[sflag:s23] =	ssyncadd.s32 $0xFFFFC000  }
0x44: {  	[spmem:s1] =	stream.indirect.scatter.add.f32 [tilespmem:s21], [sflag:$0x3], $0x80, s28, s19, $0xb8;
	[tilespmem:$0x1E800] =	vst v63  }
0x45: {  	_ =	swait.ge [sflag:s17], $0x4000  }
0x46: {  	[sflag:s17] =	ssyncset.done $0x0  }
0x47: {  	s29 =	simm.s32 $0x180;
	s28 =	simm.s32 $0x400;
	[sflag:s17] =	ssyncadd.s32 $0xFFFFC000  }
.LBB2_8:
0x48: {  	[tilespmem:s21], [sflag:$0x2] =	stream.indirect.gather [hbm4b:s4+s19], $0x80, s29, s19, $0xb8;
	[tilespmem:$0x1E800] =	vst v63  }
0x49: {  	s29 =	smov.u32 s28  }
0x4a: {  	p1 =	sne.s32 s28, $0x4800;
	s28 =	sadd.s32 $0x400, s28;
	_ =	swait.ge [sflag:s22], $0x4000  }
0x4b: {  	s29 =	sshra.s32 s29, $0x2;
	[sflag:s22] =	ssyncset.done $0x0  }
0x4c: {  	s30 =	sadd.s32 $0x1400, s29;
	[sflag:s22] =	ssyncadd.s32 $0xFFFFC000  }
0x4d: {  	[spmem:s1] =	stream.indirect.scatter.add.f32 [tilespmem:s20], [sflag:$0x3], $0x80, s30, s19, $0xb8;
	[tilespmem:$0x1E800] =	vst v63  }
0x4e: {  	_ =	swait.ge [sflag:s17], $0x4000  }
0x4f: {  	[sflag:s17] =	ssyncset.done $0x0  }
0x50: {  	s30 =	sadd.s32 $0x100, s29;
	[sflag:s17] =	ssyncadd.s32 $0xFFFFC000  }
0x51: {  	[tilespmem:s20], [sflag:$0x1] =	stream.indirect.gather [hbm4b:s4+s19], $0x80, s30, s19, $0xb8;
	[tilespmem:$0x1E800] =	vst v63  }
0x52: {  	_ =	swait.ge [sflag:s23], $0x4000  }
0x53: {  	[sflag:s23] =	ssyncset.done $0x0  }
.Ltmp3:
0x54: {  	s30 =	sadd.s32 $0x1480, s29;
	[sflag:s23] =	ssyncadd.s32 $0xFFFFC000;
	(pc) =	sbr.rel @p1 .LBB2_8-.Ltmp3, $4  }
0x55: {  	[spmem:s1] =	stream.indirect.scatter.add.f32 [tilespmem:s21], [sflag:$0x3], $0x80, s30, s19, $0xb8;
	[tilespmem:$0x1E800] =	vst v63  }
0x56: {  	_ =	swait.ge [sflag:s17], $0x4000  }
0x57: {  	[sflag:s17] =	ssyncset.done $0x0  }
0x58: {  	s29 =	sadd.s32 $0x180, s29;
	[sflag:s17] =	ssyncadd.s32 $0xFFFFC000  }
0x59: {  	[tilespmem:s21], [sflag:$0x2] =	stream.indirect.gather [hbm4b:s4+s19], $0x80, s29, s19, $0xb8;
	[tilespmem:$0x1E800] =	vst v63  }
0x5a: {  	_ =	swait.ge [sflag:s22], $0x4000  }
0x5b: {  	[sflag:s22] =	ssyncset.done $0x0  }
0x5c: {  	[sflag:s22] =	ssyncadd.s32 $0xFFFFC000  }
0x5d: {  	[spmem:s1] =	stream.indirect.scatter.add.f32 [tilespmem:s20], [sflag:$0x3], $0x80, s25, s19, $0xb8;
	[tilespmem:$0x1E800] =	vst v63  }
0x5e: {  	_ =	swait.ge [sflag:s17], $0x4000  }
0x5f: {  	[sflag:s17] =	ssyncset.done $0x0  }
0x60: {  	[sflag:s17] =	ssyncadd.s32 $0xFFFFC000  }
0x61: {  	_ =	swait.ge [sflag:s23], $0x4000  }
0x62: {  	[sflag:s23] =	ssyncset.done $0x0  }
0x63: {  	[sflag:s23] =	ssyncadd.s32 $0xFFFFC000  }
0x64: {  	[spmem:s1] =	stream.indirect.scatter.add.f32 [tilespmem:s21], [sflag:$0x3], $0x80, s26, s19, $0xb8;
	[tilespmem:$0x1E800] =	vst v63  }
0x65: {  	_ =	swait.ge [sflag:s17], $0x4000  }
0x66: {  	[sflag:s17] =	ssyncset.done $0x0  }
0x67: {  	s28 =	simm.s32 $0x0;
	[sflag:s17] =	ssyncadd.s32 $0xFFFFC000  }
0x68: {  	[tilespmem:s28], [sflag:$0x3] =	stream.linear.gather [hbm4b:s13+s28], $0x1400, $0x38;
	[tilespmem:$0x1E800] =	vst v63  }
0x69: {  	_ =	swait.ge [sflag:s17], $0x1400  }
0x6a: {  	[sflag:s17] =	ssyncset.done $0x0  }
0x6b: {  	[sflag:s17] =	ssyncadd.s32 $0xFFFFEC00  }
0x6c: {  	[tilespmem:s18], [sflag:$0x3] =	stream.linear.gather [hbm4b:s14+s28], $0x1400, $0x38;
	[tilespmem:$0x1E800] =	vst v63  }
0x6d: {  	_ =	swait.ge [sflag:s17], $0x1400  }
0x6e: {  	[sflag:s17] =	ssyncset.done $0x0  }
0x6f: {  	[sflag:s17] =	ssyncadd.s32 $0xFFFFEC00  }
0x70: {  	[tilespmem:s20], [sflag:$0x1] =	stream.indirect.gather [hbm4b:s4+s19], $0x80, s28, s19, $0xb8;
	[tilespmem:$0x1E800] =	vst v63  }
0x71: {  	_ = 	snop  }
0x72: {  	[tilespmem:s21], [sflag:$0x2] =	stream.indirect.gather [hbm4b:s4+s19], $0x80, s19, s19, $0xb8;
	[tilespmem:$0x1E800] =	vst v63  }
0x73: {  	_ =	swait.ge [sflag:s22], $0x4000  }
0x74: {  	[sflag:s22] =	ssyncset.done $0x0  }
0x75: {  	s28 =	simm.s32 $0x1400;
	[sflag:s22] =	ssyncadd.s32 $0xFFFFC000  }
0x76: {  	[spmem:s1] =	stream.indirect.scatter.add.f32 [tilespmem:s20], [sflag:$0x3], $0x80, s28, s19, $0xb8;
	[tilespmem:$0x1E800] =	vst v63  }
0x77: {  	_ =	swait.ge [sflag:s17], $0x4000  }
0x78: {  	[sflag:s17] =	ssyncset.done $0x0  }
0x79: {  	s28 =	simm.s32 $0x100;
	[sflag:s17] =	ssyncadd.s32 $0xFFFFC000  }
0x7a: {  	[tilespmem:s20], [sflag:$0x1] =	stream.indirect.gather [hbm4b:s4+s19], $0x80, s28, s19, $0xb8;
	[tilespmem:$0x1E800] =	vst v63  }
0x7b: {  	_ =	swait.ge [sflag:s23], $0x4000  }
0x7c: {  	[sflag:s23] =	ssyncset.done $0x0  }
0x7d: {  	s28 =	simm.s32 $0x1480;
	[sflag:s23] =	ssyncadd.s32 $0xFFFFC000  }
0x7e: {  	[spmem:s1] =	stream.indirect.scatter.add.f32 [tilespmem:s21], [sflag:$0x3], $0x80, s28, s19, $0xb8;
	[tilespmem:$0x1E800] =	vst v63  }
0x7f: {  	_ =	swait.ge [sflag:s17], $0x4000  }
0x80: {  	[sflag:s17] =	ssyncset.done $0x0  }
0x81: {  	s29 =	simm.s32 $0x180;
	s28 =	simm.s32 $0x400;
	[sflag:s17] =	ssyncadd.s32 $0xFFFFC000  }
.LBB2_10:
0x82: {  	[tilespmem:s21], [sflag:$0x2] =	stream.indirect.gather [hbm4b:s4+s19], $0x80, s29, s19, $0xb8;
	[tilespmem:$0x1E800] =	vst v63  }
0x83: {  	s29 =	smov.u32 s28  }
0x84: {  	p1 =	sne.s32 s28, $0x4800;
	s28 =	sadd.s32 $0x400, s28;
	_ =	swait.ge [sflag:s22], $0x4000  }
0x85: {  	s29 =	sshra.s32 s29, $0x2;
	[sflag:s22] =	ssyncset.done $0x0  }
0x86: {  	s30 =	sadd.s32 $0x1400, s29;
	[sflag:s22] =	ssyncadd.s32 $0xFFFFC000  }
0x87: {  	[spmem:s1] =	stream.indirect.scatter.add.f32 [tilespmem:s20], [sflag:$0x3], $0x80, s30, s19, $0xb8;
	[tilespmem:$0x1E800] =	vst v63  }
0x88: {  	_ =	swait.ge [sflag:s17], $0x4000  }
0x89: {  	[sflag:s17] =	ssyncset.done $0x0  }
0x8a: {  	s30 =	sadd.s32 $0x100, s29;
	[sflag:s17] =	ssyncadd.s32 $0xFFFFC000  }
0x8b: {  	[tilespmem:s20], [sflag:$0x1] =	stream.indirect.gather [hbm4b:s4+s19], $0x80, s30, s19, $0xb8;
	[tilespmem:$0x1E800] =	vst v63  }
0x8c: {  	_ =	swait.ge [sflag:s23], $0x4000  }
0x8d: {  	[sflag:s23] =	ssyncset.done $0x0  }
.Ltmp4:
0x8e: {  	s30 =	sadd.s32 $0x1480, s29;
	[sflag:s23] =	ssyncadd.s32 $0xFFFFC000;
	(pc) =	sbr.rel @p1 .LBB2_10-.Ltmp4, $4  }
0x8f: {  	[spmem:s1] =	stream.indirect.scatter.add.f32 [tilespmem:s21], [sflag:$0x3], $0x80, s30, s19, $0xb8;
	[tilespmem:$0x1E800] =	vst v63  }
0x90: {  	_ =	swait.ge [sflag:s17], $0x4000  }
0x91: {  	[sflag:s17] =	ssyncset.done $0x0  }
0x92: {  	s29 =	sadd.s32 $0x180, s29;
	[sflag:s17] =	ssyncadd.s32 $0xFFFFC000  }
.Ltmp5:
0x93: {  	_ = 	snop;
	(pc) =	sbr.rel .LBB2_11-.Ltmp5, $1  }
0x94: {  	_ =	sdelay $0x3  }
.LBB2_2:
0x95: {  	[tilespmem:s28], [sflag:$0x3] =	stream.linear.gather [hbm4b:s7+s28], $0x1400, $0x38;
	[tilespmem:$0x1E800] =	vst v63  }
0x96: {  	_ =	swait.ge [sflag:s17], $0x1400  }
0x97: {  	[sflag:s17] =	ssyncset.done $0x0  }
0x98: {  	[sflag:s17] =	ssyncadd.s32 $0xFFFFEC00  }
0x99: {  	[tilespmem:s18], [sflag:$0x3] =	stream.linear.gather [hbm4b:s8+s28], $0x1400, $0x38;
	[tilespmem:$0x1E800] =	vst v63  }
0x9a: {  	_ =	swait.ge [sflag:s17], $0x1400  }
0x9b: {  	[sflag:s17] =	ssyncset.done $0x0  }
0x9c: {  	[sflag:s17] =	ssyncadd.s32 $0xFFFFEC00  }
0x9d: {  	[tilespmem:s20], [sflag:$0x1] =	stream.indirect.gather [hbm4b:s4+s19], $0x80, s28, s19, $0xb8;
	[tilespmem:$0x1E800] =	vst v63  }
0x9e: {  	_ = 	snop  }
0x9f: {  	[tilespmem:s21], [sflag:$0x2] =	stream.indirect.gather [hbm4b:s4+s19], $0x80, s19, s19, $0xb8;
	[tilespmem:$0x1E800] =	vst v63  }
0xa0: {  	_ =	swait.ge [sflag:s22], $0x4000  }
0xa1: {  	[sflag:s22] =	ssyncset.done $0x0  }
0xa2: {  	s28 =	simm.s32 $0x1400;
	[sflag:s22] =	ssyncadd.s32 $0xFFFFC000  }
0xa3: {  	[spmem:s1] =	stream.indirect.scatter.add.f32 [tilespmem:s20], [sflag:$0x3], $0x80, s28, s19, $0xb8;
	[tilespmem:$0x1E800] =	vst v63  }
0xa4: {  	_ =	swait.ge [sflag:s17], $0x4000  }
0xa5: {  	[sflag:s17] =	ssyncset.done $0x0  }
0xa6: {  	s28 =	simm.s32 $0x100;
	[sflag:s17] =	ssyncadd.s32 $0xFFFFC000  }
0xa7: {  	[tilespmem:s20], [sflag:$0x1] =	stream.indirect.gather [hbm4b:s4+s19], $0x80, s28, s19, $0xb8;
	[tilespmem:$0x1E800] =	vst v63  }
0xa8: {  	_ =	swait.ge [sflag:s23], $0x4000  }
0xa9: {  	[sflag:s23] =	ssyncset.done $0x0  }
0xaa: {  	s28 =	simm.s32 $0x1480;
	[sflag:s23] =	ssyncadd.s32 $0xFFFFC000  }
0xab: {  	[spmem:s1] =	stream.indirect.scatter.add.f32 [tilespmem:s21], [sflag:$0x3], $0x80, s28, s19, $0xb8;
	[tilespmem:$0x1E800] =	vst v63  }
0xac: {  	_ =	swait.ge [sflag:s17], $0x4000  }
0xad: {  	[sflag:s17] =	ssyncset.done $0x0  }
0xae: {  	s29 =	simm.s32 $0x180;
	s28 =	simm.s32 $0x400;
	[sflag:s17] =	ssyncadd.s32 $0xFFFFC000  }
.LBB2_3:
0xaf: {  	[tilespmem:s21], [sflag:$0x2] =	stream.indirect.gather [hbm4b:s4+s19], $0x80, s29, s19, $0xb8;
	[tilespmem:$0x1E800] =	vst v63  }
0xb0: {  	s29 =	smov.u32 s28  }
0xb1: {  	p1 =	sne.s32 s28, $0x4800;
	s28 =	sadd.s32 $0x400, s28;
	_ =	swait.ge [sflag:s22], $0x4000  }
0xb2: {  	s29 =	sshra.s32 s29, $0x2;
	[sflag:s22] =	ssyncset.done $0x0  }
0xb3: {  	s30 =	sadd.s32 $0x1400, s29;
	[sflag:s22] =	ssyncadd.s32 $0xFFFFC000  }
0xb4: {  	[spmem:s1] =	stream.indirect.scatter.add.f32 [tilespmem:s20], [sflag:$0x3], $0x80, s30, s19, $0xb8;
	[tilespmem:$0x1E800] =	vst v63  }
0xb5: {  	_ =	swait.ge [sflag:s17], $0x4000  }
0xb6: {  	[sflag:s17] =	ssyncset.done $0x0  }
0xb7: {  	s30 =	sadd.s32 $0x100, s29;
	[sflag:s17] =	ssyncadd.s32 $0xFFFFC000  }
0xb8: {  	[tilespmem:s20], [sflag:$0x1] =	stream.indirect.gather [hbm4b:s4+s19], $0x80, s30, s19, $0xb8;
	[tilespmem:$0x1E800] =	vst v63  }
0xb9: {  	_ =	swait.ge [sflag:s23], $0x4000  }
0xba: {  	[sflag:s23] =	ssyncset.done $0x0  }
.Ltmp6:
0xbb: {  	s30 =	sadd.s32 $0x1480, s29;
	[sflag:s23] =	ssyncadd.s32 $0xFFFFC000;
	(pc) =	sbr.rel @p1 .LBB2_3-.Ltmp6, $4  }
0xbc: {  	[spmem:s1] =	stream.indirect.scatter.add.f32 [tilespmem:s21], [sflag:$0x3], $0x80, s30, s19, $0xb8;
	[tilespmem:$0x1E800] =	vst v63  }
0xbd: {  	_ =	swait.ge [sflag:s17], $0x4000  }
0xbe: {  	[sflag:s17] =	ssyncset.done $0x0  }
0xbf: {  	s29 =	sadd.s32 $0x180, s29;
	[sflag:s17] =	ssyncadd.s32 $0xFFFFC000  }
0xc0: {  	[tilespmem:s21], [sflag:$0x2] =	stream.indirect.gather [hbm4b:s4+s19], $0x80, s29, s19, $0xb8;
	[tilespmem:$0x1E800] =	vst v63  }
0xc1: {  	_ =	swait.ge [sflag:s22], $0x4000  }
0xc2: {  	[sflag:s22] =	ssyncset.done $0x0  }
0xc3: {  	[sflag:s22] =	ssyncadd.s32 $0xFFFFC000  }
0xc4: {  	[spmem:s1] =	stream.indirect.scatter.add.f32 [tilespmem:s20], [sflag:$0x3], $0x80, s25, s19, $0xb8;
	[tilespmem:$0x1E800] =	vst v63  }
0xc5: {  	_ =	swait.ge [sflag:s17], $0x4000  }
0xc6: {  	[sflag:s17] =	ssyncset.done $0x0  }
0xc7: {  	[sflag:s17] =	ssyncadd.s32 $0xFFFFC000  }
0xc8: {  	_ =	swait.ge [sflag:s23], $0x4000  }
0xc9: {  	[sflag:s23] =	ssyncset.done $0x0  }
0xca: {  	[sflag:s23] =	ssyncadd.s32 $0xFFFFC000  }
0xcb: {  	[spmem:s1] =	stream.indirect.scatter.add.f32 [tilespmem:s21], [sflag:$0x3], $0x80, s26, s19, $0xb8;
	[tilespmem:$0x1E800] =	vst v63  }
0xcc: {  	_ =	swait.ge [sflag:s17], $0x4000  }
0xcd: {  	[sflag:s17] =	ssyncset.done $0x0  }
0xce: {  	s28 =	simm.s32 $0x0;
	[sflag:s17] =	ssyncadd.s32 $0xFFFFC000  }
0xcf: {  	[tilespmem:s28], [sflag:$0x3] =	stream.linear.gather [hbm4b:s9+s28], $0x1400, $0x38;
	[tilespmem:$0x1E800] =	vst v63  }
0xd0: {  	_ =	swait.ge [sflag:s17], $0x1400  }
0xd1: {  	[sflag:s17] =	ssyncset.done $0x0  }
0xd2: {  	[sflag:s17] =	ssyncadd.s32 $0xFFFFEC00  }
0xd3: {  	[tilespmem:s18], [sflag:$0x3] =	stream.linear.gather [hbm4b:s10+s28], $0x1400, $0x38;
	[tilespmem:$0x1E800] =	vst v63  }
0xd4: {  	_ =	swait.ge [sflag:s17], $0x1400  }
0xd5: {  	[sflag:s17] =	ssyncset.done $0x0  }
0xd6: {  	[sflag:s17] =	ssyncadd.s32 $0xFFFFEC00  }
0xd7: {  	[tilespmem:s20], [sflag:$0x1] =	stream.indirect.gather [hbm4b:s4+s19], $0x80, s28, s19, $0xb8;
	[tilespmem:$0x1E800] =	vst v63  }
0xd8: {  	_ = 	snop  }
0xd9: {  	[tilespmem:s21], [sflag:$0x2] =	stream.indirect.gather [hbm4b:s4+s19], $0x80, s19, s19, $0xb8;
	[tilespmem:$0x1E800] =	vst v63  }
0xda: {  	_ =	swait.ge [sflag:s22], $0x4000  }
0xdb: {  	[sflag:s22] =	ssyncset.done $0x0  }
0xdc: {  	s28 =	simm.s32 $0x1400;
	[sflag:s22] =	ssyncadd.s32 $0xFFFFC000  }
0xdd: {  	[spmem:s1] =	stream.indirect.scatter.add.f32 [tilespmem:s20], [sflag:$0x3], $0x80, s28, s19, $0xb8;
	[tilespmem:$0x1E800] =	vst v63  }
0xde: {  	_ =	swait.ge [sflag:s17], $0x4000  }
0xdf: {  	[sflag:s17] =	ssyncset.done $0x0  }
0xe0: {  	s28 =	simm.s32 $0x100;
	[sflag:s17] =	ssyncadd.s32 $0xFFFFC000  }
0xe1: {  	[tilespmem:s20], [sflag:$0x1] =	stream.indirect.gather [hbm4b:s4+s19], $0x80, s28, s19, $0xb8;
	[tilespmem:$0x1E800] =	vst v63  }
0xe2: {  	_ =	swait.ge [sflag:s23], $0x4000  }
0xe3: {  	[sflag:s23] =	ssyncset.done $0x0  }
0xe4: {  	s28 =	simm.s32 $0x1480;
	[sflag:s23] =	ssyncadd.s32 $0xFFFFC000  }
0xe5: {  	[spmem:s1] =	stream.indirect.scatter.add.f32 [tilespmem:s21], [sflag:$0x3], $0x80, s28, s19, $0xb8;
	[tilespmem:$0x1E800] =	vst v63  }
0xe6: {  	_ =	swait.ge [sflag:s17], $0x4000  }
0xe7: {  	[sflag:s17] =	ssyncset.done $0x0  }
0xe8: {  	s29 =	simm.s32 $0x180;
	s28 =	simm.s32 $0x400;
	[sflag:s17] =	ssyncadd.s32 $0xFFFFC000  }
.LBB2_5:
0xe9: {  	[tilespmem:s21], [sflag:$0x2] =	stream.indirect.gather [hbm4b:s4+s19], $0x80, s29, s19, $0xb8;
	[tilespmem:$0x1E800] =	vst v63  }
0xea: {  	s29 =	smov.u32 s28  }
0xeb: {  	p1 =	seq.s32 s28, $0x4800;
	s28 =	sadd.s32 $0x400, s28;
	_ =	swait.ge [sflag:s22], $0x4000  }
0xec: {  	s29 =	sshra.s32 s29, $0x2;
	[sflag:s22] =	ssyncset.done $0x0  }
0xed: {  	s30 =	sadd.s32 $0x1400, s29;
	[sflag:s22] =	ssyncadd.s32 $0xFFFFC000  }
0xee: {  	[spmem:s1] =	stream.indirect.scatter.add.f32 [tilespmem:s20], [sflag:$0x3], $0x80, s30, s19, $0xb8;
	[tilespmem:$0x1E800] =	vst v63  }
0xef: {  	_ =	swait.ge [sflag:s17], $0x4000  }
0xf0: {  	[sflag:s17] =	ssyncset.done $0x0  }
0xf1: {  	s30 =	sadd.s32 $0x100, s29;
	[sflag:s17] =	ssyncadd.s32 $0xFFFFC000  }
0xf2: {  	[tilespmem:s20], [sflag:$0x1] =	stream.indirect.gather [hbm4b:s4+s19], $0x80, s30, s19, $0xb8;
	[tilespmem:$0x1E800] =	vst v63  }
0xf3: {  	_ =	swait.ge [sflag:s23], $0x4000  }
0xf4: {  	[sflag:s23] =	ssyncset.done $0x0  }
.Ltmp7:
0xf5: {  	s30 =	sadd.s32 $0x1480, s29;
	[sflag:s23] =	ssyncadd.s32 $0xFFFFC000;
	(pc) =	sbr.rel @!p1 .LBB2_5-.Ltmp7, $4  }
0xf6: {  	[spmem:s1] =	stream.indirect.scatter.add.f32 [tilespmem:s21], [sflag:$0x3], $0x80, s30, s19, $0xb8;
	[tilespmem:$0x1E800] =	vst v63  }
0xf7: {  	_ =	swait.ge [sflag:s17], $0x4000  }
0xf8: {  	[sflag:s17] =	ssyncset.done $0x0  }
0xf9: {  	s29 =	sadd.s32 $0x180, s29;
	[sflag:s17] =	ssyncadd.s32 $0xFFFFC000  }
.Ltmp8:
0xfa: {  	(pc) =	sbr.rel .LBB2_12-.Ltmp8, $2  }
0xfb: {  	_ =	sdelay $0x2  }
0xfc: {  	[tilespmem:s21], [sflag:$0x2] =	stream.indirect.gather [hbm4b:s4+s19], $0x80, s29, s19, $0xb8;
	[tilespmem:$0x1E800] =	vst v63  }
.LBB2_13:
0xfd: {  	_ =	sfence.sel $0x180000  }
0xfe: {  	[bflag:$0x0] =	sbarrier.arrive $0xFFFF  }
0xff: {  	p0 =	sne.s32 s3, $0x0;
	_ =	strace $0x9000004A  }
0x100: {  	s0 =	sadd.s32 @!p0 $0x100000, s0;
	[bflag:$0x2] =	sbarrier.arrive $0xFFFF  }
0x101: {  	[sflag:s0] =	ssyncadd.tile.s32 @!p0 $0x1;
	_ =	shalt  }
.Lfunc_end2:
_tile_overlayer_lowered:
.L_overlay_start_2:
0x102: {  	(tag) =	ssettag $0x2  }
0x103: {  	s0 =	rddreg [dreg:$0x0];
	s2 =	stileid.u32  }
0x104: {  	s1 =	rddreg [dreg:$0x1];
	p0 =	sne.s32 s2, $0x0  }
0x105: {  	s3 =	rddreg [dreg:$0x2];
	[bflag:$0x3] =	sbarrier.arrive $0xFFFF;
	s2 =	simm.s32 @!p0 $0x1C03  }
0x106: {  	[timem:s3], [sflag:s2] =	dma.local @!p0 [hbm:s0], s1  }
0x107: {  	s0 =	simm.s32 @!p0 $0x3  }
0x108: {  	_ =	swait.ge @!p0 [sflag:s0], s1  }
0x109: {  	s1 =	ssub.s32 @!p0 $0x0, s1;
	[sflag:s0] =	ssyncset.done @!p0 $0x0  }
0x10a: {  	[sflag:s0] =	ssyncadd.s32 @!p0 s1  }
0x10b: {  	[bflag:$0x3] =	sbarrier.arrive $0xFFFF  }
0x10c: {  	_ =	shalt  }

// kernel: kernel.17.cloned.1.call-start
scs
__scs_entry_jumppad:
0x0: {  	(pc) =	sbr.rel $0x88, $3  }
0x1: {  	(tag) =	ssettag $0x0;
	lr =	simm.s32 $0x1  }
0x2: {  	[smem:$0x3F99] =	sst lr;
	_ =	strace $0xD0000000  }
0x3: {  	_ = 	snop  }
0x4: {  	_ = 	snop  }
0x5: {  	_ = 	snop  }
0x6: {  	_ = 	snop  }
0x7: {  	_ = 	snop  }
__scs_overlays_trampoline_lowered:
0x8: {  	[smem:$0x3FA8] =	sst s0  }
0x9: {  	[smem:$0x3FA9] =	sst s1  }
0xa: {  	[smem:$0x3FAA] =	sst s2  }
0xb: {  	[smem:$0x3FAB] =	sst s3  }
0xc: {  	[smem:$0x3FAC] =	sst s4  }
0xd: {  	[smem:$0x3FAD] =	sst s5  }
0xe: {  	[smem:$0x3FAE] =	sst s6  }
0xf: {  	[smem:$0x3FAF] =	sst s7  }
0x10: {  	[smem:$0x3FB0] =	sst s8  }
0x11: {  	[smem:$0x3FB1] =	sst s9;
	s0 =	simm.s32 @!p0 $0x0  }
0x12: {  	s1 =	sld [smem:$0x3F97];
	s0 =	simm.s32 @p0 $0x1  }
0x13: {  	[smem:$0x3FB2] =	sst s0;
	s0 =	simm.s32 @!p1 $0x0  }
0x14: {  	s2 =	sld [smem:$0x3F96];
	s0 =	simm.s32 @p1 $0x1  }
0x15: {  	[smem:$0x3FB3] =	sst s0;
	s0 =	simm.s32 @!p2 $0x0  }
0x16: {  	s3 =	sld [smem:$0x3FDB];
	s0 =	simm.s32 @p2 $0x1  }
0x17: {  	s4 =	simm.s32 $0x1BF5;
	[smem:$0x3FB5] =	sst s0  }
0x18: {  	s0 =	sld [smem:$0x3F98];
	_ =	swait.ge [sflag:s4], $0x0  }
0x19: {  	s7 =	sld [smem:$0x3F99]  }
0x1a: {  	s8 =	sadd.s32 $0xFFFFE003, lr  }
0x1b: {  	s9 =	sadd.s32 $0xFFFFFEF7, lr;
	s5 =	simm.s32 $0xFFFFFFFF;
	p2 =	slt.u32 s8, $0xFFFFF086  }
0x1c: {  	p1 =	slt.u32 s9, $0xF7A;
	s5 =	simm.s32 @!p2 $0x0  }
0x1d: {  	s5 =	simm.s32 @p1 $0x1;
	p0 =	seq.s32 s7, s2  }
0x1e: {  	s7 =	smul.u32 @!p0 $0xF7A, s2;
	p2 =	seq.s32 @!p0 s5, $0x0  }
0x1f: {  	s9 =	smul.u32 $0xF7A, s1;
	s8 =	simm.s32 @!p0 $0x1BF5;
	p2 =	por !p2, p0  }
0x20: {  	[sflag:s8] =	ssyncset.s32 @!p0 $0xFFFFF086;
	s6 =	sadd.s32 @!p0 s3, s7;
	s7 =	simm.s32 @!p0 $0x108  }
0x21: {  	s3 =	sadd.s32 s3, s9;
	s6 =	sadd.s32 @!p0 $0x88, s6;
	s7 =	simm.s32 @p2 $0x1082  }
0x22: {  	[simem:s7], [sflag:s8] =	dma.local @!p0 [hbm:s6], $0xF7A  }
0x23: {  	s9 =	sor.u32 $0xD0000000, s2;
	s6 =	simm.s32 $0x108;
	_ =	swait.ge @!p0 [sflag:s8], $0x0  }
0x24: {  	s3 =	sadd.s32 $0x88, s3;
	s6 =	simm.s32 @!p1 $0x1082;
	[sflag:s4] =	ssyncset.s32 $0xFFFFF086  }
0x25: {  	[simem:s6], [sflag:s4] =	dma.local [hbm:s3], $0xF7A  }
0x26: {  	[smem:$0x3F99] =	sst s1;
	(tag) =	ssettag s2;
	_ =	strace s9  }
0x27: {  	s1 =	sld [smem:$0x3FA9]  }
0x28: {  	s2 =	sld [smem:$0x3FAA]  }
0x29: {  	s4 =	sld [smem:$0x3FAC]  }
0x2a: {  	p0 =	seq.s32 s5, $0x0;
	s5 =	sld [smem:$0x3FAD]  }
0x2b: {  	s6 =	sld [smem:$0x3FAE]  }
0x2c: {  	s7 =	sld [smem:$0x3FAF]  }
0x2d: {  	s3 =	simm.s32 $0x108;
	s8 =	sld [smem:$0x3FB0]  }
0x2e: {  	s3 =	simm.s32 @!p0 $0x1082;
	s9 =	sld [smem:$0x3FB1]  }
0x2f: {  	lr =	sadd.s32 s0, s3;
	s0 =	sld [smem:$0x3FA8]  }
0x30: {  	s3 =	sld [smem:$0x3FAB]  }
0x31: {  	[smem:$0x3FB4] =	sst s10  }
0x32: {  	s10 =	sld [smem:$0x3FB2];
	_ =	sdelay $0x3  }
0x33: {  	p0 =	seq.s32 s10, $0x1;
	s10 =	sld [smem:$0x3FB4];
	_ =	sdelay $0x3  }
0x34: {  	[smem:$0x3FB4] =	sst s10  }
0x35: {  	s10 =	sld [smem:$0x3FB3];
	_ =	sdelay $0x3  }
0x36: {  	p1 =	seq.s32 s10, $0x1;
	s10 =	sld [smem:$0x3FB4];
	_ =	sdelay $0x3  }
0x37: {  	[smem:$0x3FB4] =	sst s10  }
0x38: {  	s10 =	sld [smem:$0x3FB5]  }
0x39: {  	_ = 	snop;
	(pc) =	sbr.ind lr, $3  }
0x3a: {  	_ = 	snop  }
0x3b: {  	_ = 	snop  }
0x3c: {  	p2 =	seq.s32 s10, $0x1;
	s10 =	sld [smem:$0x3FB4]  }
0x3d: {  	_ =	shalt  }
0x3e: {  	_ =	shalt  }
0x3f: {  	_ =	shalt  }
0x40: {  	_ =	shalt  }
0x41: {  	_ =	shalt  }
0x42: {  	_ =	shalt  }
0x43: {  	_ =	shalt  }
0x44: {  	_ =	shalt  }
0x45: {  	_ =	shalt  }
0x46: {  	_ =	shalt  }
0x47: {  	_ =	shalt  }
0x48: {  	_ =	shalt  }
0x49: {  	_ =	shalt  }
0x4a: {  	_ =	shalt  }
0x4b: {  	_ =	shalt  }
0x4c: {  	_ =	shalt  }
0x4d: {  	_ =	shalt  }
0x4e: {  	_ =	shalt  }
0x4f: {  	_ =	shalt  }
0x50: {  	_ =	shalt  }
0x51: {  	_ =	shalt  }
0x52: {  	_ =	shalt  }
0x53: {  	_ =	shalt  }
0x54: {  	_ =	shalt  }
0x55: {  	_ =	shalt  }
0x56: {  	_ =	shalt  }
0x57: {  	_ =	shalt  }
0x58: {  	_ =	shalt  }
0x59: {  	_ =	shalt  }
0x5a: {  	_ =	shalt  }
0x5b: {  	_ =	shalt  }
0x5c: {  	_ =	shalt  }
0x5d: {  	_ =	shalt  }
0x5e: {  	_ =	shalt  }
0x5f: {  	_ =	shalt  }
0x60: {  	_ =	shalt  }
0x61: {  	_ =	shalt  }
0x62: {  	_ =	shalt  }
0x63: {  	_ =	shalt  }
0x64: {  	_ =	shalt  }
0x65: {  	_ =	shalt  }
0x66: {  	_ =	shalt  }
0x67: {  	_ =	shalt  }
0x68: {  	_ =	shalt  }
0x69: {  	_ =	shalt  }
0x6a: {  	_ =	shalt  }
0x6b: {  	_ =	shalt  }
0x6c: {  	_ =	shalt  }
0x6d: {  	_ =	shalt  }
0x6e: {  	_ =	shalt  }
0x6f: {  	_ =	shalt  }
0x70: {  	_ =	shalt  }
0x71: {  	_ =	shalt  }
0x72: {  	_ =	shalt  }
0x73: {  	_ =	shalt  }
0x74: {  	_ =	shalt  }
0x75: {  	_ =	shalt  }
0x76: {  	_ =	shalt  }
0x77: {  	_ =	shalt  }
0x78: {  	_ =	shalt  }
0x79: {  	_ =	shalt  }
0x7a: {  	_ =	shalt  }
0x7b: {  	_ =	shalt  }
0x7c: {  	_ =	shalt  }
0x7d: {  	_ =	shalt  }
0x7e: {  	_ =	shalt  }
0x7f: {  	_ =	shalt  }
0x80: {  	_ =	shalt  }
0x81: {  	_ =	shalt  }
0x82: {  	_ =	shalt  }
0x83: {  	_ =	shalt  }
0x84: {  	_ =	shalt  }
0x85: {  	_ =	shalt  }
0x86: {  	_ =	shalt  }
0x87: {  	_ =	shalt  }
.Lfunc_end0:
.L_simem_size_0:
called_computation.2_lowered:
.L_overlay_start_0:
0x88: {  	s2 =	sld [smem:$0x3FD9]  }
0x89: {  	s3 =	sld [smem:$0x3FFE];
	_ =	sdelay $0x1  }
0x8a: {  	s1 =	srdreg.scid  }
0x8b: {  	s0 =	sand.u32 $0x1, s1  }
0x8c: {  	s16 =	sshll.u32 s0, $0xA;
	s2 =	sadd.s32 s3, s2  }
0x8d: {  	s2 =	sadd.s32 s2, s16  }
0x8e: {  	[smem:$0x3FC0] =	sst s2  }
0x8f: {  	_ = 	snop  }
0x90: {  	(tm) =	ssettm $0x1  }
0x91: {  	s17 =	sld [smem:$0x3FFB];
	_ =	sdelay $0x3  }
0x92: {  	_ =	strace s17  }
0x93: {  	s2 =	sld [smem:$0x3FFC];
	_ =	sdelay $0x3  }
0x94: {  	_ =	strace s2  }
0x95: {  	s2 =	sld [smem:$0x3FFD];
	_ =	sdelay $0x3  }
0x96: {  	_ =	strace s2  }
0x97: {  	_ =	strace $0x8FFFFFFF  }
0x98: {  	s18 =	sld [smem:$0x3FDB];
	_ =	sdelay $0x1  }
0x99: {  	s19 =	simm.s32 $_scs_section_size  }
0x9a: {  	s4 =	simm.s32 $_size__tile_overlayer_lowered;
	s5 =	simm.s32 $_tile_overlayer_lowered  }
0x9b: {  	s22 =	simm.s32 $0x1BFF;
	s21 =	sshll.u32 s5, $0x1;
	s2 =	sadd.s32 s19, s18  }
0x9c: {  	s6 =	simm.s32 $0x0;
	s20 =	sshll.u32 s4, $0x1;
	s4 =	sadd.s32 s21, s2  }
0x9d: {  	[timem:s6], [sflag:s22] =	dma.local [hbm:s4], s20  }
0x9e: {  	_ =	swait.ge [sflag:s22], s20  }
0x9f: {  	s3 =	ssub.s32 $0x0, s20;
	[sflag:s22] =	ssyncset.done $0x0  }
0xa0: {  	[sflag:s22] =	ssyncadd.s32 s3;
	_ =	sdelay $0x1  }
0xa1: {  	s23 =	simm.s32 $0x1B8B  }
0xa2: {  	_ =	swait.ge [sflag:s23], $0x1  }
0xa3: {  	[sflag:s23] =	ssyncset.done $0x0  }
0xa4: {  	s25 =	simm.s32 $0x1B8E;
	s24 =	sld [smem:$0x3FFE];
	[sflag:s23] =	ssyncadd.s32 $0xFFFFFFFF  }
0xa5: {  	s26 =	simm.s32 $execute0_lowered;
	[smem:$0x3FD2] =	sst s25  }
0xa6: {  	s4 =	sshll.u32 s26, $0x1;
	_ =	strace $0x8000004C;
	[dreg:$0x1] =	wrdreg $0xFFFFFFFF  }
0xa7: {  	s28 =	simm.s32 $_size_execute0_lowered;
	s2 =	sadd.s32 s2, s4;
	[dreg:$0x0] =	wrdreg $0x0  }
0xa8: {  	s4 =	sshll.u32 s28, $0x1;
	[dreg:$0x2] =	wrdreg s2  }
0xa9: {  	[dreg:$0x3] =	wrdreg s4  }
0xaa: {  	[dreg:$0x4] =	wrdreg $0xC0  }
0xab: {  	_ =	task [dreg:s6], $0x5FFFF  }
0xac: {  	[dreg:$0x1] =	wrdreg $0xFFFFFFFF  }
0xad: {  	[dreg:$0x0] =	wrdreg $0x60  }
0xae: {  	[dreg:$0x2] =	wrdreg s24  }
0xaf: {  	[dreg:$0x3] =	wrdreg $0xA8000  }
0xb0: {  	[dreg:$0x4] =	wrdreg $0x9  }
0xb1: {  	_ =	task.clear_ibuf [dreg:s6], $0x5FFFF;
	_ =	strace $0x9000004C  }
0xb2: {  	s29 =	simm.s32 $0x9;
	_ =	strace $0x8000004E  }
0xb3: {  	_ =	swait.ge [sflag:s29], $0x1  }
0xb4: {  	[sflag:s29] =	ssyncadd.s32 $0xFFFFFFFF  }
0xb5: {  	_ =	strace $0x9000004E  }
0xb6: {  	_ =	sfence  }
0xb7: {  	s30 =	sld [smem:$0x0];
	_ =	sdelay $0x2  }
0xb8: {  	s31 =	sshll.u32 s1, $0xD;
	s1 =	sshrl.u32 s1, $0x2  }
0xb9: {  	s3 =	sand.u32 $0x4000, s31;
	s1 =	sadd.s32 s1, s30  }
0xba: {  	s0 =	sor.u32 s3, s0;
	s1 =	sshll.u32 s1, $0x11  }
0xbb: {  	s0 =	sor.u32 s1, s0  }
0xbc: {  	s0 =	sadd.s32 $0x8F2B, s0  }
0xbd: {  	[sflag:s0] =	ssyncadd.remote.s32 $0x1  }
0xbe: {  	_ =	sfence.sel $0xFFFF  }
0xbf: {  	[dreg:$0x0] =	wrdreg $0xFFFFFFFF;
	(pc) =	sbr.abs _section_cstart, $3  }
0xc0: {  	[dreg:$0x1] =	wrdreg $0xFFFFFFFF  }
0xc1: {  	_ =	task.clear_ibuf [dreg:s6], $0x2FFFF;
	_ =	strace $0x9FFFFFFF  }
0xc2: {  	(tm) =	ssettm $0x7FFFFFFF  }
0xc3: {  	_ =	shalt  }
tec
execute0_lowered:
.L_overlay_start_1:
0x0: {  	(tag) =	ssettag $0x1  }
0x1: {  	s6 =	rddreg [dreg:$0x0]  }
0x2: {  	s1 =	rddreg [dreg:$0x1]  }
0x3: {  	s0 =	rddreg [dreg:$0x2];
	s2 =	simm.s32 $0x0  }
0x4: {  	s3 =	srdreg.scid;
	s19 =	simm.s32 $0x80;
	s20 =	simm.s32 $0x2800  }
0x5: {  	s21 =	simm.s32 $0x6800;
	s22 =	simm.s32 $0x1;
	s23 =	simm.s32 $0x2  }
0x6: {  	[smem:$0x7FF] =	sst s2;
	s4 =	sadd.s32 $0x6A800, s6;
	s7 =	sand.u32 $0x1, s3  }
0x7: {  	s13 =	sadd.s32 $0x56800, s6;
	s3 =	stileid.u32;
	s8 =	smul.u32 $0x28000, s7  }
0x8: {  	s14 =	sadd.s32 $0x60800, s6;
	s5 =	sadd.s32 $0x4000, s6;
	s10 =	smul.u32 $0x50000, s3  }
0x9: {  	_ =	strace $0x8000004D;
	s9 =	ssub.s32 $0x2, s7;
	s24 =	smul.u32 $0x2800, s3  }
0xa: {  	s29 =	sshll.u32 s3, $0x6;
	s30 =	smul.u32 $0x500, s3;
	s26 =	sshrl.u32 s9, $0x1  }
0xb: {  	p0 =	seq.s32 s7, $0x1;
	s15 =	sadd.s32 s8, s6;
	s16 =	ssub.s32 s9, s26  }
0xc: {  	s28 =	sshrl.u32 s10, $0x2;
	s6 =	sor.u32 $0x1C03, s29;
	s18 =	sshrl.u32 s24, $0x3  }
0xd: {  	s7 =	sadd.s32 s13, s30;
	s8 =	sadd.s32 s14, s30;
	s26 =	simm.s32 $0x2780  }
0xe: {  	s17 =	sadd.s32 s28, s1;
	s31 =	sadd.s32 $0x280, s18;
	s12 =	sadd.s32 $0x5000, s18  }
.Ltmp0:
0xf: {  	s18 =	sadd.s32 $0x5280, s18;
	s25 =	sadd.s32 $0x92800, s15;
	(pc) =	sbr.rel .LBB2_1-.Ltmp0, $4  }
0x10: {  	s15 =	smax.u32 s16, $0x1;
	s9 =	sadd.s32 s13, s31;
	s10 =	sadd.s32 s14, s31  }
0x11: {  	s11 =	sadd.s32 s13, s12;
	s12 =	sadd.s32 s14, s12;
	s13 =	sadd.s32 s13, s18  }
0x12: {  	s14 =	sadd.s32 s14, s18;
	s16 =	sshrl.u32 s17, $0x3;
	s17 =	simm.s32 $0x3  }
0x13: {  	s18 =	simm.s32 $0x1400;
	s24 =	sadd.s32 s24, s25;
	s25 =	simm.s32 $0x2700  }
.LBB2_11:
0x14: {  	[tilespmem:s21], [sflag:$0x2] =	stream.indirect.gather [hbm4b:s4+s19], $0x80, s29, s19, $0xb8;
	[tilespmem:$0x1E800] =	vst v63  }
.LBB2_12:
0x15: {  	_ =	swait.ge [sflag:s22], $0x4000  }
0x16: {  	[sflag:s22] =	ssyncset.done $0x0  }
0x17: {  	[sflag:s22] =	ssyncadd.s32 $0xFFFFC000  }
0x18: {  	[spmem:s1] =	stream.indirect.scatter.add.f32 [tilespmem:s20], [sflag:$0x3], $0x80, s25, s19, $0xb8;
	[tilespmem:$0x1E800] =	vst v63  }
0x19: {  	_ =	swait.ge [sflag:s17], $0x4000  }
0x1a: {  	[sflag:s17] =	ssyncset.done $0x0  }
0x1b: {  	[sflag:s17] =	ssyncadd.s32 $0xFFFFC000  }
0x1c: {  	_ =	swait.ge [sflag:s23], $0x4000  }
0x1d: {  	[sflag:s23] =	ssyncset.done $0x0  }
0x1e: {  	[sflag:s23] =	ssyncadd.s32 $0xFFFFC000  }
0x1f: {  	[spmem:s1] =	stream.indirect.scatter.add.f32 [tilespmem:s21], [sflag:$0x3], $0x80, s26, s19, $0xb8;
	[tilespmem:$0x1E800] =	vst v63  }
0x20: {  	_ =	swait.ge [sflag:s17], $0x4000  }
0x21: {  	s2 =	sadd.s32 $0x1, s2;
	[sflag:s17] =	ssyncset.done $0x0  }
0x22: {  	p1 =	sne.s32 s2, s15;
	[sflag:s17] =	ssyncadd.s32 $0xFFFFC000  }
.Ltmp1:
0x23: {  	[bflag:$0x0] =	sbarrier.arrive $0xFFFF;
	(pc) =	sbr.rel @!p1 .LBB2_13-.Ltmp1, $4  }
0x24: {  	[hbm:s24], [sflag:s6] =	dma.local [spmem:s16], $0x2800  }
0x25: {  	_ =	swait.ge [sflag:s17], $0x2800  }
0x26: {  	[sflag:s17] =	ssyncset.done $0x0  }
0x27: {  	[sflag:s17] =	ssyncadd.s32 $0xFFFFD800  }
.LBB2_1:
0x28: {  	[spmem:s16], [sflag:s6] =	dma.local [hbm:s5], $0x2800  }
.Ltmp2:
0x29: {  	_ =	swait.ge [sflag:s17], $0x2800;
	(pc) =	sbr.rel @!p0 .LBB2_2-.Ltmp2, $4  }
0x2a: {  	[sflag:s17] =	ssyncset.done $0x0  }
0x2b: {  	[sflag:s17] =	ssyncadd.s32 $0xFFFFD800  }
0x2c: {  	[bflag:$0x0] =	sbarrier.arrive $0xFFFF  }
0x2d: {  	s28 =	simm.s32 $0x0  }
0x2e: {  	[tilespmem:s28], [sflag:$0x3] =	stream.linear.gather [hbm4b:s11+s28], $0x1400, $0x38;
	[tilespmem:$0x1E800] =	vst v63  }
0x2f: {  	_ =	swait.ge [sflag:s17], $0x1400  }
0x30: {  	[sflag:s17] =	ssyncset.done $0x0  }
0x31: {  	[sflag:s17] =	ssyncadd.s32 $0xFFFFEC00  }
0x32: {  	[tilespmem:s18], [sflag:$0x3] =	stream.linear.gather [hbm4b:s12+s28], $0x1400, $0x38;
	[tilespmem:$0x1E800] =	vst v63  }
0x33: {  	_ =	swait.ge [sflag:s17], $0x1400  }
0x34: {  	[sflag:s17] =	ssyncset.done $0x0  }
0x35: {  	[sflag:s17] =	ssyncadd.s32 $0xFFFFEC00  }
0x36: {  	[tilespmem:s20], [sflag:$0x1] =	stream.indirect.gather [hbm4b:s4+s19], $0x80, s28, s19, $0xb8;
	[tilespmem:$0x1E800] =	vst v63  }
0x37: {  	_ = 	snop  }
0x38: {  	[tilespmem:s21], [sflag:$0x2] =	stream.indirect.gather [hbm4b:s4+s19], $0x80, s19, s19, $0xb8;
	[tilespmem:$0x1E800] =	vst v63  }
0x39: {  	_ =	swait.ge [sflag:s22], $0x4000  }
0x3a: {  	[sflag:s22] =	ssyncset.done $0x0  }
0x3b: {  	s28 =	simm.s32 $0x1400;
	[sflag:s22] =	ssyncadd.s32 $0xFFFFC000  }
0x3c: {  	[spmem:s1] =	stream.indirect.scatter.add.f32 [tilespmem:s20], [sflag:$0x3], $0x80, s28, s19, $0xb8;
	[tilespmem:$0x1E800] =	vst v63  }
0x3d: {  	_ =	swait.ge [sflag:s17], $0x4000  }
0x3e: {  	[sflag:s17] =	ssyncset.done $0x0  }
0x3f: {  	s28 =	simm.s32 $0x100;
	[sflag:s17] =	ssyncadd.s32 $0xFFFFC000  }
0x40: {  	[tilespmem:s20], [sflag:$0x1] =	stream.indirect.gather [hbm4b:s4+s19], $0x80, s28, s19, $0xb8;
	[tilespmem:$0x1E800] =	vst v63  }
0x41: {  	_ =	swait.ge [sflag:s23], $0x4000  }
0x42: {  	[sflag:s23] =	ssyncset.done $0x0  }
0x43: {  	s28 =	simm.s32 $0x1480;
	[sflag:s23] =	ssyncadd.s32 $0xFFFFC000  }
0x44: {  	[spmem:s1] =	stream.indirect.scatter.add.f32 [tilespmem:s21], [sflag:$0x3], $0x80, s28, s19, $0xb8;
	[tilespmem:$0x1E800] =	vst v63  }
0x45: {  	_ =	swait.ge [sflag:s17], $0x4000  }
0x46: {  	[sflag:s17] =	ssyncset.done $0x0  }
0x47: {  	s29 =	simm.s32 $0x180;
	s28 =	simm.s32 $0x400;
	[sflag:s17] =	ssyncadd.s32 $0xFFFFC000  }
.LBB2_8:
0x48: {  	[tilespmem:s21], [sflag:$0x2] =	stream.indirect.gather [hbm4b:s4+s19], $0x80, s29, s19, $0xb8;
	[tilespmem:$0x1E800] =	vst v63  }
0x49: {  	s29 =	smov.u32 s28  }
0x4a: {  	p1 =	sne.s32 s28, $0x4800;
	s28 =	sadd.s32 $0x400, s28;
	_ =	swait.ge [sflag:s22], $0x4000  }
0x4b: {  	s29 =	sshra.s32 s29, $0x2;
	[sflag:s22] =	ssyncset.done $0x0  }
0x4c: {  	s30 =	sadd.s32 $0x1400, s29;
	[sflag:s22] =	ssyncadd.s32 $0xFFFFC000  }
0x4d: {  	[spmem:s1] =	stream.indirect.scatter.add.f32 [tilespmem:s20], [sflag:$0x3], $0x80, s30, s19, $0xb8;
	[tilespmem:$0x1E800] =	vst v63  }
0x4e: {  	_ =	swait.ge [sflag:s17], $0x4000  }
0x4f: {  	[sflag:s17] =	ssyncset.done $0x0  }
0x50: {  	s30 =	sadd.s32 $0x100, s29;
	[sflag:s17] =	ssyncadd.s32 $0xFFFFC000  }
0x51: {  	[tilespmem:s20], [sflag:$0x1] =	stream.indirect.gather [hbm4b:s4+s19], $0x80, s30, s19, $0xb8;
	[tilespmem:$0x1E800] =	vst v63  }
0x52: {  	_ =	swait.ge [sflag:s23], $0x4000  }
0x53: {  	[sflag:s23] =	ssyncset.done $0x0  }
.Ltmp3:
0x54: {  	s30 =	sadd.s32 $0x1480, s29;
	[sflag:s23] =	ssyncadd.s32 $0xFFFFC000;
	(pc) =	sbr.rel @p1 .LBB2_8-.Ltmp3, $4  }
0x55: {  	[spmem:s1] =	stream.indirect.scatter.add.f32 [tilespmem:s21], [sflag:$0x3], $0x80, s30, s19, $0xb8;
	[tilespmem:$0x1E800] =	vst v63  }
0x56: {  	_ =	swait.ge [sflag:s17], $0x4000  }
0x57: {  	[sflag:s17] =	ssyncset.done $0x0  }
0x58: {  	s29 =	sadd.s32 $0x180, s29;
	[sflag:s17] =	ssyncadd.s32 $0xFFFFC000  }
0x59: {  	[tilespmem:s21], [sflag:$0x2] =	stream.indirect.gather [hbm4b:s4+s19], $0x80, s29, s19, $0xb8;
	[tilespmem:$0x1E800] =	vst v63  }
0x5a: {  	_ =	swait.ge [sflag:s22], $0x4000  }
0x5b: {  	[sflag:s22] =	ssyncset.done $0x0  }
0x5c: {  	[sflag:s22] =	ssyncadd.s32 $0xFFFFC000  }
0x5d: {  	[spmem:s1] =	stream.indirect.scatter.add.f32 [tilespmem:s20], [sflag:$0x3], $0x80, s25, s19, $0xb8;
	[tilespmem:$0x1E800] =	vst v63  }
0x5e: {  	_ =	swait.ge [sflag:s17], $0x4000  }
0x5f: {  	[sflag:s17] =	ssyncset.done $0x0  }
0x60: {  	[sflag:s17] =	ssyncadd.s32 $0xFFFFC000  }
0x61: {  	_ =	swait.ge [sflag:s23], $0x4000  }
0x62: {  	[sflag:s23] =	ssyncset.done $0x0  }
0x63: {  	[sflag:s23] =	ssyncadd.s32 $0xFFFFC000  }
0x64: {  	[spmem:s1] =	stream.indirect.scatter.add.f32 [tilespmem:s21], [sflag:$0x3], $0x80, s26, s19, $0xb8;
	[tilespmem:$0x1E800] =	vst v63  }
0x65: {  	_ =	swait.ge [sflag:s17], $0x4000  }
0x66: {  	[sflag:s17] =	ssyncset.done $0x0  }
0x67: {  	s28 =	simm.s32 $0x0;
	[sflag:s17] =	ssyncadd.s32 $0xFFFFC000  }
0x68: {  	[tilespmem:s28], [sflag:$0x3] =	stream.linear.gather [hbm4b:s13+s28], $0x1400, $0x38;
	[tilespmem:$0x1E800] =	vst v63  }
0x69: {  	_ =	swait.ge [sflag:s17], $0x1400  }
0x6a: {  	[sflag:s17] =	ssyncset.done $0x0  }
0x6b: {  	[sflag:s17] =	ssyncadd.s32 $0xFFFFEC00  }
0x6c: {  	[tilespmem:s18], [sflag:$0x3] =	stream.linear.gather [hbm4b:s14+s28], $0x1400, $0x38;
	[tilespmem:$0x1E800] =	vst v63  }
0x6d: {  	_ =	swait.ge [sflag:s17], $0x1400  }
0x6e: {  	[sflag:s17] =	ssyncset.done $0x0  }
0x6f: {  	[sflag:s17] =	ssyncadd.s32 $0xFFFFEC00  }
0x70: {  	[tilespmem:s20], [sflag:$0x1] =	stream.indirect.gather [hbm4b:s4+s19], $0x80, s28, s19, $0xb8;
	[tilespmem:$0x1E800] =	vst v63  }
0x71: {  	_ = 	snop  }
0x72: {  	[tilespmem:s21], [sflag:$0x2] =	stream.indirect.gather [hbm4b:s4+s19], $0x80, s19, s19, $0xb8;
	[tilespmem:$0x1E800] =	vst v63  }
0x73: {  	_ =	swait.ge [sflag:s22], $0x4000  }
0x74: {  	[sflag:s22] =	ssyncset.done $0x0  }
0x75: {  	s28 =	simm.s32 $0x1400;
	[sflag:s22] =	ssyncadd.s32 $0xFFFFC000  }
0x76: {  	[spmem:s1] =	stream.indirect.scatter.add.f32 [tilespmem:s20], [sflag:$0x3], $0x80, s28, s19, $0xb8;
	[tilespmem:$0x1E800] =	vst v63  }
0x77: {  	_ =	swait.ge [sflag:s17], $0x4000  }
0x78: {  	[sflag:s17] =	ssyncset.done $0x0  }
0x79: {  	s28 =	simm.s32 $0x100;
	[sflag:s17] =	ssyncadd.s32 $0xFFFFC000  }
0x7a: {  	[tilespmem:s20], [sflag:$0x1] =	stream.indirect.gather [hbm4b:s4+s19], $0x80, s28, s19, $0xb8;
	[tilespmem:$0x1E800] =	vst v63  }
0x7b: {  	_ =	swait.ge [sflag:s23], $0x4000  }
0x7c: {  	[sflag:s23] =	ssyncset.done $0x0  }
0x7d: {  	s28 =	simm.s32 $0x1480;
	[sflag:s23] =	ssyncadd.s32 $0xFFFFC000  }
0x7e: {  	[spmem:s1] =	stream.indirect.scatter.add.f32 [tilespmem:s21], [sflag:$0x3], $0x80, s28, s19, $0xb8;
	[tilespmem:$0x1E800] =	vst v63  }
0x7f: {  	_ =	swait.ge [sflag:s17], $0x4000  }
0x80: {  	[sflag:s17] =	ssyncset.done $0x0  }
0x81: {  	s29 =	simm.s32 $0x180;
	s28 =	simm.s32 $0x400;
	[sflag:s17] =	ssyncadd.s32 $0xFFFFC000  }
.LBB2_10:
0x82: {  	[tilespmem:s21], [sflag:$0x2] =	stream.indirect.gather [hbm4b:s4+s19], $0x80, s29, s19, $0xb8;
	[tilespmem:$0x1E800] =	vst v63  }
0x83: {  	s29 =	smov.u32 s28  }
0x84: {  	p1 =	sne.s32 s28, $0x4800;
	s28 =	sadd.s32 $0x400, s28;
	_ =	swait.ge [sflag:s22], $0x4000  }
0x85: {  	s29 =	sshra.s32 s29, $0x2;
	[sflag:s22] =	ssyncset.done $0x0  }
0x86: {  	s30 =	sadd.s32 $0x1400, s29;
	[sflag:s22] =	ssyncadd.s32 $0xFFFFC000  }
0x87: {  	[spmem:s1] =	stream.indirect.scatter.add.f32 [tilespmem:s20], [sflag:$0x3], $0x80, s30, s19, $0xb8;
	[tilespmem:$0x1E800] =	vst v63  }
0x88: {  	_ =	swait.ge [sflag:s17], $0x4000  }
0x89: {  	[sflag:s17] =	ssyncset.done $0x0  }
0x8a: {  	s30 =	sadd.s32 $0x100, s29;
	[sflag:s17] =	ssyncadd.s32 $0xFFFFC000  }
0x8b: {  	[tilespmem:s20], [sflag:$0x1] =	stream.indirect.gather [hbm4b:s4+s19], $0x80, s30, s19, $0xb8;
	[tilespmem:$0x1E800] =	vst v63  }
0x8c: {  	_ =	swait.ge [sflag:s23], $0x4000  }
0x8d: {  	[sflag:s23] =	ssyncset.done $0x0  }
.Ltmp4:
0x8e: {  	s30 =	sadd.s32 $0x1480, s29;
	[sflag:s23] =	ssyncadd.s32 $0xFFFFC000;
	(pc) =	sbr.rel @p1 .LBB2_10-.Ltmp4, $4  }
0x8f: {  	[spmem:s1] =	stream.indirect.scatter.add.f32 [tilespmem:s21], [sflag:$0x3], $0x80, s30, s19, $0xb8;
	[tilespmem:$0x1E800] =	vst v63  }
0x90: {  	_ =	swait.ge [sflag:s17], $0x4000  }
0x91: {  	[sflag:s17] =	ssyncset.done $0x0  }
0x92: {  	s29 =	sadd.s32 $0x180, s29;
	[sflag:s17] =	ssyncadd.s32 $0xFFFFC000  }
.Ltmp5:
0x93: {  	_ = 	snop;
	(pc) =	sbr.rel .LBB2_11-.Ltmp5, $1  }
0x94: {  	_ =	sdelay $0x3  }
.LBB2_2:
0x95: {  	[tilespmem:s28], [sflag:$0x3] =	stream.linear.gather [hbm4b:s7+s28], $0x1400, $0x38;
	[tilespmem:$0x1E800] =	vst v63  }
0x96: {  	_ =	swait.ge [sflag:s17], $0x1400  }
0x97: {  	[sflag:s17] =	ssyncset.done $0x0  }
0x98: {  	[sflag:s17] =	ssyncadd.s32 $0xFFFFEC00  }
0x99: {  	[tilespmem:s18], [sflag:$0x3] =	stream.linear.gather [hbm4b:s8+s28], $0x1400, $0x38;
	[tilespmem:$0x1E800] =	vst v63  }
0x9a: {  	_ =	swait.ge [sflag:s17], $0x1400  }
0x9b: {  	[sflag:s17] =	ssyncset.done $0x0  }
0x9c: {  	[sflag:s17] =	ssyncadd.s32 $0xFFFFEC00  }
0x9d: {  	[tilespmem:s20], [sflag:$0x1] =	stream.indirect.gather [hbm4b:s4+s19], $0x80, s28, s19, $0xb8;
	[tilespmem:$0x1E800] =	vst v63  }
0x9e: {  	_ = 	snop  }
0x9f: {  	[tilespmem:s21], [sflag:$0x2] =	stream.indirect.gather [hbm4b:s4+s19], $0x80, s19, s19, $0xb8;
	[tilespmem:$0x1E800] =	vst v63  }
0xa0: {  	_ =	swait.ge [sflag:s22], $0x4000  }
0xa1: {  	[sflag:s22] =	ssyncset.done $0x0  }
0xa2: {  	s28 =	simm.s32 $0x1400;
	[sflag:s22] =	ssyncadd.s32 $0xFFFFC000  }
0xa3: {  	[spmem:s1] =	stream.indirect.scatter.add.f32 [tilespmem:s20], [sflag:$0x3], $0x80, s28, s19, $0xb8;
	[tilespmem:$0x1E800] =	vst v63  }
0xa4: {  	_ =	swait.ge [sflag:s17], $0x4000  }
0xa5: {  	[sflag:s17] =	ssyncset.done $0x0  }
0xa6: {  	s28 =	simm.s32 $0x100;
	[sflag:s17] =	ssyncadd.s32 $0xFFFFC000  }
0xa7: {  	[tilespmem:s20], [sflag:$0x1] =	stream.indirect.gather [hbm4b:s4+s19], $0x80, s28, s19, $0xb8;
	[tilespmem:$0x1E800] =	vst v63  }
0xa8: {  	_ =	swait.ge [sflag:s23], $0x4000  }
0xa9: {  	[sflag:s23] =	ssyncset.done $0x0  }
0xaa: {  	s28 =	simm.s32 $0x1480;
	[sflag:s23] =	ssyncadd.s32 $0xFFFFC000  }
0xab: {  	[spmem:s1] =	stream.indirect.scatter.add.f32 [tilespmem:s21], [sflag:$0x3], $0x80, s28, s19, $0xb8;
	[tilespmem:$0x1E800] =	vst v63  }
0xac: {  	_ =	swait.ge [sflag:s17], $0x4000  }
0xad: {  	[sflag:s17] =	ssyncset.done $0x0  }
0xae: {  	s29 =	simm.s32 $0x180;
	s28 =	simm.s32 $0x400;
	[sflag:s17] =	ssyncadd.s32 $0xFFFFC000  }
.LBB2_3:
0xaf: {  	[tilespmem:s21], [sflag:$0x2] =	stream.indirect.gather [hbm4b:s4+s19], $0x80, s29, s19, $0xb8;
	[tilespmem:$0x1E800] =	vst v63  }
0xb0: {  	s29 =	smov.u32 s28  }
0xb1: {  	p1 =	sne.s32 s28, $0x4800;
	s28 =	sadd.s32 $0x400, s28;
	_ =	swait.ge [sflag:s22], $0x4000  }
0xb2: {  	s29 =	sshra.s32 s29, $0x2;
	[sflag:s22] =	ssyncset.done $0x0  }
0xb3: {  	s30 =	sadd.s32 $0x1400, s29;
	[sflag:s22] =	ssyncadd.s32 $0xFFFFC000  }
0xb4: {  	[spmem:s1] =	stream.indirect.scatter.add.f32 [tilespmem:s20], [sflag:$0x3], $0x80, s30, s19, $0xb8;
	[tilespmem:$0x1E800] =	vst v63  }
0xb5: {  	_ =	swait.ge [sflag:s17], $0x4000  }
0xb6: {  	[sflag:s17] =	ssyncset.done $0x0  }
0xb7: {  	s30 =	sadd.s32 $0x100, s29;
	[sflag:s17] =	ssyncadd.s32 $0xFFFFC000  }
0xb8: {  	[tilespmem:s20], [sflag:$0x1] =	stream.indirect.gather [hbm4b:s4+s19], $0x80, s30, s19, $0xb8;
	[tilespmem:$0x1E800] =	vst v63  }
0xb9: {  	_ =	swait.ge [sflag:s23], $0x4000  }
0xba: {  	[sflag:s23] =	ssyncset.done $0x0  }
.Ltmp6:
0xbb: {  	s30 =	sadd.s32 $0x1480, s29;
	[sflag:s23] =	ssyncadd.s32 $0xFFFFC000;
	(pc) =	sbr.rel @p1 .LBB2_3-.Ltmp6, $4  }
0xbc: {  	[spmem:s1] =	stream.indirect.scatter.add.f32 [tilespmem:s21], [sflag:$0x3], $0x80, s30, s19, $0xb8;
	[tilespmem:$0x1E800] =	vst v63  }
0xbd: {  	_ =	swait.ge [sflag:s17], $0x4000  }
0xbe: {  	[sflag:s17] =	ssyncset.done $0x0  }
0xbf: {  	s29 =	sadd.s32 $0x180, s29;
	[sflag:s17] =	ssyncadd.s32 $0xFFFFC000  }
0xc0: {  	[tilespmem:s21], [sflag:$0x2] =	stream.indirect.gather [hbm4b:s4+s19], $0x80, s29, s19, $0xb8;
	[tilespmem:$0x1E800] =	vst v63  }
0xc1: {  	_ =	swait.ge [sflag:s22], $0x4000  }
0xc2: {  	[sflag:s22] =	ssyncset.done $0x0  }
0xc3: {  	[sflag:s22] =	ssyncadd.s32 $0xFFFFC000  }
0xc4: {  	[spmem:s1] =	stream.indirect.scatter.add.f32 [tilespmem:s20], [sflag:$0x3], $0x80, s25, s19, $0xb8;
	[tilespmem:$0x1E800] =	vst v63  }
0xc5: {  	_ =	swait.ge [sflag:s17], $0x4000  }
0xc6: {  	[sflag:s17] =	ssyncset.done $0x0  }
0xc7: {  	[sflag:s17] =	ssyncadd.s32 $0xFFFFC000  }
0xc8: {  	_ =	swait.ge [sflag:s23], $0x4000  }
0xc9: {  	[sflag:s23] =	ssyncset.done $0x0  }
0xca: {  	[sflag:s23] =	ssyncadd.s32 $0xFFFFC000  }
0xcb: {  	[spmem:s1] =	stream.indirect.scatter.add.f32 [tilespmem:s21], [sflag:$0x3], $0x80, s26, s19, $0xb8;
	[tilespmem:$0x1E800] =	vst v63  }
0xcc: {  	_ =	swait.ge [sflag:s17], $0x4000  }
0xcd: {  	[sflag:s17] =	ssyncset.done $0x0  }
0xce: {  	s28 =	simm.s32 $0x0;
	[sflag:s17] =	ssyncadd.s32 $0xFFFFC000  }
0xcf: {  	[tilespmem:s28], [sflag:$0x3] =	stream.linear.gather [hbm4b:s9+s28], $0x1400, $0x38;
	[tilespmem:$0x1E800] =	vst v63  }
0xd0: {  	_ =	swait.ge [sflag:s17], $0x1400  }
0xd1: {  	[sflag:s17] =	ssyncset.done $0x0  }
0xd2: {  	[sflag:s17] =	ssyncadd.s32 $0xFFFFEC00  }
0xd3: {  	[tilespmem:s18], [sflag:$0x3] =	stream.linear.gather [hbm4b:s10+s28], $0x1400, $0x38;
	[tilespmem:$0x1E800] =	vst v63  }
0xd4: {  	_ =	swait.ge [sflag:s17], $0x1400  }
0xd5: {  	[sflag:s17] =	ssyncset.done $0x0  }
0xd6: {  	[sflag:s17] =	ssyncadd.s32 $0xFFFFEC00  }
0xd7: {  	[tilespmem:s20], [sflag:$0x1] =	stream.indirect.gather [hbm4b:s4+s19], $0x80, s28, s19, $0xb8;
	[tilespmem:$0x1E800] =	vst v63  }
0xd8: {  	_ = 	snop  }
0xd9: {  	[tilespmem:s21], [sflag:$0x2] =	stream.indirect.gather [hbm4b:s4+s19], $0x80, s19, s19, $0xb8;
	[tilespmem:$0x1E800] =	vst v63  }
0xda: {  	_ =	swait.ge [sflag:s22], $0x4000  }
0xdb: {  	[sflag:s22] =	ssyncset.done $0x0  }
0xdc: {  	s28 =	simm.s32 $0x1400;
	[sflag:s22] =	ssyncadd.s32 $0xFFFFC000  }
0xdd: {  	[spmem:s1] =	stream.indirect.scatter.add.f32 [tilespmem:s20], [sflag:$0x3], $0x80, s28, s19, $0xb8;
	[tilespmem:$0x1E800] =	vst v63  }
0xde: {  	_ =	swait.ge [sflag:s17], $0x4000  }
0xdf: {  	[sflag:s17] =	ssyncset.done $0x0  }
0xe0: {  	s28 =	simm.s32 $0x100;
	[sflag:s17] =	ssyncadd.s32 $0xFFFFC000  }
0xe1: {  	[tilespmem:s20], [sflag:$0x1] =	stream.indirect.gather [hbm4b:s4+s19], $0x80, s28, s19, $0xb8;
	[tilespmem:$0x1E800] =	vst v63  }
0xe2: {  	_ =	swait.ge [sflag:s23], $0x4000  }
0xe3: {  	[sflag:s23] =	ssyncset.done $0x0  }
0xe4: {  	s28 =	simm.s32 $0x1480;
	[sflag:s23] =	ssyncadd.s32 $0xFFFFC000  }
0xe5: {  	[spmem:s1] =	stream.indirect.scatter.add.f32 [tilespmem:s21], [sflag:$0x3], $0x80, s28, s19, $0xb8;
	[tilespmem:$0x1E800] =	vst v63  }
0xe6: {  	_ =	swait.ge [sflag:s17], $0x4000  }
0xe7: {  	[sflag:s17] =	ssyncset.done $0x0  }
0xe8: {  	s29 =	simm.s32 $0x180;
	s28 =	simm.s32 $0x400;
	[sflag:s17] =	ssyncadd.s32 $0xFFFFC000  }
.LBB2_5:
0xe9: {  	[tilespmem:s21], [sflag:$0x2] =	stream.indirect.gather [hbm4b:s4+s19], $0x80, s29, s19, $0xb8;
	[tilespmem:$0x1E800] =	vst v63  }
0xea: {  	s29 =	smov.u32 s28  }
0xeb: {  	p1 =	seq.s32 s28, $0x4800;
	s28 =	sadd.s32 $0x400, s28;
	_ =	swait.ge [sflag:s22], $0x4000  }
0xec: {  	s29 =	sshra.s32 s29, $0x2;
	[sflag:s22] =	ssyncset.done $0x0  }
0xed: {  	s30 =	sadd.s32 $0x1400, s29;
	[sflag:s22] =	ssyncadd.s32 $0xFFFFC000  }
0xee: {  	[spmem:s1] =	stream.indirect.scatter.add.f32 [tilespmem:s20], [sflag:$0x3], $0x80, s30, s19, $0xb8;
	[tilespmem:$0x1E800] =	vst v63  }
0xef: {  	_ =	swait.ge [sflag:s17], $0x4000  }
0xf0: {  	[sflag:s17] =	ssyncset.done $0x0  }
0xf1: {  	s30 =	sadd.s32 $0x100, s29;
	[sflag:s17] =	ssyncadd.s32 $0xFFFFC000  }
0xf2: {  	[tilespmem:s20], [sflag:$0x1] =	stream.indirect.gather [hbm4b:s4+s19], $0x80, s30, s19, $0xb8;
	[tilespmem:$0x1E800] =	vst v63  }
0xf3: {  	_ =	swait.ge [sflag:s23], $0x4000  }
0xf4: {  	[sflag:s23] =	ssyncset.done $0x0  }
.Ltmp7:
0xf5: {  	s30 =	sadd.s32 $0x1480, s29;
	[sflag:s23] =	ssyncadd.s32 $0xFFFFC000;
	(pc) =	sbr.rel @!p1 .LBB2_5-.Ltmp7, $4  }
0xf6: {  	[spmem:s1] =	stream.indirect.scatter.add.f32 [tilespmem:s21], [sflag:$0x3], $0x80, s30, s19, $0xb8;
	[tilespmem:$0x1E800] =	vst v63  }
0xf7: {  	_ =	swait.ge [sflag:s17], $0x4000  }
0xf8: {  	[sflag:s17] =	ssyncset.done $0x0  }
0xf9: {  	s29 =	sadd.s32 $0x180, s29;
	[sflag:s17] =	ssyncadd.s32 $0xFFFFC000  }
.Ltmp8:
0xfa: {  	(pc) =	sbr.rel .LBB2_12-.Ltmp8, $2  }
0xfb: {  	_ =	sdelay $0x2  }
0xfc: {  	[tilespmem:s21], [sflag:$0x2] =	stream.indirect.gather [hbm4b:s4+s19], $0x80, s29, s19, $0xb8;
	[tilespmem:$0x1E800] =	vst v63  }
.LBB2_13:
0xfd: {  	_ =	sfence.sel $0x180000  }
0xfe: {  	[bflag:$0x0] =	sbarrier.arrive $0xFFFF  }
0xff: {  	p0 =	sne.s32 s3, $0x0;
	_ =	strace $0x9000004D  }
0x100: {  	s0 =	sadd.s32 @!p0 $0x100000, s0;
	[bflag:$0x2] =	sbarrier.arrive $0xFFFF  }
0x101: {  	[sflag:s0] =	ssyncadd.tile.s32 @!p0 $0x1;
	_ =	shalt  }
.Lfunc_end2:
_tile_overlayer_lowered:
.L_overlay_start_2:
0x102: {  	(tag) =	ssettag $0x2  }
0x103: {  	s0 =	rddreg [dreg:$0x0];
	s2 =	stileid.u32  }
0x104: {  	s1 =	rddreg [dreg:$0x1];
	p0 =	sne.s32 s2, $0x0  }
0x105: {  	s3 =	rddreg [dreg:$0x2];
	[bflag:$0x3] =	sbarrier.arrive $0xFFFF;
	s2 =	simm.s32 @!p0 $0x1C03  }
0x106: {  	[timem:s3], [sflag:s2] =	dma.local @!p0 [hbm:s0], s1  }
0x107: {  	s0 =	simm.s32 @!p0 $0x3  }
0x108: {  	_ =	swait.ge @!p0 [sflag:s0], s1  }
0x109: {  	s1 =	ssub.s32 @!p0 $0x0, s1;
	[sflag:s0] =	ssyncset.done @!p0 $0x0  }
0x10a: {  	[sflag:s0] =	ssyncadd.s32 @!p0 s1  }
0x10b: {  	[bflag:$0x3] =	sbarrier.arrive $0xFFFF  }
0x10c: {  	_ =	shalt  }

// kernel: kernel.20.cloned.1.call-start
scs
__scs_entry_jumppad:
0x0: {  	(pc) =	sbr.rel $0x88, $3  }
0x1: {  	(tag) =	ssettag $0x0;
	lr =	simm.s32 $0x1  }
0x2: {  	[smem:$0x3F99] =	sst lr;
	_ =	strace $0xD0000000  }
0x3: {  	_ = 	snop  }
0x4: {  	_ = 	snop  }
0x5: {  	_ = 	snop  }
0x6: {  	_ = 	snop  }
0x7: {  	_ = 	snop  }
__scs_overlays_trampoline_lowered:
0x8: {  	[smem:$0x3FA8] =	sst s0  }
0x9: {  	[smem:$0x3FA9] =	sst s1  }
0xa: {  	[smem:$0x3FAA] =	sst s2  }
0xb: {  	[smem:$0x3FAB] =	sst s3  }
0xc: {  	[smem:$0x3FAC] =	sst s4  }
0xd: {  	[smem:$0x3FAD] =	sst s5  }
0xe: {  	[smem:$0x3FAE] =	sst s6  }
0xf: {  	[smem:$0x3FAF] =	sst s7  }
0x10: {  	[smem:$0x3FB0] =	sst s8  }
0x11: {  	[smem:$0x3FB1] =	sst s9;
	s0 =	simm.s32 @!p0 $0x0  }
0x12: {  	s1 =	sld [smem:$0x3F97];
	s0 =	simm.s32 @p0 $0x1  }
0x13: {  	[smem:$0x3FB2] =	sst s0;
	s0 =	simm.s32 @!p1 $0x0  }
0x14: {  	s2 =	sld [smem:$0x3F96];
	s0 =	simm.s32 @p1 $0x1  }
0x15: {  	[smem:$0x3FB3] =	sst s0;
	s0 =	simm.s32 @!p2 $0x0  }
0x16: {  	s3 =	sld [smem:$0x3FDB];
	s0 =	simm.s32 @p2 $0x1  }
0x17: {  	s4 =	simm.s32 $0x1BF5;
	[smem:$0x3FB5] =	sst s0  }
0x18: {  	s0 =	sld [smem:$0x3F98];
	_ =	swait.ge [sflag:s4], $0x0  }
0x19: {  	s7 =	sld [smem:$0x3F99]  }
0x1a: {  	s8 =	sadd.s32 $0xFFFFE003, lr  }
0x1b: {  	s9 =	sadd.s32 $0xFFFFFEF7, lr;
	s5 =	simm.s32 $0xFFFFFFFF;
	p2 =	slt.u32 s8, $0xFFFFF086  }
0x1c: {  	p1 =	slt.u32 s9, $0xF7A;
	s5 =	simm.s32 @!p2 $0x0  }
0x1d: {  	s5 =	simm.s32 @p1 $0x1;
	p0 =	seq.s32 s7, s2  }
0x1e: {  	s7 =	smul.u32 @!p0 $0xF7A, s2;
	p2 =	seq.s32 @!p0 s5, $0x0  }
0x1f: {  	s9 =	smul.u32 $0xF7A, s1;
	s8 =	simm.s32 @!p0 $0x1BF5;
	p2 =	por !p2, p0  }
0x20: {  	[sflag:s8] =	ssyncset.s32 @!p0 $0xFFFFF086;
	s6 =	sadd.s32 @!p0 s3, s7;
	s7 =	simm.s32 @!p0 $0x108  }
0x21: {  	s3 =	sadd.s32 s3, s9;
	s6 =	sadd.s32 @!p0 $0x88, s6;
	s7 =	simm.s32 @p2 $0x1082  }
0x22: {  	[simem:s7], [sflag:s8] =	dma.local @!p0 [hbm:s6], $0xF7A  }
0x23: {  	s9 =	sor.u32 $0xD0000000, s2;
	s6 =	simm.s32 $0x108;
	_ =	swait.ge @!p0 [sflag:s8], $0x0  }
0x24: {  	s3 =	sadd.s32 $0x88, s3;
	s6 =	simm.s32 @!p1 $0x1082;
	[sflag:s4] =	ssyncset.s32 $0xFFFFF086  }
0x25: {  	[simem:s6], [sflag:s4] =	dma.local [hbm:s3], $0xF7A  }
0x26: {  	[smem:$0x3F99] =	sst s1;
	(tag) =	ssettag s2;
	_ =	strace s9  }
0x27: {  	s1 =	sld [smem:$0x3FA9]  }
0x28: {  	s2 =	sld [smem:$0x3FAA]  }
0x29: {  	s4 =	sld [smem:$0x3FAC]  }
0x2a: {  	p0 =	seq.s32 s5, $0x0;
	s5 =	sld [smem:$0x3FAD]  }
0x2b: {  	s6 =	sld [smem:$0x3FAE]  }
0x2c: {  	s7 =	sld [smem:$0x3FAF]  }
0x2d: {  	s3 =	simm.s32 $0x108;
	s8 =	sld [smem:$0x3FB0]  }
0x2e: {  	s3 =	simm.s32 @!p0 $0x1082;
	s9 =	sld [smem:$0x3FB1]  }
0x2f: {  	lr =	sadd.s32 s0, s3;
	s0 =	sld [smem:$0x3FA8]  }
0x30: {  	s3 =	sld [smem:$0x3FAB]  }
0x31: {  	[smem:$0x3FB4] =	sst s10  }
0x32: {  	s10 =	sld [smem:$0x3FB2];
	_ =	sdelay $0x3  }
0x33: {  	p0 =	seq.s32 s10, $0x1;
	s10 =	sld [smem:$0x3FB4];
	_ =	sdelay $0x3  }
0x34: {  	[smem:$0x3FB4] =	sst s10  }
0x35: {  	s10 =	sld [smem:$0x3FB3];
	_ =	sdelay $0x3  }
0x36: {  	p1 =	seq.s32 s10, $0x1;
	s10 =	sld [smem:$0x3FB4];
	_ =	sdelay $0x3  }
0x37: {  	[smem:$0x3FB4] =	sst s10  }
0x38: {  	s10 =	sld [smem:$0x3FB5]  }
0x39: {  	_ = 	snop;
	(pc) =	sbr.ind lr, $3  }
0x3a: {  	_ = 	snop  }
0x3b: {  	_ = 	snop  }
0x3c: {  	p2 =	seq.s32 s10, $0x1;
	s10 =	sld [smem:$0x3FB4]  }
0x3d: {  	_ =	shalt  }
0x3e: {  	_ =	shalt  }
0x3f: {  	_ =	shalt  }
0x40: {  	_ =	shalt  }
0x41: {  	_ =	shalt  }
0x42: {  	_ =	shalt  }
0x43: {  	_ =	shalt  }
0x44: {  	_ =	shalt  }
0x45: {  	_ =	shalt  }
0x46: {  	_ =	shalt  }
0x47: {  	_ =	shalt  }
0x48: {  	_ =	shalt  }
0x49: {  	_ =	shalt  }
0x4a: {  	_ =	shalt  }
0x4b: {  	_ =	shalt  }
0x4c: {  	_ =	shalt  }
0x4d: {  	_ =	shalt  }
0x4e: {  	_ =	shalt  }
0x4f: {  	_ =	shalt  }
0x50: {  	_ =	shalt  }
0x51: {  	_ =	shalt  }
0x52: {  	_ =	shalt  }
0x53: {  	_ =	shalt  }
0x54: {  	_ =	shalt  }
0x55: {  	_ =	shalt  }
0x56: {  	_ =	shalt  }
0x57: {  	_ =	shalt  }
0x58: {  	_ =	shalt  }
0x59: {  	_ =	shalt  }
0x5a: {  	_ =	shalt  }
0x5b: {  	_ =	shalt  }
0x5c: {  	_ =	shalt  }
0x5d: {  	_ =	shalt  }
0x5e: {  	_ =	shalt  }
0x5f: {  	_ =	shalt  }
0x60: {  	_ =	shalt  }
0x61: {  	_ =	shalt  }
0x62: {  	_ =	shalt  }
0x63: {  	_ =	shalt  }
0x64: {  	_ =	shalt  }
0x65: {  	_ =	shalt  }
0x66: {  	_ =	shalt  }
0x67: {  	_ =	shalt  }
0x68: {  	_ =	shalt  }
0x69: {  	_ =	shalt  }
0x6a: {  	_ =	shalt  }
0x6b: {  	_ =	shalt  }
0x6c: {  	_ =	shalt  }
0x6d: {  	_ =	shalt  }
0x6e: {  	_ =	shalt  }
0x6f: {  	_ =	shalt  }
0x70: {  	_ =	shalt  }
0x71: {  	_ =	shalt  }
0x72: {  	_ =	shalt  }
0x73: {  	_ =	shalt  }
0x74: {  	_ =	shalt  }
0x75: {  	_ =	shalt  }
0x76: {  	_ =	shalt  }
0x77: {  	_ =	shalt  }
0x78: {  	_ =	shalt  }
0x79: {  	_ =	shalt  }
0x7a: {  	_ =	shalt  }
0x7b: {  	_ =	shalt  }
0x7c: {  	_ =	shalt  }
0x7d: {  	_ =	shalt  }
0x7e: {  	_ =	shalt  }
0x7f: {  	_ =	shalt  }
0x80: {  	_ =	shalt  }
0x81: {  	_ =	shalt  }
0x82: {  	_ =	shalt  }
0x83: {  	_ =	shalt  }
0x84: {  	_ =	shalt  }
0x85: {  	_ =	shalt  }
0x86: {  	_ =	shalt  }
0x87: {  	_ =	shalt  }
.Lfunc_end0:
.L_simem_size_0:
called_computation.3_lowered:
.L_overlay_start_0:
0x88: {  	s2 =	sld [smem:$0x3FD9]  }
0x89: {  	s3 =	sld [smem:$0x3FFE];
	_ =	sdelay $0x1  }
0x8a: {  	s1 =	srdreg.scid  }
0x8b: {  	s0 =	sand.u32 $0x1, s1  }
0x8c: {  	s16 =	sshll.u32 s0, $0xA;
	s2 =	sadd.s32 s3, s2  }
0x8d: {  	s2 =	sadd.s32 s2, s16  }
0x8e: {  	[smem:$0x3FC0] =	sst s2  }
0x8f: {  	_ = 	snop  }
0x90: {  	(tm) =	ssettm $0x1  }
0x91: {  	s17 =	sld [smem:$0x3FFB];
	_ =	sdelay $0x3  }
0x92: {  	_ =	strace s17  }
0x93: {  	s2 =	sld [smem:$0x3FFC];
	_ =	sdelay $0x3  }
0x94: {  	_ =	strace s2  }
0x95: {  	s2 =	sld [smem:$0x3FFD];
	_ =	sdelay $0x3  }
0x96: {  	_ =	strace s2  }
0x97: {  	_ =	strace $0x8FFFFFFF  }
0x98: {  	s18 =	sld [smem:$0x3FDB];
	_ =	sdelay $0x1  }
0x99: {  	s19 =	simm.s32 $_scs_section_size  }
0x9a: {  	s4 =	simm.s32 $_size__tile_overlayer_lowered;
	s5 =	simm.s32 $_tile_overlayer_lowered  }
0x9b: {  	s22 =	simm.s32 $0x1BFF;
	s21 =	sshll.u32 s5, $0x1;
	s2 =	sadd.s32 s19, s18  }
0x9c: {  	s6 =	simm.s32 $0x0;
	s20 =	sshll.u32 s4, $0x1;
	s4 =	sadd.s32 s21, s2  }
0x9d: {  	[timem:s6], [sflag:s22] =	dma.local [hbm:s4], s20  }
0x9e: {  	_ =	swait.ge [sflag:s22], s20  }
0x9f: {  	s3 =	ssub.s32 $0x0, s20;
	[sflag:s22] =	ssyncset.done $0x0  }
0xa0: {  	[sflag:s22] =	ssyncadd.s32 s3;
	_ =	sdelay $0x1  }
0xa1: {  	s23 =	simm.s32 $0x1B8B  }
0xa2: {  	_ =	swait.ge [sflag:s23], $0x1  }
0xa3: {  	[sflag:s23] =	ssyncset.done $0x0  }
0xa4: {  	s25 =	simm.s32 $0x1B8E;
	s24 =	sld [smem:$0x3FFE];
	[sflag:s23] =	ssyncadd.s32 $0xFFFFFFFF  }
0xa5: {  	s26 =	simm.s32 $execute0_lowered;
	[smem:$0x3FD2] =	sst s25  }
0xa6: {  	s4 =	sshll.u32 s26, $0x1;
	_ =	strace $0x8000004F;
	[dreg:$0x1] =	wrdreg $0xFFFFFFFF  }
0xa7: {  	s28 =	simm.s32 $_size_execute0_lowered;
	s2 =	sadd.s32 s2, s4;
	[dreg:$0x0] =	wrdreg $0x0  }
0xa8: {  	s4 =	sshll.u32 s28, $0x1;
	[dreg:$0x2] =	wrdreg s2  }
0xa9: {  	[dreg:$0x3] =	wrdreg s4  }
0xaa: {  	[dreg:$0x4] =	wrdreg $0xC0  }
0xab: {  	_ =	task [dreg:s6], $0x5FFFF  }
0xac: {  	[dreg:$0x1] =	wrdreg $0xFFFFFFFF  }
0xad: {  	[dreg:$0x0] =	wrdreg $0x60  }
0xae: {  	[dreg:$0x2] =	wrdreg s24  }
0xaf: {  	[dreg:$0x3] =	wrdreg $0xA8000  }
0xb0: {  	[dreg:$0x4] =	wrdreg $0x9  }
0xb1: {  	_ =	task.clear_ibuf [dreg:s6], $0x5FFFF;
	_ =	strace $0x9000004F  }
0xb2: {  	s29 =	simm.s32 $0x9;
	_ =	strace $0x80000051  }
0xb3: {  	_ =	swait.ge [sflag:s29], $0x1  }
0xb4: {  	[sflag:s29] =	ssyncadd.s32 $0xFFFFFFFF  }
0xb5: {  	_ =	strace $0x90000051  }
0xb6: {  	_ =	sfence  }
0xb7: {  	s30 =	sld [smem:$0x0];
	_ =	sdelay $0x2  }
0xb8: {  	s31 =	sshll.u32 s1, $0xD;
	s1 =	sshrl.u32 s1, $0x2  }
0xb9: {  	s3 =	sand.u32 $0x4000, s31;
	s1 =	sadd.s32 s1, s30  }
0xba: {  	s0 =	sor.u32 s3, s0;
	s1 =	sshll.u32 s1, $0x11  }
0xbb: {  	s0 =	sor.u32 s1, s0  }
0xbc: {  	s0 =	sadd.s32 $0x8F2B, s0  }
0xbd: {  	[sflag:s0] =	ssyncadd.remote.s32 $0x1  }
0xbe: {  	_ =	sfence.sel $0xFFFF  }
0xbf: {  	[dreg:$0x0] =	wrdreg $0xFFFFFFFF;
	(pc) =	sbr.abs _section_cstart, $3  }
0xc0: {  	[dreg:$0x1] =	wrdreg $0xFFFFFFFF  }
0xc1: {  	_ =	task.clear_ibuf [dreg:s6], $0x2FFFF;
	_ =	strace $0x9FFFFFFF  }
0xc2: {  	(tm) =	ssettm $0x7FFFFFFF  }
0xc3: {  	_ =	shalt  }
tec
execute0_lowered:
.L_overlay_start_1:
0x0: {  	(tag) =	ssettag $0x1  }
0x1: {  	s6 =	rddreg [dreg:$0x0]  }
0x2: {  	s1 =	rddreg [dreg:$0x1]  }
0x3: {  	s0 =	rddreg [dreg:$0x2];
	s2 =	simm.s32 $0x0  }
0x4: {  	s3 =	srdreg.scid;
	s19 =	simm.s32 $0x80;
	s20 =	simm.s32 $0x2800  }
0x5: {  	s21 =	simm.s32 $0x6800;
	s22 =	simm.s32 $0x1;
	s23 =	simm.s32 $0x2  }
0x6: {  	[smem:$0x7FF] =	sst s2;
	s4 =	sadd.s32 $0x6A800, s6;
	s7 =	sand.u32 $0x1, s3  }
0x7: {  	s13 =	sadd.s32 $0x56800, s6;
	s3 =	stileid.u32;
	s8 =	smul.u32 $0x28000, s7  }
0x8: {  	s14 =	sadd.s32 $0x60800, s6;
	s5 =	sadd.s32 $0x4000, s6;
	s10 =	smul.u32 $0x50000, s3  }
0x9: {  	_ =	strace $0x80000050;
	s9 =	ssub.s32 $0x2, s7;
	s24 =	smul.u32 $0x2800, s3  }
0xa: {  	s29 =	sshll.u32 s3, $0x6;
	s30 =	smul.u32 $0x500, s3;
	s26 =	sshrl.u32 s9, $0x1  }
0xb: {  	p0 =	seq.s32 s7, $0x1;
	s15 =	sadd.s32 s8, s6;
	s16 =	ssub.s32 s9, s26  }
0xc: {  	s28 =	sshrl.u32 s10, $0x2;
	s6 =	sor.u32 $0x1C03, s29;
	s18 =	sshrl.u32 s24, $0x3  }
0xd: {  	s7 =	sadd.s32 s13, s30;
	s8 =	sadd.s32 s14, s30;
	s26 =	simm.s32 $0x2780  }
0xe: {  	s17 =	sadd.s32 s28, s1;
	s31 =	sadd.s32 $0x280, s18;
	s12 =	sadd.s32 $0x5000, s18  }
.Ltmp0:
0xf: {  	s18 =	sadd.s32 $0x5280, s18;
	s25 =	sadd.s32 $0x92800, s15;
	(pc) =	sbr.rel .LBB2_1-.Ltmp0, $4  }
0x10: {  	s15 =	smax.u32 s16, $0x1;
	s9 =	sadd.s32 s13, s31;
	s10 =	sadd.s32 s14, s31  }
0x11: {  	s11 =	sadd.s32 s13, s12;
	s12 =	sadd.s32 s14, s12;
	s13 =	sadd.s32 s13, s18  }
0x12: {  	s14 =	sadd.s32 s14, s18;
	s16 =	sshrl.u32 s17, $0x3;
	s17 =	simm.s32 $0x3  }
0x13: {  	s18 =	simm.s32 $0x1400;
	s24 =	sadd.s32 s24, s25;
	s25 =	simm.s32 $0x2700  }
.LBB2_11:
0x14: {  	[tilespmem:s21], [sflag:$0x2] =	stream.indirect.gather [hbm4b:s4+s19], $0x80, s29, s19, $0xb8;
	[tilespmem:$0x1E800] =	vst v63  }
.LBB2_12:
0x15: {  	_ =	swait.ge [sflag:s22], $0x4000  }
0x16: {  	[sflag:s22] =	ssyncset.done $0x0  }
0x17: {  	[sflag:s22] =	ssyncadd.s32 $0xFFFFC000  }
0x18: {  	[spmem:s1] =	stream.indirect.scatter.add.f32 [tilespmem:s20], [sflag:$0x3], $0x80, s25, s19, $0xb8;
	[tilespmem:$0x1E800] =	vst v63  }
0x19: {  	_ =	swait.ge [sflag:s17], $0x4000  }
0x1a: {  	[sflag:s17] =	ssyncset.done $0x0  }
0x1b: {  	[sflag:s17] =	ssyncadd.s32 $0xFFFFC000  }
0x1c: {  	_ =	swait.ge [sflag:s23], $0x4000  }
0x1d: {  	[sflag:s23] =	ssyncset.done $0x0  }
0x1e: {  	[sflag:s23] =	ssyncadd.s32 $0xFFFFC000  }
0x1f: {  	[spmem:s1] =	stream.indirect.scatter.add.f32 [tilespmem:s21], [sflag:$0x3], $0x80, s26, s19, $0xb8;
	[tilespmem:$0x1E800] =	vst v63  }
0x20: {  	_ =	swait.ge [sflag:s17], $0x4000  }
0x21: {  	s2 =	sadd.s32 $0x1, s2;
	[sflag:s17] =	ssyncset.done $0x0  }
0x22: {  	p1 =	sne.s32 s2, s15;
	[sflag:s17] =	ssyncadd.s32 $0xFFFFC000  }
.Ltmp1:
0x23: {  	[bflag:$0x0] =	sbarrier.arrive $0xFFFF;
	(pc) =	sbr.rel @!p1 .LBB2_13-.Ltmp1, $4  }
0x24: {  	[hbm:s24], [sflag:s6] =	dma.local [spmem:s16], $0x2800  }
0x25: {  	_ =	swait.ge [sflag:s17], $0x2800  }
0x26: {  	[sflag:s17] =	ssyncset.done $0x0  }
0x27: {  	[sflag:s17] =	ssyncadd.s32 $0xFFFFD800  }
.LBB2_1:
0x28: {  	[spmem:s16], [sflag:s6] =	dma.local [hbm:s5], $0x2800  }
.Ltmp2:
0x29: {  	_ =	swait.ge [sflag:s17], $0x2800;
	(pc) =	sbr.rel @!p0 .LBB2_2-.Ltmp2, $4  }
0x2a: {  	[sflag:s17] =	ssyncset.done $0x0  }
0x2b: {  	[sflag:s17] =	ssyncadd.s32 $0xFFFFD800  }
0x2c: {  	[bflag:$0x0] =	sbarrier.arrive $0xFFFF  }
0x2d: {  	s28 =	simm.s32 $0x0  }
0x2e: {  	[tilespmem:s28], [sflag:$0x3] =	stream.linear.gather [hbm4b:s11+s28], $0x1400, $0x38;
	[tilespmem:$0x1E800] =	vst v63  }
0x2f: {  	_ =	swait.ge [sflag:s17], $0x1400  }
0x30: {  	[sflag:s17] =	ssyncset.done $0x0  }
0x31: {  	[sflag:s17] =	ssyncadd.s32 $0xFFFFEC00  }
0x32: {  	[tilespmem:s18], [sflag:$0x3] =	stream.linear.gather [hbm4b:s12+s28], $0x1400, $0x38;
	[tilespmem:$0x1E800] =	vst v63  }
0x33: {  	_ =	swait.ge [sflag:s17], $0x1400  }
0x34: {  	[sflag:s17] =	ssyncset.done $0x0  }
0x35: {  	[sflag:s17] =	ssyncadd.s32 $0xFFFFEC00  }
0x36: {  	[tilespmem:s20], [sflag:$0x1] =	stream.indirect.gather [hbm4b:s4+s19], $0x80, s28, s19, $0xb8;
	[tilespmem:$0x1E800] =	vst v63  }
0x37: {  	_ = 	snop  }
0x38: {  	[tilespmem:s21], [sflag:$0x2] =	stream.indirect.gather [hbm4b:s4+s19], $0x80, s19, s19, $0xb8;
	[tilespmem:$0x1E800] =	vst v63  }
0x39: {  	_ =	swait.ge [sflag:s22], $0x4000  }
0x3a: {  	[sflag:s22] =	ssyncset.done $0x0  }
0x3b: {  	s28 =	simm.s32 $0x1400;
	[sflag:s22] =	ssyncadd.s32 $0xFFFFC000  }
0x3c: {  	[spmem:s1] =	stream.indirect.scatter.add.f32 [tilespmem:s20], [sflag:$0x3], $0x80, s28, s19, $0xb8;
	[tilespmem:$0x1E800] =	vst v63  }
0x3d: {  	_ =	swait.ge [sflag:s17], $0x4000  }
0x3e: {  	[sflag:s17] =	ssyncset.done $0x0  }
0x3f: {  	s28 =	simm.s32 $0x100;
	[sflag:s17] =	ssyncadd.s32 $0xFFFFC000  }
0x40: {  	[tilespmem:s20], [sflag:$0x1] =	stream.indirect.gather [hbm4b:s4+s19], $0x80, s28, s19, $0xb8;
	[tilespmem:$0x1E800] =	vst v63  }
0x41: {  	_ =	swait.ge [sflag:s23], $0x4000  }
0x42: {  	[sflag:s23] =	ssyncset.done $0x0  }
0x43: {  	s28 =	simm.s32 $0x1480;
	[sflag:s23] =	ssyncadd.s32 $0xFFFFC000  }
0x44: {  	[spmem:s1] =	stream.indirect.scatter.add.f32 [tilespmem:s21], [sflag:$0x3], $0x80, s28, s19, $0xb8;
	[tilespmem:$0x1E800] =	vst v63  }
0x45: {  	_ =	swait.ge [sflag:s17], $0x4000  }
0x46: {  	[sflag:s17] =	ssyncset.done $0x0  }
0x47: {  	s29 =	simm.s32 $0x180;
	s28 =	simm.s32 $0x400;
	[sflag:s17] =	ssyncadd.s32 $0xFFFFC000  }
.LBB2_8:
0x48: {  	[tilespmem:s21], [sflag:$0x2] =	stream.indirect.gather [hbm4b:s4+s19], $0x80, s29, s19, $0xb8;
	[tilespmem:$0x1E800] =	vst v63  }
0x49: {  	s29 =	smov.u32 s28  }
0x4a: {  	p1 =	sne.s32 s28, $0x4800;
	s28 =	sadd.s32 $0x400, s28;
	_ =	swait.ge [sflag:s22], $0x4000  }
0x4b: {  	s29 =	sshra.s32 s29, $0x2;
	[sflag:s22] =	ssyncset.done $0x0  }
0x4c: {  	s30 =	sadd.s32 $0x1400, s29;
	[sflag:s22] =	ssyncadd.s32 $0xFFFFC000  }
0x4d: {  	[spmem:s1] =	stream.indirect.scatter.add.f32 [tilespmem:s20], [sflag:$0x3], $0x80, s30, s19, $0xb8;
	[tilespmem:$0x1E800] =	vst v63  }
0x4e: {  	_ =	swait.ge [sflag:s17], $0x4000  }
0x4f: {  	[sflag:s17] =	ssyncset.done $0x0  }
0x50: {  	s30 =	sadd.s32 $0x100, s29;
	[sflag:s17] =	ssyncadd.s32 $0xFFFFC000  }
0x51: {  	[tilespmem:s20], [sflag:$0x1] =	stream.indirect.gather [hbm4b:s4+s19], $0x80, s30, s19, $0xb8;
	[tilespmem:$0x1E800] =	vst v63  }
0x52: {  	_ =	swait.ge [sflag:s23], $0x4000  }
0x53: {  	[sflag:s23] =	ssyncset.done $0x0  }
.Ltmp3:
0x54: {  	s30 =	sadd.s32 $0x1480, s29;
	[sflag:s23] =	ssyncadd.s32 $0xFFFFC000;
	(pc) =	sbr.rel @p1 .LBB2_8-.Ltmp3, $4  }
0x55: {  	[spmem:s1] =	stream.indirect.scatter.add.f32 [tilespmem:s21], [sflag:$0x3], $0x80, s30, s19, $0xb8;
	[tilespmem:$0x1E800] =	vst v63  }
0x56: {  	_ =	swait.ge [sflag:s17], $0x4000  }
0x57: {  	[sflag:s17] =	ssyncset.done $0x0  }
0x58: {  	s29 =	sadd.s32 $0x180, s29;
	[sflag:s17] =	ssyncadd.s32 $0xFFFFC000  }
0x59: {  	[tilespmem:s21], [sflag:$0x2] =	stream.indirect.gather [hbm4b:s4+s19], $0x80, s29, s19, $0xb8;
	[tilespmem:$0x1E800] =	vst v63  }
0x5a: {  	_ =	swait.ge [sflag:s22], $0x4000  }
0x5b: {  	[sflag:s22] =	ssyncset.done $0x0  }
0x5c: {  	[sflag:s22] =	ssyncadd.s32 $0xFFFFC000  }
0x5d: {  	[spmem:s1] =	stream.indirect.scatter.add.f32 [tilespmem:s20], [sflag:$0x3], $0x80, s25, s19, $0xb8;
	[tilespmem:$0x1E800] =	vst v63  }
0x5e: {  	_ =	swait.ge [sflag:s17], $0x4000  }
0x5f: {  	[sflag:s17] =	ssyncset.done $0x0  }
0x60: {  	[sflag:s17] =	ssyncadd.s32 $0xFFFFC000  }
0x61: {  	_ =	swait.ge [sflag:s23], $0x4000  }
0x62: {  	[sflag:s23] =	ssyncset.done $0x0  }
0x63: {  	[sflag:s23] =	ssyncadd.s32 $0xFFFFC000  }
0x64: {  	[spmem:s1] =	stream.indirect.scatter.add.f32 [tilespmem:s21], [sflag:$0x3], $0x80, s26, s19, $0xb8;
	[tilespmem:$0x1E800] =	vst v63  }
0x65: {  	_ =	swait.ge [sflag:s17], $0x4000  }
0x66: {  	[sflag:s17] =	ssyncset.done $0x0  }
0x67: {  	s28 =	simm.s32 $0x0;
	[sflag:s17] =	ssyncadd.s32 $0xFFFFC000  }
0x68: {  	[tilespmem:s28], [sflag:$0x3] =	stream.linear.gather [hbm4b:s13+s28], $0x1400, $0x38;
	[tilespmem:$0x1E800] =	vst v63  }
0x69: {  	_ =	swait.ge [sflag:s17], $0x1400  }
0x6a: {  	[sflag:s17] =	ssyncset.done $0x0  }
0x6b: {  	[sflag:s17] =	ssyncadd.s32 $0xFFFFEC00  }
0x6c: {  	[tilespmem:s18], [sflag:$0x3] =	stream.linear.gather [hbm4b:s14+s28], $0x1400, $0x38;
	[tilespmem:$0x1E800] =	vst v63  }
0x6d: {  	_ =	swait.ge [sflag:s17], $0x1400  }
0x6e: {  	[sflag:s17] =	ssyncset.done $0x0  }
0x6f: {  	[sflag:s17] =	ssyncadd.s32 $0xFFFFEC00  }
0x70: {  	[tilespmem:s20], [sflag:$0x1] =	stream.indirect.gather [hbm4b:s4+s19], $0x80, s28, s19, $0xb8;
	[tilespmem:$0x1E800] =	vst v63  }
0x71: {  	_ = 	snop  }
0x72: {  	[tilespmem:s21], [sflag:$0x2] =	stream.indirect.gather [hbm4b:s4+s19], $0x80, s19, s19, $0xb8;
	[tilespmem:$0x1E800] =	vst v63  }
0x73: {  	_ =	swait.ge [sflag:s22], $0x4000  }
0x74: {  	[sflag:s22] =	ssyncset.done $0x0  }
0x75: {  	s28 =	simm.s32 $0x1400;
	[sflag:s22] =	ssyncadd.s32 $0xFFFFC000  }
0x76: {  	[spmem:s1] =	stream.indirect.scatter.add.f32 [tilespmem:s20], [sflag:$0x3], $0x80, s28, s19, $0xb8;
	[tilespmem:$0x1E800] =	vst v63  }
0x77: {  	_ =	swait.ge [sflag:s17], $0x4000  }
0x78: {  	[sflag:s17] =	ssyncset.done $0x0  }
0x79: {  	s28 =	simm.s32 $0x100;
	[sflag:s17] =	ssyncadd.s32 $0xFFFFC000  }
0x7a: {  	[tilespmem:s20], [sflag:$0x1] =	stream.indirect.gather [hbm4b:s4+s19], $0x80, s28, s19, $0xb8;
	[tilespmem:$0x1E800] =	vst v63  }
0x7b: {  	_ =	swait.ge [sflag:s23], $0x4000  }
0x7c: {  	[sflag:s23] =	ssyncset.done $0x0  }
0x7d: {  	s28 =	simm.s32 $0x1480;
	[sflag:s23] =	ssyncadd.s32 $0xFFFFC000  }
0x7e: {  	[spmem:s1] =	stream.indirect.scatter.add.f32 [tilespmem:s21], [sflag:$0x3], $0x80, s28, s19, $0xb8;
	[tilespmem:$0x1E800] =	vst v63  }
0x7f: {  	_ =	swait.ge [sflag:s17], $0x4000  }
0x80: {  	[sflag:s17] =	ssyncset.done $0x0  }
0x81: {  	s29 =	simm.s32 $0x180;
	s28 =	simm.s32 $0x400;
	[sflag:s17] =	ssyncadd.s32 $0xFFFFC000  }
.LBB2_10:
0x82: {  	[tilespmem:s21], [sflag:$0x2] =	stream.indirect.gather [hbm4b:s4+s19], $0x80, s29, s19, $0xb8;
	[tilespmem:$0x1E800] =	vst v63  }
0x83: {  	s29 =	smov.u32 s28  }
0x84: {  	p1 =	sne.s32 s28, $0x4800;
	s28 =	sadd.s32 $0x400, s28;
	_ =	swait.ge [sflag:s22], $0x4000  }
0x85: {  	s29 =	sshra.s32 s29, $0x2;
	[sflag:s22] =	ssyncset.done $0x0  }
0x86: {  	s30 =	sadd.s32 $0x1400, s29;
	[sflag:s22] =	ssyncadd.s32 $0xFFFFC000  }
0x87: {  	[spmem:s1] =	stream.indirect.scatter.add.f32 [tilespmem:s20], [sflag:$0x3], $0x80, s30, s19, $0xb8;
	[tilespmem:$0x1E800] =	vst v63  }
0x88: {  	_ =	swait.ge [sflag:s17], $0x4000  }
0x89: {  	[sflag:s17] =	ssyncset.done $0x0  }
0x8a: {  	s30 =	sadd.s32 $0x100, s29;
	[sflag:s17] =	ssyncadd.s32 $0xFFFFC000  }
0x8b: {  	[tilespmem:s20], [sflag:$0x1] =	stream.indirect.gather [hbm4b:s4+s19], $0x80, s30, s19, $0xb8;
	[tilespmem:$0x1E800] =	vst v63  }
0x8c: {  	_ =	swait.ge [sflag:s23], $0x4000  }
0x8d: {  	[sflag:s23] =	ssyncset.done $0x0  }
.Ltmp4:
0x8e: {  	s30 =	sadd.s32 $0x1480, s29;
	[sflag:s23] =	ssyncadd.s32 $0xFFFFC000;
	(pc) =	sbr.rel @p1 .LBB2_10-.Ltmp4, $4  }
0x8f: {  	[spmem:s1] =	stream.indirect.scatter.add.f32 [tilespmem:s21], [sflag:$0x3], $0x80, s30, s19, $0xb8;
	[tilespmem:$0x1E800] =	vst v63  }
0x90: {  	_ =	swait.ge [sflag:s17], $0x4000  }
0x91: {  	[sflag:s17] =	ssyncset.done $0x0  }
0x92: {  	s29 =	sadd.s32 $0x180, s29;
	[sflag:s17] =	ssyncadd.s32 $0xFFFFC000  }
.Ltmp5:
0x93: {  	_ = 	snop;
	(pc) =	sbr.rel .LBB2_11-.Ltmp5, $1  }
0x94: {  	_ =	sdelay $0x3  }
.LBB2_2:
0x95: {  	[tilespmem:s28], [sflag:$0x3] =	stream.linear.gather [hbm4b:s7+s28], $0x1400, $0x38;
	[tilespmem:$0x1E800] =	vst v63  }
0x96: {  	_ =	swait.ge [sflag:s17], $0x1400  }
0x97: {  	[sflag:s17] =	ssyncset.done $0x0  }
0x98: {  	[sflag:s17] =	ssyncadd.s32 $0xFFFFEC00  }
0x99: {  	[tilespmem:s18], [sflag:$0x3] =	stream.linear.gather [hbm4b:s8+s28], $0x1400, $0x38;
	[tilespmem:$0x1E800] =	vst v63  }
0x9a: {  	_ =	swait.ge [sflag:s17], $0x1400  }
0x9b: {  	[sflag:s17] =	ssyncset.done $0x0  }
0x9c: {  	[sflag:s17] =	ssyncadd.s32 $0xFFFFEC00  }
0x9d: {  	[tilespmem:s20], [sflag:$0x1] =	stream.indirect.gather [hbm4b:s4+s19], $0x80, s28, s19, $0xb8;
	[tilespmem:$0x1E800] =	vst v63  }
0x9e: {  	_ = 	snop  }
0x9f: {  	[tilespmem:s21], [sflag:$0x2] =	stream.indirect.gather [hbm4b:s4+s19], $0x80, s19, s19, $0xb8;
	[tilespmem:$0x1E800] =	vst v63  }
0xa0: {  	_ =	swait.ge [sflag:s22], $0x4000  }
0xa1: {  	[sflag:s22] =	ssyncset.done $0x0  }
0xa2: {  	s28 =	simm.s32 $0x1400;
	[sflag:s22] =	ssyncadd.s32 $0xFFFFC000  }
0xa3: {  	[spmem:s1] =	stream.indirect.scatter.add.f32 [tilespmem:s20], [sflag:$0x3], $0x80, s28, s19, $0xb8;
	[tilespmem:$0x1E800] =	vst v63  }
0xa4: {  	_ =	swait.ge [sflag:s17], $0x4000  }
0xa5: {  	[sflag:s17] =	ssyncset.done $0x0  }
0xa6: {  	s28 =	simm.s32 $0x100;
	[sflag:s17] =	ssyncadd.s32 $0xFFFFC000  }
0xa7: {  	[tilespmem:s20], [sflag:$0x1] =	stream.indirect.gather [hbm4b:s4+s19], $0x80, s28, s19, $0xb8;
	[tilespmem:$0x1E800] =	vst v63  }
0xa8: {  	_ =	swait.ge [sflag:s23], $0x4000  }
0xa9: {  	[sflag:s23] =	ssyncset.done $0x0  }
0xaa: {  	s28 =	simm.s32 $0x1480;
	[sflag:s23] =	ssyncadd.s32 $0xFFFFC000  }
0xab: {  	[spmem:s1] =	stream.indirect.scatter.add.f32 [tilespmem:s21], [sflag:$0x3], $0x80, s28, s19, $0xb8;
	[tilespmem:$0x1E800] =	vst v63  }
0xac: {  	_ =	swait.ge [sflag:s17], $0x4000  }
0xad: {  	[sflag:s17] =	ssyncset.done $0x0  }
0xae: {  	s29 =	simm.s32 $0x180;
	s28 =	simm.s32 $0x400;
	[sflag:s17] =	ssyncadd.s32 $0xFFFFC000  }
.LBB2_3:
0xaf: {  	[tilespmem:s21], [sflag:$0x2] =	stream.indirect.gather [hbm4b:s4+s19], $0x80, s29, s19, $0xb8;
	[tilespmem:$0x1E800] =	vst v63  }
0xb0: {  	s29 =	smov.u32 s28  }
0xb1: {  	p1 =	sne.s32 s28, $0x4800;
	s28 =	sadd.s32 $0x400, s28;
	_ =	swait.ge [sflag:s22], $0x4000  }
0xb2: {  	s29 =	sshra.s32 s29, $0x2;
	[sflag:s22] =	ssyncset.done $0x0  }
0xb3: {  	s30 =	sadd.s32 $0x1400, s29;
	[sflag:s22] =	ssyncadd.s32 $0xFFFFC000  }
0xb4: {  	[spmem:s1] =	stream.indirect.scatter.add.f32 [tilespmem:s20], [sflag:$0x3], $0x80, s30, s19, $0xb8;
	[tilespmem:$0x1E800] =	vst v63  }
0xb5: {  	_ =	swait.ge [sflag:s17], $0x4000  }
0xb6: {  	[sflag:s17] =	ssyncset.done $0x0  }
0xb7: {  	s30 =	sadd.s32 $0x100, s29;
	[sflag:s17] =	ssyncadd.s32 $0xFFFFC000  }
0xb8: {  	[tilespmem:s20], [sflag:$0x1] =	stream.indirect.gather [hbm4b:s4+s19], $0x80, s30, s19, $0xb8;
	[tilespmem:$0x1E800] =	vst v63  }
0xb9: {  	_ =	swait.ge [sflag:s23], $0x4000  }
0xba: {  	[sflag:s23] =	ssyncset.done $0x0  }
.Ltmp6:
0xbb: {  	s30 =	sadd.s32 $0x1480, s29;
	[sflag:s23] =	ssyncadd.s32 $0xFFFFC000;
	(pc) =	sbr.rel @p1 .LBB2_3-.Ltmp6, $4  }
0xbc: {  	[spmem:s1] =	stream.indirect.scatter.add.f32 [tilespmem:s21], [sflag:$0x3], $0x80, s30, s19, $0xb8;
	[tilespmem:$0x1E800] =	vst v63  }
0xbd: {  	_ =	swait.ge [sflag:s17], $0x4000  }
0xbe: {  	[sflag:s17] =	ssyncset.done $0x0  }
0xbf: {  	s29 =	sadd.s32 $0x180, s29;
	[sflag:s17] =	ssyncadd.s32 $0xFFFFC000  }
0xc0: {  	[tilespmem:s21], [sflag:$0x2] =	stream.indirect.gather [hbm4b:s4+s19], $0x80, s29, s19, $0xb8;
	[tilespmem:$0x1E800] =	vst v63  }
0xc1: {  	_ =	swait.ge [sflag:s22], $0x4000  }
0xc2: {  	[sflag:s22] =	ssyncset.done $0x0  }
0xc3: {  	[sflag:s22] =	ssyncadd.s32 $0xFFFFC000  }
0xc4: {  	[spmem:s1] =	stream.indirect.scatter.add.f32 [tilespmem:s20], [sflag:$0x3], $0x80, s25, s19, $0xb8;
	[tilespmem:$0x1E800] =	vst v63  }
0xc5: {  	_ =	swait.ge [sflag:s17], $0x4000  }
0xc6: {  	[sflag:s17] =	ssyncset.done $0x0  }
0xc7: {  	[sflag:s17] =	ssyncadd.s32 $0xFFFFC000  }
0xc8: {  	_ =	swait.ge [sflag:s23], $0x4000  }
0xc9: {  	[sflag:s23] =	ssyncset.done $0x0  }
0xca: {  	[sflag:s23] =	ssyncadd.s32 $0xFFFFC000  }
0xcb: {  	[spmem:s1] =	stream.indirect.scatter.add.f32 [tilespmem:s21], [sflag:$0x3], $0x80, s26, s19, $0xb8;
	[tilespmem:$0x1E800] =	vst v63  }
0xcc: {  	_ =	swait.ge [sflag:s17], $0x4000  }
0xcd: {  	[sflag:s17] =	ssyncset.done $0x0  }
0xce: {  	s28 =	simm.s32 $0x0;
	[sflag:s17] =	ssyncadd.s32 $0xFFFFC000  }
0xcf: {  	[tilespmem:s28], [sflag:$0x3] =	stream.linear.gather [hbm4b:s9+s28], $0x1400, $0x38;
	[tilespmem:$0x1E800] =	vst v63  }
0xd0: {  	_ =	swait.ge [sflag:s17], $0x1400  }
0xd1: {  	[sflag:s17] =	ssyncset.done $0x0  }
0xd2: {  	[sflag:s17] =	ssyncadd.s32 $0xFFFFEC00  }
0xd3: {  	[tilespmem:s18], [sflag:$0x3] =	stream.linear.gather [hbm4b:s10+s28], $0x1400, $0x38;
	[tilespmem:$0x1E800] =	vst v63  }
0xd4: {  	_ =	swait.ge [sflag:s17], $0x1400  }
0xd5: {  	[sflag:s17] =	ssyncset.done $0x0  }
0xd6: {  	[sflag:s17] =	ssyncadd.s32 $0xFFFFEC00  }
0xd7: {  	[tilespmem:s20], [sflag:$0x1] =	stream.indirect.gather [hbm4b:s4+s19], $0x80, s28, s19, $0xb8;
	[tilespmem:$0x1E800] =	vst v63  }
0xd8: {  	_ = 	snop  }
0xd9: {  	[tilespmem:s21], [sflag:$0x2] =	stream.indirect.gather [hbm4b:s4+s19], $0x80, s19, s19, $0xb8;
	[tilespmem:$0x1E800] =	vst v63  }
0xda: {  	_ =	swait.ge [sflag:s22], $0x4000  }
0xdb: {  	[sflag:s22] =	ssyncset.done $0x0  }
0xdc: {  	s28 =	simm.s32 $0x1400;
	[sflag:s22] =	ssyncadd.s32 $0xFFFFC000  }
0xdd: {  	[spmem:s1] =	stream.indirect.scatter.add.f32 [tilespmem:s20], [sflag:$0x3], $0x80, s28, s19, $0xb8;
	[tilespmem:$0x1E800] =	vst v63  }
0xde: {  	_ =	swait.ge [sflag:s17], $0x4000  }
0xdf: {  	[sflag:s17] =	ssyncset.done $0x0  }
0xe0: {  	s28 =	simm.s32 $0x100;
	[sflag:s17] =	ssyncadd.s32 $0xFFFFC000  }
0xe1: {  	[tilespmem:s20], [sflag:$0x1] =	stream.indirect.gather [hbm4b:s4+s19], $0x80, s28, s19, $0xb8;
	[tilespmem:$0x1E800] =	vst v63  }
0xe2: {  	_ =	swait.ge [sflag:s23], $0x4000  }
0xe3: {  	[sflag:s23] =	ssyncset.done $0x0  }
0xe4: {  	s28 =	simm.s32 $0x1480;
	[sflag:s23] =	ssyncadd.s32 $0xFFFFC000  }
0xe5: {  	[spmem:s1] =	stream.indirect.scatter.add.f32 [tilespmem:s21], [sflag:$0x3], $0x80, s28, s19, $0xb8;
	[tilespmem:$0x1E800] =	vst v63  }
0xe6: {  	_ =	swait.ge [sflag:s17], $0x4000  }
0xe7: {  	[sflag:s17] =	ssyncset.done $0x0  }
0xe8: {  	s29 =	simm.s32 $0x180;
	s28 =	simm.s32 $0x400;
	[sflag:s17] =	ssyncadd.s32 $0xFFFFC000  }
.LBB2_5:
0xe9: {  	[tilespmem:s21], [sflag:$0x2] =	stream.indirect.gather [hbm4b:s4+s19], $0x80, s29, s19, $0xb8;
	[tilespmem:$0x1E800] =	vst v63  }
0xea: {  	s29 =	smov.u32 s28  }
0xeb: {  	p1 =	seq.s32 s28, $0x4800;
	s28 =	sadd.s32 $0x400, s28;
	_ =	swait.ge [sflag:s22], $0x4000  }
0xec: {  	s29 =	sshra.s32 s29, $0x2;
	[sflag:s22] =	ssyncset.done $0x0  }
0xed: {  	s30 =	sadd.s32 $0x1400, s29;
	[sflag:s22] =	ssyncadd.s32 $0xFFFFC000  }
0xee: {  	[spmem:s1] =	stream.indirect.scatter.add.f32 [tilespmem:s20], [sflag:$0x3], $0x80, s30, s19, $0xb8;
	[tilespmem:$0x1E800] =	vst v63  }
0xef: {  	_ =	swait.ge [sflag:s17], $0x4000  }
0xf0: {  	[sflag:s17] =	ssyncset.done $0x0  }
0xf1: {  	s30 =	sadd.s32 $0x100, s29;
	[sflag:s17] =	ssyncadd.s32 $0xFFFFC000  }
0xf2: {  	[tilespmem:s20], [sflag:$0x1] =	stream.indirect.gather [hbm4b:s4+s19], $0x80, s30, s19, $0xb8;
	[tilespmem:$0x1E800] =	vst v63  }
0xf3: {  	_ =	swait.ge [sflag:s23], $0x4000  }
0xf4: {  	[sflag:s23] =	ssyncset.done $0x0  }
.Ltmp7:
0xf5: {  	s30 =	sadd.s32 $0x1480, s29;
	[sflag:s23] =	ssyncadd.s32 $0xFFFFC000;
	(pc) =	sbr.rel @!p1 .LBB2_5-.Ltmp7, $4  }
0xf6: {  	[spmem:s1] =	stream.indirect.scatter.add.f32 [tilespmem:s21], [sflag:$0x3], $0x80, s30, s19, $0xb8;
	[tilespmem:$0x1E800] =	vst v63  }
0xf7: {  	_ =	swait.ge [sflag:s17], $0x4000  }
0xf8: {  	[sflag:s17] =	ssyncset.done $0x0  }
0xf9: {  	s29 =	sadd.s32 $0x180, s29;
	[sflag:s17] =	ssyncadd.s32 $0xFFFFC000  }
.Ltmp8:
0xfa: {  	(pc) =	sbr.rel .LBB2_12-.Ltmp8, $2  }
0xfb: {  	_ =	sdelay $0x2  }
0xfc: {  	[tilespmem:s21], [sflag:$0x2] =	stream.indirect.gather [hbm4b:s4+s19], $0x80, s29, s19, $0xb8;
	[tilespmem:$0x1E800] =	vst v63  }
.LBB2_13:
0xfd: {  	_ =	sfence.sel $0x180000  }
0xfe: {  	[bflag:$0x0] =	sbarrier.arrive $0xFFFF  }
0xff: {  	p0 =	sne.s32 s3, $0x0;
	_ =	strace $0x90000050  }
0x100: {  	s0 =	sadd.s32 @!p0 $0x100000, s0;
	[bflag:$0x2] =	sbarrier.arrive $0xFFFF  }
0x101: {  	[sflag:s0] =	ssyncadd.tile.s32 @!p0 $0x1;
	_ =	shalt  }
.Lfunc_end2:
_tile_overlayer_lowered:
.L_overlay_start_2:
0x102: {  	(tag) =	ssettag $0x2  }
0x103: {  	s0 =	rddreg [dreg:$0x0];
	s2 =	stileid.u32  }
0x104: {  	s1 =	rddreg [dreg:$0x1];
	p0 =	sne.s32 s2, $0x0  }
0x105: {  	s3 =	rddreg [dreg:$0x2];
	[bflag:$0x3] =	sbarrier.arrive $0xFFFF;
	s2 =	simm.s32 @!p0 $0x1C03  }
0x106: {  	[timem:s3], [sflag:s2] =	dma.local @!p0 [hbm:s0], s1  }
0x107: {  	s0 =	simm.s32 @!p0 $0x3  }
0x108: {  	_ =	swait.ge @!p0 [sflag:s0], s1  }
0x109: {  	s1 =	ssub.s32 @!p0 $0x0, s1;
	[sflag:s0] =	ssyncset.done @!p0 $0x0  }
0x10a: {  	[sflag:s0] =	ssyncadd.s32 @!p0 s1  }
0x10b: {  	[bflag:$0x3] =	sbarrier.arrive $0xFFFF  }
0x10c: {  	_ =	shalt  }

</sc_bundles>
